<compile_context>
chip_gen: v7x
topology: tpu7x:2x2x1
jax: 0.10.2.dev20260603
libtpu: 0.0.44.dev20260713+nightly
codegen_flags: <defaults>
</compile_context>

<pallas_src>
import dataclasses
import functools

import jax
import jax.numpy as jnp
from jax import lax
from jax.experimental import pallas as pl
from jax.experimental.pallas import tpu as pltpu
from jax.experimental.pallas import tpu_sc as plsc

_NC = 2
_NS = 16
_NW = _NC * _NS
_L = 16

_N_NODES = 10000
_N_EDGES = 320000
_D = 128

_PER_W = _N_EDGES // _NW
_W = 400
_NSTEP = _PER_W // _W
_SUB = 80
_NSUB = _W // _SUB


def _decode_body(eidx_hbm, esgn_hbm, v_hbm, out_hbm,
                 idx_s0, idx_t0, idx_s1, idx_t1,
                 rows_s0, rows_t0, rows_s1, rows_t1,
                 esgn_all, out_all, tbuf,
                 sem_i0, sem_i1, sem_g0, sem_g1, sem_e):
    wid = lax.axis_index("s") * _NC + lax.axis_index("c")
    lane = lax.broadcasted_iota(jnp.int32, (_L,), 0)

    idx_s = [idx_s0, idx_s1]
    idx_t = [idx_t0, idx_t1]
    rows_s = [rows_s0, rows_s1]
    rows_t = [rows_t0, rows_t1]
    sem_i = [sem_i0, sem_i1]
    sem_g = [sem_g0, sem_g1]

    def issue_idx(s, b):
        base = wid * _PER_W + s * _W
        pltpu.async_copy(eidx_hbm.at[0, pl.ds(base, _W)], idx_s[b], sem_i[b])
        pltpu.async_copy(eidx_hbm.at[1, pl.ds(base, _W)], idx_t[b], sem_i[b])

    def wait_idx(b):
        pltpu.make_async_copy(eidx_hbm.at[0, pl.ds(0, _W)], idx_s[b],
                              sem_i[b]).wait()
        pltpu.make_async_copy(eidx_hbm.at[1, pl.ds(0, _W)], idx_t[b],
                              sem_i[b]).wait()

    def issue_gather(b):
        for j in range(_NSUB):
            pltpu.async_copy(v_hbm.at[idx_s[b].at[pl.ds(j * _SUB, _SUB)]],
                             rows_s[b].at[pl.ds(j * _SUB, _SUB)], sem_g[b])
            pltpu.async_copy(v_hbm.at[idx_t[b].at[pl.ds(j * _SUB, _SUB)]],
                             rows_t[b].at[pl.ds(j * _SUB, _SUB)], sem_g[b])

    def wait_gather(b):
        pltpu.make_async_copy(v_hbm.at[pl.ds(0, _W)], rows_s[b],
                              sem_g[b]).wait()
        pltpu.make_async_copy(v_hbm.at[pl.ds(0, _W)], rows_t[b],
                              sem_g[b]).wait()

    def compute(s, b):
        rs, rt = rows_s[b], rows_t[b]
        off = s * _W

        @pl.loop(0, _W // _L)
        def _group(g):
            e0 = g * _L
            for e in range(_L):
                row = e0 + e
                parts = []
                for c in range(_D // (2 * _L)):
                    s2 = plsc.bitcast(rs[row, pl.ds(c * _L, _L)],
                                      jnp.bfloat16)
                    t2 = plsc.bitcast(rt[row, pl.ds(c * _L, _L)],
                                      jnp.bfloat16)
                    parts.append(s2 * t2)
                q = (parts[0] + parts[1]) + (parts[2] + parts[3])
                qa, qb = plsc.unpack(q, format=plsc.PackFormat.INTERLEAVED)
                tbuf[e, pl.ds(0, _L)] = qa + qb
            res = plsc.load_gather(tbuf, [lane, jnp.zeros((_L,), jnp.int32)])
            for l in range(1, _L):
                res = res + plsc.load_gather(
                    tbuf, [lane, jnp.full((_L,), l, jnp.int32)])
            out_all[pl.ds(off + e0, _L)] = (res *
                                            esgn_all[pl.ds(off + e0, _L)])

    esgn_copy = pltpu.async_copy(esgn_hbm.at[pl.ds(wid * _PER_W, _PER_W)],
                                 esgn_all, sem_e)
    issue_idx(0, 0)
    wait_idx(0)
    issue_gather(0)
    issue_idx(1, 1)
    esgn_copy.wait()

    @pl.loop(0, _NSTEP - 1, step=2)
    def _chunk2(s0):
        for b in range(2):
            s = s0 + b
            nb = 1 - b

            wait_idx(nb)
            issue_gather(nb)

            with jax.named_scope("wait_g"):
                wait_gather(b)

            @pl.when(s < _NSTEP - 2)
            def _():
                issue_idx(s + 2, b)

            with jax.named_scope("comp"):
                compute(s, b)

    wait_gather(0)
    compute(_NSTEP - 1, 0)

    pltpu.sync_copy(out_all, out_hbm.at[pl.ds(wid * _PER_W, _PER_W)])


def kernel(v, eidx, esgn):
    eidx = eidx.astype(jnp.int32)
    esgn = esgn.astype(jnp.float32)
    v = jax.lax.bitcast_convert_type(
        v.astype(jnp.bfloat16).reshape(_N_NODES, _D // 2, 2), jnp.int32)

    mesh = plsc.VectorSubcoreMesh(core_axis_name="c", subcore_axis_name="s")
    cp = pltpu.CompilerParams()
    if "needs_layout_passes" in pltpu.CompilerParams.__dataclass_fields__:
        cp = dataclasses.replace(cp, needs_layout_passes=False)
    if "use_tc_tiling_on_sc" in pltpu.CompilerParams.__dataclass_fields__:
        cp = dataclasses.replace(cp, use_tc_tiling_on_sc=False)
    run = pl.kernel(
        _decode_body,
        out_type=jax.ShapeDtypeStruct((_N_EDGES,), jnp.float32),
        mesh=mesh,
        scratch_types=[
            pltpu.VMEM((_W,), jnp.int32),
            pltpu.VMEM((_W,), jnp.int32),
            pltpu.VMEM((_W,), jnp.int32),
            pltpu.VMEM((_W,), jnp.int32),
            pltpu.VMEM((_W, _D // 2), jnp.int32),
            pltpu.VMEM((_W, _D // 2), jnp.int32),
            pltpu.VMEM((_W, _D // 2), jnp.int32),
            pltpu.VMEM((_W, _D // 2), jnp.int32),
            pltpu.VMEM((_PER_W,), jnp.float32),
            pltpu.VMEM((_PER_W,), jnp.float32),
            pltpu.VMEM((_L, 17), jnp.float32),
            pltpu.SemaphoreType.DMA,
            pltpu.SemaphoreType.DMA,
            pltpu.SemaphoreType.DMA,
            pltpu.SemaphoreType.DMA,
            pltpu.SemaphoreType.DMA,
        ],
        compiler_params=cp,
    )
    return run(eidx, esgn, v)

# --- scband reference (transcript-rebuilt; emitter-appended) ---
"""Pipeline reference for scband-graph-decoder-57363583205748 (READ-ONLY COPY).

The authoritative reference and input builder live on the scoring server;
editing this copy changes nothing except your own understanding.
"""

import jax, jax.numpy as jnp
import numpy as np

N_NODES = 10000
N_EDGES = 320000
D_FEAT = 128


def setup_inputs(seed: int = 0) -> dict:
    key = jax.random.key(seed)
    k1, k2, k3 = jax.random.split(key, 3)
    v = jax.random.normal(k1, (N_NODES, D_FEAT), dtype=jnp.float32)
    eidx = jax.random.randint(k2, (2, N_EDGES), 0, N_NODES, dtype=jnp.int64)
    esgn = jax.random.normal(k3, (N_EDGES,), dtype=jnp.float32)
    return {"v": v, "eidx": eidx, "esgn": esgn}


def reference(v, eidx, esgn):
    # Faithful translation of GraphDecoder.call:
    #   sidx, tidx = eidx
    #   logits = esgn * reduce_sum(gather(v, sidx) * gather(v, tidx), axis=1)
    # The tfp Bernoulli distribution is parameterized by these logits; we return
    # the logits (the distribution's sufficient parameter) as the forward output.
    sidx = eidx[0]
    tidx = eidx[1]
    vs = jnp.take(v, sidx, axis=0)
    vt = jnp.take(v, tidx, axis=0)
    logits = esgn * jnp.sum(vs * vt, axis=1)
    return logits

if __name__ == "__main__":
    import jax
    _d = setup_inputs()
    print(jax.jit(kernel)(*tuple(_d.values())))

</pallas_src>

<mosaic_0001>
#map = affine_map<(d0, d1) -> (0, 0)>
#map1 = affine_map<(d0, d1) -> (0)>
module attributes {stable_mosaic.version = 14 : i64} {
  func.func @_decode_body(%arg0: i32, %arg1: i32, %arg2: memref<2x320000xi32, #tpu.memory_space<hbm>>, %arg3: memref<320000xf32, #tpu.memory_space<hbm>>, %arg4: memref<10000x64xi32, #tpu.memory_space<hbm>>, %arg5: memref<320000xf32, #tpu.memory_space<hbm>>, %arg6: memref<400xi32, #tpu.memory_space<vmem>>, %arg7: memref<400xi32, #tpu.memory_space<vmem>>, %arg8: memref<400xi32, #tpu.memory_space<vmem>>, %arg9: memref<400xi32, #tpu.memory_space<vmem>>, %arg10: memref<400x64xi32, #tpu.memory_space<vmem>>, %arg11: memref<400x64xi32, #tpu.memory_space<vmem>>, %arg12: memref<400x64xi32, #tpu.memory_space<vmem>>, %arg13: memref<400x64xi32, #tpu.memory_space<vmem>>, %arg14: memref<10000xf32, #tpu.memory_space<vmem>>, %arg15: memref<10000xf32, #tpu.memory_space<vmem>>, %arg16: memref<16x17xf32, #tpu.memory_space<vmem>>, %arg17: memref<!tpu.dma_semaphore, #tpu.memory_space<semaphore_mem>>, %arg18: memref<!tpu.dma_semaphore, #tpu.memory_space<semaphore_mem>>, %arg19: memref<!tpu.dma_semaphore, #tpu.memory_space<semaphore_mem>>, %arg20: memref<!tpu.dma_semaphore, #tpu.memory_space<semaphore_mem>>, %arg21: memref<!tpu.dma_semaphore, #tpu.memory_space<semaphore_mem>>) attributes {dimension_semantics = [#tpu.dimension_semantics<core_parallel>, #tpu.dimension_semantics<subcore_parallel>], iteration_bounds = array<i64: 2, 16>, scalar_prefetch = 0 : i64, scratch_operands = 16 : i64, tpu.core_type = #tpu.core_type<sc_vector_subcore>, window_params = [{transform_indices = #map}, {transform_indices = #map1}, {transform_indices = #map}, {transform_indices = #map1}]} {
    %mul3A = arith.constant 2 : i32
    %mul3A_0 = arith.muli %arg1, %mul3A : i32
    %add3A = arith.addi %mul3A_0, %arg0 : i32
    %iota3A = tpu.iota {dimensions = array<i32: 0>} : vector<16xi32>
    %mul3A_1 = arith.constant 10000 : i32
    %mul3A_2 = arith.muli %add3A, %mul3A_1 : i32
    %dma_start3A = tpu.memref_slice %arg3[%mul3A_2] : memref<320000xf32, #tpu.memory_space<hbm>> -> memref<10000xf32, #tpu.memory_space<hbm>>
    %dma_start3A_3 = tpu.memref_slice %arg3[%mul3A_2] : memref<320000xf32, #tpu.memory_space<hbm>> -> memref<10000xf32, #tpu.memory_space<hbm>>
    tpu.enqueue_dma source(%dma_start3A_3 : memref<10000xf32, #tpu.memory_space<hbm>>) target(%arg14 : memref<10000xf32, #tpu.memory_space<vmem>>) target_semaphore(%arg21 : memref<!tpu.dma_semaphore, #tpu.memory_space<semaphore_mem>>)
    %mul3A_4 = arith.constant 10000 : i32
    %mul3A_5 = arith.muli %add3A, %mul3A_4 : i32
    %add3A_6 = arith.constant 0 : i32
    %add3A_7 = arith.addi %mul3A_5, %add3A_6 : i32
    %dma_start3A_8 = arith.constant 0 : i32
    %dma_start3A_9 = tpu.memref_slice %arg2[%dma_start3A_8, %add3A_7] : memref<2x320000xi32, #tpu.memory_space<hbm>> -> memref<1x400xi32, #tpu.memory_space<hbm>>
    %dma_start3A_10 = tpu.memref_squeeze %dma_start3A_9 : memref<1x400xi32, #tpu.memory_space<hbm>> -> memref<400xi32, #tpu.memory_space<hbm>>
    %dma_start3A_11 = tpu.memref_slice %arg2[%dma_start3A_8, %add3A_7] : memref<2x320000xi32, #tpu.memory_space<hbm>> -> memref<1x400xi32, #tpu.memory_space<hbm>>
    %dma_start3A_12 = tpu.memref_squeeze %dma_start3A_11 : memref<1x400xi32, #tpu.memory_space<hbm>> -> memref<400xi32, #tpu.memory_space<hbm>>
    tpu.enqueue_dma source(%dma_start3A_12 : memref<400xi32, #tpu.memory_space<hbm>>) target(%arg6 : memref<400xi32, #tpu.memory_space<vmem>>) target_semaphore(%arg17 : memref<!tpu.dma_semaphore, #tpu.memory_space<semaphore_mem>>)
    %dma_start3A_13 = arith.constant 1 : i32
    %dma_start3A_14 = tpu.memref_slice %arg2[%dma_start3A_13, %add3A_7] : memref<2x320000xi32, #tpu.memory_space<hbm>> -> memref<1x400xi32, #tpu.memory_space<hbm>>
    %dma_start3A_15 = tpu.memref_squeeze %dma_start3A_14 : memref<1x400xi32, #tpu.memory_space<hbm>> -> memref<400xi32, #tpu.memory_space<hbm>>
    %dma_start3A_16 = tpu.memref_slice %arg2[%dma_start3A_13, %add3A_7] : memref<2x320000xi32, #tpu.memory_space<hbm>> -> memref<1x400xi32, #tpu.memory_space<hbm>>
    %dma_start3A_17 = tpu.memref_squeeze %dma_start3A_16 : memref<1x400xi32, #tpu.memory_space<hbm>> -> memref<400xi32, #tpu.memory_space<hbm>>
    tpu.enqueue_dma source(%dma_start3A_17 : memref<400xi32, #tpu.memory_space<hbm>>) target(%arg7 : memref<400xi32, #tpu.memory_space<vmem>>) target_semaphore(%arg17 : memref<!tpu.dma_semaphore, #tpu.memory_space<semaphore_mem>>)
    %dma_wait3A = arith.constant 0 : i32
    %dma_wait3A_18 = arith.constant 0 : i32
    %dma_wait3A_19 = tpu.memref_slice %arg2[%dma_wait3A, %dma_wait3A_18] : memref<2x320000xi32, #tpu.memory_space<hbm>> -> memref<1x400xi32, #tpu.memory_space<hbm>>
    %dma_wait3A_20 = tpu.memref_squeeze %dma_wait3A_19 : memref<1x400xi32, #tpu.memory_space<hbm>> -> memref<400xi32, #tpu.memory_space<hbm>>
    %dma_wait3A_21 = arith.constant 0 : i32
    %dma_wait3A_22 = tpu.memref_slice %arg2[%dma_wait3A, %dma_wait3A_21] : memref<2x320000xi32, #tpu.memory_space<hbm>> -> memref<1x400xi32, #tpu.memory_space<hbm>>
    %dma_wait3A_23 = tpu.memref_squeeze %dma_wait3A_22 : memref<1x400xi32, #tpu.memory_space<hbm>> -> memref<400xi32, #tpu.memory_space<hbm>>
    tpu.wait_dma2 semaphore(%arg17 : memref<!tpu.dma_semaphore, #tpu.memory_space<semaphore_mem>>) src(%dma_wait3A_23 : memref<400xi32, #tpu.memory_space<hbm>>) dst(%arg6 : memref<400xi32, #tpu.memory_space<vmem>>)
    %dma_wait3A_24 = arith.constant 1 : i32
    %dma_wait3A_25 = arith.constant 0 : i32
    %dma_wait3A_26 = tpu.memref_slice %arg2[%dma_wait3A_24, %dma_wait3A_25] : memref<2x320000xi32, #tpu.memory_space<hbm>> -> memref<1x400xi32, #tpu.memory_space<hbm>>
    %dma_wait3A_27 = tpu.memref_squeeze %dma_wait3A_26 : memref<1x400xi32, #tpu.memory_space<hbm>> -> memref<400xi32, #tpu.memory_space<hbm>>
    %dma_wait3A_28 = arith.constant 0 : i32
    %dma_wait3A_29 = tpu.memref_slice %arg2[%dma_wait3A_24, %dma_wait3A_28] : memref<2x320000xi32, #tpu.memory_space<hbm>> -> memref<1x400xi32, #tpu.memory_space<hbm>>
    %dma_wait3A_30 = tpu.memref_squeeze %dma_wait3A_29 : memref<1x400xi32, #tpu.memory_space<hbm>> -> memref<400xi32, #tpu.memory_space<hbm>>
    tpu.wait_dma2 semaphore(%arg17 : memref<!tpu.dma_semaphore, #tpu.memory_space<semaphore_mem>>) src(%dma_wait3A_30 : memref<400xi32, #tpu.memory_space<hbm>>) dst(%arg7 : memref<400xi32, #tpu.memory_space<vmem>>)
    %dma_start3A_31 = arith.constant 0 : i32
    %dma_start3A_32 = arith.constant 0 : i32
    %dma_start3A_33 = tpu.memref_slice %arg10[%dma_start3A_31, %dma_start3A_32] : memref<400x64xi32, #tpu.memory_space<vmem>> -> memref<80x64xi32, #tpu.memory_space<vmem>>
    %dma_start3A_34 = arith.constant 0 : i32
    %dma_start3A_35 = tpu.memref_slice %arg6[%dma_start3A_34] : memref<400xi32, #tpu.memory_space<vmem>> -> memref<80xi32, #tpu.memory_space<vmem>>
    %dma_start3A_36 = arith.constant 0 : i32
    %dma_start3A_37 = arith.constant 0 : i32
    %dma_start3A_38 = tpu.memref_slice %arg4[%dma_start3A_36, %dma_start3A_37] : memref<10000x64xi32, #tpu.memory_space<hbm>> -> memref<10000x64xi32, #tpu.memory_space<hbm>>
    tpu.enqueue_indirect_dma source(%dma_start3A_38 : memref<10000x64xi32, #tpu.memory_space<hbm>>) target(%dma_start3A_33 : memref<80x64xi32, #tpu.memory_space<vmem>>) offsets(%dma_start3A_35 : memref<80xi32, #tpu.memory_space<vmem>>) semaphore(%arg19 : memref<!tpu.dma_semaphore, #tpu.memory_space<semaphore_mem>>)
    %dma_start3A_39 = arith.constant 0 : i32
    %dma_start3A_40 = arith.constant 0 : i32
    %dma_start3A_41 = tpu.memref_slice %arg11[%dma_start3A_39, %dma_start3A_40] : memref<400x64xi32, #tpu.memory_space<vmem>> -> memref<80x64xi32, #tpu.memory_space<vmem>>
    %dma_start3A_42 = arith.constant 0 : i32
    %dma_start3A_43 = tpu.memref_slice %arg7[%dma_start3A_42] : memref<400xi32, #tpu.memory_space<vmem>> -> memref<80xi32, #tpu.memory_space<vmem>>
    %dma_start3A_44 = arith.constant 0 : i32
    %dma_start3A_45 = arith.constant 0 : i32
    %dma_start3A_46 = tpu.memref_slice %arg4[%dma_start3A_44, %dma_start3A_45] : memref<10000x64xi32, #tpu.memory_space<hbm>> -> memref<10000x64xi32, #tpu.memory_space<hbm>>
    tpu.enqueue_indirect_dma source(%dma_start3A_46 : memref<10000x64xi32, #tpu.memory_space<hbm>>) target(%dma_start3A_41 : memref<80x64xi32, #tpu.memory_space<vmem>>) offsets(%dma_start3A_43 : memref<80xi32, #tpu.memory_space<vmem>>) semaphore(%arg19 : memref<!tpu.dma_semaphore, #tpu.memory_space<semaphore_mem>>)
    %dma_start3A_47 = arith.constant 80 : i32
    %dma_start3A_48 = arith.constant 0 : i32
    %dma_start3A_49 = tpu.memref_slice %arg10[%dma_start3A_47, %dma_start3A_48] : memref<400x64xi32, #tpu.memory_space<vmem>> -> memref<80x64xi32, #tpu.memory_space<vmem>>
    %dma_start3A_50 = arith.constant 80 : i32
    %dma_start3A_51 = tpu.memref_slice %arg6[%dma_start3A_50] : memref<400xi32, #tpu.memory_space<vmem>> -> memref<80xi32, #tpu.memory_space<vmem>>
    %dma_start3A_52 = arith.constant 0 : i32
    %dma_start3A_53 = arith.constant 0 : i32
    %dma_start3A_54 = tpu.memref_slice %arg4[%dma_start3A_52, %dma_start3A_53] : memref<10000x64xi32, #tpu.memory_space<hbm>> -> memref<10000x64xi32, #tpu.memory_space<hbm>>
    tpu.enqueue_indirect_dma source(%dma_start3A_54 : memref<10000x64xi32, #tpu.memory_space<hbm>>) target(%dma_start3A_49 : memref<80x64xi32, #tpu.memory_space<vmem>>) offsets(%dma_start3A_51 : memref<80xi32, #tpu.memory_space<vmem>>) semaphore(%arg19 : memref<!tpu.dma_semaphore, #tpu.memory_space<semaphore_mem>>)
    %dma_start3A_55 = arith.constant 80 : i32
    %dma_start3A_56 = arith.constant 0 : i32
    %dma_start3A_57 = tpu.memref_slice %arg11[%dma_start3A_55, %dma_start3A_56] : memref<400x64xi32, #tpu.memory_space<vmem>> -> memref<80x64xi32, #tpu.memory_space<vmem>>
    %dma_start3A_58 = arith.constant 80 : i32
    %dma_start3A_59 = tpu.memref_slice %arg7[%dma_start3A_58] : memref<400xi32, #tpu.memory_space<vmem>> -> memref<80xi32, #tpu.memory_space<vmem>>
    %dma_start3A_60 = arith.constant 0 : i32
    %dma_start3A_61 = arith.constant 0 : i32
    %dma_start3A_62 = tpu.memref_slice %arg4[%dma_start3A_60, %dma_start3A_61] : memref<10000x64xi32, #tpu.memory_space<hbm>> -> memref<10000x64xi32, #tpu.memory_space<hbm>>
    tpu.enqueue_indirect_dma source(%dma_start3A_62 : memref<10000x64xi32, #tpu.memory_space<hbm>>) target(%dma_start3A_57 : memref<80x64xi32, #tpu.memory_space<vmem>>) offsets(%dma_start3A_59 : memref<80xi32, #tpu.memory_space<vmem>>) semaphore(%arg19 : memref<!tpu.dma_semaphore, #tpu.memory_space<semaphore_mem>>)
    %dma_start3A_63 = arith.constant 160 : i32
    %dma_start3A_64 = arith.constant 0 : i32
    %dma_start3A_65 = tpu.memref_slice %arg10[%dma_start3A_63, %dma_start3A_64] : memref<400x64xi32, #tpu.memory_space<vmem>> -> memref<80x64xi32, #tpu.memory_space<vmem>>
    %dma_start3A_66 = arith.constant 160 : i32
    %dma_start3A_67 = tpu.memref_slice %arg6[%dma_start3A_66] : memref<400xi32, #tpu.memory_space<vmem>> -> memref<80xi32, #tpu.memory_space<vmem>>
    %dma_start3A_68 = arith.constant 0 : i32
    %dma_start3A_69 = arith.constant 0 : i32
    %dma_start3A_70 = tpu.memref_slice %arg4[%dma_start3A_68, %dma_start3A_69] : memref<10000x64xi32, #tpu.memory_space<hbm>> -> memref<10000x64xi32, #tpu.memory_space<hbm>>
    tpu.enqueue_indirect_dma source(%dma_start3A_70 : memref<10000x64xi32, #tpu.memory_space<hbm>>) target(%dma_start3A_65 : memref<80x64xi32, #tpu.memory_space<vmem>>) offsets(%dma_start3A_67 : memref<80xi32, #tpu.memory_space<vmem>>) semaphore(%arg19 : memref<!tpu.dma_semaphore, #tpu.memory_space<semaphore_mem>>)
    %dma_start3A_71 = arith.constant 160 : i32
    %dma_start3A_72 = arith.constant 0 : i32
    %dma_start3A_73 = tpu.memref_slice %arg11[%dma_start3A_71, %dma_start3A_72] : memref<400x64xi32, #tpu.memory_space<vmem>> -> memref<80x64xi32, #tpu.memory_space<vmem>>
    %dma_start3A_74 = arith.constant 160 : i32
    %dma_start3A_75 = tpu.memref_slice %arg7[%dma_start3A_74] : memref<400xi32, #tpu.memory_space<vmem>> -> memref<80xi32, #tpu.memory_space<vmem>>
    %dma_start3A_76 = arith.constant 0 : i32
    %dma_start3A_77 = arith.constant 0 : i32
    %dma_start3A_78 = tpu.memref_slice %arg4[%dma_start3A_76, %dma_start3A_77] : memref<10000x64xi32, #tpu.memory_space<hbm>> -> memref<10000x64xi32, #tpu.memory_space<hbm>>
    tpu.enqueue_indirect_dma source(%dma_start3A_78 : memref<10000x64xi32, #tpu.memory_space<hbm>>) target(%dma_start3A_73 : memref<80x64xi32, #tpu.memory_space<vmem>>) offsets(%dma_start3A_75 : memref<80xi32, #tpu.memory_space<vmem>>) semaphore(%arg19 : memref<!tpu.dma_semaphore, #tpu.memory_space<semaphore_mem>>)
    %dma_start3A_79 = arith.constant 240 : i32
    %dma_start3A_80 = arith.constant 0 : i32
    %dma_start3A_81 = tpu.memref_slice %arg10[%dma_start3A_79, %dma_start3A_80] : memref<400x64xi32, #tpu.memory_space<vmem>> -> memref<80x64xi32, #tpu.memory_space<vmem>>
    %dma_start3A_82 = arith.constant 240 : i32
    %dma_start3A_83 = tpu.memref_slice %arg6[%dma_start3A_82] : memref<400xi32, #tpu.memory_space<vmem>> -> memref<80xi32, #tpu.memory_space<vmem>>
    %dma_start3A_84 = arith.constant 0 : i32
    %dma_start3A_85 = arith.constant 0 : i32
    %dma_start3A_86 = tpu.memref_slice %arg4[%dma_start3A_84, %dma_start3A_85] : memref<10000x64xi32, #tpu.memory_space<hbm>> -> memref<10000x64xi32, #tpu.memory_space<hbm>>
    tpu.enqueue_indirect_dma source(%dma_start3A_86 : memref<10000x64xi32, #tpu.memory_space<hbm>>) target(%dma_start3A_81 : memref<80x64xi32, #tpu.memory_space<vmem>>) offsets(%dma_start3A_83 : memref<80xi32, #tpu.memory_space<vmem>>) semaphore(%arg19 : memref<!tpu.dma_semaphore, #tpu.memory_space<semaphore_mem>>)
    %dma_start3A_87 = arith.constant 240 : i32
    %dma_start3A_88 = arith.constant 0 : i32
    %dma_start3A_89 = tpu.memref_slice %arg11[%dma_start3A_87, %dma_start3A_88] : memref<400x64xi32, #tpu.memory_space<vmem>> -> memref<80x64xi32, #tpu.memory_space<vmem>>
    %dma_start3A_90 = arith.constant 240 : i32
    %dma_start3A_91 = tpu.memref_slice %arg7[%dma_start3A_90] : memref<400xi32, #tpu.memory_space<vmem>> -> memref<80xi32, #tpu.memory_space<vmem>>
    %dma_start3A_92 = arith.constant 0 : i32
    %dma_start3A_93 = arith.constant 0 : i32
    %dma_start3A_94 = tpu.memref_slice %arg4[%dma_start3A_92, %dma_start3A_93] : memref<10000x64xi32, #tpu.memory_space<hbm>> -> memref<10000x64xi32, #tpu.memory_space<hbm>>
    tpu.enqueue_indirect_dma source(%dma_start3A_94 : memref<10000x64xi32, #tpu.memory_space<hbm>>) target(%dma_start3A_89 : memref<80x64xi32, #tpu.memory_space<vmem>>) offsets(%dma_start3A_91 : memref<80xi32, #tpu.memory_space<vmem>>) semaphore(%arg19 : memref<!tpu.dma_semaphore, #tpu.memory_space<semaphore_mem>>)
    %dma_start3A_95 = arith.constant 320 : i32
    %dma_start3A_96 = arith.constant 0 : i32
    %dma_start3A_97 = tpu.memref_slice %arg10[%dma_start3A_95, %dma_start3A_96] : memref<400x64xi32, #tpu.memory_space<vmem>> -> memref<80x64xi32, #tpu.memory_space<vmem>>
    %dma_start3A_98 = arith.constant 320 : i32
    %dma_start3A_99 = tpu.memref_slice %arg6[%dma_start3A_98] : memref<400xi32, #tpu.memory_space<vmem>> -> memref<80xi32, #tpu.memory_space<vmem>>
    %dma_start3A_100 = arith.constant 0 : i32
    %dma_start3A_101 = arith.constant 0 : i32
    %dma_start3A_102 = tpu.memref_slice %arg4[%dma_start3A_100, %dma_start3A_101] : memref<10000x64xi32, #tpu.memory_space<hbm>> -> memref<10000x64xi32, #tpu.memory_space<hbm>>
    tpu.enqueue_indirect_dma source(%dma_start3A_102 : memref<10000x64xi32, #tpu.memory_space<hbm>>) target(%dma_start3A_97 : memref<80x64xi32, #tpu.memory_space<vmem>>) offsets(%dma_start3A_99 : memref<80xi32, #tpu.memory_space<vmem>>) semaphore(%arg19 : memref<!tpu.dma_semaphore, #tpu.memory_space<semaphore_mem>>)
    %dma_start3A_103 = arith.constant 320 : i32
    %dma_start3A_104 = arith.constant 0 : i32
    %dma_start3A_105 = tpu.memref_slice %arg11[%dma_start3A_103, %dma_start3A_104] : memref<400x64xi32, #tpu.memory_space<vmem>> -> memref<80x64xi32, #tpu.memory_space<vmem>>
    %dma_start3A_106 = arith.constant 320 : i32
    %dma_start3A_107 = tpu.memref_slice %arg7[%dma_start3A_106] : memref<400xi32, #tpu.memory_space<vmem>> -> memref<80xi32, #tpu.memory_space<vmem>>
    %dma_start3A_108 = arith.constant 0 : i32
    %dma_start3A_109 = arith.constant 0 : i32
    %dma_start3A_110 = tpu.memref_slice %arg4[%dma_start3A_108, %dma_start3A_109] : memref<10000x64xi32, #tpu.memory_space<hbm>> -> memref<10000x64xi32, #tpu.memory_space<hbm>>
    tpu.enqueue_indirect_dma source(%dma_start3A_110 : memref<10000x64xi32, #tpu.memory_space<hbm>>) target(%dma_start3A_105 : memref<80x64xi32, #tpu.memory_space<vmem>>) offsets(%dma_start3A_107 : memref<80xi32, #tpu.memory_space<vmem>>) semaphore(%arg19 : memref<!tpu.dma_semaphore, #tpu.memory_space<semaphore_mem>>)
    %mul3A_111 = arith.constant 10000 : i32
    %mul3A_112 = arith.muli %add3A, %mul3A_111 : i32
    %add3A_113 = arith.constant 400 : i32
    %add3A_114 = arith.addi %mul3A_112, %add3A_113 : i32
    %dma_start3A_115 = arith.constant 0 : i32
    %dma_start3A_116 = tpu.memref_slice %arg2[%dma_start3A_115, %add3A_114] : memref<2x320000xi32, #tpu.memory_space<hbm>> -> memref<1x400xi32, #tpu.memory_space<hbm>>
    %dma_start3A_117 = tpu.memref_squeeze %dma_start3A_116 : memref<1x400xi32, #tpu.memory_space<hbm>> -> memref<400xi32, #tpu.memory_space<hbm>>
    %dma_start3A_118 = tpu.memref_slice %arg2[%dma_start3A_115, %add3A_114] : memref<2x320000xi32, #tpu.memory_space<hbm>> -> memref<1x400xi32, #tpu.memory_space<hbm>>
    %dma_start3A_119 = tpu.memref_squeeze %dma_start3A_118 : memref<1x400xi32, #tpu.memory_space<hbm>> -> memref<400xi32, #tpu.memory_space<hbm>>
    tpu.enqueue_dma source(%dma_start3A_119 : memref<400xi32, #tpu.memory_space<hbm>>) target(%arg8 : memref<400xi32, #tpu.memory_space<vmem>>) target_semaphore(%arg18 : memref<!tpu.dma_semaphore, #tpu.memory_space<semaphore_mem>>)
    %dma_start3A_120 = arith.constant 1 : i32
    %dma_start3A_121 = tpu.memref_slice %arg2[%dma_start3A_120, %add3A_114] : memref<2x320000xi32, #tpu.memory_space<hbm>> -> memref<1x400xi32, #tpu.memory_space<hbm>>
    %dma_start3A_122 = tpu.memref_squeeze %dma_start3A_121 : memref<1x400xi32, #tpu.memory_space<hbm>> -> memref<400xi32, #tpu.memory_space<hbm>>
    %dma_start3A_123 = tpu.memref_slice %arg2[%dma_start3A_120, %add3A_114] : memref<2x320000xi32, #tpu.memory_space<hbm>> -> memref<1x400xi32, #tpu.memory_space<hbm>>
    %dma_start3A_124 = tpu.memref_squeeze %dma_start3A_123 : memref<1x400xi32, #tpu.memory_space<hbm>> -> memref<400xi32, #tpu.memory_space<hbm>>
    tpu.enqueue_dma source(%dma_start3A_124 : memref<400xi32, #tpu.memory_space<hbm>>) target(%arg9 : memref<400xi32, #tpu.memory_space<vmem>>) target_semaphore(%arg18 : memref<!tpu.dma_semaphore, #tpu.memory_space<semaphore_mem>>)
    %dma_wait3A_125 = tpu.memref_slice %arg3[%mul3A_2] : memref<320000xf32, #tpu.memory_space<hbm>> -> memref<10000xf32, #tpu.memory_space<hbm>>
    %dma_wait3A_126 = tpu.memref_slice %arg3[%mul3A_2] : memref<320000xf32, #tpu.memory_space<hbm>> -> memref<10000xf32, #tpu.memory_space<hbm>>
    tpu.wait_dma2 semaphore(%arg21 : memref<!tpu.dma_semaphore, #tpu.memory_space<semaphore_mem>>) src(%dma_wait3A_126 : memref<10000xf32, #tpu.memory_space<hbm>>) dst(%arg14 : memref<10000xf32, #tpu.memory_space<vmem>>)
    %scan3A = arith.constant 0 : i32
    %scan3A_127 = arith.constant 12 : i32
    %scan3A_128 = arith.addi %scan3A, %scan3A_127 : i32
    %scan3A_129 = arith.constant 1 : i32
    scf.for %scan3A_150 = %scan3A to %scan3A_128 step %scan3A_129  : i32 {
      %mul3A_151 = arith.constant 2 : i32
      %mul3A_152 = arith.muli %scan3A_150, %mul3A_151 : i32
      %add3A_153 = arith.constant 0 : i32
      %add3A_154 = arith.addi %add3A_153, %mul3A_152 : i32
      %add3A_155 = arith.constant 0 : i32
      %add3A_156 = arith.addi %add3A_154, %add3A_155 : i32
      %dma_wait3A_157 = arith.constant 0 : i32
      %dma_wait3A_158 = arith.constant 0 : i32
      %dma_wait3A_159 = tpu.memref_slice %arg2[%dma_wait3A_157, %dma_wait3A_158] : memref<2x320000xi32, #tpu.memory_space<hbm>> -> memref<1x400xi32, #tpu.memory_space<hbm>>
      %dma_wait3A_160 = tpu.memref_squeeze %dma_wait3A_159 : memref<1x400xi32, #tpu.memory_space<hbm>> -> memref<400xi32, #tpu.memory_space<hbm>>
      %dma_wait3A_161 = arith.constant 0 : i32
      %dma_wait3A_162 = tpu.memref_slice %arg2[%dma_wait3A_157, %dma_wait3A_161] : memref<2x320000xi32, #tpu.memory_space<hbm>> -> memref<1x400xi32, #tpu.memory_space<hbm>>
      %dma_wait3A_163 = tpu.memref_squeeze %dma_wait3A_162 : memref<1x400xi32, #tpu.memory_space<hbm>> -> memref<400xi32, #tpu.memory_space<hbm>>
      tpu.wait_dma2 semaphore(%arg18 : memref<!tpu.dma_semaphore, #tpu.memory_space<semaphore_mem>>) src(%dma_wait3A_163 : memref<400xi32, #tpu.memory_space<hbm>>) dst(%arg8 : memref<400xi32, #tpu.memory_space<vmem>>)
      %dma_wait3A_164 = arith.constant 1 : i32
      %dma_wait3A_165 = arith.constant 0 : i32
      %dma_wait3A_166 = tpu.memref_slice %arg2[%dma_wait3A_164, %dma_wait3A_165] : memref<2x320000xi32, #tpu.memory_space<hbm>> -> memref<1x400xi32, #tpu.memory_space<hbm>>
      %dma_wait3A_167 = tpu.memref_squeeze %dma_wait3A_166 : memref<1x400xi32, #tpu.memory_space<hbm>> -> memref<400xi32, #tpu.memory_space<hbm>>
      %dma_wait3A_168 = arith.constant 0 : i32
      %dma_wait3A_169 = tpu.memref_slice %arg2[%dma_wait3A_164, %dma_wait3A_168] : memref<2x320000xi32, #tpu.memory_space<hbm>> -> memref<1x400xi32, #tpu.memory_space<hbm>>
      %dma_wait3A_170 = tpu.memref_squeeze %dma_wait3A_169 : memref<1x400xi32, #tpu.memory_space<hbm>> -> memref<400xi32, #tpu.memory_space<hbm>>
      tpu.wait_dma2 semaphore(%arg18 : memref<!tpu.dma_semaphore, #tpu.memory_space<semaphore_mem>>) src(%dma_wait3A_170 : memref<400xi32, #tpu.memory_space<hbm>>) dst(%arg9 : memref<400xi32, #tpu.memory_space<vmem>>)
      %dma_start3A_171 = arith.constant 0 : i32
      %dma_start3A_172 = arith.constant 0 : i32
      %dma_start3A_173 = tpu.memref_slice %arg12[%dma_start3A_171, %dma_start3A_172] : memref<400x64xi32, #tpu.memory_space<vmem>> -> memref<80x64xi32, #tpu.memory_space<vmem>>
      %dma_start3A_174 = arith.constant 0 : i32
      %dma_start3A_175 = tpu.memref_slice %arg8[%dma_start3A_174] : memref<400xi32, #tpu.memory_space<vmem>> -> memref<80xi32, #tpu.memory_space<vmem>>
      %dma_start3A_176 = arith.constant 0 : i32
      %dma_start3A_177 = arith.constant 0 : i32
      %dma_start3A_178 = tpu.memref_slice %arg4[%dma_start3A_176, %dma_start3A_177] : memref<10000x64xi32, #tpu.memory_space<hbm>> -> memref<10000x64xi32, #tpu.memory_space<hbm>>
      tpu.enqueue_indirect_dma source(%dma_start3A_178 : memref<10000x64xi32, #tpu.memory_space<hbm>>) target(%dma_start3A_173 : memref<80x64xi32, #tpu.memory_space<vmem>>) offsets(%dma_start3A_175 : memref<80xi32, #tpu.memory_space<vmem>>) semaphore(%arg20 : memref<!tpu.dma_semaphore, #tpu.memory_space<semaphore_mem>>)
      %dma_start3A_179 = arith.constant 0 : i32
      %dma_start3A_180 = arith.constant 0 : i32
      %dma_start3A_181 = tpu.memref_slice %arg13[%dma_start3A_179, %dma_start3A_180] : memref<400x64xi32, #tpu.memory_space<vmem>> -> memref<80x64xi32, #tpu.memory_space<vmem>>
      %dma_start3A_182 = arith.constant 0 : i32
      %dma_start3A_183 = tpu.memref_slice %arg9[%dma_start3A_182] : memref<400xi32, #tpu.memory_space<vmem>> -> memref<80xi32, #tpu.memory_space<vmem>>
      %dma_start3A_184 = arith.constant 0 : i32
      %dma_start3A_185 = arith.constant 0 : i32
      %dma_start3A_186 = tpu.memref_slice %arg4[%dma_start3A_184, %dma_start3A_185] : memref<10000x64xi32, #tpu.memory_space<hbm>> -> memref<10000x64xi32, #tpu.memory_space<hbm>>
      tpu.enqueue_indirect_dma source(%dma_start3A_186 : memref<10000x64xi32, #tpu.memory_space<hbm>>) target(%dma_start3A_181 : memref<80x64xi32, #tpu.memory_space<vmem>>) offsets(%dma_start3A_183 : memref<80xi32, #tpu.memory_space<vmem>>) semaphore(%arg20 : memref<!tpu.dma_semaphore, #tpu.memory_space<semaphore_mem>>)
      %dma_start3A_187 = arith.constant 80 : i32
      %dma_start3A_188 = arith.constant 0 : i32
      %dma_start3A_189 = tpu.memref_slice %arg12[%dma_start3A_187, %dma_start3A_188] : memref<400x64xi32, #tpu.memory_space<vmem>> -> memref<80x64xi32, #tpu.memory_space<vmem>>
      %dma_start3A_190 = arith.constant 80 : i32
      %dma_start3A_191 = tpu.memref_slice %arg8[%dma_start3A_190] : memref<400xi32, #tpu.memory_space<vmem>> -> memref<80xi32, #tpu.memory_space<vmem>>
      %dma_start3A_192 = arith.constant 0 : i32
      %dma_start3A_193 = arith.constant 0 : i32
      %dma_start3A_194 = tpu.memref_slice %arg4[%dma_start3A_192, %dma_start3A_193] : memref<10000x64xi32, #tpu.memory_space<hbm>> -> memref<10000x64xi32, #tpu.memory_space<hbm>>
      tpu.enqueue_indirect_dma source(%dma_start3A_194 : memref<10000x64xi32, #tpu.memory_space<hbm>>) target(%dma_start3A_189 : memref<80x64xi32, #tpu.memory_space<vmem>>) offsets(%dma_start3A_191 : memref<80xi32, #tpu.memory_space<vmem>>) semaphore(%arg20 : memref<!tpu.dma_semaphore, #tpu.memory_space<semaphore_mem>>)
      %dma_start3A_195 = arith.constant 80 : i32
      %dma_start3A_196 = arith.constant 0 : i32
      %dma_start3A_197 = tpu.memref_slice %arg13[%dma_start3A_195, %dma_start3A_196] : memref<400x64xi32, #tpu.memory_space<vmem>> -> memref<80x64xi32, #tpu.memory_space<vmem>>
      %dma_start3A_198 = arith.constant 80 : i32
      %dma_start3A_199 = tpu.memref_slice %arg9[%dma_start3A_198] : memref<400xi32, #tpu.memory_space<vmem>> -> memref<80xi32, #tpu.memory_space<vmem>>
      %dma_start3A_200 = arith.constant 0 : i32
      %dma_start3A_201 = arith.constant 0 : i32
      %dma_start3A_202 = tpu.memref_slice %arg4[%dma_start3A_200, %dma_start3A_201] : memref<10000x64xi32, #tpu.memory_space<hbm>> -> memref<10000x64xi32, #tpu.memory_space<hbm>>
      tpu.enqueue_indirect_dma source(%dma_start3A_202 : memref<10000x64xi32, #tpu.memory_space<hbm>>) target(%dma_start3A_197 : memref<80x64xi32, #tpu.memory_space<vmem>>) offsets(%dma_start3A_199 : memref<80xi32, #tpu.memory_space<vmem>>) semaphore(%arg20 : memref<!tpu.dma_semaphore, #tpu.memory_space<semaphore_mem>>)
      %dma_start3A_203 = arith.constant 160 : i32
      %dma_start3A_204 = arith.constant 0 : i32
      %dma_start3A_205 = tpu.memref_slice %arg12[%dma_start3A_203, %dma_start3A_204] : memref<400x64xi32, #tpu.memory_space<vmem>> -> memref<80x64xi32, #tpu.memory_space<vmem>>
      %dma_start3A_206 = arith.constant 160 : i32
      %dma_start3A_207 = tpu.memref_slice %arg8[%dma_start3A_206] : memref<400xi32, #tpu.memory_space<vmem>> -> memref<80xi32, #tpu.memory_space<vmem>>
      %dma_start3A_208 = arith.constant 0 : i32
      %dma_start3A_209 = arith.constant 0 : i32
      %dma_start3A_210 = tpu.memref_slice %arg4[%dma_start3A_208, %dma_start3A_209] : memref<10000x64xi32, #tpu.memory_space<hbm>> -> memref<10000x64xi32, #tpu.memory_space<hbm>>
      tpu.enqueue_indirect_dma source(%dma_start3A_210 : memref<10000x64xi32, #tpu.memory_space<hbm>>) target(%dma_start3A_205 : memref<80x64xi32, #tpu.memory_space<vmem>>) offsets(%dma_start3A_207 : memref<80xi32, #tpu.memory_space<vmem>>) semaphore(%arg20 : memref<!tpu.dma_semaphore, #tpu.memory_space<semaphore_mem>>)
      %dma_start3A_211 = arith.constant 160 : i32
      %dma_start3A_212 = arith.constant 0 : i32
      %dma_start3A_213 = tpu.memref_slice %arg13[%dma_start3A_211, %dma_start3A_212] : memref<400x64xi32, #tpu.memory_space<vmem>> -> memref<80x64xi32, #tpu.memory_space<vmem>>
      %dma_start3A_214 = arith.constant 160 : i32
      %dma_start3A_215 = tpu.memref_slice %arg9[%dma_start3A_214] : memref<400xi32, #tpu.memory_space<vmem>> -> memref<80xi32, #tpu.memory_space<vmem>>
      %dma_start3A_216 = arith.constant 0 : i32
      %dma_start3A_217 = arith.constant 0 : i32
      %dma_start3A_218 = tpu.memref_slice %arg4[%dma_start3A_216, %dma_start3A_217] : memref<10000x64xi32, #tpu.memory_space<hbm>> -> memref<10000x64xi32, #tpu.memory_space<hbm>>
      tpu.enqueue_indirect_dma source(%dma_start3A_218 : memref<10000x64xi32, #tpu.memory_space<hbm>>) target(%dma_start3A_213 : memref<80x64xi32, #tpu.memory_space<vmem>>) offsets(%dma_start3A_215 : memref<80xi32, #tpu.memory_space<vmem>>) semaphore(%arg20 : memref<!tpu.dma_semaphore, #tpu.memory_space<semaphore_mem>>)
      %dma_start3A_219 = arith.constant 240 : i32
      %dma_start3A_220 = arith.constant 0 : i32
      %dma_start3A_221 = tpu.memref_slice %arg12[%dma_start3A_219, %dma_start3A_220] : memref<400x64xi32, #tpu.memory_space<vmem>> -> memref<80x64xi32, #tpu.memory_space<vmem>>
      %dma_start3A_222 = arith.constant 240 : i32
      %dma_start3A_223 = tpu.memref_slice %arg8[%dma_start3A_222] : memref<400xi32, #tpu.memory_space<vmem>> -> memref<80xi32, #tpu.memory_space<vmem>>
      %dma_start3A_224 = arith.constant 0 : i32
      %dma_start3A_225 = arith.constant 0 : i32
      %dma_start3A_226 = tpu.memref_slice %arg4[%dma_start3A_224, %dma_start3A_225] : memref<10000x64xi32, #tpu.memory_space<hbm>> -> memref<10000x64xi32, #tpu.memory_space<hbm>>
      tpu.enqueue_indirect_dma source(%dma_start3A_226 : memref<10000x64xi32, #tpu.memory_space<hbm>>) target(%dma_start3A_221 : memref<80x64xi32, #tpu.memory_space<vmem>>) offsets(%dma_start3A_223 : memref<80xi32, #tpu.memory_space<vmem>>) semaphore(%arg20 : memref<!tpu.dma_semaphore, #tpu.memory_space<semaphore_mem>>)
      %dma_start3A_227 = arith.constant 240 : i32
      %dma_start3A_228 = arith.constant 0 : i32
      %dma_start3A_229 = tpu.memref_slice %arg13[%dma_start3A_227, %dma_start3A_228] : memref<400x64xi32, #tpu.memory_space<vmem>> -> memref<80x64xi32, #tpu.memory_space<vmem>>
      %dma_start3A_230 = arith.constant 240 : i32
      %dma_start3A_231 = tpu.memref_slice %arg9[%dma_start3A_230] : memref<400xi32, #tpu.memory_space<vmem>> -> memref<80xi32, #tpu.memory_space<vmem>>
      %dma_start3A_232 = arith.constant 0 : i32
      %dma_start3A_233 = arith.constant 0 : i32
      %dma_start3A_234 = tpu.memref_slice %arg4[%dma_start3A_232, %dma_start3A_233] : memref<10000x64xi32, #tpu.memory_space<hbm>> -> memref<10000x64xi32, #tpu.memory_space<hbm>>
      tpu.enqueue_indirect_dma source(%dma_start3A_234 : memref<10000x64xi32, #tpu.memory_space<hbm>>) target(%dma_start3A_229 : memref<80x64xi32, #tpu.memory_space<vmem>>) offsets(%dma_start3A_231 : memref<80xi32, #tpu.memory_space<vmem>>) semaphore(%arg20 : memref<!tpu.dma_semaphore, #tpu.memory_space<semaphore_mem>>)
      %dma_start3A_235 = arith.constant 320 : i32
      %dma_start3A_236 = arith.constant 0 : i32
      %dma_start3A_237 = tpu.memref_slice %arg12[%dma_start3A_235, %dma_start3A_236] : memref<400x64xi32, #tpu.memory_space<vmem>> -> memref<80x64xi32, #tpu.memory_space<vmem>>
      %dma_start3A_238 = arith.constant 320 : i32
      %dma_start3A_239 = tpu.memref_slice %arg8[%dma_start3A_238] : memref<400xi32, #tpu.memory_space<vmem>> -> memref<80xi32, #tpu.memory_space<vmem>>
      %dma_start3A_240 = arith.constant 0 : i32
      %dma_start3A_241 = arith.constant 0 : i32
      %dma_start3A_242 = tpu.memref_slice %arg4[%dma_start3A_240, %dma_start3A_241] : memref<10000x64xi32, #tpu.memory_space<hbm>> -> memref<10000x64xi32, #tpu.memory_space<hbm>>
      tpu.enqueue_indirect_dma source(%dma_start3A_242 : memref<10000x64xi32, #tpu.memory_space<hbm>>) target(%dma_start3A_237 : memref<80x64xi32, #tpu.memory_space<vmem>>) offsets(%dma_start3A_239 : memref<80xi32, #tpu.memory_space<vmem>>) semaphore(%arg20 : memref<!tpu.dma_semaphore, #tpu.memory_space<semaphore_mem>>)
      %dma_start3A_243 = arith.constant 320 : i32
      %dma_start3A_244 = arith.constant 0 : i32
      %dma_start3A_245 = tpu.memref_slice %arg13[%dma_start3A_243, %dma_start3A_244] : memref<400x64xi32, #tpu.memory_space<vmem>> -> memref<80x64xi32, #tpu.memory_space<vmem>>
      %dma_start3A_246 = arith.constant 320 : i32
      %dma_start3A_247 = tpu.memref_slice %arg9[%dma_start3A_246] : memref<400xi32, #tpu.memory_space<vmem>> -> memref<80xi32, #tpu.memory_space<vmem>>
      %dma_start3A_248 = arith.constant 0 : i32
      %dma_start3A_249 = arith.constant 0 : i32
      %dma_start3A_250 = tpu.memref_slice %arg4[%dma_start3A_248, %dma_start3A_249] : memref<10000x64xi32, #tpu.memory_space<hbm>> -> memref<10000x64xi32, #tpu.memory_space<hbm>>
      tpu.enqueue_indirect_dma source(%dma_start3A_250 : memref<10000x64xi32, #tpu.memory_space<hbm>>) target(%dma_start3A_245 : memref<80x64xi32, #tpu.memory_space<vmem>>) offsets(%dma_start3A_247 : memref<80xi32, #tpu.memory_space<vmem>>) semaphore(%arg20 : memref<!tpu.dma_semaphore, #tpu.memory_space<semaphore_mem>>)
      "tpu.trace_start"() <{level = 10 : i32, message = "wait_g"}> : () -> ()
      %dma_wait3A_251 = arith.constant 0 : i32
      %dma_wait3A_252 = arith.constant 0 : i32
      %dma_wait3A_253 = tpu.memref_slice %arg4[%dma_wait3A_251, %dma_wait3A_252] : memref<10000x64xi32, #tpu.memory_space<hbm>> -> memref<400x64xi32, #tpu.memory_space<hbm>>
      %dma_wait3A_254 = arith.constant 0 : i32
      %dma_wait3A_255 = arith.constant 0 : i32
      %dma_wait3A_256 = tpu.memref_slice %arg4[%dma_wait3A_254, %dma_wait3A_255] : memref<10000x64xi32, #tpu.memory_space<hbm>> -> memref<400x64xi32, #tpu.memory_space<hbm>>
      tpu.wait_dma2 semaphore(%arg19 : memref<!tpu.dma_semaphore, #tpu.memory_space<semaphore_mem>>) src(%dma_wait3A_256 : memref<400x64xi32, #tpu.memory_space<hbm>>) dst(%arg10 : memref<400x64xi32, #tpu.memory_space<vmem>>)
      %dma_wait3A_257 = arith.constant 0 : i32
      %dma_wait3A_258 = arith.constant 0 : i32
      %dma_wait3A_259 = tpu.memref_slice %arg4[%dma_wait3A_257, %dma_wait3A_258] : memref<10000x64xi32, #tpu.memory_space<hbm>> -> memref<400x64xi32, #tpu.memory_space<hbm>>
      %dma_wait3A_260 = arith.constant 0 : i32
      %dma_wait3A_261 = arith.constant 0 : i32
      %dma_wait3A_262 = tpu.memref_slice %arg4[%dma_wait3A_260, %dma_wait3A_261] : memref<10000x64xi32, #tpu.memory_space<hbm>> -> memref<400x64xi32, #tpu.memory_space<hbm>>
      tpu.wait_dma2 semaphore(%arg19 : memref<!tpu.dma_semaphore, #tpu.memory_space<semaphore_mem>>) src(%dma_wait3A_262 : memref<400x64xi32, #tpu.memory_space<hbm>>) dst(%arg11 : memref<400x64xi32, #tpu.memory_space<vmem>>)
      %lt3A = arith.constant 23 : i32
      "tpu.trace_stop"() : () -> ()
      %lt3A_263 = arith.cmpi slt, %add3A_156, %lt3A : i32
      %convert_element_type3A = arith.extui %lt3A_263 : i1 to i32
      %cond3A = arith.constant 0 : i32
      %cond3A_264 = arith.cmpi ne, %convert_element_type3A, %cond3A : i32
      scf.if %cond3A_264 {
        %add3A_392 = arith.constant 2 : i32
        %add3A_393 = arith.addi %add3A_156, %add3A_392 : i32
        %mul3A_394 = arith.constant 10000 : i32
        %mul3A_395 = arith.muli %add3A, %mul3A_394 : i32
        %mul3A_396 = arith.constant 400 : i32
        %mul3A_397 = arith.muli %add3A_393, %mul3A_396 : i32
        %add3A_398 = arith.addi %mul3A_395, %mul3A_397 : i32
        %dma_start3A_399 = arith.constant 0 : i32
        %dma_start3A_400 = tpu.memref_slice %arg2[%dma_start3A_399, %add3A_398] : memref<2x320000xi32, #tpu.memory_space<hbm>> -> memref<1x400xi32, #tpu.memory_space<hbm>>
        %dma_start3A_401 = tpu.memref_squeeze %dma_start3A_400 : memref<1x400xi32, #tpu.memory_space<hbm>> -> memref<400xi32, #tpu.memory_space<hbm>>
        %dma_start3A_402 = tpu.memref_slice %arg2[%dma_start3A_399, %add3A_398] : memref<2x320000xi32, #tpu.memory_space<hbm>> -> memref<1x400xi32, #tpu.memory_space<hbm>>
        %dma_start3A_403 = tpu.memref_squeeze %dma_start3A_402 : memref<1x400xi32, #tpu.memory_space<hbm>> -> memref<400xi32, #tpu.memory_space<hbm>>
        tpu.enqueue_dma source(%dma_start3A_403 : memref<400xi32, #tpu.memory_space<hbm>>) target(%arg6 : memref<400xi32, #tpu.memory_space<vmem>>) target_semaphore(%arg17 : memref<!tpu.dma_semaphore, #tpu.memory_space<semaphore_mem>>)
        %dma_start3A_404 = arith.constant 1 : i32
        %dma_start3A_405 = tpu.memref_slice %arg2[%dma_start3A_404, %add3A_398] : memref<2x320000xi32, #tpu.memory_space<hbm>> -> memref<1x400xi32, #tpu.memory_space<hbm>>
        %dma_start3A_406 = tpu.memref_squeeze %dma_start3A_405 : memref<1x400xi32, #tpu.memory_space<hbm>> -> memref<400xi32, #tpu.memory_space<hbm>>
        %dma_start3A_407 = tpu.memref_slice %arg2[%dma_start3A_404, %add3A_398] : memref<2x320000xi32, #tpu.memory_space<hbm>> -> memref<1x400xi32, #tpu.memory_space<hbm>>
        %dma_start3A_408 = tpu.memref_squeeze %dma_start3A_407 : memref<1x400xi32, #tpu.memory_space<hbm>> -> memref<400xi32, #tpu.memory_space<hbm>>
        tpu.enqueue_dma source(%dma_start3A_408 : memref<400xi32, #tpu.memory_space<hbm>>) target(%arg7 : memref<400xi32, #tpu.memory_space<vmem>>) target_semaphore(%arg17 : memref<!tpu.dma_semaphore, #tpu.memory_space<semaphore_mem>>)
      } else {
      }
      "tpu.trace_start"() <{level = 10 : i32, message = "comp"}> : () -> ()
      %mul3A_265 = arith.constant 400 : i32
      %mul3A_266 = arith.muli %add3A_156, %mul3A_265 : i32
      %scan3A_267 = arith.constant 0 : i32
      %scan3A_268 = arith.constant 25 : i32
      %scan3A_269 = arith.addi %scan3A_267, %scan3A_268 : i32
      %scan3A_270 = arith.constant 1 : i32
      scf.for %scan3A_392 = %scan3A_267 to %scan3A_269 step %scan3A_270  : i32 {
        %mul3A_393 = arith.constant 1 : i32
        %mul3A_394 = arith.muli %scan3A_392, %mul3A_393 : i32
        %add3A_395 = arith.constant 0 : i32
        %add3A_396 = arith.addi %add3A_395, %mul3A_394 : i32
        %mul3A_397 = arith.constant 16 : i32
        %mul3A_398 = arith.muli %add3A_396, %mul3A_397 : i32
        %add3A_399 = arith.constant 0 : i32
        %add3A_400 = arith.addi %mul3A_398, %add3A_399 : i32
        %get3A = arith.index_cast %add3A_400 : i32 to index
        %get3A_401 = arith.constant 0 : index
        %get3A_402 = tpu.vector_load %arg10[%get3A, %get3A_401] {strides = array<i32>} : memref<400x64xi32, #tpu.memory_space<vmem>>, vector<16xi32>,
        %bitcast3A = vector.bitcast %get3A_402 : vector<16xi32> to vector<32xbf16>
        %get3A_403 = arith.index_cast %add3A_400 : i32 to index
        %get3A_404 = arith.constant 0 : index
        %get3A_405 = tpu.vector_load %arg11[%get3A_403, %get3A_404] {strides = array<i32>} : memref<400x64xi32, #tpu.memory_space<vmem>>, vector<16xi32>,
        %bitcast3A_406 = vector.bitcast %get3A_405 : vector<16xi32> to vector<32xbf16>
        %mul3A_407 = arith.mulf %bitcast3A, %bitcast3A_406 : vector<32xbf16>
        %get3A_408 = arith.index_cast %add3A_400 : i32 to index
        %get3A_409 = arith.constant 16 : index
        %get3A_410 = tpu.vector_load %arg10[%get3A_408, %get3A_409] {strides = array<i32>} : memref<400x64xi32, #tpu.memory_space<vmem>>, vector<16xi32>,
        %bitcast3A_411 = vector.bitcast %get3A_410 : vector<16xi32> to vector<32xbf16>
        %get3A_412 = arith.index_cast %add3A_400 : i32 to index
        %get3A_413 = arith.constant 16 : index
        %get3A_414 = tpu.vector_load %arg11[%get3A_412, %get3A_413] {strides = array<i32>} : memref<400x64xi32, #tpu.memory_space<vmem>>, vector<16xi32>,
        %bitcast3A_415 = vector.bitcast %get3A_414 : vector<16xi32> to vector<32xbf16>
        %mul3A_416 = arith.mulf %bitcast3A_411, %bitcast3A_415 : vector<32xbf16>
        %get3A_417 = arith.index_cast %add3A_400 : i32 to index
        %get3A_418 = arith.constant 32 : index
        %get3A_419 = tpu.vector_load %arg10[%get3A_417, %get3A_418] {strides = array<i32>} : memref<400x64xi32, #tpu.memory_space<vmem>>, vector<16xi32>,
        %bitcast3A_420 = vector.bitcast %get3A_419 : vector<16xi32> to vector<32xbf16>
        %get3A_421 = arith.index_cast %add3A_400 : i32 to index
        %get3A_422 = arith.constant 32 : index
        %get3A_423 = tpu.vector_load %arg11[%get3A_421, %get3A_422] {strides = array<i32>} : memref<400x64xi32, #tpu.memory_space<vmem>>, vector<16xi32>,
        %bitcast3A_424 = vector.bitcast %get3A_423 : vector<16xi32> to vector<32xbf16>
        %mul3A_425 = arith.mulf %bitcast3A_420, %bitcast3A_424 : vector<32xbf16>
        %get3A_426 = arith.index_cast %add3A_400 : i32 to index
        %get3A_427 = arith.constant 48 : index
        %get3A_428 = tpu.vector_load %arg10[%get3A_426, %get3A_427] {strides = array<i32>} : memref<400x64xi32, #tpu.memory_space<vmem>>, vector<16xi32>,
        %bitcast3A_429 = vector.bitcast %get3A_428 : vector<16xi32> to vector<32xbf16>
        %get3A_430 = arith.index_cast %add3A_400 : i32 to index
        %get3A_431 = arith.constant 48 : index
        %get3A_432 = tpu.vector_load %arg11[%get3A_430, %get3A_431] {strides = array<i32>} : memref<400x64xi32, #tpu.memory_space<vmem>>, vector<16xi32>,
        %bitcast3A_433 = vector.bitcast %get3A_432 : vector<16xi32> to vector<32xbf16>
        %mul3A_434 = arith.mulf %bitcast3A_429, %bitcast3A_433 : vector<32xbf16>
        %add3A_435 = arith.addf %mul3A_407, %mul3A_416 : vector<32xbf16>
        %add3A_436 = arith.addf %mul3A_425, %mul3A_434 : vector<32xbf16>
        %add3A_437 = arith.addf %add3A_435, %add3A_436 : vector<32xbf16>
        %unpack3A = tpu.unpack_subelements %add3A_437, 0 {pack_format = #tpu.pack_format<interleaved>} : vector<32xbf16> -> vector<16xf32>
        %unpack3A_438 = tpu.unpack_subelements %add3A_437, 1 {pack_format = #tpu.pack_format<interleaved>} : vector<32xbf16> -> vector<16xf32>
        %add3A_439 = arith.addf %unpack3A, %unpack3A_438 : vector<16xf32>
        %swap3A = arith.constant 0 : i32
        %swap3A_440 = arith.index_cast %swap3A : i32 to index
        %swap3A_441 = arith.constant 0 : index
        %swap3A_442 = tpu.vector_load %arg16[%swap3A_440, %swap3A_441] {strides = array<i32>} : memref<16x17xf32, #tpu.memory_space<vmem>>, vector<16xf32>,
        tpu.vector_store %arg16[%swap3A_440, %swap3A_441], %add3A_439 {strides = array<i32>} : memref<16x17xf32, #tpu.memory_space<vmem>>, vector<16xf32>,
        %add3A_443 = arith.constant 1 : i32
        %add3A_444 = arith.addi %mul3A_398, %add3A_443 : i32
        %get3A_445 = arith.index_cast %add3A_444 : i32 to index
        %get3A_446 = arith.constant 0 : index
        %get3A_447 = tpu.vector_load %arg10[%get3A_445, %get3A_446] {strides = array<i32>} : memref<400x64xi32, #tpu.memory_space<vmem>>, vector<16xi32>,
        %bitcast3A_448 = vector.bitcast %get3A_447 : vector<16xi32> to vector<32xbf16>
        %get3A_449 = arith.index_cast %add3A_444 : i32 to index
        %get3A_450 = arith.constant 0 : index
        %get3A_451 = tpu.vector_load %arg11[%get3A_449, %get3A_450] {strides = array<i32>} : memref<400x64xi32, #tpu.memory_space<vmem>>, vector<16xi32>,
        %bitcast3A_452 = vector.bitcast %get3A_451 : vector<16xi32> to vector<32xbf16>
        %mul3A_453 = arith.mulf %bitcast3A_448, %bitcast3A_452 : vector<32xbf16>
        %get3A_454 = arith.index_cast %add3A_444 : i32 to index
        %get3A_455 = arith.constant 16 : index
        %get3A_456 = tpu.vector_load %arg10[%get3A_454, %get3A_455] {strides = array<i32>} : memref<400x64xi32, #tpu.memory_space<vmem>>, vector<16xi32>,
        %bitcast3A_457 = vector.bitcast %get3A_456 : vector<16xi32> to vector<32xbf16>
        %get3A_458 = arith.index_cast %add3A_444 : i32 to index
        %get3A_459 = arith.constant 16 : index
        %get3A_460 = tpu.vector_load %arg11[%get3A_458, %get3A_459] {strides = array<i32>} : memref<400x64xi32, #tpu.memory_space<vmem>>, vector<16xi32>,
        %bitcast3A_461 = vector.bitcast %get3A_460 : vector<16xi32> to vector<32xbf16>
        %mul3A_462 = arith.mulf %bitcast3A_457, %bitcast3A_461 : vector<32xbf16>
        %get3A_463 = arith.index_cast %add3A_444 : i32 to index
        %get3A_464 = arith.constant 32 : index
        %get3A_465 = tpu.vector_load %arg10[%get3A_463, %get3A_464] {strides = array<i32>} : memref<400x64xi32, #tpu.memory_space<vmem>>, vector<16xi32>,
        %bitcast3A_466 = vector.bitcast %get3A_465 : vector<16xi32> to vector<32xbf16>
        %get3A_467 = arith.index_cast %add3A_444 : i32 to index
        %get3A_468 = arith.constant 32 : index
        %get3A_469 = tpu.vector_load %arg11[%get3A_467, %get3A_468] {strides = array<i32>} : memref<400x64xi32, #tpu.memory_space<vmem>>, vector<16xi32>,
        %bitcast3A_470 = vector.bitcast %get3A_469 : vector<16xi32> to vector<32xbf16>
        %mul3A_471 = arith.mulf %bitcast3A_466, %bitcast3A_470 : vector<32xbf16>
        %get3A_472 = arith.index_cast %add3A_444 : i32 to index
        %get3A_473 = arith.constant 48 : index
        %get3A_474 = tpu.vector_load %arg10[%get3A_472, %get3A_473] {strides = array<i32>} : memref<400x64xi32, #tpu.memory_space<vmem>>, vector<16xi32>,
        %bitcast3A_475 = vector.bitcast %get3A_474 : vector<16xi32> to vector<32xbf16>
        %get3A_476 = arith.index_cast %add3A_444 : i32 to index
        %get3A_477 = arith.constant 48 : index
        %get3A_478 = tpu.vector_load %arg11[%get3A_476, %get3A_477] {strides = array<i32>} : memref<400x64xi32, #tpu.memory_space<vmem>>, vector<16xi32>,
        %bitcast3A_479 = vector.bitcast %get3A_478 : vector<16xi32> to vector<32xbf16>
        %mul3A_480 = arith.mulf %bitcast3A_475, %bitcast3A_479 : vector<32xbf16>
        %add3A_481 = arith.addf %mul3A_453, %mul3A_462 : vector<32xbf16>
        %add3A_482 = arith.addf %mul3A_471, %mul3A_480 : vector<32xbf16>
        %add3A_483 = arith.addf %add3A_481, %add3A_482 : vector<32xbf16>
        %unpack3A_484 = tpu.unpack_subelements %add3A_483, 0 {pack_format = #tpu.pack_format<interleaved>} : vector<32xbf16> -> vector<16xf32>
        %unpack3A_485 = tpu.unpack_subelements %add3A_483, 1 {pack_format = #tpu.pack_format<interleaved>} : vector<32xbf16> -> vector<16xf32>
        %add3A_486 = arith.addf %unpack3A_484, %unpack3A_485 : vector<16xf32>
        %swap3A_487 = arith.constant 1 : i32
        %swap3A_488 = arith.index_cast %swap3A_487 : i32 to index
        %swap3A_489 = arith.constant 0 : index
        %swap3A_490 = tpu.vector_load %arg16[%swap3A_488, %swap3A_489] {strides = array<i32>} : memref<16x17xf32, #tpu.memory_space<vmem>>, vector<16xf32>,
        tpu.vector_store %arg16[%swap3A_488, %swap3A_489], %add3A_486 {strides = array<i32>} : memref<16x17xf32, #tpu.memory_space<vmem>>, vector<16xf32>,
        %add3A_491 = arith.constant 2 : i32
        %add3A_492 = arith.addi %mul3A_398, %add3A_491 : i32
        %get3A_493 = arith.index_cast %add3A_492 : i32 to index
        %get3A_494 = arith.constant 0 : index
        %get3A_495 = tpu.vector_load %arg10[%get3A_493, %get3A_494] {strides = array<i32>} : memref<400x64xi32, #tpu.memory_space<vmem>>, vector<16xi32>,
        %bitcast3A_496 = vector.bitcast %get3A_495 : vector<16xi32> to vector<32xbf16>
        %get3A_497 = arith.index_cast %add3A_492 : i32 to index
        %get3A_498 = arith.constant 0 : index
        %get3A_499 = tpu.vector_load %arg11[%get3A_497, %get3A_498] {strides = array<i32>} : memref<400x64xi32, #tpu.memory_space<vmem>>, vector<16xi32>,
        %bitcast3A_500 = vector.bitcast %get3A_499 : vector<16xi32> to vector<32xbf16>
        %mul3A_501 = arith.mulf %bitcast3A_496, %bitcast3A_500 : vector<32xbf16>
        %get3A_502 = arith.index_cast %add3A_492 : i32 to index
        %get3A_503 = arith.constant 16 : index
        %get3A_504 = tpu.vector_load %arg10[%get3A_502, %get3A_503] {strides = array<i32>} : memref<400x64xi32, #tpu.memory_space<vmem>>, vector<16xi32>,
        %bitcast3A_505 = vector.bitcast %get3A_504 : vector<16xi32> to vector<32xbf16>
        %get3A_506 = arith.index_cast %add3A_492 : i32 to index
        %get3A_507 = arith.constant 16 : index
        %get3A_508 = tpu.vector_load %arg11[%get3A_506, %get3A_507] {strides = array<i32>} : memref<400x64xi32, #tpu.memory_space<vmem>>, vector<16xi32>,
        %bitcast3A_509 = vector.bitcast %get3A_508 : vector<16xi32> to vector<32xbf16>
        %mul3A_510 = arith.mulf %bitcast3A_505, %bitcast3A_509 : vector<32xbf16>
        %get3A_511 = arith.index_cast %add3A_492 : i32 to index
        %get3A_512 = arith.constant 32 : index
        %get3A_513 = tpu.vector_load %arg10[%get3A_511, %get3A_512] {strides = array<i32>} : memref<400x64xi32, #tpu.memory_space<vmem>>, vector<16xi32>,
        %bitcast3A_514 = vector.bitcast %get3A_513 : vector<16xi32> to vector<32xbf16>
        %get3A_515 = arith.index_cast %add3A_492 : i32 to index
        %get3A_516 = arith.constant 32 : index
        %get3A_517 = tpu.vector_load %arg11[%get3A_515, %get3A_516] {strides = array<i32>} : memref<400x64xi32, #tpu.memory_space<vmem>>, vector<16xi32>,
        %bitcast3A_518 = vector.bitcast %get3A_517 : vector<16xi32> to vector<32xbf16>
        %mul3A_519 = arith.mulf %bitcast3A_514, %bitcast3A_518 : vector<32xbf16>
        %get3A_520 = arith.index_cast %add3A_492 : i32 to index
        %get3A_521 = arith.constant 48 : index
        %get3A_522 = tpu.vector_load %arg10[%get3A_520, %get3A_521] {strides = array<i32>} : memref<400x64xi32, #tpu.memory_space<vmem>>, vector<16xi32>,
        %bitcast3A_523 = vector.bitcast %get3A_522 : vector<16xi32> to vector<32xbf16>
        %get3A_524 = arith.index_cast %add3A_492 : i32 to index
        %get3A_525 = arith.constant 48 : index
        %get3A_526 = tpu.vector_load %arg11[%get3A_524, %get3A_525] {strides = array<i32>} : memref<400x64xi32, #tpu.memory_space<vmem>>, vector<16xi32>,
        %bitcast3A_527 = vector.bitcast %get3A_526 : vector<16xi32> to vector<32xbf16>
        %mul3A_528 = arith.mulf %bitcast3A_523, %bitcast3A_527 : vector<32xbf16>
        %add3A_529 = arith.addf %mul3A_501, %mul3A_510 : vector<32xbf16>
        %add3A_530 = arith.addf %mul3A_519, %mul3A_528 : vector<32xbf16>
        %add3A_531 = arith.addf %add3A_529, %add3A_530 : vector<32xbf16>
        %unpack3A_532 = tpu.unpack_subelements %add3A_531, 0 {pack_format = #tpu.pack_format<interleaved>} : vector<32xbf16> -> vector<16xf32>
        %unpack3A_533 = tpu.unpack_subelements %add3A_531, 1 {pack_format = #tpu.pack_format<interleaved>} : vector<32xbf16> -> vector<16xf32>
        %add3A_534 = arith.addf %unpack3A_532, %unpack3A_533 : vector<16xf32>
        %swap3A_535 = arith.constant 2 : i32
        %swap3A_536 = arith.index_cast %swap3A_535 : i32 to index
        %swap3A_537 = arith.constant 0 : index
        %swap3A_538 = tpu.vector_load %arg16[%swap3A_536, %swap3A_537] {strides = array<i32>} : memref<16x17xf32, #tpu.memory_space<vmem>>, vector<16xf32>,
        tpu.vector_store %arg16[%swap3A_536, %swap3A_537], %add3A_534 {strides = array<i32>} : memref<16x17xf32, #tpu.memory_space<vmem>>, vector<16xf32>,
        %add3A_539 = arith.constant 3 : i32
        %add3A_540 = arith.addi %mul3A_398, %add3A_539 : i32
        %get3A_541 = arith.index_cast %add3A_540 : i32 to index
        %get3A_542 = arith.constant 0 : index
        %get3A_543 = tpu.vector_load %arg10[%get3A_541, %get3A_542] {strides = array<i32>} : memref<400x64xi32, #tpu.memory_space<vmem>>, vector<16xi32>,
        %bitcast3A_544 = vector.bitcast %get3A_543 : vector<16xi32> to vector<32xbf16>
        %get3A_545 = arith.index_cast %add3A_540 : i32 to index
        %get3A_546 = arith.constant 0 : index
        %get3A_547 = tpu.vector_load %arg11[%get3A_545, %get3A_546] {strides = array<i32>} : memref<400x64xi32, #tpu.memory_space<vmem>>, vector<16xi32>,
        %bitcast3A_548 = vector.bitcast %get3A_547 : vector<16xi32> to vector<32xbf16>
        %mul3A_549 = arith.mulf %bitcast3A_544, %bitcast3A_548 : vector<32xbf16>
        %get3A_550 = arith.index_cast %add3A_540 : i32 to index
        %get3A_551 = arith.constant 16 : index
        %get3A_552 = tpu.vector_load %arg10[%get3A_550, %get3A_551] {strides = array<i32>} : memref<400x64xi32, #tpu.memory_space<vmem>>, vector<16xi32>,
        %bitcast3A_553 = vector.bitcast %get3A_552 : vector<16xi32> to vector<32xbf16>
        %get3A_554 = arith.index_cast %add3A_540 : i32 to index
        %get3A_555 = arith.constant 16 : index
        %get3A_556 = tpu.vector_load %arg11[%get3A_554, %get3A_555] {strides = array<i32>} : memref<400x64xi32, #tpu.memory_space<vmem>>, vector<16xi32>,
        %bitcast3A_557 = vector.bitcast %get3A_556 : vector<16xi32> to vector<32xbf16>
        %mul3A_558 = arith.mulf %bitcast3A_553, %bitcast3A_557 : vector<32xbf16>
        %get3A_559 = arith.index_cast %add3A_540 : i32 to index
        %get3A_560 = arith.constant 32 : index
        %get3A_561 = tpu.vector_load %arg10[%get3A_559, %get3A_560] {strides = array<i32>} : memref<400x64xi32, #tpu.memory_space<vmem>>, vector<16xi32>,
        %bitcast3A_562 = vector.bitcast %get3A_561 : vector<16xi32> to vector<32xbf16>
        %get3A_563 = arith.index_cast %add3A_540 : i32 to index
        %get3A_564 = arith.constant 32 : index
        %get3A_565 = tpu.vector_load %arg11[%get3A_563, %get3A_564] {strides = array<i32>} : memref<400x64xi32, #tpu.memory_space<vmem>>, vector<16xi32>,
        %bitcast3A_566 = vector.bitcast %get3A_565 : vector<16xi32> to vector<32xbf16>
        %mul3A_567 = arith.mulf %bitcast3A_562, %bitcast3A_566 : vector<32xbf16>
        %get3A_568 = arith.index_cast %add3A_540 : i32 to index
        %get3A_569 = arith.constant 48 : index
        %get3A_570 = tpu.vector_load %arg10[%get3A_568, %get3A_569] {strides = array<i32>} : memref<400x64xi32, #tpu.memory_space<vmem>>, vector<16xi32>,
        %bitcast3A_571 = vector.bitcast %get3A_570 : vector<16xi32> to vector<32xbf16>
        %get3A_572 = arith.index_cast %add3A_540 : i32 to index
        %get3A_573 = arith.constant 48 : index
        %get3A_574 = tpu.vector_load %arg11[%get3A_572, %get3A_573] {strides = array<i32>} : memref<400x64xi32, #tpu.memory_space<vmem>>, vector<16xi32>,
        %bitcast3A_575 = vector.bitcast %get3A_574 : vector<16xi32> to vector<32xbf16>
        %mul3A_576 = arith.mulf %bitcast3A_571, %bitcast3A_575 : vector<32xbf16>
        %add3A_577 = arith.addf %mul3A_549, %mul3A_558 : vector<32xbf16>
        %add3A_578 = arith.addf %mul3A_567, %mul3A_576 : vector<32xbf16>
        %add3A_579 = arith.addf %add3A_577, %add3A_578 : vector<32xbf16>
        %unpack3A_580 = tpu.unpack_subelements %add3A_579, 0 {pack_format = #tpu.pack_format<interleaved>} : vector<32xbf16> -> vector<16xf32>
        %unpack3A_581 = tpu.unpack_subelements %add3A_579, 1 {pack_format = #tpu.pack_format<interleaved>} : vector<32xbf16> -> vector<16xf32>
        %add3A_582 = arith.addf %unpack3A_580, %unpack3A_581 : vector<16xf32>
        %swap3A_583 = arith.constant 3 : i32
        %swap3A_584 = arith.index_cast %swap3A_583 : i32 to index
        %swap3A_585 = arith.constant 0 : index
        %swap3A_586 = tpu.vector_load %arg16[%swap3A_584, %swap3A_585] {strides = array<i32>} : memref<16x17xf32, #tpu.memory_space<vmem>>, vector<16xf32>,
        tpu.vector_store %arg16[%swap3A_584, %swap3A_585], %add3A_582 {strides = array<i32>} : memref<16x17xf32, #tpu.memory_space<vmem>>, vector<16xf32>,
        %add3A_587 = arith.constant 4 : i32
        %add3A_588 = arith.addi %mul3A_398, %add3A_587 : i32
        %get3A_589 = arith.index_cast %add3A_588 : i32 to index
        %get3A_590 = arith.constant 0 : index
        %get3A_591 = tpu.vector_load %arg10[%get3A_589, %get3A_590] {strides = array<i32>} : memref<400x64xi32, #tpu.memory_space<vmem>>, vector<16xi32>,
        %bitcast3A_592 = vector.bitcast %get3A_591 : vector<16xi32> to vector<32xbf16>
        %get3A_593 = arith.index_cast %add3A_588 : i32 to index
        %get3A_594 = arith.constant 0 : index
        %get3A_595 = tpu.vector_load %arg11[%get3A_593, %get3A_594] {strides = array<i32>} : memref<400x64xi32, #tpu.memory_space<vmem>>, vector<16xi32>,
        %bitcast3A_596 = vector.bitcast %get3A_595 : vector<16xi32> to vector<32xbf16>
        %mul3A_597 = arith.mulf %bitcast3A_592, %bitcast3A_596 : vector<32xbf16>
        %get3A_598 = arith.index_cast %add3A_588 : i32 to index
        %get3A_599 = arith.constant 16 : index
        %get3A_600 = tpu.vector_load %arg10[%get3A_598, %get3A_599] {strides = array<i32>} : memref<400x64xi32, #tpu.memory_space<vmem>>, vector<16xi32>,
        %bitcast3A_601 = vector.bitcast %get3A_600 : vector<16xi32> to vector<32xbf16>
        %get3A_602 = arith.index_cast %add3A_588 : i32 to index
        %get3A_603 = arith.constant 16 : index
        %get3A_604 = tpu.vector_load %arg11[%get3A_602, %get3A_603] {strides = array<i32>} : memref<400x64xi32, #tpu.memory_space<vmem>>, vector<16xi32>,
        %bitcast3A_605 = vector.bitcast %get3A_604 : vector<16xi32> to vector<32xbf16>
        %mul3A_606 = arith.mulf %bitcast3A_601, %bitcast3A_605 : vector<32xbf16>
        %get3A_607 = arith.index_cast %add3A_588 : i32 to index
        %get3A_608 = arith.constant 32 : index
        %get3A_609 = tpu.vector_load %arg10[%get3A_607, %get3A_608] {strides = array<i32>} : memref<400x64xi32, #tpu.memory_space<vmem>>, vector<16xi32>,
        %bitcast3A_610 = vector.bitcast %get3A_609 : vector<16xi32> to vector<32xbf16>
        %get3A_611 = arith.index_cast %add3A_588 : i32 to index
        %get3A_612 = arith.constant 32 : index
        %get3A_613 = tpu.vector_load %arg11[%get3A_611, %get3A_612] {strides = array<i32>} : memref<400x64xi32, #tpu.memory_space<vmem>>, vector<16xi32>,
        %bitcast3A_614 = vector.bitcast %get3A_613 : vector<16xi32> to vector<32xbf16>
        %mul3A_615 = arith.mulf %bitcast3A_610, %bitcast3A_614 : vector<32xbf16>
        %get3A_616 = arith.index_cast %add3A_588 : i32 to index
        %get3A_617 = arith.constant 48 : index
        %get3A_618 = tpu.vector_load %arg10[%get3A_616, %get3A_617] {strides = array<i32>} : memref<400x64xi32, #tpu.memory_space<vmem>>, vector<16xi32>,
        %bitcast3A_619 = vector.bitcast %get3A_618 : vector<16xi32> to vector<32xbf16>
        %get3A_620 = arith.index_cast %add3A_588 : i32 to index
        %get3A_621 = arith.constant 48 : index
        %get3A_622 = tpu.vector_load %arg11[%get3A_620, %get3A_621] {strides = array<i32>} : memref<400x64xi32, #tpu.memory_space<vmem>>, vector<16xi32>,
        %bitcast3A_623 = vector.bitcast %get3A_622 : vector<16xi32> to vector<32xbf16>
        %mul3A_624 = arith.mulf %bitcast3A_619, %bitcast3A_623 : vector<32xbf16>
        %add3A_625 = arith.addf %mul3A_597, %mul3A_606 : vector<32xbf16>
        %add3A_626 = arith.addf %mul3A_615, %mul3A_624 : vector<32xbf16>
        %add3A_627 = arith.addf %add3A_625, %add3A_626 : vector<32xbf16>
        %unpack3A_628 = tpu.unpack_subelements %add3A_627, 0 {pack_format = #tpu.pack_format<interleaved>} : vector<32xbf16> -> vector<16xf32>
        %unpack3A_629 = tpu.unpack_subelements %add3A_627, 1 {pack_format = #tpu.pack_format<interleaved>} : vector<32xbf16> -> vector<16xf32>
        %add3A_630 = arith.addf %unpack3A_628, %unpack3A_629 : vector<16xf32>
        %swap3A_631 = arith.constant 4 : i32
        %swap3A_632 = arith.index_cast %swap3A_631 : i32 to index
        %swap3A_633 = arith.constant 0 : index
        %swap3A_634 = tpu.vector_load %arg16[%swap3A_632, %swap3A_633] {strides = array<i32>} : memref<16x17xf32, #tpu.memory_space<vmem>>, vector<16xf32>,
        tpu.vector_store %arg16[%swap3A_632, %swap3A_633], %add3A_630 {strides = array<i32>} : memref<16x17xf32, #tpu.memory_space<vmem>>, vector<16xf32>,
        %add3A_635 = arith.constant 5 : i32
        %add3A_636 = arith.addi %mul3A_398, %add3A_635 : i32
        %get3A_637 = arith.index_cast %add3A_636 : i32 to index
        %get3A_638 = arith.constant 0 : index
        %get3A_639 = tpu.vector_load %arg10[%get3A_637, %get3A_638] {strides = array<i32>} : memref<400x64xi32, #tpu.memory_space<vmem>>, vector<16xi32>,
        %bitcast3A_640 = vector.bitcast %get3A_639 : vector<16xi32> to vector<32xbf16>
        %get3A_641 = arith.index_cast %add3A_636 : i32 to index
        %get3A_642 = arith.constant 0 : index
        %get3A_643 = tpu.vector_load %arg11[%get3A_641, %get3A_642] {strides = array<i32>} : memref<400x64xi32, #tpu.memory_space<vmem>>, vector<16xi32>,
        %bitcast3A_644 = vector.bitcast %get3A_643 : vector<16xi32> to vector<32xbf16>
        %mul3A_645 = arith.mulf %bitcast3A_640, %bitcast3A_644 : vector<32xbf16>
        %get3A_646 = arith.index_cast %add3A_636 : i32 to index
        %get3A_647 = arith.constant 16 : index
        %get3A_648 = tpu.vector_load %arg10[%get3A_646, %get3A_647] {strides = array<i32>} : memref<400x64xi32, #tpu.memory_space<vmem>>, vector<16xi32>,
        %bitcast3A_649 = vector.bitcast %get3A_648 : vector<16xi32> to vector<32xbf16>
        %get3A_650 = arith.index_cast %add3A_636 : i32 to index
        %get3A_651 = arith.constant 16 : index
        %get3A_652 = tpu.vector_load %arg11[%get3A_650, %get3A_651] {strides = array<i32>} : memref<400x64xi32, #tpu.memory_space<vmem>>, vector<16xi32>,
        %bitcast3A_653 = vector.bitcast %get3A_652 : vector<16xi32> to vector<32xbf16>
        %mul3A_654 = arith.mulf %bitcast3A_649, %bitcast3A_653 : vector<32xbf16>
        %get3A_655 = arith.index_cast %add3A_636 : i32 to index
        %get3A_656 = arith.constant 32 : index
        %get3A_657 = tpu.vector_load %arg10[%get3A_655, %get3A_656] {strides = array<i32>} : memref<400x64xi32, #tpu.memory_space<vmem>>, vector<16xi32>,
        %bitcast3A_658 = vector.bitcast %get3A_657 : vector<16xi32> to vector<32xbf16>
        %get3A_659 = arith.index_cast %add3A_636 : i32 to index
        %get3A_660 = arith.constant 32 : index
        %get3A_661 = tpu.vector_load %arg11[%get3A_659, %get3A_660] {strides = array<i32>} : memref<400x64xi32, #tpu.memory_space<vmem>>, vector<16xi32>,
        %bitcast3A_662 = vector.bitcast %get3A_661 : vector<16xi32> to vector<32xbf16>
        %mul3A_663 = arith.mulf %bitcast3A_658, %bitcast3A_662 : vector<32xbf16>
        %get3A_664 = arith.index_cast %add3A_636 : i32 to index
        %get3A_665 = arith.constant 48 : index
        %get3A_666 = tpu.vector_load %arg10[%get3A_664, %get3A_665] {strides = array<i32>} : memref<400x64xi32, #tpu.memory_space<vmem>>, vector<16xi32>,
        %bitcast3A_667 = vector.bitcast %get3A_666 : vector<16xi32> to vector<32xbf16>
        %get3A_668 = arith.index_cast %add3A_636 : i32 to index
        %get3A_669 = arith.constant 48 : index
        %get3A_670 = tpu.vector_load %arg11[%get3A_668, %get3A_669] {strides = array<i32>} : memref<400x64xi32, #tpu.memory_space<vmem>>, vector<16xi32>,
        %bitcast3A_671 = vector.bitcast %get3A_670 : vector<16xi32> to vector<32xbf16>
        %mul3A_672 = arith.mulf %bitcast3A_667, %bitcast3A_671 : vector<32xbf16>
        %add3A_673 = arith.addf %mul3A_645, %mul3A_654 : vector<32xbf16>
        %add3A_674 = arith.addf %mul3A_663, %mul3A_672 : vector<32xbf16>
        %add3A_675 = arith.addf %add3A_673, %add3A_674 : vector<32xbf16>
        %unpack3A_676 = tpu.unpack_subelements %add3A_675, 0 {pack_format = #tpu.pack_format<interleaved>} : vector<32xbf16> -> vector<16xf32>
        %unpack3A_677 = tpu.unpack_subelements %add3A_675, 1 {pack_format = #tpu.pack_format<interleaved>} : vector<32xbf16> -> vector<16xf32>
        %add3A_678 = arith.addf %unpack3A_676, %unpack3A_677 : vector<16xf32>
        %swap3A_679 = arith.constant 5 : i32
        %swap3A_680 = arith.index_cast %swap3A_679 : i32 to index
        %swap3A_681 = arith.constant 0 : index
        %swap3A_682 = tpu.vector_load %arg16[%swap3A_680, %swap3A_681] {strides = array<i32>} : memref<16x17xf32, #tpu.memory_space<vmem>>, vector<16xf32>,
        tpu.vector_store %arg16[%swap3A_680, %swap3A_681], %add3A_678 {strides = array<i32>} : memref<16x17xf32, #tpu.memory_space<vmem>>, vector<16xf32>,
        %add3A_683 = arith.constant 6 : i32
        %add3A_684 = arith.addi %mul3A_398, %add3A_683 : i32
        %get3A_685 = arith.index_cast %add3A_684 : i32 to index
        %get3A_686 = arith.constant 0 : index
        %get3A_687 = tpu.vector_load %arg10[%get3A_685, %get3A_686] {strides = array<i32>} : memref<400x64xi32, #tpu.memory_space<vmem>>, vector<16xi32>,
        %bitcast3A_688 = vector.bitcast %get3A_687 : vector<16xi32> to vector<32xbf16>
        %get3A_689 = arith.index_cast %add3A_684 : i32 to index
        %get3A_690 = arith.constant 0 : index
        %get3A_691 = tpu.vector_load %arg11[%get3A_689, %get3A_690] {strides = array<i32>} : memref<400x64xi32, #tpu.memory_space<vmem>>, vector<16xi32>,
        %bitcast3A_692 = vector.bitcast %get3A_691 : vector<16xi32> to vector<32xbf16>
        %mul3A_693 = arith.mulf %bitcast3A_688, %bitcast3A_692 : vector<32xbf16>
        %get3A_694 = arith.index_cast %add3A_684 : i32 to index
        %get3A_695 = arith.constant 16 : index
        %get3A_696 = tpu.vector_load %arg10[%get3A_694, %get3A_695] {strides = array<i32>} : memref<400x64xi32, #tpu.memory_space<vmem>>, vector<16xi32>,
        %bitcast3A_697 = vector.bitcast %get3A_696 : vector<16xi32> to vector<32xbf16>
        %get3A_698 = arith.index_cast %add3A_684 : i32 to index
        %get3A_699 = arith.constant 16 : index
        %get3A_700 = tpu.vector_load %arg11[%get3A_698, %get3A_699] {strides = array<i32>} : memref<400x64xi32, #tpu.memory_space<vmem>>, vector<16xi32>,
        %bitcast3A_701 = vector.bitcast %get3A_700 : vector<16xi32> to vector<32xbf16>
        %mul3A_702 = arith.mulf %bitcast3A_697, %bitcast3A_701 : vector<32xbf16>
        %get3A_703 = arith.index_cast %add3A_684 : i32 to index
        %get3A_704 = arith.constant 32 : index
        %get3A_705 = tpu.vector_load %arg10[%get3A_703, %get3A_704] {strides = array<i32>} : memref<400x64xi32, #tpu.memory_space<vmem>>, vector<16xi32>,
        %bitcast3A_706 = vector.bitcast %get3A_705 : vector<16xi32> to vector<32xbf16>
        %get3A_707 = arith.index_cast %add3A_684 : i32 to index
        %get3A_708 = arith.constant 32 : index
        %get3A_709 = tpu.vector_load %arg11[%get3A_707, %get3A_708] {strides = array<i32>} : memref<400x64xi32, #tpu.memory_space<vmem>>, vector<16xi32>,
        %bitcast3A_710 = vector.bitcast %get3A_709 : vector<16xi32> to vector<32xbf16>
        %mul3A_711 = arith.mulf %bitcast3A_706, %bitcast3A_710 : vector<32xbf16>
        %get3A_712 = arith.index_cast %add3A_684 : i32 to index
        %get3A_713 = arith.constant 48 : index
        %get3A_714 = tpu.vector_load %arg10[%get3A_712, %get3A_713] {strides = array<i32>} : memref<400x64xi32, #tpu.memory_space<vmem>>, vector<16xi32>,
        %bitcast3A_715 = vector.bitcast %get3A_714 : vector<16xi32> to vector<32xbf16>
        %get3A_716 = arith.index_cast %add3A_684 : i32 to index
        %get3A_717 = arith.constant 48 : index
        %get3A_718 = tpu.vector_load %arg11[%get3A_716, %get3A_717] {strides = array<i32>} : memref<400x64xi32, #tpu.memory_space<vmem>>, vector<16xi32>,
        %bitcast3A_719 = vector.bitcast %get3A_718 : vector<16xi32> to vector<32xbf16>
        %mul3A_720 = arith.mulf %bitcast3A_715, %bitcast3A_719 : vector<32xbf16>
        %add3A_721 = arith.addf %mul3A_693, %mul3A_702 : vector<32xbf16>
        %add3A_722 = arith.addf %mul3A_711, %mul3A_720 : vector<32xbf16>
        %add3A_723 = arith.addf %add3A_721, %add3A_722 : vector<32xbf16>
        %unpack3A_724 = tpu.unpack_subelements %add3A_723, 0 {pack_format = #tpu.pack_format<interleaved>} : vector<32xbf16> -> vector<16xf32>
        %unpack3A_725 = tpu.unpack_subelements %add3A_723, 1 {pack_format = #tpu.pack_format<interleaved>} : vector<32xbf16> -> vector<16xf32>
        %add3A_726 = arith.addf %unpack3A_724, %unpack3A_725 : vector<16xf32>
        %swap3A_727 = arith.constant 6 : i32
        %swap3A_728 = arith.index_cast %swap3A_727 : i32 to index
        %swap3A_729 = arith.constant 0 : index
        %swap3A_730 = tpu.vector_load %arg16[%swap3A_728, %swap3A_729] {strides = array<i32>} : memref<16x17xf32, #tpu.memory_space<vmem>>, vector<16xf32>,
        tpu.vector_store %arg16[%swap3A_728, %swap3A_729], %add3A_726 {strides = array<i32>} : memref<16x17xf32, #tpu.memory_space<vmem>>, vector<16xf32>,
        %add3A_731 = arith.constant 7 : i32
        %add3A_732 = arith.addi %mul3A_398, %add3A_731 : i32
        %get3A_733 = arith.index_cast %add3A_732 : i32 to index
        %get3A_734 = arith.constant 0 : index
        %get3A_735 = tpu.vector_load %arg10[%get3A_733, %get3A_734] {strides = array<i32>} : memref<400x64xi32, #tpu.memory_space<vmem>>, vector<16xi32>,
        %bitcast3A_736 = vector.bitcast %get3A_735 : vector<16xi32> to vector<32xbf16>
        %get3A_737 = arith.index_cast %add3A_732 : i32 to index
        %get3A_738 = arith.constant 0 : index
        %get3A_739 = tpu.vector_load %arg11[%get3A_737, %get3A_738] {strides = array<i32>} : memref<400x64xi32, #tpu.memory_space<vmem>>, vector<16xi32>,
        %bitcast3A_740 = vector.bitcast %get3A_739 : vector<16xi32> to vector<32xbf16>
        %mul3A_741 = arith.mulf %bitcast3A_736, %bitcast3A_740 : vector<32xbf16>
        %get3A_742 = arith.index_cast %add3A_732 : i32 to index
        %get3A_743 = arith.constant 16 : index
        %get3A_744 = tpu.vector_load %arg10[%get3A_742, %get3A_743] {strides = array<i32>} : memref<400x64xi32, #tpu.memory_space<vmem>>, vector<16xi32>,
        %bitcast3A_745 = vector.bitcast %get3A_744 : vector<16xi32> to vector<32xbf16>
        %get3A_746 = arith.index_cast %add3A_732 : i32 to index
        %get3A_747 = arith.constant 16 : index
        %get3A_748 = tpu.vector_load %arg11[%get3A_746, %get3A_747] {strides = array<i32>} : memref<400x64xi32, #tpu.memory_space<vmem>>, vector<16xi32>,
        %bitcast3A_749 = vector.bitcast %get3A_748 : vector<16xi32> to vector<32xbf16>
        %mul3A_750 = arith.mulf %bitcast3A_745, %bitcast3A_749 : vector<32xbf16>
        %get3A_751 = arith.index_cast %add3A_732 : i32 to index
        %get3A_752 = arith.constant 32 : index
        %get3A_753 = tpu.vector_load %arg10[%get3A_751, %get3A_752] {strides = array<i32>} : memref<400x64xi32, #tpu.memory_space<vmem>>, vector<16xi32>,
        %bitcast3A_754 = vector.bitcast %get3A_753 : vector<16xi32> to vector<32xbf16>
        %get3A_755 = arith.index_cast %add3A_732 : i32 to index
        %get3A_756 = arith.constant 32 : index
        %get3A_757 = tpu.vector_load %arg11[%get3A_755, %get3A_756] {strides = array<i32>} : memref<400x64xi32, #tpu.memory_space<vmem>>, vector<16xi32>,
        %bitcast3A_758 = vector.bitcast %get3A_757 : vector<16xi32> to vector<32xbf16>
        %mul3A_759 = arith.mulf %bitcast3A_754, %bitcast3A_758 : vector<32xbf16>
        %get3A_760 = arith.index_cast %add3A_732 : i32 to index
        %get3A_761 = arith.constant 48 : index
        %get3A_762 = tpu.vector_load %arg10[%get3A_760, %get3A_761] {strides = array<i32>} : memref<400x64xi32, #tpu.memory_space<vmem>>, vector<16xi32>,
        %bitcast3A_763 = vector.bitcast %get3A_762 : vector<16xi32> to vector<32xbf16>
        %get3A_764 = arith.index_cast %add3A_732 : i32 to index
        %get3A_765 = arith.constant 48 : index
        %get3A_766 = tpu.vector_load %arg11[%get3A_764, %get3A_765] {strides = array<i32>} : memref<400x64xi32, #tpu.memory_space<vmem>>, vector<16xi32>,
        %bitcast3A_767 = vector.bitcast %get3A_766 : vector<16xi32> to vector<32xbf16>
        %mul3A_768 = arith.mulf %bitcast3A_763, %bitcast3A_767 : vector<32xbf16>
        %add3A_769 = arith.addf %mul3A_741, %mul3A_750 : vector<32xbf16>
        %add3A_770 = arith.addf %mul3A_759, %mul3A_768 : vector<32xbf16>
        %add3A_771 = arith.addf %add3A_769, %add3A_770 : vector<32xbf16>
        %unpack3A_772 = tpu.unpack_subelements %add3A_771, 0 {pack_format = #tpu.pack_format<interleaved>} : vector<32xbf16> -> vector<16xf32>
        %unpack3A_773 = tpu.unpack_subelements %add3A_771, 1 {pack_format = #tpu.pack_format<interleaved>} : vector<32xbf16> -> vector<16xf32>
        %add3A_774 = arith.addf %unpack3A_772, %unpack3A_773 : vector<16xf32>
        %swap3A_775 = arith.constant 7 : i32
        %swap3A_776 = arith.index_cast %swap3A_775 : i32 to index
        %swap3A_777 = arith.constant 0 : index
        %swap3A_778 = tpu.vector_load %arg16[%swap3A_776, %swap3A_777] {strides = array<i32>} : memref<16x17xf32, #tpu.memory_space<vmem>>, vector<16xf32>,
        tpu.vector_store %arg16[%swap3A_776, %swap3A_777], %add3A_774 {strides = array<i32>} : memref<16x17xf32, #tpu.memory_space<vmem>>, vector<16xf32>,
        %add3A_779 = arith.constant 8 : i32
        %add3A_780 = arith.addi %mul3A_398, %add3A_779 : i32
        %get3A_781 = arith.index_cast %add3A_780 : i32 to index
        %get3A_782 = arith.constant 0 : index
        %get3A_783 = tpu.vector_load %arg10[%get3A_781, %get3A_782] {strides = array<i32>} : memref<400x64xi32, #tpu.memory_space<vmem>>, vector<16xi32>,
        %bitcast3A_784 = vector.bitcast %get3A_783 : vector<16xi32> to vector<32xbf16>
        %get3A_785 = arith.index_cast %add3A_780 : i32 to index
        %get3A_786 = arith.constant 0 : index
        %get3A_787 = tpu.vector_load %arg11[%get3A_785, %get3A_786] {strides = array<i32>} : memref<400x64xi32, #tpu.memory_space<vmem>>, vector<16xi32>,
        %bitcast3A_788 = vector.bitcast %get3A_787 : vector<16xi32> to vector<32xbf16>
        %mul3A_789 = arith.mulf %bitcast3A_784, %bitcast3A_788 : vector<32xbf16>
        %get3A_790 = arith.index_cast %add3A_780 : i32 to index
        %get3A_791 = arith.constant 16 : index
        %get3A_792 = tpu.vector_load %arg10[%get3A_790, %get3A_791] {strides = array<i32>} : memref<400x64xi32, #tpu.memory_space<vmem>>, vector<16xi32>,
        %bitcast3A_793 = vector.bitcast %get3A_792 : vector<16xi32> to vector<32xbf16>
        %get3A_794 = arith.index_cast %add3A_780 : i32 to index
        %get3A_795 = arith.constant 16 : index
        %get3A_796 = tpu.vector_load %arg11[%get3A_794, %get3A_795] {strides = array<i32>} : memref<400x64xi32, #tpu.memory_space<vmem>>, vector<16xi32>,
        %bitcast3A_797 = vector.bitcast %get3A_796 : vector<16xi32> to vector<32xbf16>
        %mul3A_798 = arith.mulf %bitcast3A_793, %bitcast3A_797 : vector<32xbf16>
        %get3A_799 = arith.index_cast %add3A_780 : i32 to index
        %get3A_800 = arith.constant 32 : index
        %get3A_801 = tpu.vector_load %arg10[%get3A_799, %get3A_800] {strides = array<i32>} : memref<400x64xi32, #tpu.memory_space<vmem>>, vector<16xi32>,
        %bitcast3A_802 = vector.bitcast %get3A_801 : vector<16xi32> to vector<32xbf16>
        %get3A_803 = arith.index_cast %add3A_780 : i32 to index
        %get3A_804 = arith.constant 32 : index
        %get3A_805 = tpu.vector_load %arg11[%get3A_803, %get3A_804] {strides = array<i32>} : memref<400x64xi32, #tpu.memory_space<vmem>>, vector<16xi32>,
        %bitcast3A_806 = vector.bitcast %get3A_805 : vector<16xi32> to vector<32xbf16>
        %mul3A_807 = arith.mulf %bitcast3A_802, %bitcast3A_806 : vector<32xbf16>
        %get3A_808 = arith.index_cast %add3A_780 : i32 to index
        %get3A_809 = arith.constant 48 : index
        %get3A_810 = tpu.vector_load %arg10[%get3A_808, %get3A_809] {strides = array<i32>} : memref<400x64xi32, #tpu.memory_space<vmem>>, vector<16xi32>,
        %bitcast3A_811 = vector.bitcast %get3A_810 : vector<16xi32> to vector<32xbf16>
        %get3A_812 = arith.index_cast %add3A_780 : i32 to index
        %get3A_813 = arith.constant 48 : index
        %get3A_814 = tpu.vector_load %arg11[%get3A_812, %get3A_813] {strides = array<i32>} : memref<400x64xi32, #tpu.memory_space<vmem>>, vector<16xi32>,
        %bitcast3A_815 = vector.bitcast %get3A_814 : vector<16xi32> to vector<32xbf16>
        %mul3A_816 = arith.mulf %bitcast3A_811, %bitcast3A_815 : vector<32xbf16>
        %add3A_817 = arith.addf %mul3A_789, %mul3A_798 : vector<32xbf16>
        %add3A_818 = arith.addf %mul3A_807, %mul3A_816 : vector<32xbf16>
        %add3A_819 = arith.addf %add3A_817, %add3A_818 : vector<32xbf16>
        %unpack3A_820 = tpu.unpack_subelements %add3A_819, 0 {pack_format = #tpu.pack_format<interleaved>} : vector<32xbf16> -> vector<16xf32>
        %unpack3A_821 = tpu.unpack_subelements %add3A_819, 1 {pack_format = #tpu.pack_format<interleaved>} : vector<32xbf16> -> vector<16xf32>
        %add3A_822 = arith.addf %unpack3A_820, %unpack3A_821 : vector<16xf32>
        %swap3A_823 = arith.constant 8 : i32
        %swap3A_824 = arith.index_cast %swap3A_823 : i32 to index
        %swap3A_825 = arith.constant 0 : index
        %swap3A_826 = tpu.vector_load %arg16[%swap3A_824, %swap3A_825] {strides = array<i32>} : memref<16x17xf32, #tpu.memory_space<vmem>>, vector<16xf32>,
        tpu.vector_store %arg16[%swap3A_824, %swap3A_825], %add3A_822 {strides = array<i32>} : memref<16x17xf32, #tpu.memory_space<vmem>>, vector<16xf32>,
        %add3A_827 = arith.constant 9 : i32
        %add3A_828 = arith.addi %mul3A_398, %add3A_827 : i32
        %get3A_829 = arith.index_cast %add3A_828 : i32 to index
        %get3A_830 = arith.constant 0 : index
        %get3A_831 = tpu.vector_load %arg10[%get3A_829, %get3A_830] {strides = array<i32>} : memref<400x64xi32, #tpu.memory_space<vmem>>, vector<16xi32>,
        %bitcast3A_832 = vector.bitcast %get3A_831 : vector<16xi32> to vector<32xbf16>
        %get3A_833 = arith.index_cast %add3A_828 : i32 to index
        %get3A_834 = arith.constant 0 : index
        %get3A_835 = tpu.vector_load %arg11[%get3A_833, %get3A_834] {strides = array<i32>} : memref<400x64xi32, #tpu.memory_space<vmem>>, vector<16xi32>,
        %bitcast3A_836 = vector.bitcast %get3A_835 : vector<16xi32> to vector<32xbf16>
        %mul3A_837 = arith.mulf %bitcast3A_832, %bitcast3A_836 : vector<32xbf16>
        %get3A_838 = arith.index_cast %add3A_828 : i32 to index
        %get3A_839 = arith.constant 16 : index
        %get3A_840 = tpu.vector_load %arg10[%get3A_838, %get3A_839] {strides = array<i32>} : memref<400x64xi32, #tpu.memory_space<vmem>>, vector<16xi32>,
        %bitcast3A_841 = vector.bitcast %get3A_840 : vector<16xi32> to vector<32xbf16>
        %get3A_842 = arith.index_cast %add3A_828 : i32 to index
        %get3A_843 = arith.constant 16 : index
        %get3A_844 = tpu.vector_load %arg11[%get3A_842, %get3A_843] {strides = array<i32>} : memref<400x64xi32, #tpu.memory_space<vmem>>, vector<16xi32>,
        %bitcast3A_845 = vector.bitcast %get3A_844 : vector<16xi32> to vector<32xbf16>
        %mul3A_846 = arith.mulf %bitcast3A_841, %bitcast3A_845 : vector<32xbf16>
        %get3A_847 = arith.index_cast %add3A_828 : i32 to index
        %get3A_848 = arith.constant 32 : index
        %get3A_849 = tpu.vector_load %arg10[%get3A_847, %get3A_848] {strides = array<i32>} : memref<400x64xi32, #tpu.memory_space<vmem>>, vector<16xi32>,
        %bitcast3A_850 = vector.bitcast %get3A_849 : vector<16xi32> to vector<32xbf16>
        %get3A_851 = arith.index_cast %add3A_828 : i32 to index
        %get3A_852 = arith.constant 32 : index
        %get3A_853 = tpu.vector_load %arg11[%get3A_851, %get3A_852] {strides = array<i32>} : memref<400x64xi32, #tpu.memory_space<vmem>>, vector<16xi32>,
        %bitcast3A_854 = vector.bitcast %get3A_853 : vector<16xi32> to vector<32xbf16>
        %mul3A_855 = arith.mulf %bitcast3A_850, %bitcast3A_854 : vector<32xbf16>
        %get3A_856 = arith.index_cast %add3A_828 : i32 to index
        %get3A_857 = arith.constant 48 : index
        %get3A_858 = tpu.vector_load %arg10[%get3A_856, %get3A_857] {strides = array<i32>} : memref<400x64xi32, #tpu.memory_space<vmem>>, vector<16xi32>,
        %bitcast3A_859 = vector.bitcast %get3A_858 : vector<16xi32> to vector<32xbf16>
        %get3A_860 = arith.index_cast %add3A_828 : i32 to index
        %get3A_861 = arith.constant 48 : index
        %get3A_862 = tpu.vector_load %arg11[%get3A_860, %get3A_861] {strides = array<i32>} : memref<400x64xi32, #tpu.memory_space<vmem>>, vector<16xi32>,
        %bitcast3A_863 = vector.bitcast %get3A_862 : vector<16xi32> to vector<32xbf16>
        %mul3A_864 = arith.mulf %bitcast3A_859, %bitcast3A_863 : vector<32xbf16>
        %add3A_865 = arith.addf %mul3A_837, %mul3A_846 : vector<32xbf16>
        %add3A_866 = arith.addf %mul3A_855, %mul3A_864 : vector<32xbf16>
        %add3A_867 = arith.addf %add3A_865, %add3A_866 : vector<32xbf16>
        %unpack3A_868 = tpu.unpack_subelements %add3A_867, 0 {pack_format = #tpu.pack_format<interleaved>} : vector<32xbf16> -> vector<16xf32>
        %unpack3A_869 = tpu.unpack_subelements %add3A_867, 1 {pack_format = #tpu.pack_format<interleaved>} : vector<32xbf16> -> vector<16xf32>
        %add3A_870 = arith.addf %unpack3A_868, %unpack3A_869 : vector<16xf32>
        %swap3A_871 = arith.constant 9 : i32
        %swap3A_872 = arith.index_cast %swap3A_871 : i32 to index
        %swap3A_873 = arith.constant 0 : index
        %swap3A_874 = tpu.vector_load %arg16[%swap3A_872, %swap3A_873] {strides = array<i32>} : memref<16x17xf32, #tpu.memory_space<vmem>>, vector<16xf32>,
        tpu.vector_store %arg16[%swap3A_872, %swap3A_873], %add3A_870 {strides = array<i32>} : memref<16x17xf32, #tpu.memory_space<vmem>>, vector<16xf32>,
        %add3A_875 = arith.constant 10 : i32
        %add3A_876 = arith.addi %mul3A_398, %add3A_875 : i32
        %get3A_877 = arith.index_cast %add3A_876 : i32 to index
        %get3A_878 = arith.constant 0 : index
        %get3A_879 = tpu.vector_load %arg10[%get3A_877, %get3A_878] {strides = array<i32>} : memref<400x64xi32, #tpu.memory_space<vmem>>, vector<16xi32>,
        %bitcast3A_880 = vector.bitcast %get3A_879 : vector<16xi32> to vector<32xbf16>
        %get3A_881 = arith.index_cast %add3A_876 : i32 to index
        %get3A_882 = arith.constant 0 : index
        %get3A_883 = tpu.vector_load %arg11[%get3A_881, %get3A_882] {strides = array<i32>} : memref<400x64xi32, #tpu.memory_space<vmem>>, vector<16xi32>,
        %bitcast3A_884 = vector.bitcast %get3A_883 : vector<16xi32> to vector<32xbf16>
        %mul3A_885 = arith.mulf %bitcast3A_880, %bitcast3A_884 : vector<32xbf16>
        %get3A_886 = arith.index_cast %add3A_876 : i32 to index
        %get3A_887 = arith.constant 16 : index
        %get3A_888 = tpu.vector_load %arg10[%get3A_886, %get3A_887] {strides = array<i32>} : memref<400x64xi32, #tpu.memory_space<vmem>>, vector<16xi32>,
        %bitcast3A_889 = vector.bitcast %get3A_888 : vector<16xi32> to vector<32xbf16>
        %get3A_890 = arith.index_cast %add3A_876 : i32 to index
        %get3A_891 = arith.constant 16 : index
        %get3A_892 = tpu.vector_load %arg11[%get3A_890, %get3A_891] {strides = array<i32>} : memref<400x64xi32, #tpu.memory_space<vmem>>, vector<16xi32>,
        %bitcast3A_893 = vector.bitcast %get3A_892 : vector<16xi32> to vector<32xbf16>
        %mul3A_894 = arith.mulf %bitcast3A_889, %bitcast3A_893 : vector<32xbf16>
        %get3A_895 = arith.index_cast %add3A_876 : i32 to index
        %get3A_896 = arith.constant 32 : index
        %get3A_897 = tpu.vector_load %arg10[%get3A_895, %get3A_896] {strides = array<i32>} : memref<400x64xi32, #tpu.memory_space<vmem>>, vector<16xi32>,
        %bitcast3A_898 = vector.bitcast %get3A_897 : vector<16xi32> to vector<32xbf16>
        %get3A_899 = arith.index_cast %add3A_876 : i32 to index
        %get3A_900 = arith.constant 32 : index
        %get3A_901 = tpu.vector_load %arg11[%get3A_899, %get3A_900] {strides = array<i32>} : memref<400x64xi32, #tpu.memory_space<vmem>>, vector<16xi32>,
        %bitcast3A_902 = vector.bitcast %get3A_901 : vector<16xi32> to vector<32xbf16>
        %mul3A_903 = arith.mulf %bitcast3A_898, %bitcast3A_902 : vector<32xbf16>
        %get3A_904 = arith.index_cast %add3A_876 : i32 to index
        %get3A_905 = arith.constant 48 : index
        %get3A_906 = tpu.vector_load %arg10[%get3A_904, %get3A_905] {strides = array<i32>} : memref<400x64xi32, #tpu.memory_space<vmem>>, vector<16xi32>,
        %bitcast3A_907 = vector.bitcast %get3A_906 : vector<16xi32> to vector<32xbf16>
        %get3A_908 = arith.index_cast %add3A_876 : i32 to index
        %get3A_909 = arith.constant 48 : index
        %get3A_910 = tpu.vector_load %arg11[%get3A_908, %get3A_909] {strides = array<i32>} : memref<400x64xi32, #tpu.memory_space<vmem>>, vector<16xi32>,
        %bitcast3A_911 = vector.bitcast %get3A_910 : vector<16xi32> to vector<32xbf16>
        %mul3A_912 = arith.mulf %bitcast3A_907, %bitcast3A_911 : vector<32xbf16>
        %add3A_913 = arith.addf %mul3A_885, %mul3A_894 : vector<32xbf16>
        %add3A_914 = arith.addf %mul3A_903, %mul3A_912 : vector<32xbf16>
        %add3A_915 = arith.addf %add3A_913, %add3A_914 : vector<32xbf16>
        %unpack3A_916 = tpu.unpack_subelements %add3A_915, 0 {pack_format = #tpu.pack_format<interleaved>} : vector<32xbf16> -> vector<16xf32>
        %unpack3A_917 = tpu.unpack_subelements %add3A_915, 1 {pack_format = #tpu.pack_format<interleaved>} : vector<32xbf16> -> vector<16xf32>
        %add3A_918 = arith.addf %unpack3A_916, %unpack3A_917 : vector<16xf32>
        %swap3A_919 = arith.constant 10 : i32
        %swap3A_920 = arith.index_cast %swap3A_919 : i32 to index
        %swap3A_921 = arith.constant 0 : index
        %swap3A_922 = tpu.vector_load %arg16[%swap3A_920, %swap3A_921] {strides = array<i32>} : memref<16x17xf32, #tpu.memory_space<vmem>>, vector<16xf32>,
        tpu.vector_store %arg16[%swap3A_920, %swap3A_921], %add3A_918 {strides = array<i32>} : memref<16x17xf32, #tpu.memory_space<vmem>>, vector<16xf32>,
        %add3A_923 = arith.constant 11 : i32
        %add3A_924 = arith.addi %mul3A_398, %add3A_923 : i32
        %get3A_925 = arith.index_cast %add3A_924 : i32 to index
        %get3A_926 = arith.constant 0 : index
        %get3A_927 = tpu.vector_load %arg10[%get3A_925, %get3A_926] {strides = array<i32>} : memref<400x64xi32, #tpu.memory_space<vmem>>, vector<16xi32>,
        %bitcast3A_928 = vector.bitcast %get3A_927 : vector<16xi32> to vector<32xbf16>
        %get3A_929 = arith.index_cast %add3A_924 : i32 to index
        %get3A_930 = arith.constant 0 : index
        %get3A_931 = tpu.vector_load %arg11[%get3A_929, %get3A_930] {strides = array<i32>} : memref<400x64xi32, #tpu.memory_space<vmem>>, vector<16xi32>,
        %bitcast3A_932 = vector.bitcast %get3A_931 : vector<16xi32> to vector<32xbf16>
        %mul3A_933 = arith.mulf %bitcast3A_928, %bitcast3A_932 : vector<32xbf16>
        %get3A_934 = arith.index_cast %add3A_924 : i32 to index
        %get3A_935 = arith.constant 16 : index
        %get3A_936 = tpu.vector_load %arg10[%get3A_934, %get3A_935] {strides = array<i32>} : memref<400x64xi32, #tpu.memory_space<vmem>>, vector<16xi32>,
        %bitcast3A_937 = vector.bitcast %get3A_936 : vector<16xi32> to vector<32xbf16>
        %get3A_938 = arith.index_cast %add3A_924 : i32 to index
        %get3A_939 = arith.constant 16 : index
        %get3A_940 = tpu.vector_load %arg11[%get3A_938, %get3A_939] {strides = array<i32>} : memref<400x64xi32, #tpu.memory_space<vmem>>, vector<16xi32>,
        %bitcast3A_941 = vector.bitcast %get3A_940 : vector<16xi32> to vector<32xbf16>
        %mul3A_942 = arith.mulf %bitcast3A_937, %bitcast3A_941 : vector<32xbf16>
        %get3A_943 = arith.index_cast %add3A_924 : i32 to index
        %get3A_944 = arith.constant 32 : index
        %get3A_945 = tpu.vector_load %arg10[%get3A_943, %get3A_944] {strides = array<i32>} : memref<400x64xi32, #tpu.memory_space<vmem>>, vector<16xi32>,
        %bitcast3A_946 = vector.bitcast %get3A_945 : vector<16xi32> to vector<32xbf16>
        %get3A_947 = arith.index_cast %add3A_924 : i32 to index
        %get3A_948 = arith.constant 32 : index
        %get3A_949 = tpu.vector_load %arg11[%get3A_947, %get3A_948] {strides = array<i32>} : memref<400x64xi32, #tpu.memory_space<vmem>>, vector<16xi32>,
        %bitcast3A_950 = vector.bitcast %get3A_949 : vector<16xi32> to vector<32xbf16>
        %mul3A_951 = arith.mulf %bitcast3A_946, %bitcast3A_950 : vector<32xbf16>
        %get3A_952 = arith.index_cast %add3A_924 : i32 to index
        %get3A_953 = arith.constant 48 : index
        %get3A_954 = tpu.vector_load %arg10[%get3A_952, %get3A_953] {strides = array<i32>} : memref<400x64xi32, #tpu.memory_space<vmem>>, vector<16xi32>,
        %bitcast3A_955 = vector.bitcast %get3A_954 : vector<16xi32> to vector<32xbf16>
        %get3A_956 = arith.index_cast %add3A_924 : i32 to index
        %get3A_957 = arith.constant 48 : index
        %get3A_958 = tpu.vector_load %arg11[%get3A_956, %get3A_957] {strides = array<i32>} : memref<400x64xi32, #tpu.memory_space<vmem>>, vector<16xi32>,
        %bitcast3A_959 = vector.bitcast %get3A_958 : vector<16xi32> to vector<32xbf16>
        %mul3A_960 = arith.mulf %bitcast3A_955, %bitcast3A_959 : vector<32xbf16>
        %add3A_961 = arith.addf %mul3A_933, %mul3A_942 : vector<32xbf16>
        %add3A_962 = arith.addf %mul3A_951, %mul3A_960 : vector<32xbf16>
        %add3A_963 = arith.addf %add3A_961, %add3A_962 : vector<32xbf16>
        %unpack3A_964 = tpu.unpack_subelements %add3A_963, 0 {pack_format = #tpu.pack_format<interleaved>} : vector<32xbf16> -> vector<16xf32>
        %unpack3A_965 = tpu.unpack_subelements %add3A_963, 1 {pack_format = #tpu.pack_format<interleaved>} : vector<32xbf16> -> vector<16xf32>
        %add3A_966 = arith.addf %unpack3A_964, %unpack3A_965 : vector<16xf32>
        %swap3A_967 = arith.constant 11 : i32
        %swap3A_968 = arith.index_cast %swap3A_967 : i32 to index
        %swap3A_969 = arith.constant 0 : index
        %swap3A_970 = tpu.vector_load %arg16[%swap3A_968, %swap3A_969] {strides = array<i32>} : memref<16x17xf32, #tpu.memory_space<vmem>>, vector<16xf32>,
        tpu.vector_store %arg16[%swap3A_968, %swap3A_969], %add3A_966 {strides = array<i32>} : memref<16x17xf32, #tpu.memory_space<vmem>>, vector<16xf32>,
        %add3A_971 = arith.constant 12 : i32
        %add3A_972 = arith.addi %mul3A_398, %add3A_971 : i32
        %get3A_973 = arith.index_cast %add3A_972 : i32 to index
        %get3A_974 = arith.constant 0 : index
        %get3A_975 = tpu.vector_load %arg10[%get3A_973, %get3A_974] {strides = array<i32>} : memref<400x64xi32, #tpu.memory_space<vmem>>, vector<16xi32>,
        %bitcast3A_976 = vector.bitcast %get3A_975 : vector<16xi32> to vector<32xbf16>
        %get3A_977 = arith.index_cast %add3A_972 : i32 to index
        %get3A_978 = arith.constant 0 : index
        %get3A_979 = tpu.vector_load %arg11[%get3A_977, %get3A_978] {strides = array<i32>} : memref<400x64xi32, #tpu.memory_space<vmem>>, vector<16xi32>,
        %bitcast3A_980 = vector.bitcast %get3A_979 : vector<16xi32> to vector<32xbf16>
        %mul3A_981 = arith.mulf %bitcast3A_976, %bitcast3A_980 : vector<32xbf16>
        %get3A_982 = arith.index_cast %add3A_972 : i32 to index
        %get3A_983 = arith.constant 16 : index
        %get3A_984 = tpu.vector_load %arg10[%get3A_982, %get3A_983] {strides = array<i32>} : memref<400x64xi32, #tpu.memory_space<vmem>>, vector<16xi32>,
        %bitcast3A_985 = vector.bitcast %get3A_984 : vector<16xi32> to vector<32xbf16>
        %get3A_986 = arith.index_cast %add3A_972 : i32 to index
        %get3A_987 = arith.constant 16 : index
        %get3A_988 = tpu.vector_load %arg11[%get3A_986, %get3A_987] {strides = array<i32>} : memref<400x64xi32, #tpu.memory_space<vmem>>, vector<16xi32>,
        %bitcast3A_989 = vector.bitcast %get3A_988 : vector<16xi32> to vector<32xbf16>
        %mul3A_990 = arith.mulf %bitcast3A_985, %bitcast3A_989 : vector<32xbf16>
        %get3A_991 = arith.index_cast %add3A_972 : i32 to index
        %get3A_992 = arith.constant 32 : index
        %get3A_993 = tpu.vector_load %arg10[%get3A_991, %get3A_992] {strides = array<i32>} : memref<400x64xi32, #tpu.memory_space<vmem>>, vector<16xi32>,
        %bitcast3A_994 = vector.bitcast %get3A_993 : vector<16xi32> to vector<32xbf16>
        %get3A_995 = arith.index_cast %add3A_972 : i32 to index
        %get3A_996 = arith.constant 32 : index
        %get3A_997 = tpu.vector_load %arg11[%get3A_995, %get3A_996] {strides = array<i32>} : memref<400x64xi32, #tpu.memory_space<vmem>>, vector<16xi32>,
        %bitcast3A_998 = vector.bitcast %get3A_997 : vector<16xi32> to vector<32xbf16>
        %mul3A_999 = arith.mulf %bitcast3A_994, %bitcast3A_998 : vector<32xbf16>
        %get3A_1000 = arith.index_cast %add3A_972 : i32 to index
        %get3A_1001 = arith.constant 48 : index
        %get3A_1002 = tpu.vector_load %arg10[%get3A_1000, %get3A_1001] {strides = array<i32>} : memref<400x64xi32, #tpu.memory_space<vmem>>, vector<16xi32>,
        %bitcast3A_1003 = vector.bitcast %get3A_1002 : vector<16xi32> to vector<32xbf16>
        %get3A_1004 = arith.index_cast %add3A_972 : i32 to index
        %get3A_1005 = arith.constant 48 : index
        %get3A_1006 = tpu.vector_load %arg11[%get3A_1004, %get3A_1005] {strides = array<i32>} : memref<400x64xi32, #tpu.memory_space<vmem>>, vector<16xi32>,
        %bitcast3A_1007 = vector.bitcast %get3A_1006 : vector<16xi32> to vector<32xbf16>
        %mul3A_1008 = arith.mulf %bitcast3A_1003, %bitcast3A_1007 : vector<32xbf16>
        %add3A_1009 = arith.addf %mul3A_981, %mul3A_990 : vector<32xbf16>
        %add3A_1010 = arith.addf %mul3A_999, %mul3A_1008 : vector<32xbf16>
        %add3A_1011 = arith.addf %add3A_1009, %add3A_1010 : vector<32xbf16>
        %unpack3A_1012 = tpu.unpack_subelements %add3A_1011, 0 {pack_format = #tpu.pack_format<interleaved>} : vector<32xbf16> -> vector<16xf32>
        %unpack3A_1013 = tpu.unpack_subelements %add3A_1011, 1 {pack_format = #tpu.pack_format<interleaved>} : vector<32xbf16> -> vector<16xf32>
        %add3A_1014 = arith.addf %unpack3A_1012, %unpack3A_1013 : vector<16xf32>
        %swap3A_1015 = arith.constant 12 : i32
        %swap3A_1016 = arith.index_cast %swap3A_1015 : i32 to index
        %swap3A_1017 = arith.constant 0 : index
        %swap3A_1018 = tpu.vector_load %arg16[%swap3A_1016, %swap3A_1017] {strides = array<i32>} : memref<16x17xf32, #tpu.memory_space<vmem>>, vector<16xf32>,
        tpu.vector_store %arg16[%swap3A_1016, %swap3A_1017], %add3A_1014 {strides = array<i32>} : memref<16x17xf32, #tpu.memory_space<vmem>>, vector<16xf32>,
        %add3A_1019 = arith.constant 13 : i32
        %add3A_1020 = arith.addi %mul3A_398, %add3A_1019 : i32
        %get3A_1021 = arith.index_cast %add3A_1020 : i32 to index
        %get3A_1022 = arith.constant 0 : index
        %get3A_1023 = tpu.vector_load %arg10[%get3A_1021, %get3A_1022] {strides = array<i32>} : memref<400x64xi32, #tpu.memory_space<vmem>>, vector<16xi32>,
        %bitcast3A_1024 = vector.bitcast %get3A_1023 : vector<16xi32> to vector<32xbf16>
        %get3A_1025 = arith.index_cast %add3A_1020 : i32 to index
        %get3A_1026 = arith.constant 0 : index
        %get3A_1027 = tpu.vector_load %arg11[%get3A_1025, %get3A_1026] {strides = array<i32>} : memref<400x64xi32, #tpu.memory_space<vmem>>, vector<16xi32>,
        %bitcast3A_1028 = vector.bitcast %get3A_1027 : vector<16xi32> to vector<32xbf16>
        %mul3A_1029 = arith.mulf %bitcast3A_1024, %bitcast3A_1028 : vector<32xbf16>
        %get3A_1030 = arith.index_cast %add3A_1020 : i32 to index
        %get3A_1031 = arith.constant 16 : index
        %get3A_1032 = tpu.vector_load %arg10[%get3A_1030, %get3A_1031] {strides = array<i32>} : memref<400x64xi32, #tpu.memory_space<vmem>>, vector<16xi32>,
        %bitcast3A_1033 = vector.bitcast %get3A_1032 : vector<16xi32> to vector<32xbf16>
        %get3A_1034 = arith.index_cast %add3A_1020 : i32 to index
        %get3A_1035 = arith.constant 16 : index
        %get3A_1036 = tpu.vector_load %arg11[%get3A_1034, %get3A_1035] {strides = array<i32>} : memref<400x64xi32, #tpu.memory_space<vmem>>, vector<16xi32>,
        %bitcast3A_1037 = vector.bitcast %get3A_1036 : vector<16xi32> to vector<32xbf16>
        %mul3A_1038 = arith.mulf %bitcast3A_1033, %bitcast3A_1037 : vector<32xbf16>
        %get3A_1039 = arith.index_cast %add3A_1020 : i32 to index
        %get3A_1040 = arith.constant 32 : index
        %get3A_1041 = tpu.vector_load %arg10[%get3A_1039, %get3A_1040] {strides = array<i32>} : memref<400x64xi32, #tpu.memory_space<vmem>>, vector<16xi32>,
        %bitcast3A_1042 = vector.bitcast %get3A_1041 : vector<16xi32> to vector<32xbf16>
        %get3A_1043 = arith.index_cast %add3A_1020 : i32 to index
        %get3A_1044 = arith.constant 32 : index
        %get3A_1045 = tpu.vector_load %arg11[%get3A_1043, %get3A_1044] {strides = array<i32>} : memref<400x64xi32, #tpu.memory_space<vmem>>, vector<16xi32>,
        %bitcast3A_1046 = vector.bitcast %get3A_1045 : vector<16xi32> to vector<32xbf16>
        %mul3A_1047 = arith.mulf %bitcast3A_1042, %bitcast3A_1046 : vector<32xbf16>
        %get3A_1048 = arith.index_cast %add3A_1020 : i32 to index
        %get3A_1049 = arith.constant 48 : index
        %get3A_1050 = tpu.vector_load %arg10[%get3A_1048, %get3A_1049] {strides = array<i32>} : memref<400x64xi32, #tpu.memory_space<vmem>>, vector<16xi32>,
        %bitcast3A_1051 = vector.bitcast %get3A_1050 : vector<16xi32> to vector<32xbf16>
        %get3A_1052 = arith.index_cast %add3A_1020 : i32 to index
        %get3A_1053 = arith.constant 48 : index
        %get3A_1054 = tpu.vector_load %arg11[%get3A_1052, %get3A_1053] {strides = array<i32>} : memref<400x64xi32, #tpu.memory_space<vmem>>, vector<16xi32>,
        %bitcast3A_1055 = vector.bitcast %get3A_1054 : vector<16xi32> to vector<32xbf16>
        %mul3A_1056 = arith.mulf %bitcast3A_1051, %bitcast3A_1055 : vector<32xbf16>
        %add3A_1057 = arith.addf %mul3A_1029, %mul3A_1038 : vector<32xbf16>
        %add3A_1058 = arith.addf %mul3A_1047, %mul3A_1056 : vector<32xbf16>
        %add3A_1059 = arith.addf %add3A_1057, %add3A_1058 : vector<32xbf16>
        %unpack3A_1060 = tpu.unpack_subelements %add3A_1059, 0 {pack_format = #tpu.pack_format<interleaved>} : vector<32xbf16> -> vector<16xf32>
        %unpack3A_1061 = tpu.unpack_subelements %add3A_1059, 1 {pack_format = #tpu.pack_format<interleaved>} : vector<32xbf16> -> vector<16xf32>
        %add3A_1062 = arith.addf %unpack3A_1060, %unpack3A_1061 : vector<16xf32>
        %swap3A_1063 = arith.constant 13 : i32
        %swap3A_1064 = arith.index_cast %swap3A_1063 : i32 to index
        %swap3A_1065 = arith.constant 0 : index
        %swap3A_1066 = tpu.vector_load %arg16[%swap3A_1064, %swap3A_1065] {strides = array<i32>} : memref<16x17xf32, #tpu.memory_space<vmem>>, vector<16xf32>,
        tpu.vector_store %arg16[%swap3A_1064, %swap3A_1065], %add3A_1062 {strides = array<i32>} : memref<16x17xf32, #tpu.memory_space<vmem>>, vector<16xf32>,
        %add3A_1067 = arith.constant 14 : i32
        %add3A_1068 = arith.addi %mul3A_398, %add3A_1067 : i32
        %get3A_1069 = arith.index_cast %add3A_1068 : i32 to index
        %get3A_1070 = arith.constant 0 : index
        %get3A_1071 = tpu.vector_load %arg10[%get3A_1069, %get3A_1070] {strides = array<i32>} : memref<400x64xi32, #tpu.memory_space<vmem>>, vector<16xi32>,
        %bitcast3A_1072 = vector.bitcast %get3A_1071 : vector<16xi32> to vector<32xbf16>
        %get3A_1073 = arith.index_cast %add3A_1068 : i32 to index
        %get3A_1074 = arith.constant 0 : index
        %get3A_1075 = tpu.vector_load %arg11[%get3A_1073, %get3A_1074] {strides = array<i32>} : memref<400x64xi32, #tpu.memory_space<vmem>>, vector<16xi32>,
        %bitcast3A_1076 = vector.bitcast %get3A_1075 : vector<16xi32> to vector<32xbf16>
        %mul3A_1077 = arith.mulf %bitcast3A_1072, %bitcast3A_1076 : vector<32xbf16>
        %get3A_1078 = arith.index_cast %add3A_1068 : i32 to index
        %get3A_1079 = arith.constant 16 : index
        %get3A_1080 = tpu.vector_load %arg10[%get3A_1078, %get3A_1079] {strides = array<i32>} : memref<400x64xi32, #tpu.memory_space<vmem>>, vector<16xi32>,
        %bitcast3A_1081 = vector.bitcast %get3A_1080 : vector<16xi32> to vector<32xbf16>
        %get3A_1082 = arith.index_cast %add3A_1068 : i32 to index
        %get3A_1083 = arith.constant 16 : index
        %get3A_1084 = tpu.vector_load %arg11[%get3A_1082, %get3A_1083] {strides = array<i32>} : memref<400x64xi32, #tpu.memory_space<vmem>>, vector<16xi32>,
        %bitcast3A_1085 = vector.bitcast %get3A_1084 : vector<16xi32> to vector<32xbf16>
        %mul3A_1086 = arith.mulf %bitcast3A_1081, %bitcast3A_1085 : vector<32xbf16>
        %get3A_1087 = arith.index_cast %add3A_1068 : i32 to index
        %get3A_1088 = arith.constant 32 : index
        %get3A_1089 = tpu.vector_load %arg10[%get3A_1087, %get3A_1088] {strides = array<i32>} : memref<400x64xi32, #tpu.memory_space<vmem>>, vector<16xi32>,
        %bitcast3A_1090 = vector.bitcast %get3A_1089 : vector<16xi32> to vector<32xbf16>
        %get3A_1091 = arith.index_cast %add3A_1068 : i32 to index
        %get3A_1092 = arith.constant 32 : index
        %get3A_1093 = tpu.vector_load %arg11[%get3A_1091, %get3A_1092] {strides = array<i32>} : memref<400x64xi32, #tpu.memory_space<vmem>>, vector<16xi32>,
        %bitcast3A_1094 = vector.bitcast %get3A_1093 : vector<16xi32> to vector<32xbf16>
        %mul3A_1095 = arith.mulf %bitcast3A_1090, %bitcast3A_1094 : vector<32xbf16>
        %get3A_1096 = arith.index_cast %add3A_1068 : i32 to index
        %get3A_1097 = arith.constant 48 : index
        %get3A_1098 = tpu.vector_load %arg10[%get3A_1096, %get3A_1097] {strides = array<i32>} : memref<400x64xi32, #tpu.memory_space<vmem>>, vector<16xi32>,
        %bitcast3A_1099 = vector.bitcast %get3A_1098 : vector<16xi32> to vector<32xbf16>
        %get3A_1100 = arith.index_cast %add3A_1068 : i32 to index
        %get3A_1101 = arith.constant 48 : index
        %get3A_1102 = tpu.vector_load %arg11[%get3A_1100, %get3A_1101] {strides = array<i32>} : memref<400x64xi32, #tpu.memory_space<vmem>>, vector<16xi32>,
        %bitcast3A_1103 = vector.bitcast %get3A_1102 : vector<16xi32> to vector<32xbf16>
        %mul3A_1104 = arith.mulf %bitcast3A_1099, %bitcast3A_1103 : vector<32xbf16>
        %add3A_1105 = arith.addf %mul3A_1077, %mul3A_1086 : vector<32xbf16>
        %add3A_1106 = arith.addf %mul3A_1095, %mul3A_1104 : vector<32xbf16>
        %add3A_1107 = arith.addf %add3A_1105, %add3A_1106 : vector<32xbf16>
        %unpack3A_1108 = tpu.unpack_subelements %add3A_1107, 0 {pack_format = #tpu.pack_format<interleaved>} : vector<32xbf16> -> vector<16xf32>
        %unpack3A_1109 = tpu.unpack_subelements %add3A_1107, 1 {pack_format = #tpu.pack_format<interleaved>} : vector<32xbf16> -> vector<16xf32>
        %add3A_1110 = arith.addf %unpack3A_1108, %unpack3A_1109 : vector<16xf32>
        %swap3A_1111 = arith.constant 14 : i32
        %swap3A_1112 = arith.index_cast %swap3A_1111 : i32 to index
        %swap3A_1113 = arith.constant 0 : index
        %swap3A_1114 = tpu.vector_load %arg16[%swap3A_1112, %swap3A_1113] {strides = array<i32>} : memref<16x17xf32, #tpu.memory_space<vmem>>, vector<16xf32>,
        tpu.vector_store %arg16[%swap3A_1112, %swap3A_1113], %add3A_1110 {strides = array<i32>} : memref<16x17xf32, #tpu.memory_space<vmem>>, vector<16xf32>,
        %add3A_1115 = arith.constant 15 : i32
        %add3A_1116 = arith.addi %mul3A_398, %add3A_1115 : i32
        %get3A_1117 = arith.index_cast %add3A_1116 : i32 to index
        %get3A_1118 = arith.constant 0 : index
        %get3A_1119 = tpu.vector_load %arg10[%get3A_1117, %get3A_1118] {strides = array<i32>} : memref<400x64xi32, #tpu.memory_space<vmem>>, vector<16xi32>,
        %bitcast3A_1120 = vector.bitcast %get3A_1119 : vector<16xi32> to vector<32xbf16>
        %get3A_1121 = arith.index_cast %add3A_1116 : i32 to index
        %get3A_1122 = arith.constant 0 : index
        %get3A_1123 = tpu.vector_load %arg11[%get3A_1121, %get3A_1122] {strides = array<i32>} : memref<400x64xi32, #tpu.memory_space<vmem>>, vector<16xi32>,
        %bitcast3A_1124 = vector.bitcast %get3A_1123 : vector<16xi32> to vector<32xbf16>
        %mul3A_1125 = arith.mulf %bitcast3A_1120, %bitcast3A_1124 : vector<32xbf16>
        %get3A_1126 = arith.index_cast %add3A_1116 : i32 to index
        %get3A_1127 = arith.constant 16 : index
        %get3A_1128 = tpu.vector_load %arg10[%get3A_1126, %get3A_1127] {strides = array<i32>} : memref<400x64xi32, #tpu.memory_space<vmem>>, vector<16xi32>,
        %bitcast3A_1129 = vector.bitcast %get3A_1128 : vector<16xi32> to vector<32xbf16>
        %get3A_1130 = arith.index_cast %add3A_1116 : i32 to index
        %get3A_1131 = arith.constant 16 : index
        %get3A_1132 = tpu.vector_load %arg11[%get3A_1130, %get3A_1131] {strides = array<i32>} : memref<400x64xi32, #tpu.memory_space<vmem>>, vector<16xi32>,
        %bitcast3A_1133 = vector.bitcast %get3A_1132 : vector<16xi32> to vector<32xbf16>
        %mul3A_1134 = arith.mulf %bitcast3A_1129, %bitcast3A_1133 : vector<32xbf16>
        %get3A_1135 = arith.index_cast %add3A_1116 : i32 to index
        %get3A_1136 = arith.constant 32 : index
        %get3A_1137 = tpu.vector_load %arg10[%get3A_1135, %get3A_1136] {strides = array<i32>} : memref<400x64xi32, #tpu.memory_space<vmem>>, vector<16xi32>,
        %bitcast3A_1138 = vector.bitcast %get3A_1137 : vector<16xi32> to vector<32xbf16>
        %get3A_1139 = arith.index_cast %add3A_1116 : i32 to index
        %get3A_1140 = arith.constant 32 : index
        %get3A_1141 = tpu.vector_load %arg11[%get3A_1139, %get3A_1140] {strides = array<i32>} : memref<400x64xi32, #tpu.memory_space<vmem>>, vector<16xi32>,
        %bitcast3A_1142 = vector.bitcast %get3A_1141 : vector<16xi32> to vector<32xbf16>
        %mul3A_1143 = arith.mulf %bitcast3A_1138, %bitcast3A_1142 : vector<32xbf16>
        %get3A_1144 = arith.index_cast %add3A_1116 : i32 to index
        %get3A_1145 = arith.constant 48 : index
        %get3A_1146 = tpu.vector_load %arg10[%get3A_1144, %get3A_1145] {strides = array<i32>} : memref<400x64xi32, #tpu.memory_space<vmem>>, vector<16xi32>,
        %bitcast3A_1147 = vector.bitcast %get3A_1146 : vector<16xi32> to vector<32xbf16>
        %get3A_1148 = arith.index_cast %add3A_1116 : i32 to index
        %get3A_1149 = arith.constant 48 : index
        %get3A_1150 = tpu.vector_load %arg11[%get3A_1148, %get3A_1149] {strides = array<i32>} : memref<400x64xi32, #tpu.memory_space<vmem>>, vector<16xi32>,
        %bitcast3A_1151 = vector.bitcast %get3A_1150 : vector<16xi32> to vector<32xbf16>
        %mul3A_1152 = arith.mulf %bitcast3A_1147, %bitcast3A_1151 : vector<32xbf16>
        %add3A_1153 = arith.addf %mul3A_1125, %mul3A_1134 : vector<32xbf16>
        %add3A_1154 = arith.addf %mul3A_1143, %mul3A_1152 : vector<32xbf16>
        %add3A_1155 = arith.addf %add3A_1153, %add3A_1154 : vector<32xbf16>
        %unpack3A_1156 = tpu.unpack_subelements %add3A_1155, 0 {pack_format = #tpu.pack_format<interleaved>} : vector<32xbf16> -> vector<16xf32>
        %unpack3A_1157 = tpu.unpack_subelements %add3A_1155, 1 {pack_format = #tpu.pack_format<interleaved>} : vector<32xbf16> -> vector<16xf32>
        %add3A_1158 = arith.addf %unpack3A_1156, %unpack3A_1157 : vector<16xf32>
        %swap3A_1159 = arith.constant 15 : i32
        %swap3A_1160 = arith.index_cast %swap3A_1159 : i32 to index
        %swap3A_1161 = arith.constant 0 : index
        %swap3A_1162 = tpu.vector_load %arg16[%swap3A_1160, %swap3A_1161] {strides = array<i32>} : memref<16x17xf32, #tpu.memory_space<vmem>>, vector<16xf32>,
        tpu.vector_store %arg16[%swap3A_1160, %swap3A_1161], %add3A_1158 {strides = array<i32>} : memref<16x17xf32, #tpu.memory_space<vmem>>, vector<16xf32>,
        %broadcast_in_dim3A = arith.constant 0 : i32
        %broadcast_in_dim3A_1163 = vector.broadcast %broadcast_in_dim3A : i32 to vector<16xi32>
        %gather3A = tpu.vector_load_idx %arg16[%iota3A, %broadcast_in_dim3A_1163] : memref<16x17xf32, #tpu.memory_space<vmem>>[vector<16xi32>, vector<16xi32>], vector<16xf32>,
        %broadcast_in_dim3A_1164 = arith.constant 1 : i32
        %broadcast_in_dim3A_1165 = vector.broadcast %broadcast_in_dim3A_1164 : i32 to vector<16xi32>
        %gather3A_1166 = tpu.vector_load_idx %arg16[%iota3A, %broadcast_in_dim3A_1165] : memref<16x17xf32, #tpu.memory_space<vmem>>[vector<16xi32>, vector<16xi32>], vector<16xf32>,
        %add3A_1167 = arith.addf %gather3A, %gather3A_1166 : vector<16xf32>
        %broadcast_in_dim3A_1168 = arith.constant 2 : i32
        %broadcast_in_dim3A_1169 = vector.broadcast %broadcast_in_dim3A_1168 : i32 to vector<16xi32>
        %gather3A_1170 = tpu.vector_load_idx %arg16[%iota3A, %broadcast_in_dim3A_1169] : memref<16x17xf32, #tpu.memory_space<vmem>>[vector<16xi32>, vector<16xi32>], vector<16xf32>,
        %add3A_1171 = arith.addf %add3A_1167, %gather3A_1170 : vector<16xf32>
        %broadcast_in_dim3A_1172 = arith.constant 3 : i32
        %broadcast_in_dim3A_1173 = vector.broadcast %broadcast_in_dim3A_1172 : i32 to vector<16xi32>
        %gather3A_1174 = tpu.vector_load_idx %arg16[%iota3A, %broadcast_in_dim3A_1173] : memref<16x17xf32, #tpu.memory_space<vmem>>[vector<16xi32>, vector<16xi32>], vector<16xf32>,
        %add3A_1175 = arith.addf %add3A_1171, %gather3A_1174 : vector<16xf32>
        %broadcast_in_dim3A_1176 = arith.constant 4 : i32
        %broadcast_in_dim3A_1177 = vector.broadcast %broadcast_in_dim3A_1176 : i32 to vector<16xi32>
        %gather3A_1178 = tpu.vector_load_idx %arg16[%iota3A, %broadcast_in_dim3A_1177] : memref<16x17xf32, #tpu.memory_space<vmem>>[vector<16xi32>, vector<16xi32>], vector<16xf32>,
        %add3A_1179 = arith.addf %add3A_1175, %gather3A_1178 : vector<16xf32>
        %broadcast_in_dim3A_1180 = arith.constant 5 : i32
        %broadcast_in_dim3A_1181 = vector.broadcast %broadcast_in_dim3A_1180 : i32 to vector<16xi32>
        %gather3A_1182 = tpu.vector_load_idx %arg16[%iota3A, %broadcast_in_dim3A_1181] : memref<16x17xf32, #tpu.memory_space<vmem>>[vector<16xi32>, vector<16xi32>], vector<16xf32>,
        %add3A_1183 = arith.addf %add3A_1179, %gather3A_1182 : vector<16xf32>
        %broadcast_in_dim3A_1184 = arith.constant 6 : i32
        %broadcast_in_dim3A_1185 = vector.broadcast %broadcast_in_dim3A_1184 : i32 to vector<16xi32>
        %gather3A_1186 = tpu.vector_load_idx %arg16[%iota3A, %broadcast_in_dim3A_1185] : memref<16x17xf32, #tpu.memory_space<vmem>>[vector<16xi32>, vector<16xi32>], vector<16xf32>,
        %add3A_1187 = arith.addf %add3A_1183, %gather3A_1186 : vector<16xf32>
        %broadcast_in_dim3A_1188 = arith.constant 7 : i32
        %broadcast_in_dim3A_1189 = vector.broadcast %broadcast_in_dim3A_1188 : i32 to vector<16xi32>
        %gather3A_1190 = tpu.vector_load_idx %arg16[%iota3A, %broadcast_in_dim3A_1189] : memref<16x17xf32, #tpu.memory_space<vmem>>[vector<16xi32>, vector<16xi32>], vector<16xf32>,
        %add3A_1191 = arith.addf %add3A_1187, %gather3A_1190 : vector<16xf32>
        %broadcast_in_dim3A_1192 = arith.constant 8 : i32
        %broadcast_in_dim3A_1193 = vector.broadcast %broadcast_in_dim3A_1192 : i32 to vector<16xi32>
        %gather3A_1194 = tpu.vector_load_idx %arg16[%iota3A, %broadcast_in_dim3A_1193] : memref<16x17xf32, #tpu.memory_space<vmem>>[vector<16xi32>, vector<16xi32>], vector<16xf32>,
        %add3A_1195 = arith.addf %add3A_1191, %gather3A_1194 : vector<16xf32>
        %broadcast_in_dim3A_1196 = arith.constant 9 : i32
        %broadcast_in_dim3A_1197 = vector.broadcast %broadcast_in_dim3A_1196 : i32 to vector<16xi32>
        %gather3A_1198 = tpu.vector_load_idx %arg16[%iota3A, %broadcast_in_dim3A_1197] : memref<16x17xf32, #tpu.memory_space<vmem>>[vector<16xi32>, vector<16xi32>], vector<16xf32>,
        %add3A_1199 = arith.addf %add3A_1195, %gather3A_1198 : vector<16xf32>
        %broadcast_in_dim3A_1200 = arith.constant 10 : i32
        %broadcast_in_dim3A_1201 = vector.broadcast %broadcast_in_dim3A_1200 : i32 to vector<16xi32>
        %gather3A_1202 = tpu.vector_load_idx %arg16[%iota3A, %broadcast_in_dim3A_1201] : memref<16x17xf32, #tpu.memory_space<vmem>>[vector<16xi32>, vector<16xi32>], vector<16xf32>,
        %add3A_1203 = arith.addf %add3A_1199, %gather3A_1202 : vector<16xf32>
        %broadcast_in_dim3A_1204 = arith.constant 11 : i32
        %broadcast_in_dim3A_1205 = vector.broadcast %broadcast_in_dim3A_1204 : i32 to vector<16xi32>
        %gather3A_1206 = tpu.vector_load_idx %arg16[%iota3A, %broadcast_in_dim3A_1205] : memref<16x17xf32, #tpu.memory_space<vmem>>[vector<16xi32>, vector<16xi32>], vector<16xf32>,
        %add3A_1207 = arith.addf %add3A_1203, %gather3A_1206 : vector<16xf32>
        %broadcast_in_dim3A_1208 = arith.constant 12 : i32
        %broadcast_in_dim3A_1209 = vector.broadcast %broadcast_in_dim3A_1208 : i32 to vector<16xi32>
        %gather3A_1210 = tpu.vector_load_idx %arg16[%iota3A, %broadcast_in_dim3A_1209] : memref<16x17xf32, #tpu.memory_space<vmem>>[vector<16xi32>, vector<16xi32>], vector<16xf32>,
        %add3A_1211 = arith.addf %add3A_1207, %gather3A_1210 : vector<16xf32>
        %broadcast_in_dim3A_1212 = arith.constant 13 : i32
        %broadcast_in_dim3A_1213 = vector.broadcast %broadcast_in_dim3A_1212 : i32 to vector<16xi32>
        %gather3A_1214 = tpu.vector_load_idx %arg16[%iota3A, %broadcast_in_dim3A_1213] : memref<16x17xf32, #tpu.memory_space<vmem>>[vector<16xi32>, vector<16xi32>], vector<16xf32>,
        %add3A_1215 = arith.addf %add3A_1211, %gather3A_1214 : vector<16xf32>
        %broadcast_in_dim3A_1216 = arith.constant 14 : i32
        %broadcast_in_dim3A_1217 = vector.broadcast %broadcast_in_dim3A_1216 : i32 to vector<16xi32>
        %gather3A_1218 = tpu.vector_load_idx %arg16[%iota3A, %broadcast_in_dim3A_1217] : memref<16x17xf32, #tpu.memory_space<vmem>>[vector<16xi32>, vector<16xi32>], vector<16xf32>,
        %add3A_1219 = arith.addf %add3A_1215, %gather3A_1218 : vector<16xf32>
        %broadcast_in_dim3A_1220 = arith.constant 15 : i32
        %broadcast_in_dim3A_1221 = vector.broadcast %broadcast_in_dim3A_1220 : i32 to vector<16xi32>
        %gather3A_1222 = tpu.vector_load_idx %arg16[%iota3A, %broadcast_in_dim3A_1221] : memref<16x17xf32, #tpu.memory_space<vmem>>[vector<16xi32>, vector<16xi32>], vector<16xf32>,
        %add3A_1223 = arith.addf %add3A_1219, %gather3A_1222 : vector<16xf32>
        %add3A_1224 = arith.addi %mul3A_266, %mul3A_398 : i32
        %get3A_1225 = arith.index_cast %add3A_1224 : i32 to index
        %get3A_1226 = tpu.vector_load %arg14[%get3A_1225] {strides = array<i32>} : memref<10000xf32, #tpu.memory_space<vmem>>, vector<16xf32>,
        %mul3A_1227 = arith.mulf %add3A_1223, %get3A_1226 : vector<16xf32>
        %add3A_1228 = arith.addi %mul3A_266, %mul3A_398 : i32
        %swap3A_1229 = arith.index_cast %add3A_1228 : i32 to index
        %swap3A_1230 = tpu.vector_load %arg15[%swap3A_1229] {strides = array<i32>} : memref<10000xf32, #tpu.memory_space<vmem>>, vector<16xf32>,
        tpu.vector_store %arg15[%swap3A_1229], %mul3A_1227 {strides = array<i32>} : memref<10000xf32, #tpu.memory_space<vmem>>, vector<16xf32>,
      }
      %scan3A_271 = arith.constant 25 : i32
      "tpu.trace_stop"() : () -> ()
      %add3A_272 = arith.constant 1 : i32
      %add3A_273 = arith.addi %add3A_154, %add3A_272 : i32
      %dma_wait3A_274 = arith.constant 0 : i32
      %dma_wait3A_275 = arith.constant 0 : i32
      %dma_wait3A_276 = tpu.memref_slice %arg2[%dma_wait3A_274, %dma_wait3A_275] : memref<2x320000xi32, #tpu.memory_space<hbm>> -> memref<1x400xi32, #tpu.memory_space<hbm>>
      %dma_wait3A_277 = tpu.memref_squeeze %dma_wait3A_276 : memref<1x400xi32, #tpu.memory_space<hbm>> -> memref<400xi32, #tpu.memory_space<hbm>>
      %dma_wait3A_278 = arith.constant 0 : i32
      %dma_wait3A_279 = tpu.memref_slice %arg2[%dma_wait3A_274, %dma_wait3A_278] : memref<2x320000xi32, #tpu.memory_space<hbm>> -> memref<1x400xi32, #tpu.memory_space<hbm>>
      %dma_wait3A_280 = tpu.memref_squeeze %dma_wait3A_279 : memref<1x400xi32, #tpu.memory_space<hbm>> -> memref<400xi32, #tpu.memory_space<hbm>>
      tpu.wait_dma2 semaphore(%arg17 : memref<!tpu.dma_semaphore, #tpu.memory_space<semaphore_mem>>) src(%dma_wait3A_280 : memref<400xi32, #tpu.memory_space<hbm>>) dst(%arg6 : memref<400xi32, #tpu.memory_space<vmem>>)
      %dma_wait3A_281 = arith.constant 1 : i32
      %dma_wait3A_282 = arith.constant 0 : i32
      %dma_wait3A_283 = tpu.memref_slice %arg2[%dma_wait3A_281, %dma_wait3A_282] : memref<2x320000xi32, #tpu.memory_space<hbm>> -> memref<1x400xi32, #tpu.memory_space<hbm>>
      %dma_wait3A_284 = tpu.memref_squeeze %dma_wait3A_283 : memref<1x400xi32, #tpu.memory_space<hbm>> -> memref<400xi32, #tpu.memory_space<hbm>>
      %dma_wait3A_285 = arith.constant 0 : i32
      %dma_wait3A_286 = tpu.memref_slice %arg2[%dma_wait3A_281, %dma_wait3A_285] : memref<2x320000xi32, #tpu.memory_space<hbm>> -> memref<1x400xi32, #tpu.memory_space<hbm>>
      %dma_wait3A_287 = tpu.memref_squeeze %dma_wait3A_286 : memref<1x400xi32, #tpu.memory_space<hbm>> -> memref<400xi32, #tpu.memory_space<hbm>>
      tpu.wait_dma2 semaphore(%arg17 : memref<!tpu.dma_semaphore, #tpu.memory_space<semaphore_mem>>) src(%dma_wait3A_287 : memref<400xi32, #tpu.memory_space<hbm>>) dst(%arg7 : memref<400xi32, #tpu.memory_space<vmem>>)
      %dma_start3A_288 = arith.constant 0 : i32
      %dma_start3A_289 = arith.constant 0 : i32
      %dma_start3A_290 = tpu.memref_slice %arg10[%dma_start3A_288, %dma_start3A_289] : memref<400x64xi32, #tpu.memory_space<vmem>> -> memref<80x64xi32, #tpu.memory_space<vmem>>
      %dma_start3A_291 = arith.constant 0 : i32
      %dma_start3A_292 = tpu.memref_slice %arg6[%dma_start3A_291] : memref<400xi32, #tpu.memory_space<vmem>> -> memref<80xi32, #tpu.memory_space<vmem>>
      %dma_start3A_293 = arith.constant 0 : i32
      %dma_start3A_294 = arith.constant 0 : i32
      %dma_start3A_295 = tpu.memref_slice %arg4[%dma_start3A_293, %dma_start3A_294] : memref<10000x64xi32, #tpu.memory_space<hbm>> -> memref<10000x64xi32, #tpu.memory_space<hbm>>
      tpu.enqueue_indirect_dma source(%dma_start3A_295 : memref<10000x64xi32, #tpu.memory_space<hbm>>) target(%dma_start3A_290 : memref<80x64xi32, #tpu.memory_space<vmem>>) offsets(%dma_start3A_292 : memref<80xi32, #tpu.memory_space<vmem>>) semaphore(%arg19 : memref<!tpu.dma_semaphore, #tpu.memory_space<semaphore_mem>>)
      %dma_start3A_296 = arith.constant 0 : i32
      %dma_start3A_297 = arith.constant 0 : i32
      %dma_start3A_298 = tpu.memref_slice %arg11[%dma_start3A_296, %dma_start3A_297] : memref<400x64xi32, #tpu.memory_space<vmem>> -> memref<80x64xi32, #tpu.memory_space<vmem>>
      %dma_start3A_299 = arith.constant 0 : i32
      %dma_start3A_300 = tpu.memref_slice %arg7[%dma_start3A_299] : memref<400xi32, #tpu.memory_space<vmem>> -> memref<80xi32, #tpu.memory_space<vmem>>
      %dma_start3A_301 = arith.constant 0 : i32
      %dma_start3A_302 = arith.constant 0 : i32
      %dma_start3A_303 = tpu.memref_slice %arg4[%dma_start3A_301, %dma_start3A_302] : memref<10000x64xi32, #tpu.memory_space<hbm>> -> memref<10000x64xi32, #tpu.memory_space<hbm>>
      tpu.enqueue_indirect_dma source(%dma_start3A_303 : memref<10000x64xi32, #tpu.memory_space<hbm>>) target(%dma_start3A_298 : memref<80x64xi32, #tpu.memory_space<vmem>>) offsets(%dma_start3A_300 : memref<80xi32, #tpu.memory_space<vmem>>) semaphore(%arg19 : memref<!tpu.dma_semaphore, #tpu.memory_space<semaphore_mem>>)
      %dma_start3A_304 = arith.constant 80 : i32
      %dma_start3A_305 = arith.constant 0 : i32
      %dma_start3A_306 = tpu.memref_slice %arg10[%dma_start3A_304, %dma_start3A_305] : memref<400x64xi32, #tpu.memory_space<vmem>> -> memref<80x64xi32, #tpu.memory_space<vmem>>
      %dma_start3A_307 = arith.constant 80 : i32
      %dma_start3A_308 = tpu.memref_slice %arg6[%dma_start3A_307] : memref<400xi32, #tpu.memory_space<vmem>> -> memref<80xi32, #tpu.memory_space<vmem>>
      %dma_start3A_309 = arith.constant 0 : i32
      %dma_start3A_310 = arith.constant 0 : i32
      %dma_start3A_311 = tpu.memref_slice %arg4[%dma_start3A_309, %dma_start3A_310] : memref<10000x64xi32, #tpu.memory_space<hbm>> -> memref<10000x64xi32, #tpu.memory_space<hbm>>
      tpu.enqueue_indirect_dma source(%dma_start3A_311 : memref<10000x64xi32, #tpu.memory_space<hbm>>) target(%dma_start3A_306 : memref<80x64xi32, #tpu.memory_space<vmem>>) offsets(%dma_start3A_308 : memref<80xi32, #tpu.memory_space<vmem>>) semaphore(%arg19 : memref<!tpu.dma_semaphore, #tpu.memory_space<semaphore_mem>>)
      %dma_start3A_312 = arith.constant 80 : i32
      %dma_start3A_313 = arith.constant 0 : i32
      %dma_start3A_314 = tpu.memref_slice %arg11[%dma_start3A_312, %dma_start3A_313] : memref<400x64xi32, #tpu.memory_space<vmem>> -> memref<80x64xi32, #tpu.memory_space<vmem>>
      %dma_start3A_315 = arith.constant 80 : i32
      %dma_start3A_316 = tpu.memref_slice %arg7[%dma_start3A_315] : memref<400xi32, #tpu.memory_space<vmem>> -> memref<80xi32, #tpu.memory_space<vmem>>
      %dma_start3A_317 = arith.constant 0 : i32
      %dma_start3A_318 = arith.constant 0 : i32
      %dma_start3A_319 = tpu.memref_slice %arg4[%dma_start3A_317, %dma_start3A_318] : memref<10000x64xi32, #tpu.memory_space<hbm>> -> memref<10000x64xi32, #tpu.memory_space<hbm>>
      tpu.enqueue_indirect_dma source(%dma_start3A_319 : memref<10000x64xi32, #tpu.memory_space<hbm>>) target(%dma_start3A_314 : memref<80x64xi32, #tpu.memory_space<vmem>>) offsets(%dma_start3A_316 : memref<80xi32, #tpu.memory_space<vmem>>) semaphore(%arg19 : memref<!tpu.dma_semaphore, #tpu.memory_space<semaphore_mem>>)
      %dma_start3A_320 = arith.constant 160 : i32
      %dma_start3A_321 = arith.constant 0 : i32
      %dma_start3A_322 = tpu.memref_slice %arg10[%dma_start3A_320, %dma_start3A_321] : memref<400x64xi32, #tpu.memory_space<vmem>> -> memref<80x64xi32, #tpu.memory_space<vmem>>
      %dma_start3A_323 = arith.constant 160 : i32
      %dma_start3A_324 = tpu.memref_slice %arg6[%dma_start3A_323] : memref<400xi32, #tpu.memory_space<vmem>> -> memref<80xi32, #tpu.memory_space<vmem>>
      %dma_start3A_325 = arith.constant 0 : i32
      %dma_start3A_326 = arith.constant 0 : i32
      %dma_start3A_327 = tpu.memref_slice %arg4[%dma_start3A_325, %dma_start3A_326] : memref<10000x64xi32, #tpu.memory_space<hbm>> -> memref<10000x64xi32, #tpu.memory_space<hbm>>
      tpu.enqueue_indirect_dma source(%dma_start3A_327 : memref<10000x64xi32, #tpu.memory_space<hbm>>) target(%dma_start3A_322 : memref<80x64xi32, #tpu.memory_space<vmem>>) offsets(%dma_start3A_324 : memref<80xi32, #tpu.memory_space<vmem>>) semaphore(%arg19 : memref<!tpu.dma_semaphore, #tpu.memory_space<semaphore_mem>>)
      %dma_start3A_328 = arith.constant 160 : i32
      %dma_start3A_329 = arith.constant 0 : i32
      %dma_start3A_330 = tpu.memref_slice %arg11[%dma_start3A_328, %dma_start3A_329] : memref<400x64xi32, #tpu.memory_space<vmem>> -> memref<80x64xi32, #tpu.memory_space<vmem>>
      %dma_start3A_331 = arith.constant 160 : i32
      %dma_start3A_332 = tpu.memref_slice %arg7[%dma_start3A_331] : memref<400xi32, #tpu.memory_space<vmem>> -> memref<80xi32, #tpu.memory_space<vmem>>
      %dma_start3A_333 = arith.constant 0 : i32
      %dma_start3A_334 = arith.constant 0 : i32
      %dma_start3A_335 = tpu.memref_slice %arg4[%dma_start3A_333, %dma_start3A_334] : memref<10000x64xi32, #tpu.memory_space<hbm>> -> memref<10000x64xi32, #tpu.memory_space<hbm>>
      tpu.enqueue_indirect_dma source(%dma_start3A_335 : memref<10000x64xi32, #tpu.memory_space<hbm>>) target(%dma_start3A_330 : memref<80x64xi32, #tpu.memory_space<vmem>>) offsets(%dma_start3A_332 : memref<80xi32, #tpu.memory_space<vmem>>) semaphore(%arg19 : memref<!tpu.dma_semaphore, #tpu.memory_space<semaphore_mem>>)
      %dma_start3A_336 = arith.constant 240 : i32
      %dma_start3A_337 = arith.constant 0 : i32
      %dma_start3A_338 = tpu.memref_slice %arg10[%dma_start3A_336, %dma_start3A_337] : memref<400x64xi32, #tpu.memory_space<vmem>> -> memref<80x64xi32, #tpu.memory_space<vmem>>
      %dma_start3A_339 = arith.constant 240 : i32
      %dma_start3A_340 = tpu.memref_slice %arg6[%dma_start3A_339] : memref<400xi32, #tpu.memory_space<vmem>> -> memref<80xi32, #tpu.memory_space<vmem>>
      %dma_start3A_341 = arith.constant 0 : i32
      %dma_start3A_342 = arith.constant 0 : i32
      %dma_start3A_343 = tpu.memref_slice %arg4[%dma_start3A_341, %dma_start3A_342] : memref<10000x64xi32, #tpu.memory_space<hbm>> -> memref<10000x64xi32, #tpu.memory_space<hbm>>
      tpu.enqueue_indirect_dma source(%dma_start3A_343 : memref<10000x64xi32, #tpu.memory_space<hbm>>) target(%dma_start3A_338 : memref<80x64xi32, #tpu.memory_space<vmem>>) offsets(%dma_start3A_340 : memref<80xi32, #tpu.memory_space<vmem>>) semaphore(%arg19 : memref<!tpu.dma_semaphore, #tpu.memory_space<semaphore_mem>>)
      %dma_start3A_344 = arith.constant 240 : i32
      %dma_start3A_345 = arith.constant 0 : i32
      %dma_start3A_346 = tpu.memref_slice %arg11[%dma_start3A_344, %dma_start3A_345] : memref<400x64xi32, #tpu.memory_space<vmem>> -> memref<80x64xi32, #tpu.memory_space<vmem>>
      %dma_start3A_347 = arith.constant 240 : i32
      %dma_start3A_348 = tpu.memref_slice %arg7[%dma_start3A_347] : memref<400xi32, #tpu.memory_space<vmem>> -> memref<80xi32, #tpu.memory_space<vmem>>
      %dma_start3A_349 = arith.constant 0 : i32
      %dma_start3A_350 = arith.constant 0 : i32
      %dma_start3A_351 = tpu.memref_slice %arg4[%dma_start3A_349, %dma_start3A_350] : memref<10000x64xi32, #tpu.memory_space<hbm>> -> memref<10000x64xi32, #tpu.memory_space<hbm>>
      tpu.enqueue_indirect_dma source(%dma_start3A_351 : memref<10000x64xi32, #tpu.memory_space<hbm>>) target(%dma_start3A_346 : memref<80x64xi32, #tpu.memory_space<vmem>>) offsets(%dma_start3A_348 : memref<80xi32, #tpu.memory_space<vmem>>) semaphore(%arg19 : memref<!tpu.dma_semaphore, #tpu.memory_space<semaphore_mem>>)
      %dma_start3A_352 = arith.constant 320 : i32
      %dma_start3A_353 = arith.constant 0 : i32
      %dma_start3A_354 = tpu.memref_slice %arg10[%dma_start3A_352, %dma_start3A_353] : memref<400x64xi32, #tpu.memory_space<vmem>> -> memref<80x64xi32, #tpu.memory_space<vmem>>
      %dma_start3A_355 = arith.constant 320 : i32
      %dma_start3A_356 = tpu.memref_slice %arg6[%dma_start3A_355] : memref<400xi32, #tpu.memory_space<vmem>> -> memref<80xi32, #tpu.memory_space<vmem>>
      %dma_start3A_357 = arith.constant 0 : i32
      %dma_start3A_358 = arith.constant 0 : i32
      %dma_start3A_359 = tpu.memref_slice %arg4[%dma_start3A_357, %dma_start3A_358] : memref<10000x64xi32, #tpu.memory_space<hbm>> -> memref<10000x64xi32, #tpu.memory_space<hbm>>
      tpu.enqueue_indirect_dma source(%dma_start3A_359 : memref<10000x64xi32, #tpu.memory_space<hbm>>) target(%dma_start3A_354 : memref<80x64xi32, #tpu.memory_space<vmem>>) offsets(%dma_start3A_356 : memref<80xi32, #tpu.memory_space<vmem>>) semaphore(%arg19 : memref<!tpu.dma_semaphore, #tpu.memory_space<semaphore_mem>>)
      %dma_start3A_360 = arith.constant 320 : i32
      %dma_start3A_361 = arith.constant 0 : i32
      %dma_start3A_362 = tpu.memref_slice %arg11[%dma_start3A_360, %dma_start3A_361] : memref<400x64xi32, #tpu.memory_space<vmem>> -> memref<80x64xi32, #tpu.memory_space<vmem>>
      %dma_start3A_363 = arith.constant 320 : i32
      %dma_start3A_364 = tpu.memref_slice %arg7[%dma_start3A_363] : memref<400xi32, #tpu.memory_space<vmem>> -> memref<80xi32, #tpu.memory_space<vmem>>
      %dma_start3A_365 = arith.constant 0 : i32
      %dma_start3A_366 = arith.constant 0 : i32
      %dma_start3A_367 = tpu.memref_slice %arg4[%dma_start3A_365, %dma_start3A_366] : memref<10000x64xi32, #tpu.memory_space<hbm>> -> memref<10000x64xi32, #tpu.memory_space<hbm>>
      tpu.enqueue_indirect_dma source(%dma_start3A_367 : memref<10000x64xi32, #tpu.memory_space<hbm>>) target(%dma_start3A_362 : memref<80x64xi32, #tpu.memory_space<vmem>>) offsets(%dma_start3A_364 : memref<80xi32, #tpu.memory_space<vmem>>) semaphore(%arg19 : memref<!tpu.dma_semaphore, #tpu.memory_space<semaphore_mem>>)
      "tpu.trace_start"() <{level = 10 : i32, message = "wait_g"}> : () -> ()
      %dma_wait3A_368 = arith.constant 0 : i32
      %dma_wait3A_369 = arith.constant 0 : i32
      %dma_wait3A_370 = tpu.memref_slice %arg4[%dma_wait3A_368, %dma_wait3A_369] : memref<10000x64xi32, #tpu.memory_space<hbm>> -> memref<400x64xi32, #tpu.memory_space<hbm>>
      %dma_wait3A_371 = arith.constant 0 : i32
      %dma_wait3A_372 = arith.constant 0 : i32
      %dma_wait3A_373 = tpu.memref_slice %arg4[%dma_wait3A_371, %dma_wait3A_372] : memref<10000x64xi32, #tpu.memory_space<hbm>> -> memref<400x64xi32, #tpu.memory_space<hbm>>
      tpu.wait_dma2 semaphore(%arg20 : memref<!tpu.dma_semaphore, #tpu.memory_space<semaphore_mem>>) src(%dma_wait3A_373 : memref<400x64xi32, #tpu.memory_space<hbm>>) dst(%arg12 : memref<400x64xi32, #tpu.memory_space<vmem>>)
      %dma_wait3A_374 = arith.constant 0 : i32
      %dma_wait3A_375 = arith.constant 0 : i32
      %dma_wait3A_376 = tpu.memref_slice %arg4[%dma_wait3A_374, %dma_wait3A_375] : memref<10000x64xi32, #tpu.memory_space<hbm>> -> memref<400x64xi32, #tpu.memory_space<hbm>>
      %dma_wait3A_377 = arith.constant 0 : i32
      %dma_wait3A_378 = arith.constant 0 : i32
      %dma_wait3A_379 = tpu.memref_slice %arg4[%dma_wait3A_377, %dma_wait3A_378] : memref<10000x64xi32, #tpu.memory_space<hbm>> -> memref<400x64xi32, #tpu.memory_space<hbm>>
      tpu.wait_dma2 semaphore(%arg20 : memref<!tpu.dma_semaphore, #tpu.memory_space<semaphore_mem>>) src(%dma_wait3A_379 : memref<400x64xi32, #tpu.memory_space<hbm>>) dst(%arg13 : memref<400x64xi32, #tpu.memory_space<vmem>>)
      %lt3A_380 = arith.constant 23 : i32
      "tpu.trace_stop"() : () -> ()
      %lt3A_381 = arith.cmpi slt, %add3A_273, %lt3A_380 : i32
      %convert_element_type3A_382 = arith.extui %lt3A_381 : i1 to i32
      %cond3A_383 = arith.constant 0 : i32
      %cond3A_384 = arith.cmpi ne, %convert_element_type3A_382, %cond3A_383 : i32
      scf.if %cond3A_384 {
        %add3A_392 = arith.constant 2 : i32
        %add3A_393 = arith.addi %add3A_273, %add3A_392 : i32
        %mul3A_394 = arith.constant 10000 : i32
        %mul3A_395 = arith.muli %add3A, %mul3A_394 : i32
        %mul3A_396 = arith.constant 400 : i32
        %mul3A_397 = arith.muli %add3A_393, %mul3A_396 : i32
        %add3A_398 = arith.addi %mul3A_395, %mul3A_397 : i32
        %dma_start3A_399 = arith.constant 0 : i32
        %dma_start3A_400 = tpu.memref_slice %arg2[%dma_start3A_399, %add3A_398] : memref<2x320000xi32, #tpu.memory_space<hbm>> -> memref<1x400xi32, #tpu.memory_space<hbm>>
        %dma_start3A_401 = tpu.memref_squeeze %dma_start3A_400 : memref<1x400xi32, #tpu.memory_space<hbm>> -> memref<400xi32, #tpu.memory_space<hbm>>
        %dma_start3A_402 = tpu.memref_slice %arg2[%dma_start3A_399, %add3A_398] : memref<2x320000xi32, #tpu.memory_space<hbm>> -> memref<1x400xi32, #tpu.memory_space<hbm>>
        %dma_start3A_403 = tpu.memref_squeeze %dma_start3A_402 : memref<1x400xi32, #tpu.memory_space<hbm>> -> memref<400xi32, #tpu.memory_space<hbm>>
        tpu.enqueue_dma source(%dma_start3A_403 : memref<400xi32, #tpu.memory_space<hbm>>) target(%arg8 : memref<400xi32, #tpu.memory_space<vmem>>) target_semaphore(%arg18 : memref<!tpu.dma_semaphore, #tpu.memory_space<semaphore_mem>>)
        %dma_start3A_404 = arith.constant 1 : i32
        %dma_start3A_405 = tpu.memref_slice %arg2[%dma_start3A_404, %add3A_398] : memref<2x320000xi32, #tpu.memory_space<hbm>> -> memref<1x400xi32, #tpu.memory_space<hbm>>
        %dma_start3A_406 = tpu.memref_squeeze %dma_start3A_405 : memref<1x400xi32, #tpu.memory_space<hbm>> -> memref<400xi32, #tpu.memory_space<hbm>>
        %dma_start3A_407 = tpu.memref_slice %arg2[%dma_start3A_404, %add3A_398] : memref<2x320000xi32, #tpu.memory_space<hbm>> -> memref<1x400xi32, #tpu.memory_space<hbm>>
        %dma_start3A_408 = tpu.memref_squeeze %dma_start3A_407 : memref<1x400xi32, #tpu.memory_space<hbm>> -> memref<400xi32, #tpu.memory_space<hbm>>
        tpu.enqueue_dma source(%dma_start3A_408 : memref<400xi32, #tpu.memory_space<hbm>>) target(%arg9 : memref<400xi32, #tpu.memory_space<vmem>>) target_semaphore(%arg18 : memref<!tpu.dma_semaphore, #tpu.memory_space<semaphore_mem>>)
      } else {
      }
      "tpu.trace_start"() <{level = 10 : i32, message = "comp"}> : () -> ()
      %mul3A_385 = arith.constant 400 : i32
      %mul3A_386 = arith.muli %add3A_273, %mul3A_385 : i32
      %scan3A_387 = arith.constant 0 : i32
      %scan3A_388 = arith.constant 25 : i32
      %scan3A_389 = arith.addi %scan3A_387, %scan3A_388 : i32
      %scan3A_390 = arith.constant 1 : i32
      scf.for %scan3A_392 = %scan3A_387 to %scan3A_389 step %scan3A_390  : i32 {
        %mul3A_393 = arith.constant 1 : i32
        %mul3A_394 = arith.muli %scan3A_392, %mul3A_393 : i32
        %add3A_395 = arith.constant 0 : i32
        %add3A_396 = arith.addi %add3A_395, %mul3A_394 : i32
        %mul3A_397 = arith.constant 16 : i32
        %mul3A_398 = arith.muli %add3A_396, %mul3A_397 : i32
        %add3A_399 = arith.constant 0 : i32
        %add3A_400 = arith.addi %mul3A_398, %add3A_399 : i32
        %get3A = arith.index_cast %add3A_400 : i32 to index
        %get3A_401 = arith.constant 0 : index
        %get3A_402 = tpu.vector_load %arg12[%get3A, %get3A_401] {strides = array<i32>} : memref<400x64xi32, #tpu.memory_space<vmem>>, vector<16xi32>,
        %bitcast3A = vector.bitcast %get3A_402 : vector<16xi32> to vector<32xbf16>
        %get3A_403 = arith.index_cast %add3A_400 : i32 to index
        %get3A_404 = arith.constant 0 : index
        %get3A_405 = tpu.vector_load %arg13[%get3A_403, %get3A_404] {strides = array<i32>} : memref<400x64xi32, #tpu.memory_space<vmem>>, vector<16xi32>,
        %bitcast3A_406 = vector.bitcast %get3A_405 : vector<16xi32> to vector<32xbf16>
        %mul3A_407 = arith.mulf %bitcast3A, %bitcast3A_406 : vector<32xbf16>
        %get3A_408 = arith.index_cast %add3A_400 : i32 to index
        %get3A_409 = arith.constant 16 : index
        %get3A_410 = tpu.vector_load %arg12[%get3A_408, %get3A_409] {strides = array<i32>} : memref<400x64xi32, #tpu.memory_space<vmem>>, vector<16xi32>,
        %bitcast3A_411 = vector.bitcast %get3A_410 : vector<16xi32> to vector<32xbf16>
        %get3A_412 = arith.index_cast %add3A_400 : i32 to index
        %get3A_413 = arith.constant 16 : index
        %get3A_414 = tpu.vector_load %arg13[%get3A_412, %get3A_413] {strides = array<i32>} : memref<400x64xi32, #tpu.memory_space<vmem>>, vector<16xi32>,
        %bitcast3A_415 = vector.bitcast %get3A_414 : vector<16xi32> to vector<32xbf16>
        %mul3A_416 = arith.mulf %bitcast3A_411, %bitcast3A_415 : vector<32xbf16>
        %get3A_417 = arith.index_cast %add3A_400 : i32 to index
        %get3A_418 = arith.constant 32 : index
        %get3A_419 = tpu.vector_load %arg12[%get3A_417, %get3A_418] {strides = array<i32>} : memref<400x64xi32, #tpu.memory_space<vmem>>, vector<16xi32>,
        %bitcast3A_420 = vector.bitcast %get3A_419 : vector<16xi32> to vector<32xbf16>
        %get3A_421 = arith.index_cast %add3A_400 : i32 to index
        %get3A_422 = arith.constant 32 : index
        %get3A_423 = tpu.vector_load %arg13[%get3A_421, %get3A_422] {strides = array<i32>} : memref<400x64xi32, #tpu.memory_space<vmem>>, vector<16xi32>,
        %bitcast3A_424 = vector.bitcast %get3A_423 : vector<16xi32> to vector<32xbf16>
        %mul3A_425 = arith.mulf %bitcast3A_420, %bitcast3A_424 : vector<32xbf16>
        %get3A_426 = arith.index_cast %add3A_400 : i32 to index
        %get3A_427 = arith.constant 48 : index
        %get3A_428 = tpu.vector_load %arg12[%get3A_426, %get3A_427] {strides = array<i32>} : memref<400x64xi32, #tpu.memory_space<vmem>>, vector<16xi32>,
        %bitcast3A_429 = vector.bitcast %get3A_428 : vector<16xi32> to vector<32xbf16>
        %get3A_430 = arith.index_cast %add3A_400 : i32 to index
        %get3A_431 = arith.constant 48 : index
        %get3A_432 = tpu.vector_load %arg13[%get3A_430, %get3A_431] {strides = array<i32>} : memref<400x64xi32, #tpu.memory_space<vmem>>, vector<16xi32>,
        %bitcast3A_433 = vector.bitcast %get3A_432 : vector<16xi32> to vector<32xbf16>
        %mul3A_434 = arith.mulf %bitcast3A_429, %bitcast3A_433 : vector<32xbf16>
        %add3A_435 = arith.addf %mul3A_407, %mul3A_416 : vector<32xbf16>
        %add3A_436 = arith.addf %mul3A_425, %mul3A_434 : vector<32xbf16>
        %add3A_437 = arith.addf %add3A_435, %add3A_436 : vector<32xbf16>
        %unpack3A = tpu.unpack_subelements %add3A_437, 0 {pack_format = #tpu.pack_format<interleaved>} : vector<32xbf16> -> vector<16xf32>
        %unpack3A_438 = tpu.unpack_subelements %add3A_437, 1 {pack_format = #tpu.pack_format<interleaved>} : vector<32xbf16> -> vector<16xf32>
        %add3A_439 = arith.addf %unpack3A, %unpack3A_438 : vector<16xf32>
        %swap3A = arith.constant 0 : i32
        %swap3A_440 = arith.index_cast %swap3A : i32 to index
        %swap3A_441 = arith.constant 0 : index
        %swap3A_442 = tpu.vector_load %arg16[%swap3A_440, %swap3A_441] {strides = array<i32>} : memref<16x17xf32, #tpu.memory_space<vmem>>, vector<16xf32>,
        tpu.vector_store %arg16[%swap3A_440, %swap3A_441], %add3A_439 {strides = array<i32>} : memref<16x17xf32, #tpu.memory_space<vmem>>, vector<16xf32>,
        %add3A_443 = arith.constant 1 : i32
        %add3A_444 = arith.addi %mul3A_398, %add3A_443 : i32
        %get3A_445 = arith.index_cast %add3A_444 : i32 to index
        %get3A_446 = arith.constant 0 : index
        %get3A_447 = tpu.vector_load %arg12[%get3A_445, %get3A_446] {strides = array<i32>} : memref<400x64xi32, #tpu.memory_space<vmem>>, vector<16xi32>,
        %bitcast3A_448 = vector.bitcast %get3A_447 : vector<16xi32> to vector<32xbf16>
        %get3A_449 = arith.index_cast %add3A_444 : i32 to index
        %get3A_450 = arith.constant 0 : index
        %get3A_451 = tpu.vector_load %arg13[%get3A_449, %get3A_450] {strides = array<i32>} : memref<400x64xi32, #tpu.memory_space<vmem>>, vector<16xi32>,
        %bitcast3A_452 = vector.bitcast %get3A_451 : vector<16xi32> to vector<32xbf16>
        %mul3A_453 = arith.mulf %bitcast3A_448, %bitcast3A_452 : vector<32xbf16>
        %get3A_454 = arith.index_cast %add3A_444 : i32 to index
        %get3A_455 = arith.constant 16 : index
        %get3A_456 = tpu.vector_load %arg12[%get3A_454, %get3A_455] {strides = array<i32>} : memref<400x64xi32, #tpu.memory_space<vmem>>, vector<16xi32>,
        %bitcast3A_457 = vector.bitcast %get3A_456 : vector<16xi32> to vector<32xbf16>
        %get3A_458 = arith.index_cast %add3A_444 : i32 to index
        %get3A_459 = arith.constant 16 : index
        %get3A_460 = tpu.vector_load %arg13[%get3A_458, %get3A_459] {strides = array<i32>} : memref<400x64xi32, #tpu.memory_space<vmem>>, vector<16xi32>,
        %bitcast3A_461 = vector.bitcast %get3A_460 : vector<16xi32> to vector<32xbf16>
        %mul3A_462 = arith.mulf %bitcast3A_457, %bitcast3A_461 : vector<32xbf16>
        %get3A_463 = arith.index_cast %add3A_444 : i32 to index
        %get3A_464 = arith.constant 32 : index
        %get3A_465 = tpu.vector_load %arg12[%get3A_463, %get3A_464] {strides = array<i32>} : memref<400x64xi32, #tpu.memory_space<vmem>>, vector<16xi32>,
        %bitcast3A_466 = vector.bitcast %get3A_465 : vector<16xi32> to vector<32xbf16>
        %get3A_467 = arith.index_cast %add3A_444 : i32 to index
        %get3A_468 = arith.constant 32 : index
        %get3A_469 = tpu.vector_load %arg13[%get3A_467, %get3A_468] {strides = array<i32>} : memref<400x64xi32, #tpu.memory_space<vmem>>, vector<16xi32>,
        %bitcast3A_470 = vector.bitcast %get3A_469 : vector<16xi32> to vector<32xbf16>
        %mul3A_471 = arith.mulf %bitcast3A_466, %bitcast3A_470 : vector<32xbf16>
        %get3A_472 = arith.index_cast %add3A_444 : i32 to index
        %get3A_473 = arith.constant 48 : index
        %get3A_474 = tpu.vector_load %arg12[%get3A_472, %get3A_473] {strides = array<i32>} : memref<400x64xi32, #tpu.memory_space<vmem>>, vector<16xi32>,
        %bitcast3A_475 = vector.bitcast %get3A_474 : vector<16xi32> to vector<32xbf16>
        %get3A_476 = arith.index_cast %add3A_444 : i32 to index
        %get3A_477 = arith.constant 48 : index
        %get3A_478 = tpu.vector_load %arg13[%get3A_476, %get3A_477] {strides = array<i32>} : memref<400x64xi32, #tpu.memory_space<vmem>>, vector<16xi32>,
        %bitcast3A_479 = vector.bitcast %get3A_478 : vector<16xi32> to vector<32xbf16>
        %mul3A_480 = arith.mulf %bitcast3A_475, %bitcast3A_479 : vector<32xbf16>
        %add3A_481 = arith.addf %mul3A_453, %mul3A_462 : vector<32xbf16>
        %add3A_482 = arith.addf %mul3A_471, %mul3A_480 : vector<32xbf16>
        %add3A_483 = arith.addf %add3A_481, %add3A_482 : vector<32xbf16>
        %unpack3A_484 = tpu.unpack_subelements %add3A_483, 0 {pack_format = #tpu.pack_format<interleaved>} : vector<32xbf16> -> vector<16xf32>
        %unpack3A_485 = tpu.unpack_subelements %add3A_483, 1 {pack_format = #tpu.pack_format<interleaved>} : vector<32xbf16> -> vector<16xf32>
        %add3A_486 = arith.addf %unpack3A_484, %unpack3A_485 : vector<16xf32>
        %swap3A_487 = arith.constant 1 : i32
        %swap3A_488 = arith.index_cast %swap3A_487 : i32 to index
        %swap3A_489 = arith.constant 0 : index
        %swap3A_490 = tpu.vector_load %arg16[%swap3A_488, %swap3A_489] {strides = array<i32>} : memref<16x17xf32, #tpu.memory_space<vmem>>, vector<16xf32>,
        tpu.vector_store %arg16[%swap3A_488, %swap3A_489], %add3A_486 {strides = array<i32>} : memref<16x17xf32, #tpu.memory_space<vmem>>, vector<16xf32>,
        %add3A_491 = arith.constant 2 : i32
        %add3A_492 = arith.addi %mul3A_398, %add3A_491 : i32
        %get3A_493 = arith.index_cast %add3A_492 : i32 to index
        %get3A_494 = arith.constant 0 : index
        %get3A_495 = tpu.vector_load %arg12[%get3A_493, %get3A_494] {strides = array<i32>} : memref<400x64xi32, #tpu.memory_space<vmem>>, vector<16xi32>,
        %bitcast3A_496 = vector.bitcast %get3A_495 : vector<16xi32> to vector<32xbf16>
        %get3A_497 = arith.index_cast %add3A_492 : i32 to index
        %get3A_498 = arith.constant 0 : index
        %get3A_499 = tpu.vector_load %arg13[%get3A_497, %get3A_498] {strides = array<i32>} : memref<400x64xi32, #tpu.memory_space<vmem>>, vector<16xi32>,
        %bitcast3A_500 = vector.bitcast %get3A_499 : vector<16xi32> to vector<32xbf16>
        %mul3A_501 = arith.mulf %bitcast3A_496, %bitcast3A_500 : vector<32xbf16>
        %get3A_502 = arith.index_cast %add3A_492 : i32 to index
        %get3A_503 = arith.constant 16 : index
        %get3A_504 = tpu.vector_load %arg12[%get3A_502, %get3A_503] {strides = array<i32>} : memref<400x64xi32, #tpu.memory_space<vmem>>, vector<16xi32>,
        %bitcast3A_505 = vector.bitcast %get3A_504 : vector<16xi32> to vector<32xbf16>
        %get3A_506 = arith.index_cast %add3A_492 : i32 to index
        %get3A_507 = arith.constant 16 : index
        %get3A_508 = tpu.vector_load %arg13[%get3A_506, %get3A_507] {strides = array<i32>} : memref<400x64xi32, #tpu.memory_space<vmem>>, vector<16xi32>,
        %bitcast3A_509 = vector.bitcast %get3A_508 : vector<16xi32> to vector<32xbf16>
        %mul3A_510 = arith.mulf %bitcast3A_505, %bitcast3A_509 : vector<32xbf16>
        %get3A_511 = arith.index_cast %add3A_492 : i32 to index
        %get3A_512 = arith.constant 32 : index
        %get3A_513 = tpu.vector_load %arg12[%get3A_511, %get3A_512] {strides = array<i32>} : memref<400x64xi32, #tpu.memory_space<vmem>>, vector<16xi32>,
        %bitcast3A_514 = vector.bitcast %get3A_513 : vector<16xi32> to vector<32xbf16>
        %get3A_515 = arith.index_cast %add3A_492 : i32 to index
        %get3A_516 = arith.constant 32 : index
        %get3A_517 = tpu.vector_load %arg13[%get3A_515, %get3A_516] {strides = array<i32>} : memref<400x64xi32, #tpu.memory_space<vmem>>, vector<16xi32>,
        %bitcast3A_518 = vector.bitcast %get3A_517 : vector<16xi32> to vector<32xbf16>
        %mul3A_519 = arith.mulf %bitcast3A_514, %bitcast3A_518 : vector<32xbf16>
        %get3A_520 = arith.index_cast %add3A_492 : i32 to index
        %get3A_521 = arith.constant 48 : index
        %get3A_522 = tpu.vector_load %arg12[%get3A_520, %get3A_521] {strides = array<i32>} : memref<400x64xi32, #tpu.memory_space<vmem>>, vector<16xi32>,
        %bitcast3A_523 = vector.bitcast %get3A_522 : vector<16xi32> to vector<32xbf16>
        %get3A_524 = arith.index_cast %add3A_492 : i32 to index
        %get3A_525 = arith.constant 48 : index
        %get3A_526 = tpu.vector_load %arg13[%get3A_524, %get3A_525] {strides = array<i32>} : memref<400x64xi32, #tpu.memory_space<vmem>>, vector<16xi32>,
        %bitcast3A_527 = vector.bitcast %get3A_526 : vector<16xi32> to vector<32xbf16>
        %mul3A_528 = arith.mulf %bitcast3A_523, %bitcast3A_527 : vector<32xbf16>
        %add3A_529 = arith.addf %mul3A_501, %mul3A_510 : vector<32xbf16>
        %add3A_530 = arith.addf %mul3A_519, %mul3A_528 : vector<32xbf16>
        %add3A_531 = arith.addf %add3A_529, %add3A_530 : vector<32xbf16>
        %unpack3A_532 = tpu.unpack_subelements %add3A_531, 0 {pack_format = #tpu.pack_format<interleaved>} : vector<32xbf16> -> vector<16xf32>
        %unpack3A_533 = tpu.unpack_subelements %add3A_531, 1 {pack_format = #tpu.pack_format<interleaved>} : vector<32xbf16> -> vector<16xf32>
        %add3A_534 = arith.addf %unpack3A_532, %unpack3A_533 : vector<16xf32>
        %swap3A_535 = arith.constant 2 : i32
        %swap3A_536 = arith.index_cast %swap3A_535 : i32 to index
        %swap3A_537 = arith.constant 0 : index
        %swap3A_538 = tpu.vector_load %arg16[%swap3A_536, %swap3A_537] {strides = array<i32>} : memref<16x17xf32, #tpu.memory_space<vmem>>, vector<16xf32>,
        tpu.vector_store %arg16[%swap3A_536, %swap3A_537], %add3A_534 {strides = array<i32>} : memref<16x17xf32, #tpu.memory_space<vmem>>, vector<16xf32>,
        %add3A_539 = arith.constant 3 : i32
        %add3A_540 = arith.addi %mul3A_398, %add3A_539 : i32
        %get3A_541 = arith.index_cast %add3A_540 : i32 to index
        %get3A_542 = arith.constant 0 : index
        %get3A_543 = tpu.vector_load %arg12[%get3A_541, %get3A_542] {strides = array<i32>} : memref<400x64xi32, #tpu.memory_space<vmem>>, vector<16xi32>,
        %bitcast3A_544 = vector.bitcast %get3A_543 : vector<16xi32> to vector<32xbf16>
        %get3A_545 = arith.index_cast %add3A_540 : i32 to index
        %get3A_546 = arith.constant 0 : index
        %get3A_547 = tpu.vector_load %arg13[%get3A_545, %get3A_546] {strides = array<i32>} : memref<400x64xi32, #tpu.memory_space<vmem>>, vector<16xi32>,
        %bitcast3A_548 = vector.bitcast %get3A_547 : vector<16xi32> to vector<32xbf16>
        %mul3A_549 = arith.mulf %bitcast3A_544, %bitcast3A_548 : vector<32xbf16>
        %get3A_550 = arith.index_cast %add3A_540 : i32 to index
        %get3A_551 = arith.constant 16 : index
        %get3A_552 = tpu.vector_load %arg12[%get3A_550, %get3A_551] {strides = array<i32>} : memref<400x64xi32, #tpu.memory_space<vmem>>, vector<16xi32>,
        %bitcast3A_553 = vector.bitcast %get3A_552 : vector<16xi32> to vector<32xbf16>
        %get3A_554 = arith.index_cast %add3A_540 : i32 to index
        %get3A_555 = arith.constant 16 : index
        %get3A_556 = tpu.vector_load %arg13[%get3A_554, %get3A_555] {strides = array<i32>} : memref<400x64xi32, #tpu.memory_space<vmem>>, vector<16xi32>,
        %bitcast3A_557 = vector.bitcast %get3A_556 : vector<16xi32> to vector<32xbf16>
        %mul3A_558 = arith.mulf %bitcast3A_553, %bitcast3A_557 : vector<32xbf16>
        %get3A_559 = arith.index_cast %add3A_540 : i32 to index
        %get3A_560 = arith.constant 32 : index
        %get3A_561 = tpu.vector_load %arg12[%get3A_559, %get3A_560] {strides = array<i32>} : memref<400x64xi32, #tpu.memory_space<vmem>>, vector<16xi32>,
        %bitcast3A_562 = vector.bitcast %get3A_561 : vector<16xi32> to vector<32xbf16>
        %get3A_563 = arith.index_cast %add3A_540 : i32 to index
        %get3A_564 = arith.constant 32 : index
        %get3A_565 = tpu.vector_load %arg13[%get3A_563, %get3A_564] {strides = array<i32>} : memref<400x64xi32, #tpu.memory_space<vmem>>, vector<16xi32>,
        %bitcast3A_566 = vector.bitcast %get3A_565 : vector<16xi32> to vector<32xbf16>
        %mul3A_567 = arith.mulf %bitcast3A_562, %bitcast3A_566 : vector<32xbf16>
        %get3A_568 = arith.index_cast %add3A_540 : i32 to index
        %get3A_569 = arith.constant 48 : index
        %get3A_570 = tpu.vector_load %arg12[%get3A_568, %get3A_569] {strides = array<i32>} : memref<400x64xi32, #tpu.memory_space<vmem>>, vector<16xi32>,
        %bitcast3A_571 = vector.bitcast %get3A_570 : vector<16xi32> to vector<32xbf16>
        %get3A_572 = arith.index_cast %add3A_540 : i32 to index
        %get3A_573 = arith.constant 48 : index
        %get3A_574 = tpu.vector_load %arg13[%get3A_572, %get3A_573] {strides = array<i32>} : memref<400x64xi32, #tpu.memory_space<vmem>>, vector<16xi32>,
        %bitcast3A_575 = vector.bitcast %get3A_574 : vector<16xi32> to vector<32xbf16>
        %mul3A_576 = arith.mulf %bitcast3A_571, %bitcast3A_575 : vector<32xbf16>
        %add3A_577 = arith.addf %mul3A_549, %mul3A_558 : vector<32xbf16>
        %add3A_578 = arith.addf %mul3A_567, %mul3A_576 : vector<32xbf16>
        %add3A_579 = arith.addf %add3A_577, %add3A_578 : vector<32xbf16>
        %unpack3A_580 = tpu.unpack_subelements %add3A_579, 0 {pack_format = #tpu.pack_format<interleaved>} : vector<32xbf16> -> vector<16xf32>
        %unpack3A_581 = tpu.unpack_subelements %add3A_579, 1 {pack_format = #tpu.pack_format<interleaved>} : vector<32xbf16> -> vector<16xf32>
        %add3A_582 = arith.addf %unpack3A_580, %unpack3A_581 : vector<16xf32>
        %swap3A_583 = arith.constant 3 : i32
        %swap3A_584 = arith.index_cast %swap3A_583 : i32 to index
        %swap3A_585 = arith.constant 0 : index
        %swap3A_586 = tpu.vector_load %arg16[%swap3A_584, %swap3A_585] {strides = array<i32>} : memref<16x17xf32, #tpu.memory_space<vmem>>, vector<16xf32>,
        tpu.vector_store %arg16[%swap3A_584, %swap3A_585], %add3A_582 {strides = array<i32>} : memref<16x17xf32, #tpu.memory_space<vmem>>, vector<16xf32>,
        %add3A_587 = arith.constant 4 : i32
        %add3A_588 = arith.addi %mul3A_398, %add3A_587 : i32
        %get3A_589 = arith.index_cast %add3A_588 : i32 to index
        %get3A_590 = arith.constant 0 : index
        %get3A_591 = tpu.vector_load %arg12[%get3A_589, %get3A_590] {strides = array<i32>} : memref<400x64xi32, #tpu.memory_space<vmem>>, vector<16xi32>,
        %bitcast3A_592 = vector.bitcast %get3A_591 : vector<16xi32> to vector<32xbf16>
        %get3A_593 = arith.index_cast %add3A_588 : i32 to index
        %get3A_594 = arith.constant 0 : index
        %get3A_595 = tpu.vector_load %arg13[%get3A_593, %get3A_594] {strides = array<i32>} : memref<400x64xi32, #tpu.memory_space<vmem>>, vector<16xi32>,
        %bitcast3A_596 = vector.bitcast %get3A_595 : vector<16xi32> to vector<32xbf16>
        %mul3A_597 = arith.mulf %bitcast3A_592, %bitcast3A_596 : vector<32xbf16>
        %get3A_598 = arith.index_cast %add3A_588 : i32 to index
        %get3A_599 = arith.constant 16 : index
        %get3A_600 = tpu.vector_load %arg12[%get3A_598, %get3A_599] {strides = array<i32>} : memref<400x64xi32, #tpu.memory_space<vmem>>, vector<16xi32>,
        %bitcast3A_601 = vector.bitcast %get3A_600 : vector<16xi32> to vector<32xbf16>
        %get3A_602 = arith.index_cast %add3A_588 : i32 to index
        %get3A_603 = arith.constant 16 : index
        %get3A_604 = tpu.vector_load %arg13[%get3A_602, %get3A_603] {strides = array<i32>} : memref<400x64xi32, #tpu.memory_space<vmem>>, vector<16xi32>,
        %bitcast3A_605 = vector.bitcast %get3A_604 : vector<16xi32> to vector<32xbf16>
        %mul3A_606 = arith.mulf %bitcast3A_601, %bitcast3A_605 : vector<32xbf16>
        %get3A_607 = arith.index_cast %add3A_588 : i32 to index
        %get3A_608 = arith.constant 32 : index
        %get3A_609 = tpu.vector_load %arg12[%get3A_607, %get3A_608] {strides = array<i32>} : memref<400x64xi32, #tpu.memory_space<vmem>>, vector<16xi32>,
        %bitcast3A_610 = vector.bitcast %get3A_609 : vector<16xi32> to vector<32xbf16>
        %get3A_611 = arith.index_cast %add3A_588 : i32 to index
        %get3A_612 = arith.constant 32 : index
        %get3A_613 = tpu.vector_load %arg13[%get3A_611, %get3A_612] {strides = array<i32>} : memref<400x64xi32, #tpu.memory_space<vmem>>, vector<16xi32>,
        %bitcast3A_614 = vector.bitcast %get3A_613 : vector<16xi32> to vector<32xbf16>
        %mul3A_615 = arith.mulf %bitcast3A_610, %bitcast3A_614 : vector<32xbf16>
        %get3A_616 = arith.index_cast %add3A_588 : i32 to index
        %get3A_617 = arith.constant 48 : index
        %get3A_618 = tpu.vector_load %arg12[%get3A_616, %get3A_617] {strides = array<i32>} : memref<400x64xi32, #tpu.memory_space<vmem>>, vector<16xi32>,
        %bitcast3A_619 = vector.bitcast %get3A_618 : vector<16xi32> to vector<32xbf16>
        %get3A_620 = arith.index_cast %add3A_588 : i32 to index
        %get3A_621 = arith.constant 48 : index
        %get3A_622 = tpu.vector_load %arg13[%get3A_620, %get3A_621] {strides = array<i32>} : memref<400x64xi32, #tpu.memory_space<vmem>>, vector<16xi32>,
        %bitcast3A_623 = vector.bitcast %get3A_622 : vector<16xi32> to vector<32xbf16>
        %mul3A_624 = arith.mulf %bitcast3A_619, %bitcast3A_623 : vector<32xbf16>
        %add3A_625 = arith.addf %mul3A_597, %mul3A_606 : vector<32xbf16>
        %add3A_626 = arith.addf %mul3A_615, %mul3A_624 : vector<32xbf16>
        %add3A_627 = arith.addf %add3A_625, %add3A_626 : vector<32xbf16>
        %unpack3A_628 = tpu.unpack_subelements %add3A_627, 0 {pack_format = #tpu.pack_format<interleaved>} : vector<32xbf16> -> vector<16xf32>
        %unpack3A_629 = tpu.unpack_subelements %add3A_627, 1 {pack_format = #tpu.pack_format<interleaved>} : vector<32xbf16> -> vector<16xf32>
        %add3A_630 = arith.addf %unpack3A_628, %unpack3A_629 : vector<16xf32>
        %swap3A_631 = arith.constant 4 : i32
        %swap3A_632 = arith.index_cast %swap3A_631 : i32 to index
        %swap3A_633 = arith.constant 0 : index
        %swap3A_634 = tpu.vector_load %arg16[%swap3A_632, %swap3A_633] {strides = array<i32>} : memref<16x17xf32, #tpu.memory_space<vmem>>, vector<16xf32>,
        tpu.vector_store %arg16[%swap3A_632, %swap3A_633], %add3A_630 {strides = array<i32>} : memref<16x17xf32, #tpu.memory_space<vmem>>, vector<16xf32>,
        %add3A_635 = arith.constant 5 : i32
        %add3A_636 = arith.addi %mul3A_398, %add3A_635 : i32
        %get3A_637 = arith.index_cast %add3A_636 : i32 to index
        %get3A_638 = arith.constant 0 : index
        %get3A_639 = tpu.vector_load %arg12[%get3A_637, %get3A_638] {strides = array<i32>} : memref<400x64xi32, #tpu.memory_space<vmem>>, vector<16xi32>,
        %bitcast3A_640 = vector.bitcast %get3A_639 : vector<16xi32> to vector<32xbf16>
        %get3A_641 = arith.index_cast %add3A_636 : i32 to index
        %get3A_642 = arith.constant 0 : index
        %get3A_643 = tpu.vector_load %arg13[%get3A_641, %get3A_642] {strides = array<i32>} : memref<400x64xi32, #tpu.memory_space<vmem>>, vector<16xi32>,
        %bitcast3A_644 = vector.bitcast %get3A_643 : vector<16xi32> to vector<32xbf16>
        %mul3A_645 = arith.mulf %bitcast3A_640, %bitcast3A_644 : vector<32xbf16>
        %get3A_646 = arith.index_cast %add3A_636 : i32 to index
        %get3A_647 = arith.constant 16 : index
        %get3A_648 = tpu.vector_load %arg12[%get3A_646, %get3A_647] {strides = array<i32>} : memref<400x64xi32, #tpu.memory_space<vmem>>, vector<16xi32>,
        %bitcast3A_649 = vector.bitcast %get3A_648 : vector<16xi32> to vector<32xbf16>
        %get3A_650 = arith.index_cast %add3A_636 : i32 to index
        %get3A_651 = arith.constant 16 : index
        %get3A_652 = tpu.vector_load %arg13[%get3A_650, %get3A_651] {strides = array<i32>} : memref<400x64xi32, #tpu.memory_space<vmem>>, vector<16xi32>,
        %bitcast3A_653 = vector.bitcast %get3A_652 : vector<16xi32> to vector<32xbf16>
        %mul3A_654 = arith.mulf %bitcast3A_649, %bitcast3A_653 : vector<32xbf16>
        %get3A_655 = arith.index_cast %add3A_636 : i32 to index
        %get3A_656 = arith.constant 32 : index
        %get3A_657 = tpu.vector_load %arg12[%get3A_655, %get3A_656] {strides = array<i32>} : memref<400x64xi32, #tpu.memory_space<vmem>>, vector<16xi32>,
        %bitcast3A_658 = vector.bitcast %get3A_657 : vector<16xi32> to vector<32xbf16>
        %get3A_659 = arith.index_cast %add3A_636 : i32 to index
        %get3A_660 = arith.constant 32 : index
        %get3A_661 = tpu.vector_load %arg13[%get3A_659, %get3A_660] {strides = array<i32>} : memref<400x64xi32, #tpu.memory_space<vmem>>, vector<16xi32>,
        %bitcast3A_662 = vector.bitcast %get3A_661 : vector<16xi32> to vector<32xbf16>
        %mul3A_663 = arith.mulf %bitcast3A_658, %bitcast3A_662 : vector<32xbf16>
        %get3A_664 = arith.index_cast %add3A_636 : i32 to index
        %get3A_665 = arith.constant 48 : index
        %get3A_666 = tpu.vector_load %arg12[%get3A_664, %get3A_665] {strides = array<i32>} : memref<400x64xi32, #tpu.memory_space<vmem>>, vector<16xi32>,
        %bitcast3A_667 = vector.bitcast %get3A_666 : vector<16xi32> to vector<32xbf16>
        %get3A_668 = arith.index_cast %add3A_636 : i32 to index
        %get3A_669 = arith.constant 48 : index
        %get3A_670 = tpu.vector_load %arg13[%get3A_668, %get3A_669] {strides = array<i32>} : memref<400x64xi32, #tpu.memory_space<vmem>>, vector<16xi32>,
        %bitcast3A_671 = vector.bitcast %get3A_670 : vector<16xi32> to vector<32xbf16>
        %mul3A_672 = arith.mulf %bitcast3A_667, %bitcast3A_671 : vector<32xbf16>
        %add3A_673 = arith.addf %mul3A_645, %mul3A_654 : vector<32xbf16>
        %add3A_674 = arith.addf %mul3A_663, %mul3A_672 : vector<32xbf16>
        %add3A_675 = arith.addf %add3A_673, %add3A_674 : vector<32xbf16>
        %unpack3A_676 = tpu.unpack_subelements %add3A_675, 0 {pack_format = #tpu.pack_format<interleaved>} : vector<32xbf16> -> vector<16xf32>
        %unpack3A_677 = tpu.unpack_subelements %add3A_675, 1 {pack_format = #tpu.pack_format<interleaved>} : vector<32xbf16> -> vector<16xf32>
        %add3A_678 = arith.addf %unpack3A_676, %unpack3A_677 : vector<16xf32>
        %swap3A_679 = arith.constant 5 : i32
        %swap3A_680 = arith.index_cast %swap3A_679 : i32 to index
        %swap3A_681 = arith.constant 0 : index
        %swap3A_682 = tpu.vector_load %arg16[%swap3A_680, %swap3A_681] {strides = array<i32>} : memref<16x17xf32, #tpu.memory_space<vmem>>, vector<16xf32>,
        tpu.vector_store %arg16[%swap3A_680, %swap3A_681], %add3A_678 {strides = array<i32>} : memref<16x17xf32, #tpu.memory_space<vmem>>, vector<16xf32>,
        %add3A_683 = arith.constant 6 : i32
        %add3A_684 = arith.addi %mul3A_398, %add3A_683 : i32
        %get3A_685 = arith.index_cast %add3A_684 : i32 to index
        %get3A_686 = arith.constant 0 : index
        %get3A_687 = tpu.vector_load %arg12[%get3A_685, %get3A_686] {strides = array<i32>} : memref<400x64xi32, #tpu.memory_space<vmem>>, vector<16xi32>,
        %bitcast3A_688 = vector.bitcast %get3A_687 : vector<16xi32> to vector<32xbf16>
        %get3A_689 = arith.index_cast %add3A_684 : i32 to index
        %get3A_690 = arith.constant 0 : index
        %get3A_691 = tpu.vector_load %arg13[%get3A_689, %get3A_690] {strides = array<i32>} : memref<400x64xi32, #tpu.memory_space<vmem>>, vector<16xi32>,
        %bitcast3A_692 = vector.bitcast %get3A_691 : vector<16xi32> to vector<32xbf16>
        %mul3A_693 = arith.mulf %bitcast3A_688, %bitcast3A_692 : vector<32xbf16>
        %get3A_694 = arith.index_cast %add3A_684 : i32 to index
        %get3A_695 = arith.constant 16 : index
        %get3A_696 = tpu.vector_load %arg12[%get3A_694, %get3A_695] {strides = array<i32>} : memref<400x64xi32, #tpu.memory_space<vmem>>, vector<16xi32>,
        %bitcast3A_697 = vector.bitcast %get3A_696 : vector<16xi32> to vector<32xbf16>
        %get3A_698 = arith.index_cast %add3A_684 : i32 to index
        %get3A_699 = arith.constant 16 : index
        %get3A_700 = tpu.vector_load %arg13[%get3A_698, %get3A_699] {strides = array<i32>} : memref<400x64xi32, #tpu.memory_space<vmem>>, vector<16xi32>,
        %bitcast3A_701 = vector.bitcast %get3A_700 : vector<16xi32> to vector<32xbf16>
        %mul3A_702 = arith.mulf %bitcast3A_697, %bitcast3A_701 : vector<32xbf16>
        %get3A_703 = arith.index_cast %add3A_684 : i32 to index
        %get3A_704 = arith.constant 32 : index
        %get3A_705 = tpu.vector_load %arg12[%get3A_703, %get3A_704] {strides = array<i32>} : memref<400x64xi32, #tpu.memory_space<vmem>>, vector<16xi32>,
        %bitcast3A_706 = vector.bitcast %get3A_705 : vector<16xi32> to vector<32xbf16>
        %get3A_707 = arith.index_cast %add3A_684 : i32 to index
        %get3A_708 = arith.constant 32 : index
        %get3A_709 = tpu.vector_load %arg13[%get3A_707, %get3A_708] {strides = array<i32>} : memref<400x64xi32, #tpu.memory_space<vmem>>, vector<16xi32>,
        %bitcast3A_710 = vector.bitcast %get3A_709 : vector<16xi32> to vector<32xbf16>
        %mul3A_711 = arith.mulf %bitcast3A_706, %bitcast3A_710 : vector<32xbf16>
        %get3A_712 = arith.index_cast %add3A_684 : i32 to index
        %get3A_713 = arith.constant 48 : index
        %get3A_714 = tpu.vector_load %arg12[%get3A_712, %get3A_713] {strides = array<i32>} : memref<400x64xi32, #tpu.memory_space<vmem>>, vector<16xi32>,
        %bitcast3A_715 = vector.bitcast %get3A_714 : vector<16xi32> to vector<32xbf16>
        %get3A_716 = arith.index_cast %add3A_684 : i32 to index
        %get3A_717 = arith.constant 48 : index
        %get3A_718 = tpu.vector_load %arg13[%get3A_716, %get3A_717] {strides = array<i32>} : memref<400x64xi32, #tpu.memory_space<vmem>>, vector<16xi32>,
        %bitcast3A_719 = vector.bitcast %get3A_718 : vector<16xi32> to vector<32xbf16>
        %mul3A_720 = arith.mulf %bitcast3A_715, %bitcast3A_719 : vector<32xbf16>
        %add3A_721 = arith.addf %mul3A_693, %mul3A_702 : vector<32xbf16>
        %add3A_722 = arith.addf %mul3A_711, %mul3A_720 : vector<32xbf16>
        %add3A_723 = arith.addf %add3A_721, %add3A_722 : vector<32xbf16>
        %unpack3A_724 = tpu.unpack_subelements %add3A_723, 0 {pack_format = #tpu.pack_format<interleaved>} : vector<32xbf16> -> vector<16xf32>
        %unpack3A_725 = tpu.unpack_subelements %add3A_723, 1 {pack_format = #tpu.pack_format<interleaved>} : vector<32xbf16> -> vector<16xf32>
        %add3A_726 = arith.addf %unpack3A_724, %unpack3A_725 : vector<16xf32>
        %swap3A_727 = arith.constant 6 : i32
        %swap3A_728 = arith.index_cast %swap3A_727 : i32 to index
        %swap3A_729 = arith.constant 0 : index
        %swap3A_730 = tpu.vector_load %arg16[%swap3A_728, %swap3A_729] {strides = array<i32>} : memref<16x17xf32, #tpu.memory_space<vmem>>, vector<16xf32>,
        tpu.vector_store %arg16[%swap3A_728, %swap3A_729], %add3A_726 {strides = array<i32>} : memref<16x17xf32, #tpu.memory_space<vmem>>, vector<16xf32>,
        %add3A_731 = arith.constant 7 : i32
        %add3A_732 = arith.addi %mul3A_398, %add3A_731 : i32
        %get3A_733 = arith.index_cast %add3A_732 : i32 to index
        %get3A_734 = arith.constant 0 : index
        %get3A_735 = tpu.vector_load %arg12[%get3A_733, %get3A_734] {strides = array<i32>} : memref<400x64xi32, #tpu.memory_space<vmem>>, vector<16xi32>,
        %bitcast3A_736 = vector.bitcast %get3A_735 : vector<16xi32> to vector<32xbf16>
        %get3A_737 = arith.index_cast %add3A_732 : i32 to index
        %get3A_738 = arith.constant 0 : index
        %get3A_739 = tpu.vector_load %arg13[%get3A_737, %get3A_738] {strides = array<i32>} : memref<400x64xi32, #tpu.memory_space<vmem>>, vector<16xi32>,
        %bitcast3A_740 = vector.bitcast %get3A_739 : vector<16xi32> to vector<32xbf16>
        %mul3A_741 = arith.mulf %bitcast3A_736, %bitcast3A_740 : vector<32xbf16>
        %get3A_742 = arith.index_cast %add3A_732 : i32 to index
        %get3A_743 = arith.constant 16 : index
        %get3A_744 = tpu.vector_load %arg12[%get3A_742, %get3A_743] {strides = array<i32>} : memref<400x64xi32, #tpu.memory_space<vmem>>, vector<16xi32>,
        %bitcast3A_745 = vector.bitcast %get3A_744 : vector<16xi32> to vector<32xbf16>
        %get3A_746 = arith.index_cast %add3A_732 : i32 to index
        %get3A_747 = arith.constant 16 : index
        %get3A_748 = tpu.vector_load %arg13[%get3A_746, %get3A_747] {strides = array<i32>} : memref<400x64xi32, #tpu.memory_space<vmem>>, vector<16xi32>,
        %bitcast3A_749 = vector.bitcast %get3A_748 : vector<16xi32> to vector<32xbf16>
        %mul3A_750 = arith.mulf %bitcast3A_745, %bitcast3A_749 : vector<32xbf16>
        %get3A_751 = arith.index_cast %add3A_732 : i32 to index
        %get3A_752 = arith.constant 32 : index
        %get3A_753 = tpu.vector_load %arg12[%get3A_751, %get3A_752] {strides = array<i32>} : memref<400x64xi32, #tpu.memory_space<vmem>>, vector<16xi32>,
        %bitcast3A_754 = vector.bitcast %get3A_753 : vector<16xi32> to vector<32xbf16>
        %get3A_755 = arith.index_cast %add3A_732 : i32 to index
        %get3A_756 = arith.constant 32 : index
        %get3A_757 = tpu.vector_load %arg13[%get3A_755, %get3A_756] {strides = array<i32>} : memref<400x64xi32, #tpu.memory_space<vmem>>, vector<16xi32>,
        %bitcast3A_758 = vector.bitcast %get3A_757 : vector<16xi32> to vector<32xbf16>
        %mul3A_759 = arith.mulf %bitcast3A_754, %bitcast3A_758 : vector<32xbf16>
        %get3A_760 = arith.index_cast %add3A_732 : i32 to index
        %get3A_761 = arith.constant 48 : index
        %get3A_762 = tpu.vector_load %arg12[%get3A_760, %get3A_761] {strides = array<i32>} : memref<400x64xi32, #tpu.memory_space<vmem>>, vector<16xi32>,
        %bitcast3A_763 = vector.bitcast %get3A_762 : vector<16xi32> to vector<32xbf16>
        %get3A_764 = arith.index_cast %add3A_732 : i32 to index
        %get3A_765 = arith.constant 48 : index
        %get3A_766 = tpu.vector_load %arg13[%get3A_764, %get3A_765] {strides = array<i32>} : memref<400x64xi32, #tpu.memory_space<vmem>>, vector<16xi32>,
        %bitcast3A_767 = vector.bitcast %get3A_766 : vector<16xi32> to vector<32xbf16>
        %mul3A_768 = arith.mulf %bitcast3A_763, %bitcast3A_767 : vector<32xbf16>
        %add3A_769 = arith.addf %mul3A_741, %mul3A_750 : vector<32xbf16>
        %add3A_770 = arith.addf %mul3A_759, %mul3A_768 : vector<32xbf16>
        %add3A_771 = arith.addf %add3A_769, %add3A_770 : vector<32xbf16>
        %unpack3A_772 = tpu.unpack_subelements %add3A_771, 0 {pack_format = #tpu.pack_format<interleaved>} : vector<32xbf16> -> vector<16xf32>
        %unpack3A_773 = tpu.unpack_subelements %add3A_771, 1 {pack_format = #tpu.pack_format<interleaved>} : vector<32xbf16> -> vector<16xf32>
        %add3A_774 = arith.addf %unpack3A_772, %unpack3A_773 : vector<16xf32>
        %swap3A_775 = arith.constant 7 : i32
        %swap3A_776 = arith.index_cast %swap3A_775 : i32 to index
        %swap3A_777 = arith.constant 0 : index
        %swap3A_778 = tpu.vector_load %arg16[%swap3A_776, %swap3A_777] {strides = array<i32>} : memref<16x17xf32, #tpu.memory_space<vmem>>, vector<16xf32>,
        tpu.vector_store %arg16[%swap3A_776, %swap3A_777], %add3A_774 {strides = array<i32>} : memref<16x17xf32, #tpu.memory_space<vmem>>, vector<16xf32>,
        %add3A_779 = arith.constant 8 : i32
        %add3A_780 = arith.addi %mul3A_398, %add3A_779 : i32
        %get3A_781 = arith.index_cast %add3A_780 : i32 to index
        %get3A_782 = arith.constant 0 : index
        %get3A_783 = tpu.vector_load %arg12[%get3A_781, %get3A_782] {strides = array<i32>} : memref<400x64xi32, #tpu.memory_space<vmem>>, vector<16xi32>,
        %bitcast3A_784 = vector.bitcast %get3A_783 : vector<16xi32> to vector<32xbf16>
        %get3A_785 = arith.index_cast %add3A_780 : i32 to index
        %get3A_786 = arith.constant 0 : index
        %get3A_787 = tpu.vector_load %arg13[%get3A_785, %get3A_786] {strides = array<i32>} : memref<400x64xi32, #tpu.memory_space<vmem>>, vector<16xi32>,
        %bitcast3A_788 = vector.bitcast %get3A_787 : vector<16xi32> to vector<32xbf16>
        %mul3A_789 = arith.mulf %bitcast3A_784, %bitcast3A_788 : vector<32xbf16>
        %get3A_790 = arith.index_cast %add3A_780 : i32 to index
        %get3A_791 = arith.constant 16 : index
        %get3A_792 = tpu.vector_load %arg12[%get3A_790, %get3A_791] {strides = array<i32>} : memref<400x64xi32, #tpu.memory_space<vmem>>, vector<16xi32>,
        %bitcast3A_793 = vector.bitcast %get3A_792 : vector<16xi32> to vector<32xbf16>
        %get3A_794 = arith.index_cast %add3A_780 : i32 to index
        %get3A_795 = arith.constant 16 : index
        %get3A_796 = tpu.vector_load %arg13[%get3A_794, %get3A_795] {strides = array<i32>} : memref<400x64xi32, #tpu.memory_space<vmem>>, vector<16xi32>,
        %bitcast3A_797 = vector.bitcast %get3A_796 : vector<16xi32> to vector<32xbf16>
        %mul3A_798 = arith.mulf %bitcast3A_793, %bitcast3A_797 : vector<32xbf16>
        %get3A_799 = arith.index_cast %add3A_780 : i32 to index
        %get3A_800 = arith.constant 32 : index
        %get3A_801 = tpu.vector_load %arg12[%get3A_799, %get3A_800] {strides = array<i32>} : memref<400x64xi32, #tpu.memory_space<vmem>>, vector<16xi32>,
        %bitcast3A_802 = vector.bitcast %get3A_801 : vector<16xi32> to vector<32xbf16>
        %get3A_803 = arith.index_cast %add3A_780 : i32 to index
        %get3A_804 = arith.constant 32 : index
        %get3A_805 = tpu.vector_load %arg13[%get3A_803, %get3A_804] {strides = array<i32>} : memref<400x64xi32, #tpu.memory_space<vmem>>, vector<16xi32>,
        %bitcast3A_806 = vector.bitcast %get3A_805 : vector<16xi32> to vector<32xbf16>
        %mul3A_807 = arith.mulf %bitcast3A_802, %bitcast3A_806 : vector<32xbf16>
        %get3A_808 = arith.index_cast %add3A_780 : i32 to index
        %get3A_809 = arith.constant 48 : index
        %get3A_810 = tpu.vector_load %arg12[%get3A_808, %get3A_809] {strides = array<i32>} : memref<400x64xi32, #tpu.memory_space<vmem>>, vector<16xi32>,
        %bitcast3A_811 = vector.bitcast %get3A_810 : vector<16xi32> to vector<32xbf16>
        %get3A_812 = arith.index_cast %add3A_780 : i32 to index
        %get3A_813 = arith.constant 48 : index
        %get3A_814 = tpu.vector_load %arg13[%get3A_812, %get3A_813] {strides = array<i32>} : memref<400x64xi32, #tpu.memory_space<vmem>>, vector<16xi32>,
        %bitcast3A_815 = vector.bitcast %get3A_814 : vector<16xi32> to vector<32xbf16>
        %mul3A_816 = arith.mulf %bitcast3A_811, %bitcast3A_815 : vector<32xbf16>
        %add3A_817 = arith.addf %mul3A_789, %mul3A_798 : vector<32xbf16>
        %add3A_818 = arith.addf %mul3A_807, %mul3A_816 : vector<32xbf16>
        %add3A_819 = arith.addf %add3A_817, %add3A_818 : vector<32xbf16>
        %unpack3A_820 = tpu.unpack_subelements %add3A_819, 0 {pack_format = #tpu.pack_format<interleaved>} : vector<32xbf16> -> vector<16xf32>
        %unpack3A_821 = tpu.unpack_subelements %add3A_819, 1 {pack_format = #tpu.pack_format<interleaved>} : vector<32xbf16> -> vector<16xf32>
        %add3A_822 = arith.addf %unpack3A_820, %unpack3A_821 : vector<16xf32>
        %swap3A_823 = arith.constant 8 : i32
        %swap3A_824 = arith.index_cast %swap3A_823 : i32 to index
        %swap3A_825 = arith.constant 0 : index
        %swap3A_826 = tpu.vector_load %arg16[%swap3A_824, %swap3A_825] {strides = array<i32>} : memref<16x17xf32, #tpu.memory_space<vmem>>, vector<16xf32>,
        tpu.vector_store %arg16[%swap3A_824, %swap3A_825], %add3A_822 {strides = array<i32>} : memref<16x17xf32, #tpu.memory_space<vmem>>, vector<16xf32>,
        %add3A_827 = arith.constant 9 : i32
        %add3A_828 = arith.addi %mul3A_398, %add3A_827 : i32
        %get3A_829 = arith.index_cast %add3A_828 : i32 to index
        %get3A_830 = arith.constant 0 : index
        %get3A_831 = tpu.vector_load %arg12[%get3A_829, %get3A_830] {strides = array<i32>} : memref<400x64xi32, #tpu.memory_space<vmem>>, vector<16xi32>,
        %bitcast3A_832 = vector.bitcast %get3A_831 : vector<16xi32> to vector<32xbf16>
        %get3A_833 = arith.index_cast %add3A_828 : i32 to index
        %get3A_834 = arith.constant 0 : index
        %get3A_835 = tpu.vector_load %arg13[%get3A_833, %get3A_834] {strides = array<i32>} : memref<400x64xi32, #tpu.memory_space<vmem>>, vector<16xi32>,
        %bitcast3A_836 = vector.bitcast %get3A_835 : vector<16xi32> to vector<32xbf16>
        %mul3A_837 = arith.mulf %bitcast3A_832, %bitcast3A_836 : vector<32xbf16>
        %get3A_838 = arith.index_cast %add3A_828 : i32 to index
        %get3A_839 = arith.constant 16 : index
        %get3A_840 = tpu.vector_load %arg12[%get3A_838, %get3A_839] {strides = array<i32>} : memref<400x64xi32, #tpu.memory_space<vmem>>, vector<16xi32>,
        %bitcast3A_841 = vector.bitcast %get3A_840 : vector<16xi32> to vector<32xbf16>
        %get3A_842 = arith.index_cast %add3A_828 : i32 to index
        %get3A_843 = arith.constant 16 : index
        %get3A_844 = tpu.vector_load %arg13[%get3A_842, %get3A_843] {strides = array<i32>} : memref<400x64xi32, #tpu.memory_space<vmem>>, vector<16xi32>,
        %bitcast3A_845 = vector.bitcast %get3A_844 : vector<16xi32> to vector<32xbf16>
        %mul3A_846 = arith.mulf %bitcast3A_841, %bitcast3A_845 : vector<32xbf16>
        %get3A_847 = arith.index_cast %add3A_828 : i32 to index
        %get3A_848 = arith.constant 32 : index
        %get3A_849 = tpu.vector_load %arg12[%get3A_847, %get3A_848] {strides = array<i32>} : memref<400x64xi32, #tpu.memory_space<vmem>>, vector<16xi32>,
        %bitcast3A_850 = vector.bitcast %get3A_849 : vector<16xi32> to vector<32xbf16>
        %get3A_851 = arith.index_cast %add3A_828 : i32 to index
        %get3A_852 = arith.constant 32 : index
        %get3A_853 = tpu.vector_load %arg13[%get3A_851, %get3A_852] {strides = array<i32>} : memref<400x64xi32, #tpu.memory_space<vmem>>, vector<16xi32>,
        %bitcast3A_854 = vector.bitcast %get3A_853 : vector<16xi32> to vector<32xbf16>
        %mul3A_855 = arith.mulf %bitcast3A_850, %bitcast3A_854 : vector<32xbf16>
        %get3A_856 = arith.index_cast %add3A_828 : i32 to index
        %get3A_857 = arith.constant 48 : index
        %get3A_858 = tpu.vector_load %arg12[%get3A_856, %get3A_857] {strides = array<i32>} : memref<400x64xi32, #tpu.memory_space<vmem>>, vector<16xi32>,
        %bitcast3A_859 = vector.bitcast %get3A_858 : vector<16xi32> to vector<32xbf16>
        %get3A_860 = arith.index_cast %add3A_828 : i32 to index
        %get3A_861 = arith.constant 48 : index
        %get3A_862 = tpu.vector_load %arg13[%get3A_860, %get3A_861] {strides = array<i32>} : memref<400x64xi32, #tpu.memory_space<vmem>>, vector<16xi32>,
        %bitcast3A_863 = vector.bitcast %get3A_862 : vector<16xi32> to vector<32xbf16>
        %mul3A_864 = arith.mulf %bitcast3A_859, %bitcast3A_863 : vector<32xbf16>
        %add3A_865 = arith.addf %mul3A_837, %mul3A_846 : vector<32xbf16>
        %add3A_866 = arith.addf %mul3A_855, %mul3A_864 : vector<32xbf16>
        %add3A_867 = arith.addf %add3A_865, %add3A_866 : vector<32xbf16>
        %unpack3A_868 = tpu.unpack_subelements %add3A_867, 0 {pack_format = #tpu.pack_format<interleaved>} : vector<32xbf16> -> vector<16xf32>
        %unpack3A_869 = tpu.unpack_subelements %add3A_867, 1 {pack_format = #tpu.pack_format<interleaved>} : vector<32xbf16> -> vector<16xf32>
        %add3A_870 = arith.addf %unpack3A_868, %unpack3A_869 : vector<16xf32>
        %swap3A_871 = arith.constant 9 : i32
        %swap3A_872 = arith.index_cast %swap3A_871 : i32 to index
        %swap3A_873 = arith.constant 0 : index
        %swap3A_874 = tpu.vector_load %arg16[%swap3A_872, %swap3A_873] {strides = array<i32>} : memref<16x17xf32, #tpu.memory_space<vmem>>, vector<16xf32>,
        tpu.vector_store %arg16[%swap3A_872, %swap3A_873], %add3A_870 {strides = array<i32>} : memref<16x17xf32, #tpu.memory_space<vmem>>, vector<16xf32>,
        %add3A_875 = arith.constant 10 : i32
        %add3A_876 = arith.addi %mul3A_398, %add3A_875 : i32
        %get3A_877 = arith.index_cast %add3A_876 : i32 to index
        %get3A_878 = arith.constant 0 : index
        %get3A_879 = tpu.vector_load %arg12[%get3A_877, %get3A_878] {strides = array<i32>} : memref<400x64xi32, #tpu.memory_space<vmem>>, vector<16xi32>,
        %bitcast3A_880 = vector.bitcast %get3A_879 : vector<16xi32> to vector<32xbf16>
        %get3A_881 = arith.index_cast %add3A_876 : i32 to index
        %get3A_882 = arith.constant 0 : index
        %get3A_883 = tpu.vector_load %arg13[%get3A_881, %get3A_882] {strides = array<i32>} : memref<400x64xi32, #tpu.memory_space<vmem>>, vector<16xi32>,
        %bitcast3A_884 = vector.bitcast %get3A_883 : vector<16xi32> to vector<32xbf16>
        %mul3A_885 = arith.mulf %bitcast3A_880, %bitcast3A_884 : vector<32xbf16>
        %get3A_886 = arith.index_cast %add3A_876 : i32 to index
        %get3A_887 = arith.constant 16 : index
        %get3A_888 = tpu.vector_load %arg12[%get3A_886, %get3A_887] {strides = array<i32>} : memref<400x64xi32, #tpu.memory_space<vmem>>, vector<16xi32>,
        %bitcast3A_889 = vector.bitcast %get3A_888 : vector<16xi32> to vector<32xbf16>
        %get3A_890 = arith.index_cast %add3A_876 : i32 to index
        %get3A_891 = arith.constant 16 : index
        %get3A_892 = tpu.vector_load %arg13[%get3A_890, %get3A_891] {strides = array<i32>} : memref<400x64xi32, #tpu.memory_space<vmem>>, vector<16xi32>,
        %bitcast3A_893 = vector.bitcast %get3A_892 : vector<16xi32> to vector<32xbf16>
        %mul3A_894 = arith.mulf %bitcast3A_889, %bitcast3A_893 : vector<32xbf16>
        %get3A_895 = arith.index_cast %add3A_876 : i32 to index
        %get3A_896 = arith.constant 32 : index
        %get3A_897 = tpu.vector_load %arg12[%get3A_895, %get3A_896] {strides = array<i32>} : memref<400x64xi32, #tpu.memory_space<vmem>>, vector<16xi32>,
        %bitcast3A_898 = vector.bitcast %get3A_897 : vector<16xi32> to vector<32xbf16>
        %get3A_899 = arith.index_cast %add3A_876 : i32 to index
        %get3A_900 = arith.constant 32 : index
        %get3A_901 = tpu.vector_load %arg13[%get3A_899, %get3A_900] {strides = array<i32>} : memref<400x64xi32, #tpu.memory_space<vmem>>, vector<16xi32>,
        %bitcast3A_902 = vector.bitcast %get3A_901 : vector<16xi32> to vector<32xbf16>
        %mul3A_903 = arith.mulf %bitcast3A_898, %bitcast3A_902 : vector<32xbf16>
        %get3A_904 = arith.index_cast %add3A_876 : i32 to index
        %get3A_905 = arith.constant 48 : index
        %get3A_906 = tpu.vector_load %arg12[%get3A_904, %get3A_905] {strides = array<i32>} : memref<400x64xi32, #tpu.memory_space<vmem>>, vector<16xi32>,
        %bitcast3A_907 = vector.bitcast %get3A_906 : vector<16xi32> to vector<32xbf16>
        %get3A_908 = arith.index_cast %add3A_876 : i32 to index
        %get3A_909 = arith.constant 48 : index
        %get3A_910 = tpu.vector_load %arg13[%get3A_908, %get3A_909] {strides = array<i32>} : memref<400x64xi32, #tpu.memory_space<vmem>>, vector<16xi32>,
        %bitcast3A_911 = vector.bitcast %get3A_910 : vector<16xi32> to vector<32xbf16>
        %mul3A_912 = arith.mulf %bitcast3A_907, %bitcast3A_911 : vector<32xbf16>
        %add3A_913 = arith.addf %mul3A_885, %mul3A_894 : vector<32xbf16>
        %add3A_914 = arith.addf %mul3A_903, %mul3A_912 : vector<32xbf16>
        %add3A_915 = arith.addf %add3A_913, %add3A_914 : vector<32xbf16>
        %unpack3A_916 = tpu.unpack_subelements %add3A_915, 0 {pack_format = #tpu.pack_format<interleaved>} : vector<32xbf16> -> vector<16xf32>
        %unpack3A_917 = tpu.unpack_subelements %add3A_915, 1 {pack_format = #tpu.pack_format<interleaved>} : vector<32xbf16> -> vector<16xf32>
        %add3A_918 = arith.addf %unpack3A_916, %unpack3A_917 : vector<16xf32>
        %swap3A_919 = arith.constant 10 : i32
        %swap3A_920 = arith.index_cast %swap3A_919 : i32 to index
        %swap3A_921 = arith.constant 0 : index
        %swap3A_922 = tpu.vector_load %arg16[%swap3A_920, %swap3A_921] {strides = array<i32>} : memref<16x17xf32, #tpu.memory_space<vmem>>, vector<16xf32>,
        tpu.vector_store %arg16[%swap3A_920, %swap3A_921], %add3A_918 {strides = array<i32>} : memref<16x17xf32, #tpu.memory_space<vmem>>, vector<16xf32>,
        %add3A_923 = arith.constant 11 : i32
        %add3A_924 = arith.addi %mul3A_398, %add3A_923 : i32
        %get3A_925 = arith.index_cast %add3A_924 : i32 to index
        %get3A_926 = arith.constant 0 : index
        %get3A_927 = tpu.vector_load %arg12[%get3A_925, %get3A_926] {strides = array<i32>} : memref<400x64xi32, #tpu.memory_space<vmem>>, vector<16xi32>,
        %bitcast3A_928 = vector.bitcast %get3A_927 : vector<16xi32> to vector<32xbf16>
        %get3A_929 = arith.index_cast %add3A_924 : i32 to index
        %get3A_930 = arith.constant 0 : index
        %get3A_931 = tpu.vector_load %arg13[%get3A_929, %get3A_930] {strides = array<i32>} : memref<400x64xi32, #tpu.memory_space<vmem>>, vector<16xi32>,
        %bitcast3A_932 = vector.bitcast %get3A_931 : vector<16xi32> to vector<32xbf16>
        %mul3A_933 = arith.mulf %bitcast3A_928, %bitcast3A_932 : vector<32xbf16>
        %get3A_934 = arith.index_cast %add3A_924 : i32 to index
        %get3A_935 = arith.constant 16 : index
        %get3A_936 = tpu.vector_load %arg12[%get3A_934, %get3A_935] {strides = array<i32>} : memref<400x64xi32, #tpu.memory_space<vmem>>, vector<16xi32>,
        %bitcast3A_937 = vector.bitcast %get3A_936 : vector<16xi32> to vector<32xbf16>
        %get3A_938 = arith.index_cast %add3A_924 : i32 to index
        %get3A_939 = arith.constant 16 : index
        %get3A_940 = tpu.vector_load %arg13[%get3A_938, %get3A_939] {strides = array<i32>} : memref<400x64xi32, #tpu.memory_space<vmem>>, vector<16xi32>,
        %bitcast3A_941 = vector.bitcast %get3A_940 : vector<16xi32> to vector<32xbf16>
        %mul3A_942 = arith.mulf %bitcast3A_937, %bitcast3A_941 : vector<32xbf16>
        %get3A_943 = arith.index_cast %add3A_924 : i32 to index
        %get3A_944 = arith.constant 32 : index
        %get3A_945 = tpu.vector_load %arg12[%get3A_943, %get3A_944] {strides = array<i32>} : memref<400x64xi32, #tpu.memory_space<vmem>>, vector<16xi32>,
        %bitcast3A_946 = vector.bitcast %get3A_945 : vector<16xi32> to vector<32xbf16>
        %get3A_947 = arith.index_cast %add3A_924 : i32 to index
        %get3A_948 = arith.constant 32 : index
        %get3A_949 = tpu.vector_load %arg13[%get3A_947, %get3A_948] {strides = array<i32>} : memref<400x64xi32, #tpu.memory_space<vmem>>, vector<16xi32>,
        %bitcast3A_950 = vector.bitcast %get3A_949 : vector<16xi32> to vector<32xbf16>
        %mul3A_951 = arith.mulf %bitcast3A_946, %bitcast3A_950 : vector<32xbf16>
        %get3A_952 = arith.index_cast %add3A_924 : i32 to index
        %get3A_953 = arith.constant 48 : index
        %get3A_954 = tpu.vector_load %arg12[%get3A_952, %get3A_953] {strides = array<i32>} : memref<400x64xi32, #tpu.memory_space<vmem>>, vector<16xi32>,
        %bitcast3A_955 = vector.bitcast %get3A_954 : vector<16xi32> to vector<32xbf16>
        %get3A_956 = arith.index_cast %add3A_924 : i32 to index
        %get3A_957 = arith.constant 48 : index
        %get3A_958 = tpu.vector_load %arg13[%get3A_956, %get3A_957] {strides = array<i32>} : memref<400x64xi32, #tpu.memory_space<vmem>>, vector<16xi32>,
        %bitcast3A_959 = vector.bitcast %get3A_958 : vector<16xi32> to vector<32xbf16>
        %mul3A_960 = arith.mulf %bitcast3A_955, %bitcast3A_959 : vector<32xbf16>
        %add3A_961 = arith.addf %mul3A_933, %mul3A_942 : vector<32xbf16>
        %add3A_962 = arith.addf %mul3A_951, %mul3A_960 : vector<32xbf16>
        %add3A_963 = arith.addf %add3A_961, %add3A_962 : vector<32xbf16>
        %unpack3A_964 = tpu.unpack_subelements %add3A_963, 0 {pack_format = #tpu.pack_format<interleaved>} : vector<32xbf16> -> vector<16xf32>
        %unpack3A_965 = tpu.unpack_subelements %add3A_963, 1 {pack_format = #tpu.pack_format<interleaved>} : vector<32xbf16> -> vector<16xf32>
        %add3A_966 = arith.addf %unpack3A_964, %unpack3A_965 : vector<16xf32>
        %swap3A_967 = arith.constant 11 : i32
        %swap3A_968 = arith.index_cast %swap3A_967 : i32 to index
        %swap3A_969 = arith.constant 0 : index
        %swap3A_970 = tpu.vector_load %arg16[%swap3A_968, %swap3A_969] {strides = array<i32>} : memref<16x17xf32, #tpu.memory_space<vmem>>, vector<16xf32>,
        tpu.vector_store %arg16[%swap3A_968, %swap3A_969], %add3A_966 {strides = array<i32>} : memref<16x17xf32, #tpu.memory_space<vmem>>, vector<16xf32>,
        %add3A_971 = arith.constant 12 : i32
        %add3A_972 = arith.addi %mul3A_398, %add3A_971 : i32
        %get3A_973 = arith.index_cast %add3A_972 : i32 to index
        %get3A_974 = arith.constant 0 : index
        %get3A_975 = tpu.vector_load %arg12[%get3A_973, %get3A_974] {strides = array<i32>} : memref<400x64xi32, #tpu.memory_space<vmem>>, vector<16xi32>,
        %bitcast3A_976 = vector.bitcast %get3A_975 : vector<16xi32> to vector<32xbf16>
        %get3A_977 = arith.index_cast %add3A_972 : i32 to index
        %get3A_978 = arith.constant 0 : index
        %get3A_979 = tpu.vector_load %arg13[%get3A_977, %get3A_978] {strides = array<i32>} : memref<400x64xi32, #tpu.memory_space<vmem>>, vector<16xi32>,
        %bitcast3A_980 = vector.bitcast %get3A_979 : vector<16xi32> to vector<32xbf16>
        %mul3A_981 = arith.mulf %bitcast3A_976, %bitcast3A_980 : vector<32xbf16>
        %get3A_982 = arith.index_cast %add3A_972 : i32 to index
        %get3A_983 = arith.constant 16 : index
        %get3A_984 = tpu.vector_load %arg12[%get3A_982, %get3A_983] {strides = array<i32>} : memref<400x64xi32, #tpu.memory_space<vmem>>, vector<16xi32>,
        %bitcast3A_985 = vector.bitcast %get3A_984 : vector<16xi32> to vector<32xbf16>
        %get3A_986 = arith.index_cast %add3A_972 : i32 to index
        %get3A_987 = arith.constant 16 : index
        %get3A_988 = tpu.vector_load %arg13[%get3A_986, %get3A_987] {strides = array<i32>} : memref<400x64xi32, #tpu.memory_space<vmem>>, vector<16xi32>,
        %bitcast3A_989 = vector.bitcast %get3A_988 : vector<16xi32> to vector<32xbf16>
        %mul3A_990 = arith.mulf %bitcast3A_985, %bitcast3A_989 : vector<32xbf16>
        %get3A_991 = arith.index_cast %add3A_972 : i32 to index
        %get3A_992 = arith.constant 32 : index
        %get3A_993 = tpu.vector_load %arg12[%get3A_991, %get3A_992] {strides = array<i32>} : memref<400x64xi32, #tpu.memory_space<vmem>>, vector<16xi32>,
        %bitcast3A_994 = vector.bitcast %get3A_993 : vector<16xi32> to vector<32xbf16>
        %get3A_995 = arith.index_cast %add3A_972 : i32 to index
        %get3A_996 = arith.constant 32 : index
        %get3A_997 = tpu.vector_load %arg13[%get3A_995, %get3A_996] {strides = array<i32>} : memref<400x64xi32, #tpu.memory_space<vmem>>, vector<16xi32>,
        %bitcast3A_998 = vector.bitcast %get3A_997 : vector<16xi32> to vector<32xbf16>
        %mul3A_999 = arith.mulf %bitcast3A_994, %bitcast3A_998 : vector<32xbf16>
        %get3A_1000 = arith.index_cast %add3A_972 : i32 to index
        %get3A_1001 = arith.constant 48 : index
        %get3A_1002 = tpu.vector_load %arg12[%get3A_1000, %get3A_1001] {strides = array<i32>} : memref<400x64xi32, #tpu.memory_space<vmem>>, vector<16xi32>,
        %bitcast3A_1003 = vector.bitcast %get3A_1002 : vector<16xi32> to vector<32xbf16>
        %get3A_1004 = arith.index_cast %add3A_972 : i32 to index
        %get3A_1005 = arith.constant 48 : index
        %get3A_1006 = tpu.vector_load %arg13[%get3A_1004, %get3A_1005] {strides = array<i32>} : memref<400x64xi32, #tpu.memory_space<vmem>>, vector<16xi32>,
        %bitcast3A_1007 = vector.bitcast %get3A_1006 : vector<16xi32> to vector<32xbf16>
        %mul3A_1008 = arith.mulf %bitcast3A_1003, %bitcast3A_1007 : vector<32xbf16>
        %add3A_1009 = arith.addf %mul3A_981, %mul3A_990 : vector<32xbf16>
        %add3A_1010 = arith.addf %mul3A_999, %mul3A_1008 : vector<32xbf16>
        %add3A_1011 = arith.addf %add3A_1009, %add3A_1010 : vector<32xbf16>
        %unpack3A_1012 = tpu.unpack_subelements %add3A_1011, 0 {pack_format = #tpu.pack_format<interleaved>} : vector<32xbf16> -> vector<16xf32>
        %unpack3A_1013 = tpu.unpack_subelements %add3A_1011, 1 {pack_format = #tpu.pack_format<interleaved>} : vector<32xbf16> -> vector<16xf32>
        %add3A_1014 = arith.addf %unpack3A_1012, %unpack3A_1013 : vector<16xf32>
        %swap3A_1015 = arith.constant 12 : i32
        %swap3A_1016 = arith.index_cast %swap3A_1015 : i32 to index
        %swap3A_1017 = arith.constant 0 : index
        %swap3A_1018 = tpu.vector_load %arg16[%swap3A_1016, %swap3A_1017] {strides = array<i32>} : memref<16x17xf32, #tpu.memory_space<vmem>>, vector<16xf32>,
        tpu.vector_store %arg16[%swap3A_1016, %swap3A_1017], %add3A_1014 {strides = array<i32>} : memref<16x17xf32, #tpu.memory_space<vmem>>, vector<16xf32>,
        %add3A_1019 = arith.constant 13 : i32
        %add3A_1020 = arith.addi %mul3A_398, %add3A_1019 : i32
        %get3A_1021 = arith.index_cast %add3A_1020 : i32 to index
        %get3A_1022 = arith.constant 0 : index
        %get3A_1023 = tpu.vector_load %arg12[%get3A_1021, %get3A_1022] {strides = array<i32>} : memref<400x64xi32, #tpu.memory_space<vmem>>, vector<16xi32>,
        %bitcast3A_1024 = vector.bitcast %get3A_1023 : vector<16xi32> to vector<32xbf16>
        %get3A_1025 = arith.index_cast %add3A_1020 : i32 to index
        %get3A_1026 = arith.constant 0 : index
        %get3A_1027 = tpu.vector_load %arg13[%get3A_1025, %get3A_1026] {strides = array<i32>} : memref<400x64xi32, #tpu.memory_space<vmem>>, vector<16xi32>,
        %bitcast3A_1028 = vector.bitcast %get3A_1027 : vector<16xi32> to vector<32xbf16>
        %mul3A_1029 = arith.mulf %bitcast3A_1024, %bitcast3A_1028 : vector<32xbf16>
        %get3A_1030 = arith.index_cast %add3A_1020 : i32 to index
        %get3A_1031 = arith.constant 16 : index
        %get3A_1032 = tpu.vector_load %arg12[%get3A_1030, %get3A_1031] {strides = array<i32>} : memref<400x64xi32, #tpu.memory_space<vmem>>, vector<16xi32>,
        %bitcast3A_1033 = vector.bitcast %get3A_1032 : vector<16xi32> to vector<32xbf16>
        %get3A_1034 = arith.index_cast %add3A_1020 : i32 to index
        %get3A_1035 = arith.constant 16 : index
        %get3A_1036 = tpu.vector_load %arg13[%get3A_1034, %get3A_1035] {strides = array<i32>} : memref<400x64xi32, #tpu.memory_space<vmem>>, vector<16xi32>,
        %bitcast3A_1037 = vector.bitcast %get3A_1036 : vector<16xi32> to vector<32xbf16>
        %mul3A_1038 = arith.mulf %bitcast3A_1033, %bitcast3A_1037 : vector<32xbf16>
        %get3A_1039 = arith.index_cast %add3A_1020 : i32 to index
        %get3A_1040 = arith.constant 32 : index
        %get3A_1041 = tpu.vector_load %arg12[%get3A_1039, %get3A_1040] {strides = array<i32>} : memref<400x64xi32, #tpu.memory_space<vmem>>, vector<16xi32>,
        %bitcast3A_1042 = vector.bitcast %get3A_1041 : vector<16xi32> to vector<32xbf16>
        %get3A_1043 = arith.index_cast %add3A_1020 : i32 to index
        %get3A_1044 = arith.constant 32 : index
        %get3A_1045 = tpu.vector_load %arg13[%get3A_1043, %get3A_1044] {strides = array<i32>} : memref<400x64xi32, #tpu.memory_space<vmem>>, vector<16xi32>,
        %bitcast3A_1046 = vector.bitcast %get3A_1045 : vector<16xi32> to vector<32xbf16>
        %mul3A_1047 = arith.mulf %bitcast3A_1042, %bitcast3A_1046 : vector<32xbf16>
        %get3A_1048 = arith.index_cast %add3A_1020 : i32 to index
        %get3A_1049 = arith.constant 48 : index
        %get3A_1050 = tpu.vector_load %arg12[%get3A_1048, %get3A_1049] {strides = array<i32>} : memref<400x64xi32, #tpu.memory_space<vmem>>, vector<16xi32>,
        %bitcast3A_1051 = vector.bitcast %get3A_1050 : vector<16xi32> to vector<32xbf16>
        %get3A_1052 = arith.index_cast %add3A_1020 : i32 to index
        %get3A_1053 = arith.constant 48 : index
        %get3A_1054 = tpu.vector_load %arg13[%get3A_1052, %get3A_1053] {strides = array<i32>} : memref<400x64xi32, #tpu.memory_space<vmem>>, vector<16xi32>,
        %bitcast3A_1055 = vector.bitcast %get3A_1054 : vector<16xi32> to vector<32xbf16>
        %mul3A_1056 = arith.mulf %bitcast3A_1051, %bitcast3A_1055 : vector<32xbf16>
        %add3A_1057 = arith.addf %mul3A_1029, %mul3A_1038 : vector<32xbf16>
        %add3A_1058 = arith.addf %mul3A_1047, %mul3A_1056 : vector<32xbf16>
        %add3A_1059 = arith.addf %add3A_1057, %add3A_1058 : vector<32xbf16>
        %unpack3A_1060 = tpu.unpack_subelements %add3A_1059, 0 {pack_format = #tpu.pack_format<interleaved>} : vector<32xbf16> -> vector<16xf32>
        %unpack3A_1061 = tpu.unpack_subelements %add3A_1059, 1 {pack_format = #tpu.pack_format<interleaved>} : vector<32xbf16> -> vector<16xf32>
        %add3A_1062 = arith.addf %unpack3A_1060, %unpack3A_1061 : vector<16xf32>
        %swap3A_1063 = arith.constant 13 : i32
        %swap3A_1064 = arith.index_cast %swap3A_1063 : i32 to index
        %swap3A_1065 = arith.constant 0 : index
        %swap3A_1066 = tpu.vector_load %arg16[%swap3A_1064, %swap3A_1065] {strides = array<i32>} : memref<16x17xf32, #tpu.memory_space<vmem>>, vector<16xf32>,
        tpu.vector_store %arg16[%swap3A_1064, %swap3A_1065], %add3A_1062 {strides = array<i32>} : memref<16x17xf32, #tpu.memory_space<vmem>>, vector<16xf32>,
        %add3A_1067 = arith.constant 14 : i32
        %add3A_1068 = arith.addi %mul3A_398, %add3A_1067 : i32
        %get3A_1069 = arith.index_cast %add3A_1068 : i32 to index
        %get3A_1070 = arith.constant 0 : index
        %get3A_1071 = tpu.vector_load %arg12[%get3A_1069, %get3A_1070] {strides = array<i32>} : memref<400x64xi32, #tpu.memory_space<vmem>>, vector<16xi32>,
        %bitcast3A_1072 = vector.bitcast %get3A_1071 : vector<16xi32> to vector<32xbf16>
        %get3A_1073 = arith.index_cast %add3A_1068 : i32 to index
        %get3A_1074 = arith.constant 0 : index
        %get3A_1075 = tpu.vector_load %arg13[%get3A_1073, %get3A_1074] {strides = array<i32>} : memref<400x64xi32, #tpu.memory_space<vmem>>, vector<16xi32>,
        %bitcast3A_1076 = vector.bitcast %get3A_1075 : vector<16xi32> to vector<32xbf16>
        %mul3A_1077 = arith.mulf %bitcast3A_1072, %bitcast3A_1076 : vector<32xbf16>
        %get3A_1078 = arith.index_cast %add3A_1068 : i32 to index
        %get3A_1079 = arith.constant 16 : index
        %get3A_1080 = tpu.vector_load %arg12[%get3A_1078, %get3A_1079] {strides = array<i32>} : memref<400x64xi32, #tpu.memory_space<vmem>>, vector<16xi32>,
        %bitcast3A_1081 = vector.bitcast %get3A_1080 : vector<16xi32> to vector<32xbf16>
        %get3A_1082 = arith.index_cast %add3A_1068 : i32 to index
        %get3A_1083 = arith.constant 16 : index
        %get3A_1084 = tpu.vector_load %arg13[%get3A_1082, %get3A_1083] {strides = array<i32>} : memref<400x64xi32, #tpu.memory_space<vmem>>, vector<16xi32>,
        %bitcast3A_1085 = vector.bitcast %get3A_1084 : vector<16xi32> to vector<32xbf16>
        %mul3A_1086 = arith.mulf %bitcast3A_1081, %bitcast3A_1085 : vector<32xbf16>
        %get3A_1087 = arith.index_cast %add3A_1068 : i32 to index
        %get3A_1088 = arith.constant 32 : index
        %get3A_1089 = tpu.vector_load %arg12[%get3A_1087, %get3A_1088] {strides = array<i32>} : memref<400x64xi32, #tpu.memory_space<vmem>>, vector<16xi32>,
        %bitcast3A_1090 = vector.bitcast %get3A_1089 : vector<16xi32> to vector<32xbf16>
        %get3A_1091 = arith.index_cast %add3A_1068 : i32 to index
        %get3A_1092 = arith.constant 32 : index
        %get3A_1093 = tpu.vector_load %arg13[%get3A_1091, %get3A_1092] {strides = array<i32>} : memref<400x64xi32, #tpu.memory_space<vmem>>, vector<16xi32>,
        %bitcast3A_1094 = vector.bitcast %get3A_1093 : vector<16xi32> to vector<32xbf16>
        %mul3A_1095 = arith.mulf %bitcast3A_1090, %bitcast3A_1094 : vector<32xbf16>
        %get3A_1096 = arith.index_cast %add3A_1068 : i32 to index
        %get3A_1097 = arith.constant 48 : index
        %get3A_1098 = tpu.vector_load %arg12[%get3A_1096, %get3A_1097] {strides = array<i32>} : memref<400x64xi32, #tpu.memory_space<vmem>>, vector<16xi32>,
        %bitcast3A_1099 = vector.bitcast %get3A_1098 : vector<16xi32> to vector<32xbf16>
        %get3A_1100 = arith.index_cast %add3A_1068 : i32 to index
        %get3A_1101 = arith.constant 48 : index
        %get3A_1102 = tpu.vector_load %arg13[%get3A_1100, %get3A_1101] {strides = array<i32>} : memref<400x64xi32, #tpu.memory_space<vmem>>, vector<16xi32>,
        %bitcast3A_1103 = vector.bitcast %get3A_1102 : vector<16xi32> to vector<32xbf16>
        %mul3A_1104 = arith.mulf %bitcast3A_1099, %bitcast3A_1103 : vector<32xbf16>
        %add3A_1105 = arith.addf %mul3A_1077, %mul3A_1086 : vector<32xbf16>
        %add3A_1106 = arith.addf %mul3A_1095, %mul3A_1104 : vector<32xbf16>
        %add3A_1107 = arith.addf %add3A_1105, %add3A_1106 : vector<32xbf16>
        %unpack3A_1108 = tpu.unpack_subelements %add3A_1107, 0 {pack_format = #tpu.pack_format<interleaved>} : vector<32xbf16> -> vector<16xf32>
        %unpack3A_1109 = tpu.unpack_subelements %add3A_1107, 1 {pack_format = #tpu.pack_format<interleaved>} : vector<32xbf16> -> vector<16xf32>
        %add3A_1110 = arith.addf %unpack3A_1108, %unpack3A_1109 : vector<16xf32>
        %swap3A_1111 = arith.constant 14 : i32
        %swap3A_1112 = arith.index_cast %swap3A_1111 : i32 to index
        %swap3A_1113 = arith.constant 0 : index
        %swap3A_1114 = tpu.vector_load %arg16[%swap3A_1112, %swap3A_1113] {strides = array<i32>} : memref<16x17xf32, #tpu.memory_space<vmem>>, vector<16xf32>,
        tpu.vector_store %arg16[%swap3A_1112, %swap3A_1113], %add3A_1110 {strides = array<i32>} : memref<16x17xf32, #tpu.memory_space<vmem>>, vector<16xf32>,
        %add3A_1115 = arith.constant 15 : i32
        %add3A_1116 = arith.addi %mul3A_398, %add3A_1115 : i32
        %get3A_1117 = arith.index_cast %add3A_1116 : i32 to index
        %get3A_1118 = arith.constant 0 : index
        %get3A_1119 = tpu.vector_load %arg12[%get3A_1117, %get3A_1118] {strides = array<i32>} : memref<400x64xi32, #tpu.memory_space<vmem>>, vector<16xi32>,
        %bitcast3A_1120 = vector.bitcast %get3A_1119 : vector<16xi32> to vector<32xbf16>
        %get3A_1121 = arith.index_cast %add3A_1116 : i32 to index
        %get3A_1122 = arith.constant 0 : index
        %get3A_1123 = tpu.vector_load %arg13[%get3A_1121, %get3A_1122] {strides = array<i32>} : memref<400x64xi32, #tpu.memory_space<vmem>>, vector<16xi32>,
        %bitcast3A_1124 = vector.bitcast %get3A_1123 : vector<16xi32> to vector<32xbf16>
        %mul3A_1125 = arith.mulf %bitcast3A_1120, %bitcast3A_1124 : vector<32xbf16>
        %get3A_1126 = arith.index_cast %add3A_1116 : i32 to index
        %get3A_1127 = arith.constant 16 : index
        %get3A_1128 = tpu.vector_load %arg12[%get3A_1126, %get3A_1127] {strides = array<i32>} : memref<400x64xi32, #tpu.memory_space<vmem>>, vector<16xi32>,
        %bitcast3A_1129 = vector.bitcast %get3A_1128 : vector<16xi32> to vector<32xbf16>
        %get3A_1130 = arith.index_cast %add3A_1116 : i32 to index
        %get3A_1131 = arith.constant 16 : index
        %get3A_1132 = tpu.vector_load %arg13[%get3A_1130, %get3A_1131] {strides = array<i32>} : memref<400x64xi32, #tpu.memory_space<vmem>>, vector<16xi32>,
        %bitcast3A_1133 = vector.bitcast %get3A_1132 : vector<16xi32> to vector<32xbf16>
        %mul3A_1134 = arith.mulf %bitcast3A_1129, %bitcast3A_1133 : vector<32xbf16>
        %get3A_1135 = arith.index_cast %add3A_1116 : i32 to index
        %get3A_1136 = arith.constant 32 : index
        %get3A_1137 = tpu.vector_load %arg12[%get3A_1135, %get3A_1136] {strides = array<i32>} : memref<400x64xi32, #tpu.memory_space<vmem>>, vector<16xi32>,
        %bitcast3A_1138 = vector.bitcast %get3A_1137 : vector<16xi32> to vector<32xbf16>
        %get3A_1139 = arith.index_cast %add3A_1116 : i32 to index
        %get3A_1140 = arith.constant 32 : index
        %get3A_1141 = tpu.vector_load %arg13[%get3A_1139, %get3A_1140] {strides = array<i32>} : memref<400x64xi32, #tpu.memory_space<vmem>>, vector<16xi32>,
        %bitcast3A_1142 = vector.bitcast %get3A_1141 : vector<16xi32> to vector<32xbf16>
        %mul3A_1143 = arith.mulf %bitcast3A_1138, %bitcast3A_1142 : vector<32xbf16>
        %get3A_1144 = arith.index_cast %add3A_1116 : i32 to index
        %get3A_1145 = arith.constant 48 : index
        %get3A_1146 = tpu.vector_load %arg12[%get3A_1144, %get3A_1145] {strides = array<i32>} : memref<400x64xi32, #tpu.memory_space<vmem>>, vector<16xi32>,
        %bitcast3A_1147 = vector.bitcast %get3A_1146 : vector<16xi32> to vector<32xbf16>
        %get3A_1148 = arith.index_cast %add3A_1116 : i32 to index
        %get3A_1149 = arith.constant 48 : index
        %get3A_1150 = tpu.vector_load %arg13[%get3A_1148, %get3A_1149] {strides = array<i32>} : memref<400x64xi32, #tpu.memory_space<vmem>>, vector<16xi32>,
        %bitcast3A_1151 = vector.bitcast %get3A_1150 : vector<16xi32> to vector<32xbf16>
        %mul3A_1152 = arith.mulf %bitcast3A_1147, %bitcast3A_1151 : vector<32xbf16>
        %add3A_1153 = arith.addf %mul3A_1125, %mul3A_1134 : vector<32xbf16>
        %add3A_1154 = arith.addf %mul3A_1143, %mul3A_1152 : vector<32xbf16>
        %add3A_1155 = arith.addf %add3A_1153, %add3A_1154 : vector<32xbf16>
        %unpack3A_1156 = tpu.unpack_subelements %add3A_1155, 0 {pack_format = #tpu.pack_format<interleaved>} : vector<32xbf16> -> vector<16xf32>
        %unpack3A_1157 = tpu.unpack_subelements %add3A_1155, 1 {pack_format = #tpu.pack_format<interleaved>} : vector<32xbf16> -> vector<16xf32>
        %add3A_1158 = arith.addf %unpack3A_1156, %unpack3A_1157 : vector<16xf32>
        %swap3A_1159 = arith.constant 15 : i32
        %swap3A_1160 = arith.index_cast %swap3A_1159 : i32 to index
        %swap3A_1161 = arith.constant 0 : index
        %swap3A_1162 = tpu.vector_load %arg16[%swap3A_1160, %swap3A_1161] {strides = array<i32>} : memref<16x17xf32, #tpu.memory_space<vmem>>, vector<16xf32>,
        tpu.vector_store %arg16[%swap3A_1160, %swap3A_1161], %add3A_1158 {strides = array<i32>} : memref<16x17xf32, #tpu.memory_space<vmem>>, vector<16xf32>,
        %broadcast_in_dim3A = arith.constant 0 : i32
        %broadcast_in_dim3A_1163 = vector.broadcast %broadcast_in_dim3A : i32 to vector<16xi32>
        %gather3A = tpu.vector_load_idx %arg16[%iota3A, %broadcast_in_dim3A_1163] : memref<16x17xf32, #tpu.memory_space<vmem>>[vector<16xi32>, vector<16xi32>], vector<16xf32>,
        %broadcast_in_dim3A_1164 = arith.constant 1 : i32
        %broadcast_in_dim3A_1165 = vector.broadcast %broadcast_in_dim3A_1164 : i32 to vector<16xi32>
        %gather3A_1166 = tpu.vector_load_idx %arg16[%iota3A, %broadcast_in_dim3A_1165] : memref<16x17xf32, #tpu.memory_space<vmem>>[vector<16xi32>, vector<16xi32>], vector<16xf32>,
        %add3A_1167 = arith.addf %gather3A, %gather3A_1166 : vector<16xf32>
        %broadcast_in_dim3A_1168 = arith.constant 2 : i32
        %broadcast_in_dim3A_1169 = vector.broadcast %broadcast_in_dim3A_1168 : i32 to vector<16xi32>
        %gather3A_1170 = tpu.vector_load_idx %arg16[%iota3A, %broadcast_in_dim3A_1169] : memref<16x17xf32, #tpu.memory_space<vmem>>[vector<16xi32>, vector<16xi32>], vector<16xf32>,
        %add3A_1171 = arith.addf %add3A_1167, %gather3A_1170 : vector<16xf32>
        %broadcast_in_dim3A_1172 = arith.constant 3 : i32
        %broadcast_in_dim3A_1173 = vector.broadcast %broadcast_in_dim3A_1172 : i32 to vector<16xi32>
        %gather3A_1174 = tpu.vector_load_idx %arg16[%iota3A, %broadcast_in_dim3A_1173] : memref<16x17xf32, #tpu.memory_space<vmem>>[vector<16xi32>, vector<16xi32>], vector<16xf32>,
        %add3A_1175 = arith.addf %add3A_1171, %gather3A_1174 : vector<16xf32>
        %broadcast_in_dim3A_1176 = arith.constant 4 : i32
        %broadcast_in_dim3A_1177 = vector.broadcast %broadcast_in_dim3A_1176 : i32 to vector<16xi32>
        %gather3A_1178 = tpu.vector_load_idx %arg16[%iota3A, %broadcast_in_dim3A_1177] : memref<16x17xf32, #tpu.memory_space<vmem>>[vector<16xi32>, vector<16xi32>], vector<16xf32>,
        %add3A_1179 = arith.addf %add3A_1175, %gather3A_1178 : vector<16xf32>
        %broadcast_in_dim3A_1180 = arith.constant 5 : i32
        %broadcast_in_dim3A_1181 = vector.broadcast %broadcast_in_dim3A_1180 : i32 to vector<16xi32>
        %gather3A_1182 = tpu.vector_load_idx %arg16[%iota3A, %broadcast_in_dim3A_1181] : memref<16x17xf32, #tpu.memory_space<vmem>>[vector<16xi32>, vector<16xi32>], vector<16xf32>,
        %add3A_1183 = arith.addf %add3A_1179, %gather3A_1182 : vector<16xf32>
        %broadcast_in_dim3A_1184 = arith.constant 6 : i32
        %broadcast_in_dim3A_1185 = vector.broadcast %broadcast_in_dim3A_1184 : i32 to vector<16xi32>
        %gather3A_1186 = tpu.vector_load_idx %arg16[%iota3A, %broadcast_in_dim3A_1185] : memref<16x17xf32, #tpu.memory_space<vmem>>[vector<16xi32>, vector<16xi32>], vector<16xf32>,
        %add3A_1187 = arith.addf %add3A_1183, %gather3A_1186 : vector<16xf32>
        %broadcast_in_dim3A_1188 = arith.constant 7 : i32
        %broadcast_in_dim3A_1189 = vector.broadcast %broadcast_in_dim3A_1188 : i32 to vector<16xi32>
        %gather3A_1190 = tpu.vector_load_idx %arg16[%iota3A, %broadcast_in_dim3A_1189] : memref<16x17xf32, #tpu.memory_space<vmem>>[vector<16xi32>, vector<16xi32>], vector<16xf32>,
        %add3A_1191 = arith.addf %add3A_1187, %gather3A_1190 : vector<16xf32>
        %broadcast_in_dim3A_1192 = arith.constant 8 : i32
        %broadcast_in_dim3A_1193 = vector.broadcast %broadcast_in_dim3A_1192 : i32 to vector<16xi32>
        %gather3A_1194 = tpu.vector_load_idx %arg16[%iota3A, %broadcast_in_dim3A_1193] : memref<16x17xf32, #tpu.memory_space<vmem>>[vector<16xi32>, vector<16xi32>], vector<16xf32>,
        %add3A_1195 = arith.addf %add3A_1191, %gather3A_1194 : vector<16xf32>
        %broadcast_in_dim3A_1196 = arith.constant 9 : i32
        %broadcast_in_dim3A_1197 = vector.broadcast %broadcast_in_dim3A_1196 : i32 to vector<16xi32>
        %gather3A_1198 = tpu.vector_load_idx %arg16[%iota3A, %broadcast_in_dim3A_1197] : memref<16x17xf32, #tpu.memory_space<vmem>>[vector<16xi32>, vector<16xi32>], vector<16xf32>,
        %add3A_1199 = arith.addf %add3A_1195, %gather3A_1198 : vector<16xf32>
        %broadcast_in_dim3A_1200 = arith.constant 10 : i32
        %broadcast_in_dim3A_1201 = vector.broadcast %broadcast_in_dim3A_1200 : i32 to vector<16xi32>
        %gather3A_1202 = tpu.vector_load_idx %arg16[%iota3A, %broadcast_in_dim3A_1201] : memref<16x17xf32, #tpu.memory_space<vmem>>[vector<16xi32>, vector<16xi32>], vector<16xf32>,
        %add3A_1203 = arith.addf %add3A_1199, %gather3A_1202 : vector<16xf32>
        %broadcast_in_dim3A_1204 = arith.constant 11 : i32
        %broadcast_in_dim3A_1205 = vector.broadcast %broadcast_in_dim3A_1204 : i32 to vector<16xi32>
        %gather3A_1206 = tpu.vector_load_idx %arg16[%iota3A, %broadcast_in_dim3A_1205] : memref<16x17xf32, #tpu.memory_space<vmem>>[vector<16xi32>, vector<16xi32>], vector<16xf32>,
        %add3A_1207 = arith.addf %add3A_1203, %gather3A_1206 : vector<16xf32>
        %broadcast_in_dim3A_1208 = arith.constant 12 : i32
        %broadcast_in_dim3A_1209 = vector.broadcast %broadcast_in_dim3A_1208 : i32 to vector<16xi32>
        %gather3A_1210 = tpu.vector_load_idx %arg16[%iota3A, %broadcast_in_dim3A_1209] : memref<16x17xf32, #tpu.memory_space<vmem>>[vector<16xi32>, vector<16xi32>], vector<16xf32>,
        %add3A_1211 = arith.addf %add3A_1207, %gather3A_1210 : vector<16xf32>
        %broadcast_in_dim3A_1212 = arith.constant 13 : i32
        %broadcast_in_dim3A_1213 = vector.broadcast %broadcast_in_dim3A_1212 : i32 to vector<16xi32>
        %gather3A_1214 = tpu.vector_load_idx %arg16[%iota3A, %broadcast_in_dim3A_1213] : memref<16x17xf32, #tpu.memory_space<vmem>>[vector<16xi32>, vector<16xi32>], vector<16xf32>,
        %add3A_1215 = arith.addf %add3A_1211, %gather3A_1214 : vector<16xf32>
        %broadcast_in_dim3A_1216 = arith.constant 14 : i32
        %broadcast_in_dim3A_1217 = vector.broadcast %broadcast_in_dim3A_1216 : i32 to vector<16xi32>
        %gather3A_1218 = tpu.vector_load_idx %arg16[%iota3A, %broadcast_in_dim3A_1217] : memref<16x17xf32, #tpu.memory_space<vmem>>[vector<16xi32>, vector<16xi32>], vector<16xf32>,
        %add3A_1219 = arith.addf %add3A_1215, %gather3A_1218 : vector<16xf32>
        %broadcast_in_dim3A_1220 = arith.constant 15 : i32
        %broadcast_in_dim3A_1221 = vector.broadcast %broadcast_in_dim3A_1220 : i32 to vector<16xi32>
        %gather3A_1222 = tpu.vector_load_idx %arg16[%iota3A, %broadcast_in_dim3A_1221] : memref<16x17xf32, #tpu.memory_space<vmem>>[vector<16xi32>, vector<16xi32>], vector<16xf32>,
        %add3A_1223 = arith.addf %add3A_1219, %gather3A_1222 : vector<16xf32>
        %add3A_1224 = arith.addi %mul3A_386, %mul3A_398 : i32
        %get3A_1225 = arith.index_cast %add3A_1224 : i32 to index
        %get3A_1226 = tpu.vector_load %arg14[%get3A_1225] {strides = array<i32>} : memref<10000xf32, #tpu.memory_space<vmem>>, vector<16xf32>,
        %mul3A_1227 = arith.mulf %add3A_1223, %get3A_1226 : vector<16xf32>
        %add3A_1228 = arith.addi %mul3A_386, %mul3A_398 : i32
        %swap3A_1229 = arith.index_cast %add3A_1228 : i32 to index
        %swap3A_1230 = tpu.vector_load %arg15[%swap3A_1229] {strides = array<i32>} : memref<10000xf32, #tpu.memory_space<vmem>>, vector<16xf32>,
        tpu.vector_store %arg15[%swap3A_1229], %mul3A_1227 {strides = array<i32>} : memref<10000xf32, #tpu.memory_space<vmem>>, vector<16xf32>,
      }
      %scan3A_391 = arith.constant 25 : i32
      "tpu.trace_stop"() : () -> ()
    }
    %scan3A_130 = arith.constant 12 : i32
    %dma_wait3A_131 = arith.constant 0 : i32
    %dma_wait3A_132 = arith.constant 0 : i32
    %dma_wait3A_133 = tpu.memref_slice %arg4[%dma_wait3A_131, %dma_wait3A_132] : memref<10000x64xi32, #tpu.memory_space<hbm>> -> memref<400x64xi32, #tpu.memory_space<hbm>>
    %dma_wait3A_134 = arith.constant 0 : i32
    %dma_wait3A_135 = arith.constant 0 : i32
    %dma_wait3A_136 = tpu.memref_slice %arg4[%dma_wait3A_134, %dma_wait3A_135] : memref<10000x64xi32, #tpu.memory_space<hbm>> -> memref<400x64xi32, #tpu.memory_space<hbm>>
    tpu.wait_dma2 semaphore(%arg19 : memref<!tpu.dma_semaphore, #tpu.memory_space<semaphore_mem>>) src(%dma_wait3A_136 : memref<400x64xi32, #tpu.memory_space<hbm>>) dst(%arg10 : memref<400x64xi32, #tpu.memory_space<vmem>>)
    %dma_wait3A_137 = arith.constant 0 : i32
    %dma_wait3A_138 = arith.constant 0 : i32
    %dma_wait3A_139 = tpu.memref_slice %arg4[%dma_wait3A_137, %dma_wait3A_138] : memref<10000x64xi32, #tpu.memory_space<hbm>> -> memref<400x64xi32, #tpu.memory_space<hbm>>
    %dma_wait3A_140 = arith.constant 0 : i32
    %dma_wait3A_141 = arith.constant 0 : i32
    %dma_wait3A_142 = tpu.memref_slice %arg4[%dma_wait3A_140, %dma_wait3A_141] : memref<10000x64xi32, #tpu.memory_space<hbm>> -> memref<400x64xi32, #tpu.memory_space<hbm>>
    tpu.wait_dma2 semaphore(%arg19 : memref<!tpu.dma_semaphore, #tpu.memory_space<semaphore_mem>>) src(%dma_wait3A_142 : memref<400x64xi32, #tpu.memory_space<hbm>>) dst(%arg11 : memref<400x64xi32, #tpu.memory_space<vmem>>)
    %scan3A_143 = arith.constant 0 : i32
    %scan3A_144 = arith.constant 25 : i32
    %scan3A_145 = arith.addi %scan3A_143, %scan3A_144 : i32
    %scan3A_146 = arith.constant 1 : i32
    scf.for %scan3A_150 = %scan3A_143 to %scan3A_145 step %scan3A_146  : i32 {
      %mul3A_151 = arith.constant 1 : i32
      %mul3A_152 = arith.muli %scan3A_150, %mul3A_151 : i32
      %add3A_153 = arith.constant 0 : i32
      %add3A_154 = arith.addi %add3A_153, %mul3A_152 : i32
      %mul3A_155 = arith.constant 16 : i32
      %mul3A_156 = arith.muli %add3A_154, %mul3A_155 : i32
      %add3A_157 = arith.constant 0 : i32
      %add3A_158 = arith.addi %mul3A_156, %add3A_157 : i32
      %get3A = arith.index_cast %add3A_158 : i32 to index
      %get3A_159 = arith.constant 0 : index
      %get3A_160 = tpu.vector_load %arg10[%get3A, %get3A_159] {strides = array<i32>} : memref<400x64xi32, #tpu.memory_space<vmem>>, vector<16xi32>,
      %bitcast3A = vector.bitcast %get3A_160 : vector<16xi32> to vector<32xbf16>
      %get3A_161 = arith.index_cast %add3A_158 : i32 to index
      %get3A_162 = arith.constant 0 : index
      %get3A_163 = tpu.vector_load %arg11[%get3A_161, %get3A_162] {strides = array<i32>} : memref<400x64xi32, #tpu.memory_space<vmem>>, vector<16xi32>,
      %bitcast3A_164 = vector.bitcast %get3A_163 : vector<16xi32> to vector<32xbf16>
      %mul3A_165 = arith.mulf %bitcast3A, %bitcast3A_164 : vector<32xbf16>
      %get3A_166 = arith.index_cast %add3A_158 : i32 to index
      %get3A_167 = arith.constant 16 : index
      %get3A_168 = tpu.vector_load %arg10[%get3A_166, %get3A_167] {strides = array<i32>} : memref<400x64xi32, #tpu.memory_space<vmem>>, vector<16xi32>,
      %bitcast3A_169 = vector.bitcast %get3A_168 : vector<16xi32> to vector<32xbf16>
      %get3A_170 = arith.index_cast %add3A_158 : i32 to index
      %get3A_171 = arith.constant 16 : index
      %get3A_172 = tpu.vector_load %arg11[%get3A_170, %get3A_171] {strides = array<i32>} : memref<400x64xi32, #tpu.memory_space<vmem>>, vector<16xi32>,
      %bitcast3A_173 = vector.bitcast %get3A_172 : vector<16xi32> to vector<32xbf16>
      %mul3A_174 = arith.mulf %bitcast3A_169, %bitcast3A_173 : vector<32xbf16>
      %get3A_175 = arith.index_cast %add3A_158 : i32 to index
      %get3A_176 = arith.constant 32 : index
      %get3A_177 = tpu.vector_load %arg10[%get3A_175, %get3A_176] {strides = array<i32>} : memref<400x64xi32, #tpu.memory_space<vmem>>, vector<16xi32>,
      %bitcast3A_178 = vector.bitcast %get3A_177 : vector<16xi32> to vector<32xbf16>
      %get3A_179 = arith.index_cast %add3A_158 : i32 to index
      %get3A_180 = arith.constant 32 : index
      %get3A_181 = tpu.vector_load %arg11[%get3A_179, %get3A_180] {strides = array<i32>} : memref<400x64xi32, #tpu.memory_space<vmem>>, vector<16xi32>,
      %bitcast3A_182 = vector.bitcast %get3A_181 : vector<16xi32> to vector<32xbf16>
      %mul3A_183 = arith.mulf %bitcast3A_178, %bitcast3A_182 : vector<32xbf16>
      %get3A_184 = arith.index_cast %add3A_158 : i32 to index
      %get3A_185 = arith.constant 48 : index
      %get3A_186 = tpu.vector_load %arg10[%get3A_184, %get3A_185] {strides = array<i32>} : memref<400x64xi32, #tpu.memory_space<vmem>>, vector<16xi32>,
      %bitcast3A_187 = vector.bitcast %get3A_186 : vector<16xi32> to vector<32xbf16>
      %get3A_188 = arith.index_cast %add3A_158 : i32 to index
      %get3A_189 = arith.constant 48 : index
      %get3A_190 = tpu.vector_load %arg11[%get3A_188, %get3A_189] {strides = array<i32>} : memref<400x64xi32, #tpu.memory_space<vmem>>, vector<16xi32>,
      %bitcast3A_191 = vector.bitcast %get3A_190 : vector<16xi32> to vector<32xbf16>
      %mul3A_192 = arith.mulf %bitcast3A_187, %bitcast3A_191 : vector<32xbf16>
      %add3A_193 = arith.addf %mul3A_165, %mul3A_174 : vector<32xbf16>
      %add3A_194 = arith.addf %mul3A_183, %mul3A_192 : vector<32xbf16>
      %add3A_195 = arith.addf %add3A_193, %add3A_194 : vector<32xbf16>
      %unpack3A = tpu.unpack_subelements %add3A_195, 0 {pack_format = #tpu.pack_format<interleaved>} : vector<32xbf16> -> vector<16xf32>
      %unpack3A_196 = tpu.unpack_subelements %add3A_195, 1 {pack_format = #tpu.pack_format<interleaved>} : vector<32xbf16> -> vector<16xf32>
      %add3A_197 = arith.addf %unpack3A, %unpack3A_196 : vector<16xf32>
      %swap3A = arith.constant 0 : i32
      %swap3A_198 = arith.index_cast %swap3A : i32 to index
      %swap3A_199 = arith.constant 0 : index
      %swap3A_200 = tpu.vector_load %arg16[%swap3A_198, %swap3A_199] {strides = array<i32>} : memref<16x17xf32, #tpu.memory_space<vmem>>, vector<16xf32>,
      tpu.vector_store %arg16[%swap3A_198, %swap3A_199], %add3A_197 {strides = array<i32>} : memref<16x17xf32, #tpu.memory_space<vmem>>, vector<16xf32>,
      %add3A_201 = arith.constant 1 : i32
      %add3A_202 = arith.addi %mul3A_156, %add3A_201 : i32
      %get3A_203 = arith.index_cast %add3A_202 : i32 to index
      %get3A_204 = arith.constant 0 : index
      %get3A_205 = tpu.vector_load %arg10[%get3A_203, %get3A_204] {strides = array<i32>} : memref<400x64xi32, #tpu.memory_space<vmem>>, vector<16xi32>,
      %bitcast3A_206 = vector.bitcast %get3A_205 : vector<16xi32> to vector<32xbf16>
      %get3A_207 = arith.index_cast %add3A_202 : i32 to index
      %get3A_208 = arith.constant 0 : index
      %get3A_209 = tpu.vector_load %arg11[%get3A_207, %get3A_208] {strides = array<i32>} : memref<400x64xi32, #tpu.memory_space<vmem>>, vector<16xi32>,
      %bitcast3A_210 = vector.bitcast %get3A_209 : vector<16xi32> to vector<32xbf16>
      %mul3A_211 = arith.mulf %bitcast3A_206, %bitcast3A_210 : vector<32xbf16>
      %get3A_212 = arith.index_cast %add3A_202 : i32 to index
      %get3A_213 = arith.constant 16 : index
      %get3A_214 = tpu.vector_load %arg10[%get3A_212, %get3A_213] {strides = array<i32>} : memref<400x64xi32, #tpu.memory_space<vmem>>, vector<16xi32>,
      %bitcast3A_215 = vector.bitcast %get3A_214 : vector<16xi32> to vector<32xbf16>
      %get3A_216 = arith.index_cast %add3A_202 : i32 to index
      %get3A_217 = arith.constant 16 : index
      %get3A_218 = tpu.vector_load %arg11[%get3A_216, %get3A_217] {strides = array<i32>} : memref<400x64xi32, #tpu.memory_space<vmem>>, vector<16xi32>,
      %bitcast3A_219 = vector.bitcast %get3A_218 : vector<16xi32> to vector<32xbf16>
      %mul3A_220 = arith.mulf %bitcast3A_215, %bitcast3A_219 : vector<32xbf16>
      %get3A_221 = arith.index_cast %add3A_202 : i32 to index
      %get3A_222 = arith.constant 32 : index
      %get3A_223 = tpu.vector_load %arg10[%get3A_221, %get3A_222] {strides = array<i32>} : memref<400x64xi32, #tpu.memory_space<vmem>>, vector<16xi32>,
      %bitcast3A_224 = vector.bitcast %get3A_223 : vector<16xi32> to vector<32xbf16>
      %get3A_225 = arith.index_cast %add3A_202 : i32 to index
      %get3A_226 = arith.constant 32 : index
      %get3A_227 = tpu.vector_load %arg11[%get3A_225, %get3A_226] {strides = array<i32>} : memref<400x64xi32, #tpu.memory_space<vmem>>, vector<16xi32>,
      %bitcast3A_228 = vector.bitcast %get3A_227 : vector<16xi32> to vector<32xbf16>
      %mul3A_229 = arith.mulf %bitcast3A_224, %bitcast3A_228 : vector<32xbf16>
      %get3A_230 = arith.index_cast %add3A_202 : i32 to index
      %get3A_231 = arith.constant 48 : index
      %get3A_232 = tpu.vector_load %arg10[%get3A_230, %get3A_231] {strides = array<i32>} : memref<400x64xi32, #tpu.memory_space<vmem>>, vector<16xi32>,
      %bitcast3A_233 = vector.bitcast %get3A_232 : vector<16xi32> to vector<32xbf16>
      %get3A_234 = arith.index_cast %add3A_202 : i32 to index
      %get3A_235 = arith.constant 48 : index
      %get3A_236 = tpu.vector_load %arg11[%get3A_234, %get3A_235] {strides = array<i32>} : memref<400x64xi32, #tpu.memory_space<vmem>>, vector<16xi32>,
      %bitcast3A_237 = vector.bitcast %get3A_236 : vector<16xi32> to vector<32xbf16>
      %mul3A_238 = arith.mulf %bitcast3A_233, %bitcast3A_237 : vector<32xbf16>
      %add3A_239 = arith.addf %mul3A_211, %mul3A_220 : vector<32xbf16>
      %add3A_240 = arith.addf %mul3A_229, %mul3A_238 : vector<32xbf16>
      %add3A_241 = arith.addf %add3A_239, %add3A_240 : vector<32xbf16>
      %unpack3A_242 = tpu.unpack_subelements %add3A_241, 0 {pack_format = #tpu.pack_format<interleaved>} : vector<32xbf16> -> vector<16xf32>
      %unpack3A_243 = tpu.unpack_subelements %add3A_241, 1 {pack_format = #tpu.pack_format<interleaved>} : vector<32xbf16> -> vector<16xf32>
      %add3A_244 = arith.addf %unpack3A_242, %unpack3A_243 : vector<16xf32>
      %swap3A_245 = arith.constant 1 : i32
      %swap3A_246 = arith.index_cast %swap3A_245 : i32 to index
      %swap3A_247 = arith.constant 0 : index
      %swap3A_248 = tpu.vector_load %arg16[%swap3A_246, %swap3A_247] {strides = array<i32>} : memref<16x17xf32, #tpu.memory_space<vmem>>, vector<16xf32>,
      tpu.vector_store %arg16[%swap3A_246, %swap3A_247], %add3A_244 {strides = array<i32>} : memref<16x17xf32, #tpu.memory_space<vmem>>, vector<16xf32>,
      %add3A_249 = arith.constant 2 : i32
      %add3A_250 = arith.addi %mul3A_156, %add3A_249 : i32
      %get3A_251 = arith.index_cast %add3A_250 : i32 to index
      %get3A_252 = arith.constant 0 : index
      %get3A_253 = tpu.vector_load %arg10[%get3A_251, %get3A_252] {strides = array<i32>} : memref<400x64xi32, #tpu.memory_space<vmem>>, vector<16xi32>,
      %bitcast3A_254 = vector.bitcast %get3A_253 : vector<16xi32> to vector<32xbf16>
      %get3A_255 = arith.index_cast %add3A_250 : i32 to index
      %get3A_256 = arith.constant 0 : index
      %get3A_257 = tpu.vector_load %arg11[%get3A_255, %get3A_256] {strides = array<i32>} : memref<400x64xi32, #tpu.memory_space<vmem>>, vector<16xi32>,
      %bitcast3A_258 = vector.bitcast %get3A_257 : vector<16xi32> to vector<32xbf16>
      %mul3A_259 = arith.mulf %bitcast3A_254, %bitcast3A_258 : vector<32xbf16>
      %get3A_260 = arith.index_cast %add3A_250 : i32 to index
      %get3A_261 = arith.constant 16 : index
      %get3A_262 = tpu.vector_load %arg10[%get3A_260, %get3A_261] {strides = array<i32>} : memref<400x64xi32, #tpu.memory_space<vmem>>, vector<16xi32>,
      %bitcast3A_263 = vector.bitcast %get3A_262 : vector<16xi32> to vector<32xbf16>
      %get3A_264 = arith.index_cast %add3A_250 : i32 to index
      %get3A_265 = arith.constant 16 : index
      %get3A_266 = tpu.vector_load %arg11[%get3A_264, %get3A_265] {strides = array<i32>} : memref<400x64xi32, #tpu.memory_space<vmem>>, vector<16xi32>,
      %bitcast3A_267 = vector.bitcast %get3A_266 : vector<16xi32> to vector<32xbf16>
      %mul3A_268 = arith.mulf %bitcast3A_263, %bitcast3A_267 : vector<32xbf16>
      %get3A_269 = arith.index_cast %add3A_250 : i32 to index
      %get3A_270 = arith.constant 32 : index
      %get3A_271 = tpu.vector_load %arg10[%get3A_269, %get3A_270] {strides = array<i32>} : memref<400x64xi32, #tpu.memory_space<vmem>>, vector<16xi32>,
      %bitcast3A_272 = vector.bitcast %get3A_271 : vector<16xi32> to vector<32xbf16>
      %get3A_273 = arith.index_cast %add3A_250 : i32 to index
      %get3A_274 = arith.constant 32 : index
      %get3A_275 = tpu.vector_load %arg11[%get3A_273, %get3A_274] {strides = array<i32>} : memref<400x64xi32, #tpu.memory_space<vmem>>, vector<16xi32>,
      %bitcast3A_276 = vector.bitcast %get3A_275 : vector<16xi32> to vector<32xbf16>
      %mul3A_277 = arith.mulf %bitcast3A_272, %bitcast3A_276 : vector<32xbf16>
      %get3A_278 = arith.index_cast %add3A_250 : i32 to index
      %get3A_279 = arith.constant 48 : index
      %get3A_280 = tpu.vector_load %arg10[%get3A_278, %get3A_279] {strides = array<i32>} : memref<400x64xi32, #tpu.memory_space<vmem>>, vector<16xi32>,
      %bitcast3A_281 = vector.bitcast %get3A_280 : vector<16xi32> to vector<32xbf16>
      %get3A_282 = arith.index_cast %add3A_250 : i32 to index
      %get3A_283 = arith.constant 48 : index
      %get3A_284 = tpu.vector_load %arg11[%get3A_282, %get3A_283] {strides = array<i32>} : memref<400x64xi32, #tpu.memory_space<vmem>>, vector<16xi32>,
      %bitcast3A_285 = vector.bitcast %get3A_284 : vector<16xi32> to vector<32xbf16>
      %mul3A_286 = arith.mulf %bitcast3A_281, %bitcast3A_285 : vector<32xbf16>
      %add3A_287 = arith.addf %mul3A_259, %mul3A_268 : vector<32xbf16>
      %add3A_288 = arith.addf %mul3A_277, %mul3A_286 : vector<32xbf16>
      %add3A_289 = arith.addf %add3A_287, %add3A_288 : vector<32xbf16>
      %unpack3A_290 = tpu.unpack_subelements %add3A_289, 0 {pack_format = #tpu.pack_format<interleaved>} : vector<32xbf16> -> vector<16xf32>
      %unpack3A_291 = tpu.unpack_subelements %add3A_289, 1 {pack_format = #tpu.pack_format<interleaved>} : vector<32xbf16> -> vector<16xf32>
      %add3A_292 = arith.addf %unpack3A_290, %unpack3A_291 : vector<16xf32>
      %swap3A_293 = arith.constant 2 : i32
      %swap3A_294 = arith.index_cast %swap3A_293 : i32 to index
      %swap3A_295 = arith.constant 0 : index
      %swap3A_296 = tpu.vector_load %arg16[%swap3A_294, %swap3A_295] {strides = array<i32>} : memref<16x17xf32, #tpu.memory_space<vmem>>, vector<16xf32>,
      tpu.vector_store %arg16[%swap3A_294, %swap3A_295], %add3A_292 {strides = array<i32>} : memref<16x17xf32, #tpu.memory_space<vmem>>, vector<16xf32>,
      %add3A_297 = arith.constant 3 : i32
      %add3A_298 = arith.addi %mul3A_156, %add3A_297 : i32
      %get3A_299 = arith.index_cast %add3A_298 : i32 to index
      %get3A_300 = arith.constant 0 : index
      %get3A_301 = tpu.vector_load %arg10[%get3A_299, %get3A_300] {strides = array<i32>} : memref<400x64xi32, #tpu.memory_space<vmem>>, vector<16xi32>,
      %bitcast3A_302 = vector.bitcast %get3A_301 : vector<16xi32> to vector<32xbf16>
      %get3A_303 = arith.index_cast %add3A_298 : i32 to index
      %get3A_304 = arith.constant 0 : index
      %get3A_305 = tpu.vector_load %arg11[%get3A_303, %get3A_304] {strides = array<i32>} : memref<400x64xi32, #tpu.memory_space<vmem>>, vector<16xi32>,
      %bitcast3A_306 = vector.bitcast %get3A_305 : vector<16xi32> to vector<32xbf16>
      %mul3A_307 = arith.mulf %bitcast3A_302, %bitcast3A_306 : vector<32xbf16>
      %get3A_308 = arith.index_cast %add3A_298 : i32 to index
      %get3A_309 = arith.constant 16 : index
      %get3A_310 = tpu.vector_load %arg10[%get3A_308, %get3A_309] {strides = array<i32>} : memref<400x64xi32, #tpu.memory_space<vmem>>, vector<16xi32>,
      %bitcast3A_311 = vector.bitcast %get3A_310 : vector<16xi32> to vector<32xbf16>
      %get3A_312 = arith.index_cast %add3A_298 : i32 to index
      %get3A_313 = arith.constant 16 : index
      %get3A_314 = tpu.vector_load %arg11[%get3A_312, %get3A_313] {strides = array<i32>} : memref<400x64xi32, #tpu.memory_space<vmem>>, vector<16xi32>,
      %bitcast3A_315 = vector.bitcast %get3A_314 : vector<16xi32> to vector<32xbf16>
      %mul3A_316 = arith.mulf %bitcast3A_311, %bitcast3A_315 : vector<32xbf16>
      %get3A_317 = arith.index_cast %add3A_298 : i32 to index
      %get3A_318 = arith.constant 32 : index
      %get3A_319 = tpu.vector_load %arg10[%get3A_317, %get3A_318] {strides = array<i32>} : memref<400x64xi32, #tpu.memory_space<vmem>>, vector<16xi32>,
      %bitcast3A_320 = vector.bitcast %get3A_319 : vector<16xi32> to vector<32xbf16>
      %get3A_321 = arith.index_cast %add3A_298 : i32 to index
      %get3A_322 = arith.constant 32 : index
      %get3A_323 = tpu.vector_load %arg11[%get3A_321, %get3A_322] {strides = array<i32>} : memref<400x64xi32, #tpu.memory_space<vmem>>, vector<16xi32>,
      %bitcast3A_324 = vector.bitcast %get3A_323 : vector<16xi32> to vector<32xbf16>
      %mul3A_325 = arith.mulf %bitcast3A_320, %bitcast3A_324 : vector<32xbf16>
      %get3A_326 = arith.index_cast %add3A_298 : i32 to index
      %get3A_327 = arith.constant 48 : index
      %get3A_328 = tpu.vector_load %arg10[%get3A_326, %get3A_327] {strides = array<i32>} : memref<400x64xi32, #tpu.memory_space<vmem>>, vector<16xi32>,
      %bitcast3A_329 = vector.bitcast %get3A_328 : vector<16xi32> to vector<32xbf16>
      %get3A_330 = arith.index_cast %add3A_298 : i32 to index
      %get3A_331 = arith.constant 48 : index
      %get3A_332 = tpu.vector_load %arg11[%get3A_330, %get3A_331] {strides = array<i32>} : memref<400x64xi32, #tpu.memory_space<vmem>>, vector<16xi32>,
      %bitcast3A_333 = vector.bitcast %get3A_332 : vector<16xi32> to vector<32xbf16>
      %mul3A_334 = arith.mulf %bitcast3A_329, %bitcast3A_333 : vector<32xbf16>
      %add3A_335 = arith.addf %mul3A_307, %mul3A_316 : vector<32xbf16>
      %add3A_336 = arith.addf %mul3A_325, %mul3A_334 : vector<32xbf16>
      %add3A_337 = arith.addf %add3A_335, %add3A_336 : vector<32xbf16>
      %unpack3A_338 = tpu.unpack_subelements %add3A_337, 0 {pack_format = #tpu.pack_format<interleaved>} : vector<32xbf16> -> vector<16xf32>
      %unpack3A_339 = tpu.unpack_subelements %add3A_337, 1 {pack_format = #tpu.pack_format<interleaved>} : vector<32xbf16> -> vector<16xf32>
      %add3A_340 = arith.addf %unpack3A_338, %unpack3A_339 : vector<16xf32>
      %swap3A_341 = arith.constant 3 : i32
      %swap3A_342 = arith.index_cast %swap3A_341 : i32 to index
      %swap3A_343 = arith.constant 0 : index
      %swap3A_344 = tpu.vector_load %arg16[%swap3A_342, %swap3A_343] {strides = array<i32>} : memref<16x17xf32, #tpu.memory_space<vmem>>, vector<16xf32>,
      tpu.vector_store %arg16[%swap3A_342, %swap3A_343], %add3A_340 {strides = array<i32>} : memref<16x17xf32, #tpu.memory_space<vmem>>, vector<16xf32>,
      %add3A_345 = arith.constant 4 : i32
      %add3A_346 = arith.addi %mul3A_156, %add3A_345 : i32
      %get3A_347 = arith.index_cast %add3A_346 : i32 to index
      %get3A_348 = arith.constant 0 : index
      %get3A_349 = tpu.vector_load %arg10[%get3A_347, %get3A_348] {strides = array<i32>} : memref<400x64xi32, #tpu.memory_space<vmem>>, vector<16xi32>,
      %bitcast3A_350 = vector.bitcast %get3A_349 : vector<16xi32> to vector<32xbf16>
      %get3A_351 = arith.index_cast %add3A_346 : i32 to index
      %get3A_352 = arith.constant 0 : index
      %get3A_353 = tpu.vector_load %arg11[%get3A_351, %get3A_352] {strides = array<i32>} : memref<400x64xi32, #tpu.memory_space<vmem>>, vector<16xi32>,
      %bitcast3A_354 = vector.bitcast %get3A_353 : vector<16xi32> to vector<32xbf16>
      %mul3A_355 = arith.mulf %bitcast3A_350, %bitcast3A_354 : vector<32xbf16>
      %get3A_356 = arith.index_cast %add3A_346 : i32 to index
      %get3A_357 = arith.constant 16 : index
      %get3A_358 = tpu.vector_load %arg10[%get3A_356, %get3A_357] {strides = array<i32>} : memref<400x64xi32, #tpu.memory_space<vmem>>, vector<16xi32>,
      %bitcast3A_359 = vector.bitcast %get3A_358 : vector<16xi32> to vector<32xbf16>
      %get3A_360 = arith.index_cast %add3A_346 : i32 to index
      %get3A_361 = arith.constant 16 : index
      %get3A_362 = tpu.vector_load %arg11[%get3A_360, %get3A_361] {strides = array<i32>} : memref<400x64xi32, #tpu.memory_space<vmem>>, vector<16xi32>,
      %bitcast3A_363 = vector.bitcast %get3A_362 : vector<16xi32> to vector<32xbf16>
      %mul3A_364 = arith.mulf %bitcast3A_359, %bitcast3A_363 : vector<32xbf16>
      %get3A_365 = arith.index_cast %add3A_346 : i32 to index
      %get3A_366 = arith.constant 32 : index
      %get3A_367 = tpu.vector_load %arg10[%get3A_365, %get3A_366] {strides = array<i32>} : memref<400x64xi32, #tpu.memory_space<vmem>>, vector<16xi32>,
      %bitcast3A_368 = vector.bitcast %get3A_367 : vector<16xi32> to vector<32xbf16>
      %get3A_369 = arith.index_cast %add3A_346 : i32 to index
      %get3A_370 = arith.constant 32 : index
      %get3A_371 = tpu.vector_load %arg11[%get3A_369, %get3A_370] {strides = array<i32>} : memref<400x64xi32, #tpu.memory_space<vmem>>, vector<16xi32>,
      %bitcast3A_372 = vector.bitcast %get3A_371 : vector<16xi32> to vector<32xbf16>
      %mul3A_373 = arith.mulf %bitcast3A_368, %bitcast3A_372 : vector<32xbf16>
      %get3A_374 = arith.index_cast %add3A_346 : i32 to index
      %get3A_375 = arith.constant 48 : index
      %get3A_376 = tpu.vector_load %arg10[%get3A_374, %get3A_375] {strides = array<i32>} : memref<400x64xi32, #tpu.memory_space<vmem>>, vector<16xi32>,
      %bitcast3A_377 = vector.bitcast %get3A_376 : vector<16xi32> to vector<32xbf16>
      %get3A_378 = arith.index_cast %add3A_346 : i32 to index
      %get3A_379 = arith.constant 48 : index
      %get3A_380 = tpu.vector_load %arg11[%get3A_378, %get3A_379] {strides = array<i32>} : memref<400x64xi32, #tpu.memory_space<vmem>>, vector<16xi32>,
      %bitcast3A_381 = vector.bitcast %get3A_380 : vector<16xi32> to vector<32xbf16>
      %mul3A_382 = arith.mulf %bitcast3A_377, %bitcast3A_381 : vector<32xbf16>
      %add3A_383 = arith.addf %mul3A_355, %mul3A_364 : vector<32xbf16>
      %add3A_384 = arith.addf %mul3A_373, %mul3A_382 : vector<32xbf16>
      %add3A_385 = arith.addf %add3A_383, %add3A_384 : vector<32xbf16>
      %unpack3A_386 = tpu.unpack_subelements %add3A_385, 0 {pack_format = #tpu.pack_format<interleaved>} : vector<32xbf16> -> vector<16xf32>
      %unpack3A_387 = tpu.unpack_subelements %add3A_385, 1 {pack_format = #tpu.pack_format<interleaved>} : vector<32xbf16> -> vector<16xf32>
      %add3A_388 = arith.addf %unpack3A_386, %unpack3A_387 : vector<16xf32>
      %swap3A_389 = arith.constant 4 : i32
      %swap3A_390 = arith.index_cast %swap3A_389 : i32 to index
      %swap3A_391 = arith.constant 0 : index
      %swap3A_392 = tpu.vector_load %arg16[%swap3A_390, %swap3A_391] {strides = array<i32>} : memref<16x17xf32, #tpu.memory_space<vmem>>, vector<16xf32>,
      tpu.vector_store %arg16[%swap3A_390, %swap3A_391], %add3A_388 {strides = array<i32>} : memref<16x17xf32, #tpu.memory_space<vmem>>, vector<16xf32>,
      %add3A_393 = arith.constant 5 : i32
      %add3A_394 = arith.addi %mul3A_156, %add3A_393 : i32
      %get3A_395 = arith.index_cast %add3A_394 : i32 to index
      %get3A_396 = arith.constant 0 : index
      %get3A_397 = tpu.vector_load %arg10[%get3A_395, %get3A_396] {strides = array<i32>} : memref<400x64xi32, #tpu.memory_space<vmem>>, vector<16xi32>,
      %bitcast3A_398 = vector.bitcast %get3A_397 : vector<16xi32> to vector<32xbf16>
      %get3A_399 = arith.index_cast %add3A_394 : i32 to index
      %get3A_400 = arith.constant 0 : index
      %get3A_401 = tpu.vector_load %arg11[%get3A_399, %get3A_400] {strides = array<i32>} : memref<400x64xi32, #tpu.memory_space<vmem>>, vector<16xi32>,
      %bitcast3A_402 = vector.bitcast %get3A_401 : vector<16xi32> to vector<32xbf16>
      %mul3A_403 = arith.mulf %bitcast3A_398, %bitcast3A_402 : vector<32xbf16>
      %get3A_404 = arith.index_cast %add3A_394 : i32 to index
      %get3A_405 = arith.constant 16 : index
      %get3A_406 = tpu.vector_load %arg10[%get3A_404, %get3A_405] {strides = array<i32>} : memref<400x64xi32, #tpu.memory_space<vmem>>, vector<16xi32>,
      %bitcast3A_407 = vector.bitcast %get3A_406 : vector<16xi32> to vector<32xbf16>
      %get3A_408 = arith.index_cast %add3A_394 : i32 to index
      %get3A_409 = arith.constant 16 : index
      %get3A_410 = tpu.vector_load %arg11[%get3A_408, %get3A_409] {strides = array<i32>} : memref<400x64xi32, #tpu.memory_space<vmem>>, vector<16xi32>,
      %bitcast3A_411 = vector.bitcast %get3A_410 : vector<16xi32> to vector<32xbf16>
      %mul3A_412 = arith.mulf %bitcast3A_407, %bitcast3A_411 : vector<32xbf16>
      %get3A_413 = arith.index_cast %add3A_394 : i32 to index
      %get3A_414 = arith.constant 32 : index
      %get3A_415 = tpu.vector_load %arg10[%get3A_413, %get3A_414] {strides = array<i32>} : memref<400x64xi32, #tpu.memory_space<vmem>>, vector<16xi32>,
      %bitcast3A_416 = vector.bitcast %get3A_415 : vector<16xi32> to vector<32xbf16>
      %get3A_417 = arith.index_cast %add3A_394 : i32 to index
      %get3A_418 = arith.constant 32 : index
      %get3A_419 = tpu.vector_load %arg11[%get3A_417, %get3A_418] {strides = array<i32>} : memref<400x64xi32, #tpu.memory_space<vmem>>, vector<16xi32>,
      %bitcast3A_420 = vector.bitcast %get3A_419 : vector<16xi32> to vector<32xbf16>
      %mul3A_421 = arith.mulf %bitcast3A_416, %bitcast3A_420 : vector<32xbf16>
      %get3A_422 = arith.index_cast %add3A_394 : i32 to index
      %get3A_423 = arith.constant 48 : index
      %get3A_424 = tpu.vector_load %arg10[%get3A_422, %get3A_423] {strides = array<i32>} : memref<400x64xi32, #tpu.memory_space<vmem>>, vector<16xi32>,
      %bitcast3A_425 = vector.bitcast %get3A_424 : vector<16xi32> to vector<32xbf16>
      %get3A_426 = arith.index_cast %add3A_394 : i32 to index
      %get3A_427 = arith.constant 48 : index
      %get3A_428 = tpu.vector_load %arg11[%get3A_426, %get3A_427] {strides = array<i32>} : memref<400x64xi32, #tpu.memory_space<vmem>>, vector<16xi32>,
      %bitcast3A_429 = vector.bitcast %get3A_428 : vector<16xi32> to vector<32xbf16>
      %mul3A_430 = arith.mulf %bitcast3A_425, %bitcast3A_429 : vector<32xbf16>
      %add3A_431 = arith.addf %mul3A_403, %mul3A_412 : vector<32xbf16>
      %add3A_432 = arith.addf %mul3A_421, %mul3A_430 : vector<32xbf16>
      %add3A_433 = arith.addf %add3A_431, %add3A_432 : vector<32xbf16>
      %unpack3A_434 = tpu.unpack_subelements %add3A_433, 0 {pack_format = #tpu.pack_format<interleaved>} : vector<32xbf16> -> vector<16xf32>
      %unpack3A_435 = tpu.unpack_subelements %add3A_433, 1 {pack_format = #tpu.pack_format<interleaved>} : vector<32xbf16> -> vector<16xf32>
      %add3A_436 = arith.addf %unpack3A_434, %unpack3A_435 : vector<16xf32>
      %swap3A_437 = arith.constant 5 : i32
      %swap3A_438 = arith.index_cast %swap3A_437 : i32 to index
      %swap3A_439 = arith.constant 0 : index
      %swap3A_440 = tpu.vector_load %arg16[%swap3A_438, %swap3A_439] {strides = array<i32>} : memref<16x17xf32, #tpu.memory_space<vmem>>, vector<16xf32>,
      tpu.vector_store %arg16[%swap3A_438, %swap3A_439], %add3A_436 {strides = array<i32>} : memref<16x17xf32, #tpu.memory_space<vmem>>, vector<16xf32>,
      %add3A_441 = arith.constant 6 : i32
      %add3A_442 = arith.addi %mul3A_156, %add3A_441 : i32
      %get3A_443 = arith.index_cast %add3A_442 : i32 to index
      %get3A_444 = arith.constant 0 : index
      %get3A_445 = tpu.vector_load %arg10[%get3A_443, %get3A_444] {strides = array<i32>} : memref<400x64xi32, #tpu.memory_space<vmem>>, vector<16xi32>,
      %bitcast3A_446 = vector.bitcast %get3A_445 : vector<16xi32> to vector<32xbf16>
      %get3A_447 = arith.index_cast %add3A_442 : i32 to index
      %get3A_448 = arith.constant 0 : index
      %get3A_449 = tpu.vector_load %arg11[%get3A_447, %get3A_448] {strides = array<i32>} : memref<400x64xi32, #tpu.memory_space<vmem>>, vector<16xi32>,
      %bitcast3A_450 = vector.bitcast %get3A_449 : vector<16xi32> to vector<32xbf16>
      %mul3A_451 = arith.mulf %bitcast3A_446, %bitcast3A_450 : vector<32xbf16>
      %get3A_452 = arith.index_cast %add3A_442 : i32 to index
      %get3A_453 = arith.constant 16 : index
      %get3A_454 = tpu.vector_load %arg10[%get3A_452, %get3A_453] {strides = array<i32>} : memref<400x64xi32, #tpu.memory_space<vmem>>, vector<16xi32>,
      %bitcast3A_455 = vector.bitcast %get3A_454 : vector<16xi32> to vector<32xbf16>
      %get3A_456 = arith.index_cast %add3A_442 : i32 to index
      %get3A_457 = arith.constant 16 : index
      %get3A_458 = tpu.vector_load %arg11[%get3A_456, %get3A_457] {strides = array<i32>} : memref<400x64xi32, #tpu.memory_space<vmem>>, vector<16xi32>,
      %bitcast3A_459 = vector.bitcast %get3A_458 : vector<16xi32> to vector<32xbf16>
      %mul3A_460 = arith.mulf %bitcast3A_455, %bitcast3A_459 : vector<32xbf16>
      %get3A_461 = arith.index_cast %add3A_442 : i32 to index
      %get3A_462 = arith.constant 32 : index
      %get3A_463 = tpu.vector_load %arg10[%get3A_461, %get3A_462] {strides = array<i32>} : memref<400x64xi32, #tpu.memory_space<vmem>>, vector<16xi32>,
      %bitcast3A_464 = vector.bitcast %get3A_463 : vector<16xi32> to vector<32xbf16>
      %get3A_465 = arith.index_cast %add3A_442 : i32 to index
      %get3A_466 = arith.constant 32 : index
      %get3A_467 = tpu.vector_load %arg11[%get3A_465, %get3A_466] {strides = array<i32>} : memref<400x64xi32, #tpu.memory_space<vmem>>, vector<16xi32>,
      %bitcast3A_468 = vector.bitcast %get3A_467 : vector<16xi32> to vector<32xbf16>
      %mul3A_469 = arith.mulf %bitcast3A_464, %bitcast3A_468 : vector<32xbf16>
      %get3A_470 = arith.index_cast %add3A_442 : i32 to index
      %get3A_471 = arith.constant 48 : index
      %get3A_472 = tpu.vector_load %arg10[%get3A_470, %get3A_471] {strides = array<i32>} : memref<400x64xi32, #tpu.memory_space<vmem>>, vector<16xi32>,
      %bitcast3A_473 = vector.bitcast %get3A_472 : vector<16xi32> to vector<32xbf16>
      %get3A_474 = arith.index_cast %add3A_442 : i32 to index
      %get3A_475 = arith.constant 48 : index
      %get3A_476 = tpu.vector_load %arg11[%get3A_474, %get3A_475] {strides = array<i32>} : memref<400x64xi32, #tpu.memory_space<vmem>>, vector<16xi32>,
      %bitcast3A_477 = vector.bitcast %get3A_476 : vector<16xi32> to vector<32xbf16>
      %mul3A_478 = arith.mulf %bitcast3A_473, %bitcast3A_477 : vector<32xbf16>
      %add3A_479 = arith.addf %mul3A_451, %mul3A_460 : vector<32xbf16>
      %add3A_480 = arith.addf %mul3A_469, %mul3A_478 : vector<32xbf16>
      %add3A_481 = arith.addf %add3A_479, %add3A_480 : vector<32xbf16>
      %unpack3A_482 = tpu.unpack_subelements %add3A_481, 0 {pack_format = #tpu.pack_format<interleaved>} : vector<32xbf16> -> vector<16xf32>
      %unpack3A_483 = tpu.unpack_subelements %add3A_481, 1 {pack_format = #tpu.pack_format<interleaved>} : vector<32xbf16> -> vector<16xf32>
      %add3A_484 = arith.addf %unpack3A_482, %unpack3A_483 : vector<16xf32>
      %swap3A_485 = arith.constant 6 : i32
      %swap3A_486 = arith.index_cast %swap3A_485 : i32 to index
      %swap3A_487 = arith.constant 0 : index
      %swap3A_488 = tpu.vector_load %arg16[%swap3A_486, %swap3A_487] {strides = array<i32>} : memref<16x17xf32, #tpu.memory_space<vmem>>, vector<16xf32>,
      tpu.vector_store %arg16[%swap3A_486, %swap3A_487], %add3A_484 {strides = array<i32>} : memref<16x17xf32, #tpu.memory_space<vmem>>, vector<16xf32>,
      %add3A_489 = arith.constant 7 : i32
      %add3A_490 = arith.addi %mul3A_156, %add3A_489 : i32
      %get3A_491 = arith.index_cast %add3A_490 : i32 to index
      %get3A_492 = arith.constant 0 : index
      %get3A_493 = tpu.vector_load %arg10[%get3A_491, %get3A_492] {strides = array<i32>} : memref<400x64xi32, #tpu.memory_space<vmem>>, vector<16xi32>,
      %bitcast3A_494 = vector.bitcast %get3A_493 : vector<16xi32> to vector<32xbf16>
      %get3A_495 = arith.index_cast %add3A_490 : i32 to index
      %get3A_496 = arith.constant 0 : index
      %get3A_497 = tpu.vector_load %arg11[%get3A_495, %get3A_496] {strides = array<i32>} : memref<400x64xi32, #tpu.memory_space<vmem>>, vector<16xi32>,
      %bitcast3A_498 = vector.bitcast %get3A_497 : vector<16xi32> to vector<32xbf16>
      %mul3A_499 = arith.mulf %bitcast3A_494, %bitcast3A_498 : vector<32xbf16>
      %get3A_500 = arith.index_cast %add3A_490 : i32 to index
      %get3A_501 = arith.constant 16 : index
      %get3A_502 = tpu.vector_load %arg10[%get3A_500, %get3A_501] {strides = array<i32>} : memref<400x64xi32, #tpu.memory_space<vmem>>, vector<16xi32>,
      %bitcast3A_503 = vector.bitcast %get3A_502 : vector<16xi32> to vector<32xbf16>
      %get3A_504 = arith.index_cast %add3A_490 : i32 to index
      %get3A_505 = arith.constant 16 : index
      %get3A_506 = tpu.vector_load %arg11[%get3A_504, %get3A_505] {strides = array<i32>} : memref<400x64xi32, #tpu.memory_space<vmem>>, vector<16xi32>,
      %bitcast3A_507 = vector.bitcast %get3A_506 : vector<16xi32> to vector<32xbf16>
      %mul3A_508 = arith.mulf %bitcast3A_503, %bitcast3A_507 : vector<32xbf16>
      %get3A_509 = arith.index_cast %add3A_490 : i32 to index
      %get3A_510 = arith.constant 32 : index
      %get3A_511 = tpu.vector_load %arg10[%get3A_509, %get3A_510] {strides = array<i32>} : memref<400x64xi32, #tpu.memory_space<vmem>>, vector<16xi32>,
      %bitcast3A_512 = vector.bitcast %get3A_511 : vector<16xi32> to vector<32xbf16>
      %get3A_513 = arith.index_cast %add3A_490 : i32 to index
      %get3A_514 = arith.constant 32 : index
      %get3A_515 = tpu.vector_load %arg11[%get3A_513, %get3A_514] {strides = array<i32>} : memref<400x64xi32, #tpu.memory_space<vmem>>, vector<16xi32>,
      %bitcast3A_516 = vector.bitcast %get3A_515 : vector<16xi32> to vector<32xbf16>
      %mul3A_517 = arith.mulf %bitcast3A_512, %bitcast3A_516 : vector<32xbf16>
      %get3A_518 = arith.index_cast %add3A_490 : i32 to index
      %get3A_519 = arith.constant 48 : index
      %get3A_520 = tpu.vector_load %arg10[%get3A_518, %get3A_519] {strides = array<i32>} : memref<400x64xi32, #tpu.memory_space<vmem>>, vector<16xi32>,
      %bitcast3A_521 = vector.bitcast %get3A_520 : vector<16xi32> to vector<32xbf16>
      %get3A_522 = arith.index_cast %add3A_490 : i32 to index
      %get3A_523 = arith.constant 48 : index
      %get3A_524 = tpu.vector_load %arg11[%get3A_522, %get3A_523] {strides = array<i32>} : memref<400x64xi32, #tpu.memory_space<vmem>>, vector<16xi32>,
      %bitcast3A_525 = vector.bitcast %get3A_524 : vector<16xi32> to vector<32xbf16>
      %mul3A_526 = arith.mulf %bitcast3A_521, %bitcast3A_525 : vector<32xbf16>
      %add3A_527 = arith.addf %mul3A_499, %mul3A_508 : vector<32xbf16>
      %add3A_528 = arith.addf %mul3A_517, %mul3A_526 : vector<32xbf16>
      %add3A_529 = arith.addf %add3A_527, %add3A_528 : vector<32xbf16>
      %unpack3A_530 = tpu.unpack_subelements %add3A_529, 0 {pack_format = #tpu.pack_format<interleaved>} : vector<32xbf16> -> vector<16xf32>
      %unpack3A_531 = tpu.unpack_subelements %add3A_529, 1 {pack_format = #tpu.pack_format<interleaved>} : vector<32xbf16> -> vector<16xf32>
      %add3A_532 = arith.addf %unpack3A_530, %unpack3A_531 : vector<16xf32>
      %swap3A_533 = arith.constant 7 : i32
      %swap3A_534 = arith.index_cast %swap3A_533 : i32 to index
      %swap3A_535 = arith.constant 0 : index
      %swap3A_536 = tpu.vector_load %arg16[%swap3A_534, %swap3A_535] {strides = array<i32>} : memref<16x17xf32, #tpu.memory_space<vmem>>, vector<16xf32>,
      tpu.vector_store %arg16[%swap3A_534, %swap3A_535], %add3A_532 {strides = array<i32>} : memref<16x17xf32, #tpu.memory_space<vmem>>, vector<16xf32>,
      %add3A_537 = arith.constant 8 : i32
      %add3A_538 = arith.addi %mul3A_156, %add3A_537 : i32
      %get3A_539 = arith.index_cast %add3A_538 : i32 to index
      %get3A_540 = arith.constant 0 : index
      %get3A_541 = tpu.vector_load %arg10[%get3A_539, %get3A_540] {strides = array<i32>} : memref<400x64xi32, #tpu.memory_space<vmem>>, vector<16xi32>,
      %bitcast3A_542 = vector.bitcast %get3A_541 : vector<16xi32> to vector<32xbf16>
      %get3A_543 = arith.index_cast %add3A_538 : i32 to index
      %get3A_544 = arith.constant 0 : index
      %get3A_545 = tpu.vector_load %arg11[%get3A_543, %get3A_544] {strides = array<i32>} : memref<400x64xi32, #tpu.memory_space<vmem>>, vector<16xi32>,
      %bitcast3A_546 = vector.bitcast %get3A_545 : vector<16xi32> to vector<32xbf16>
      %mul3A_547 = arith.mulf %bitcast3A_542, %bitcast3A_546 : vector<32xbf16>
      %get3A_548 = arith.index_cast %add3A_538 : i32 to index
      %get3A_549 = arith.constant 16 : index
      %get3A_550 = tpu.vector_load %arg10[%get3A_548, %get3A_549] {strides = array<i32>} : memref<400x64xi32, #tpu.memory_space<vmem>>, vector<16xi32>,
      %bitcast3A_551 = vector.bitcast %get3A_550 : vector<16xi32> to vector<32xbf16>
      %get3A_552 = arith.index_cast %add3A_538 : i32 to index
      %get3A_553 = arith.constant 16 : index
      %get3A_554 = tpu.vector_load %arg11[%get3A_552, %get3A_553] {strides = array<i32>} : memref<400x64xi32, #tpu.memory_space<vmem>>, vector<16xi32>,
      %bitcast3A_555 = vector.bitcast %get3A_554 : vector<16xi32> to vector<32xbf16>
      %mul3A_556 = arith.mulf %bitcast3A_551, %bitcast3A_555 : vector<32xbf16>
      %get3A_557 = arith.index_cast %add3A_538 : i32 to index
      %get3A_558 = arith.constant 32 : index
      %get3A_559 = tpu.vector_load %arg10[%get3A_557, %get3A_558] {strides = array<i32>} : memref<400x64xi32, #tpu.memory_space<vmem>>, vector<16xi32>,
      %bitcast3A_560 = vector.bitcast %get3A_559 : vector<16xi32> to vector<32xbf16>
      %get3A_561 = arith.index_cast %add3A_538 : i32 to index
      %get3A_562 = arith.constant 32 : index
      %get3A_563 = tpu.vector_load %arg11[%get3A_561, %get3A_562] {strides = array<i32>} : memref<400x64xi32, #tpu.memory_space<vmem>>, vector<16xi32>,
      %bitcast3A_564 = vector.bitcast %get3A_563 : vector<16xi32> to vector<32xbf16>
      %mul3A_565 = arith.mulf %bitcast3A_560, %bitcast3A_564 : vector<32xbf16>
      %get3A_566 = arith.index_cast %add3A_538 : i32 to index
      %get3A_567 = arith.constant 48 : index
      %get3A_568 = tpu.vector_load %arg10[%get3A_566, %get3A_567] {strides = array<i32>} : memref<400x64xi32, #tpu.memory_space<vmem>>, vector<16xi32>,
      %bitcast3A_569 = vector.bitcast %get3A_568 : vector<16xi32> to vector<32xbf16>
      %get3A_570 = arith.index_cast %add3A_538 : i32 to index
      %get3A_571 = arith.constant 48 : index
      %get3A_572 = tpu.vector_load %arg11[%get3A_570, %get3A_571] {strides = array<i32>} : memref<400x64xi32, #tpu.memory_space<vmem>>, vector<16xi32>,
      %bitcast3A_573 = vector.bitcast %get3A_572 : vector<16xi32> to vector<32xbf16>
      %mul3A_574 = arith.mulf %bitcast3A_569, %bitcast3A_573 : vector<32xbf16>
      %add3A_575 = arith.addf %mul3A_547, %mul3A_556 : vector<32xbf16>
      %add3A_576 = arith.addf %mul3A_565, %mul3A_574 : vector<32xbf16>
      %add3A_577 = arith.addf %add3A_575, %add3A_576 : vector<32xbf16>
      %unpack3A_578 = tpu.unpack_subelements %add3A_577, 0 {pack_format = #tpu.pack_format<interleaved>} : vector<32xbf16> -> vector<16xf32>
      %unpack3A_579 = tpu.unpack_subelements %add3A_577, 1 {pack_format = #tpu.pack_format<interleaved>} : vector<32xbf16> -> vector<16xf32>
      %add3A_580 = arith.addf %unpack3A_578, %unpack3A_579 : vector<16xf32>
      %swap3A_581 = arith.constant 8 : i32
      %swap3A_582 = arith.index_cast %swap3A_581 : i32 to index
      %swap3A_583 = arith.constant 0 : index
      %swap3A_584 = tpu.vector_load %arg16[%swap3A_582, %swap3A_583] {strides = array<i32>} : memref<16x17xf32, #tpu.memory_space<vmem>>, vector<16xf32>,
      tpu.vector_store %arg16[%swap3A_582, %swap3A_583], %add3A_580 {strides = array<i32>} : memref<16x17xf32, #tpu.memory_space<vmem>>, vector<16xf32>,
      %add3A_585 = arith.constant 9 : i32
      %add3A_586 = arith.addi %mul3A_156, %add3A_585 : i32
      %get3A_587 = arith.index_cast %add3A_586 : i32 to index
      %get3A_588 = arith.constant 0 : index
      %get3A_589 = tpu.vector_load %arg10[%get3A_587, %get3A_588] {strides = array<i32>} : memref<400x64xi32, #tpu.memory_space<vmem>>, vector<16xi32>,
      %bitcast3A_590 = vector.bitcast %get3A_589 : vector<16xi32> to vector<32xbf16>
      %get3A_591 = arith.index_cast %add3A_586 : i32 to index
      %get3A_592 = arith.constant 0 : index
      %get3A_593 = tpu.vector_load %arg11[%get3A_591, %get3A_592] {strides = array<i32>} : memref<400x64xi32, #tpu.memory_space<vmem>>, vector<16xi32>,
      %bitcast3A_594 = vector.bitcast %get3A_593 : vector<16xi32> to vector<32xbf16>
      %mul3A_595 = arith.mulf %bitcast3A_590, %bitcast3A_594 : vector<32xbf16>
      %get3A_596 = arith.index_cast %add3A_586 : i32 to index
      %get3A_597 = arith.constant 16 : index
      %get3A_598 = tpu.vector_load %arg10[%get3A_596, %get3A_597] {strides = array<i32>} : memref<400x64xi32, #tpu.memory_space<vmem>>, vector<16xi32>,
      %bitcast3A_599 = vector.bitcast %get3A_598 : vector<16xi32> to vector<32xbf16>
      %get3A_600 = arith.index_cast %add3A_586 : i32 to index
      %get3A_601 = arith.constant 16 : index
      %get3A_602 = tpu.vector_load %arg11[%get3A_600, %get3A_601] {strides = array<i32>} : memref<400x64xi32, #tpu.memory_space<vmem>>, vector<16xi32>,
      %bitcast3A_603 = vector.bitcast %get3A_602 : vector<16xi32> to vector<32xbf16>
      %mul3A_604 = arith.mulf %bitcast3A_599, %bitcast3A_603 : vector<32xbf16>
      %get3A_605 = arith.index_cast %add3A_586 : i32 to index
      %get3A_606 = arith.constant 32 : index
      %get3A_607 = tpu.vector_load %arg10[%get3A_605, %get3A_606] {strides = array<i32>} : memref<400x64xi32, #tpu.memory_space<vmem>>, vector<16xi32>,
      %bitcast3A_608 = vector.bitcast %get3A_607 : vector<16xi32> to vector<32xbf16>
      %get3A_609 = arith.index_cast %add3A_586 : i32 to index
      %get3A_610 = arith.constant 32 : index
      %get3A_611 = tpu.vector_load %arg11[%get3A_609, %get3A_610] {strides = array<i32>} : memref<400x64xi32, #tpu.memory_space<vmem>>, vector<16xi32>,
      %bitcast3A_612 = vector.bitcast %get3A_611 : vector<16xi32> to vector<32xbf16>
      %mul3A_613 = arith.mulf %bitcast3A_608, %bitcast3A_612 : vector<32xbf16>
      %get3A_614 = arith.index_cast %add3A_586 : i32 to index
      %get3A_615 = arith.constant 48 : index
      %get3A_616 = tpu.vector_load %arg10[%get3A_614, %get3A_615] {strides = array<i32>} : memref<400x64xi32, #tpu.memory_space<vmem>>, vector<16xi32>,
      %bitcast3A_617 = vector.bitcast %get3A_616 : vector<16xi32> to vector<32xbf16>
      %get3A_618 = arith.index_cast %add3A_586 : i32 to index
      %get3A_619 = arith.constant 48 : index
      %get3A_620 = tpu.vector_load %arg11[%get3A_618, %get3A_619] {strides = array<i32>} : memref<400x64xi32, #tpu.memory_space<vmem>>, vector<16xi32>,
      %bitcast3A_621 = vector.bitcast %get3A_620 : vector<16xi32> to vector<32xbf16>
      %mul3A_622 = arith.mulf %bitcast3A_617, %bitcast3A_621 : vector<32xbf16>
      %add3A_623 = arith.addf %mul3A_595, %mul3A_604 : vector<32xbf16>
      %add3A_624 = arith.addf %mul3A_613, %mul3A_622 : vector<32xbf16>
      %add3A_625 = arith.addf %add3A_623, %add3A_624 : vector<32xbf16>
      %unpack3A_626 = tpu.unpack_subelements %add3A_625, 0 {pack_format = #tpu.pack_format<interleaved>} : vector<32xbf16> -> vector<16xf32>
      %unpack3A_627 = tpu.unpack_subelements %add3A_625, 1 {pack_format = #tpu.pack_format<interleaved>} : vector<32xbf16> -> vector<16xf32>
      %add3A_628 = arith.addf %unpack3A_626, %unpack3A_627 : vector<16xf32>
      %swap3A_629 = arith.constant 9 : i32
      %swap3A_630 = arith.index_cast %swap3A_629 : i32 to index
      %swap3A_631 = arith.constant 0 : index
      %swap3A_632 = tpu.vector_load %arg16[%swap3A_630, %swap3A_631] {strides = array<i32>} : memref<16x17xf32, #tpu.memory_space<vmem>>, vector<16xf32>,
      tpu.vector_store %arg16[%swap3A_630, %swap3A_631], %add3A_628 {strides = array<i32>} : memref<16x17xf32, #tpu.memory_space<vmem>>, vector<16xf32>,
      %add3A_633 = arith.constant 10 : i32
      %add3A_634 = arith.addi %mul3A_156, %add3A_633 : i32
      %get3A_635 = arith.index_cast %add3A_634 : i32 to index
      %get3A_636 = arith.constant 0 : index
      %get3A_637 = tpu.vector_load %arg10[%get3A_635, %get3A_636] {strides = array<i32>} : memref<400x64xi32, #tpu.memory_space<vmem>>, vector<16xi32>,
      %bitcast3A_638 = vector.bitcast %get3A_637 : vector<16xi32> to vector<32xbf16>
      %get3A_639 = arith.index_cast %add3A_634 : i32 to index
      %get3A_640 = arith.constant 0 : index
      %get3A_641 = tpu.vector_load %arg11[%get3A_639, %get3A_640] {strides = array<i32>} : memref<400x64xi32, #tpu.memory_space<vmem>>, vector<16xi32>,
      %bitcast3A_642 = vector.bitcast %get3A_641 : vector<16xi32> to vector<32xbf16>
      %mul3A_643 = arith.mulf %bitcast3A_638, %bitcast3A_642 : vector<32xbf16>
      %get3A_644 = arith.index_cast %add3A_634 : i32 to index
      %get3A_645 = arith.constant 16 : index
      %get3A_646 = tpu.vector_load %arg10[%get3A_644, %get3A_645] {strides = array<i32>} : memref<400x64xi32, #tpu.memory_space<vmem>>, vector<16xi32>,
      %bitcast3A_647 = vector.bitcast %get3A_646 : vector<16xi32> to vector<32xbf16>
      %get3A_648 = arith.index_cast %add3A_634 : i32 to index
      %get3A_649 = arith.constant 16 : index
      %get3A_650 = tpu.vector_load %arg11[%get3A_648, %get3A_649] {strides = array<i32>} : memref<400x64xi32, #tpu.memory_space<vmem>>, vector<16xi32>,
      %bitcast3A_651 = vector.bitcast %get3A_650 : vector<16xi32> to vector<32xbf16>
      %mul3A_652 = arith.mulf %bitcast3A_647, %bitcast3A_651 : vector<32xbf16>
      %get3A_653 = arith.index_cast %add3A_634 : i32 to index
      %get3A_654 = arith.constant 32 : index
      %get3A_655 = tpu.vector_load %arg10[%get3A_653, %get3A_654] {strides = array<i32>} : memref<400x64xi32, #tpu.memory_space<vmem>>, vector<16xi32>,
      %bitcast3A_656 = vector.bitcast %get3A_655 : vector<16xi32> to vector<32xbf16>
      %get3A_657 = arith.index_cast %add3A_634 : i32 to index
      %get3A_658 = arith.constant 32 : index
      %get3A_659 = tpu.vector_load %arg11[%get3A_657, %get3A_658] {strides = array<i32>} : memref<400x64xi32, #tpu.memory_space<vmem>>, vector<16xi32>,
      %bitcast3A_660 = vector.bitcast %get3A_659 : vector<16xi32> to vector<32xbf16>
      %mul3A_661 = arith.mulf %bitcast3A_656, %bitcast3A_660 : vector<32xbf16>
      %get3A_662 = arith.index_cast %add3A_634 : i32 to index
      %get3A_663 = arith.constant 48 : index
      %get3A_664 = tpu.vector_load %arg10[%get3A_662, %get3A_663] {strides = array<i32>} : memref<400x64xi32, #tpu.memory_space<vmem>>, vector<16xi32>,
      %bitcast3A_665 = vector.bitcast %get3A_664 : vector<16xi32> to vector<32xbf16>
      %get3A_666 = arith.index_cast %add3A_634 : i32 to index
      %get3A_667 = arith.constant 48 : index
      %get3A_668 = tpu.vector_load %arg11[%get3A_666, %get3A_667] {strides = array<i32>} : memref<400x64xi32, #tpu.memory_space<vmem>>, vector<16xi32>,
      %bitcast3A_669 = vector.bitcast %get3A_668 : vector<16xi32> to vector<32xbf16>
      %mul3A_670 = arith.mulf %bitcast3A_665, %bitcast3A_669 : vector<32xbf16>
      %add3A_671 = arith.addf %mul3A_643, %mul3A_652 : vector<32xbf16>
      %add3A_672 = arith.addf %mul3A_661, %mul3A_670 : vector<32xbf16>
      %add3A_673 = arith.addf %add3A_671, %add3A_672 : vector<32xbf16>
      %unpack3A_674 = tpu.unpack_subelements %add3A_673, 0 {pack_format = #tpu.pack_format<interleaved>} : vector<32xbf16> -> vector<16xf32>
      %unpack3A_675 = tpu.unpack_subelements %add3A_673, 1 {pack_format = #tpu.pack_format<interleaved>} : vector<32xbf16> -> vector<16xf32>
      %add3A_676 = arith.addf %unpack3A_674, %unpack3A_675 : vector<16xf32>
      %swap3A_677 = arith.constant 10 : i32
      %swap3A_678 = arith.index_cast %swap3A_677 : i32 to index
      %swap3A_679 = arith.constant 0 : index
      %swap3A_680 = tpu.vector_load %arg16[%swap3A_678, %swap3A_679] {strides = array<i32>} : memref<16x17xf32, #tpu.memory_space<vmem>>, vector<16xf32>,
      tpu.vector_store %arg16[%swap3A_678, %swap3A_679], %add3A_676 {strides = array<i32>} : memref<16x17xf32, #tpu.memory_space<vmem>>, vector<16xf32>,
      %add3A_681 = arith.constant 11 : i32
      %add3A_682 = arith.addi %mul3A_156, %add3A_681 : i32
      %get3A_683 = arith.index_cast %add3A_682 : i32 to index
      %get3A_684 = arith.constant 0 : index
      %get3A_685 = tpu.vector_load %arg10[%get3A_683, %get3A_684] {strides = array<i32>} : memref<400x64xi32, #tpu.memory_space<vmem>>, vector<16xi32>,
      %bitcast3A_686 = vector.bitcast %get3A_685 : vector<16xi32> to vector<32xbf16>
      %get3A_687 = arith.index_cast %add3A_682 : i32 to index
      %get3A_688 = arith.constant 0 : index
      %get3A_689 = tpu.vector_load %arg11[%get3A_687, %get3A_688] {strides = array<i32>} : memref<400x64xi32, #tpu.memory_space<vmem>>, vector<16xi32>,
      %bitcast3A_690 = vector.bitcast %get3A_689 : vector<16xi32> to vector<32xbf16>
      %mul3A_691 = arith.mulf %bitcast3A_686, %bitcast3A_690 : vector<32xbf16>
      %get3A_692 = arith.index_cast %add3A_682 : i32 to index
      %get3A_693 = arith.constant 16 : index
      %get3A_694 = tpu.vector_load %arg10[%get3A_692, %get3A_693] {strides = array<i32>} : memref<400x64xi32, #tpu.memory_space<vmem>>, vector<16xi32>,
      %bitcast3A_695 = vector.bitcast %get3A_694 : vector<16xi32> to vector<32xbf16>
      %get3A_696 = arith.index_cast %add3A_682 : i32 to index
      %get3A_697 = arith.constant 16 : index
      %get3A_698 = tpu.vector_load %arg11[%get3A_696, %get3A_697] {strides = array<i32>} : memref<400x64xi32, #tpu.memory_space<vmem>>, vector<16xi32>,
      %bitcast3A_699 = vector.bitcast %get3A_698 : vector<16xi32> to vector<32xbf16>
      %mul3A_700 = arith.mulf %bitcast3A_695, %bitcast3A_699 : vector<32xbf16>
      %get3A_701 = arith.index_cast %add3A_682 : i32 to index
      %get3A_702 = arith.constant 32 : index
      %get3A_703 = tpu.vector_load %arg10[%get3A_701, %get3A_702] {strides = array<i32>} : memref<400x64xi32, #tpu.memory_space<vmem>>, vector<16xi32>,
      %bitcast3A_704 = vector.bitcast %get3A_703 : vector<16xi32> to vector<32xbf16>
      %get3A_705 = arith.index_cast %add3A_682 : i32 to index
      %get3A_706 = arith.constant 32 : index
      %get3A_707 = tpu.vector_load %arg11[%get3A_705, %get3A_706] {strides = array<i32>} : memref<400x64xi32, #tpu.memory_space<vmem>>, vector<16xi32>,
      %bitcast3A_708 = vector.bitcast %get3A_707 : vector<16xi32> to vector<32xbf16>
      %mul3A_709 = arith.mulf %bitcast3A_704, %bitcast3A_708 : vector<32xbf16>
      %get3A_710 = arith.index_cast %add3A_682 : i32 to index
      %get3A_711 = arith.constant 48 : index
      %get3A_712 = tpu.vector_load %arg10[%get3A_710, %get3A_711] {strides = array<i32>} : memref<400x64xi32, #tpu.memory_space<vmem>>, vector<16xi32>,
      %bitcast3A_713 = vector.bitcast %get3A_712 : vector<16xi32> to vector<32xbf16>
      %get3A_714 = arith.index_cast %add3A_682 : i32 to index
      %get3A_715 = arith.constant 48 : index
      %get3A_716 = tpu.vector_load %arg11[%get3A_714, %get3A_715] {strides = array<i32>} : memref<400x64xi32, #tpu.memory_space<vmem>>, vector<16xi32>,
      %bitcast3A_717 = vector.bitcast %get3A_716 : vector<16xi32> to vector<32xbf16>
      %mul3A_718 = arith.mulf %bitcast3A_713, %bitcast3A_717 : vector<32xbf16>
      %add3A_719 = arith.addf %mul3A_691, %mul3A_700 : vector<32xbf16>
      %add3A_720 = arith.addf %mul3A_709, %mul3A_718 : vector<32xbf16>
      %add3A_721 = arith.addf %add3A_719, %add3A_720 : vector<32xbf16>
      %unpack3A_722 = tpu.unpack_subelements %add3A_721, 0 {pack_format = #tpu.pack_format<interleaved>} : vector<32xbf16> -> vector<16xf32>
      %unpack3A_723 = tpu.unpack_subelements %add3A_721, 1 {pack_format = #tpu.pack_format<interleaved>} : vector<32xbf16> -> vector<16xf32>
      %add3A_724 = arith.addf %unpack3A_722, %unpack3A_723 : vector<16xf32>
      %swap3A_725 = arith.constant 11 : i32
      %swap3A_726 = arith.index_cast %swap3A_725 : i32 to index
      %swap3A_727 = arith.constant 0 : index
      %swap3A_728 = tpu.vector_load %arg16[%swap3A_726, %swap3A_727] {strides = array<i32>} : memref<16x17xf32, #tpu.memory_space<vmem>>, vector<16xf32>,
      tpu.vector_store %arg16[%swap3A_726, %swap3A_727], %add3A_724 {strides = array<i32>} : memref<16x17xf32, #tpu.memory_space<vmem>>, vector<16xf32>,
      %add3A_729 = arith.constant 12 : i32
      %add3A_730 = arith.addi %mul3A_156, %add3A_729 : i32
      %get3A_731 = arith.index_cast %add3A_730 : i32 to index
      %get3A_732 = arith.constant 0 : index
      %get3A_733 = tpu.vector_load %arg10[%get3A_731, %get3A_732] {strides = array<i32>} : memref<400x64xi32, #tpu.memory_space<vmem>>, vector<16xi32>,
      %bitcast3A_734 = vector.bitcast %get3A_733 : vector<16xi32> to vector<32xbf16>
      %get3A_735 = arith.index_cast %add3A_730 : i32 to index
      %get3A_736 = arith.constant 0 : index
      %get3A_737 = tpu.vector_load %arg11[%get3A_735, %get3A_736] {strides = array<i32>} : memref<400x64xi32, #tpu.memory_space<vmem>>, vector<16xi32>,
      %bitcast3A_738 = vector.bitcast %get3A_737 : vector<16xi32> to vector<32xbf16>
      %mul3A_739 = arith.mulf %bitcast3A_734, %bitcast3A_738 : vector<32xbf16>
      %get3A_740 = arith.index_cast %add3A_730 : i32 to index
      %get3A_741 = arith.constant 16 : index
      %get3A_742 = tpu.vector_load %arg10[%get3A_740, %get3A_741] {strides = array<i32>} : memref<400x64xi32, #tpu.memory_space<vmem>>, vector<16xi32>,
      %bitcast3A_743 = vector.bitcast %get3A_742 : vector<16xi32> to vector<32xbf16>
      %get3A_744 = arith.index_cast %add3A_730 : i32 to index
      %get3A_745 = arith.constant 16 : index
      %get3A_746 = tpu.vector_load %arg11[%get3A_744, %get3A_745] {strides = array<i32>} : memref<400x64xi32, #tpu.memory_space<vmem>>, vector<16xi32>,
      %bitcast3A_747 = vector.bitcast %get3A_746 : vector<16xi32> to vector<32xbf16>
      %mul3A_748 = arith.mulf %bitcast3A_743, %bitcast3A_747 : vector<32xbf16>
      %get3A_749 = arith.index_cast %add3A_730 : i32 to index
      %get3A_750 = arith.constant 32 : index
      %get3A_751 = tpu.vector_load %arg10[%get3A_749, %get3A_750] {strides = array<i32>} : memref<400x64xi32, #tpu.memory_space<vmem>>, vector<16xi32>,
      %bitcast3A_752 = vector.bitcast %get3A_751 : vector<16xi32> to vector<32xbf16>
      %get3A_753 = arith.index_cast %add3A_730 : i32 to index
      %get3A_754 = arith.constant 32 : index
      %get3A_755 = tpu.vector_load %arg11[%get3A_753, %get3A_754] {strides = array<i32>} : memref<400x64xi32, #tpu.memory_space<vmem>>, vector<16xi32>,
      %bitcast3A_756 = vector.bitcast %get3A_755 : vector<16xi32> to vector<32xbf16>
      %mul3A_757 = arith.mulf %bitcast3A_752, %bitcast3A_756 : vector<32xbf16>
      %get3A_758 = arith.index_cast %add3A_730 : i32 to index
      %get3A_759 = arith.constant 48 : index
      %get3A_760 = tpu.vector_load %arg10[%get3A_758, %get3A_759] {strides = array<i32>} : memref<400x64xi32, #tpu.memory_space<vmem>>, vector<16xi32>,
      %bitcast3A_761 = vector.bitcast %get3A_760 : vector<16xi32> to vector<32xbf16>
      %get3A_762 = arith.index_cast %add3A_730 : i32 to index
      %get3A_763 = arith.constant 48 : index
      %get3A_764 = tpu.vector_load %arg11[%get3A_762, %get3A_763] {strides = array<i32>} : memref<400x64xi32, #tpu.memory_space<vmem>>, vector<16xi32>,
      %bitcast3A_765 = vector.bitcast %get3A_764 : vector<16xi32> to vector<32xbf16>
      %mul3A_766 = arith.mulf %bitcast3A_761, %bitcast3A_765 : vector<32xbf16>
      %add3A_767 = arith.addf %mul3A_739, %mul3A_748 : vector<32xbf16>
      %add3A_768 = arith.addf %mul3A_757, %mul3A_766 : vector<32xbf16>
      %add3A_769 = arith.addf %add3A_767, %add3A_768 : vector<32xbf16>
      %unpack3A_770 = tpu.unpack_subelements %add3A_769, 0 {pack_format = #tpu.pack_format<interleaved>} : vector<32xbf16> -> vector<16xf32>
      %unpack3A_771 = tpu.unpack_subelements %add3A_769, 1 {pack_format = #tpu.pack_format<interleaved>} : vector<32xbf16> -> vector<16xf32>
      %add3A_772 = arith.addf %unpack3A_770, %unpack3A_771 : vector<16xf32>
      %swap3A_773 = arith.constant 12 : i32
      %swap3A_774 = arith.index_cast %swap3A_773 : i32 to index
      %swap3A_775 = arith.constant 0 : index
      %swap3A_776 = tpu.vector_load %arg16[%swap3A_774, %swap3A_775] {strides = array<i32>} : memref<16x17xf32, #tpu.memory_space<vmem>>, vector<16xf32>,
      tpu.vector_store %arg16[%swap3A_774, %swap3A_775], %add3A_772 {strides = array<i32>} : memref<16x17xf32, #tpu.memory_space<vmem>>, vector<16xf32>,
      %add3A_777 = arith.constant 13 : i32
      %add3A_778 = arith.addi %mul3A_156, %add3A_777 : i32
      %get3A_779 = arith.index_cast %add3A_778 : i32 to index
      %get3A_780 = arith.constant 0 : index
      %get3A_781 = tpu.vector_load %arg10[%get3A_779, %get3A_780] {strides = array<i32>} : memref<400x64xi32, #tpu.memory_space<vmem>>, vector<16xi32>,
      %bitcast3A_782 = vector.bitcast %get3A_781 : vector<16xi32> to vector<32xbf16>
      %get3A_783 = arith.index_cast %add3A_778 : i32 to index
      %get3A_784 = arith.constant 0 : index
      %get3A_785 = tpu.vector_load %arg11[%get3A_783, %get3A_784] {strides = array<i32>} : memref<400x64xi32, #tpu.memory_space<vmem>>, vector<16xi32>,
      %bitcast3A_786 = vector.bitcast %get3A_785 : vector<16xi32> to vector<32xbf16>
      %mul3A_787 = arith.mulf %bitcast3A_782, %bitcast3A_786 : vector<32xbf16>
      %get3A_788 = arith.index_cast %add3A_778 : i32 to index
      %get3A_789 = arith.constant 16 : index
      %get3A_790 = tpu.vector_load %arg10[%get3A_788, %get3A_789] {strides = array<i32>} : memref<400x64xi32, #tpu.memory_space<vmem>>, vector<16xi32>,
      %bitcast3A_791 = vector.bitcast %get3A_790 : vector<16xi32> to vector<32xbf16>
      %get3A_792 = arith.index_cast %add3A_778 : i32 to index
      %get3A_793 = arith.constant 16 : index
      %get3A_794 = tpu.vector_load %arg11[%get3A_792, %get3A_793] {strides = array<i32>} : memref<400x64xi32, #tpu.memory_space<vmem>>, vector<16xi32>,
      %bitcast3A_795 = vector.bitcast %get3A_794 : vector<16xi32> to vector<32xbf16>
      %mul3A_796 = arith.mulf %bitcast3A_791, %bitcast3A_795 : vector<32xbf16>
      %get3A_797 = arith.index_cast %add3A_778 : i32 to index
      %get3A_798 = arith.constant 32 : index
      %get3A_799 = tpu.vector_load %arg10[%get3A_797, %get3A_798] {strides = array<i32>} : memref<400x64xi32, #tpu.memory_space<vmem>>, vector<16xi32>,
      %bitcast3A_800 = vector.bitcast %get3A_799 : vector<16xi32> to vector<32xbf16>
      %get3A_801 = arith.index_cast %add3A_778 : i32 to index
      %get3A_802 = arith.constant 32 : index
      %get3A_803 = tpu.vector_load %arg11[%get3A_801, %get3A_802] {strides = array<i32>} : memref<400x64xi32, #tpu.memory_space<vmem>>, vector<16xi32>,
      %bitcast3A_804 = vector.bitcast %get3A_803 : vector<16xi32> to vector<32xbf16>
      %mul3A_805 = arith.mulf %bitcast3A_800, %bitcast3A_804 : vector<32xbf16>
      %get3A_806 = arith.index_cast %add3A_778 : i32 to index
      %get3A_807 = arith.constant 48 : index
      %get3A_808 = tpu.vector_load %arg10[%get3A_806, %get3A_807] {strides = array<i32>} : memref<400x64xi32, #tpu.memory_space<vmem>>, vector<16xi32>,
      %bitcast3A_809 = vector.bitcast %get3A_808 : vector<16xi32> to vector<32xbf16>
      %get3A_810 = arith.index_cast %add3A_778 : i32 to index
      %get3A_811 = arith.constant 48 : index
      %get3A_812 = tpu.vector_load %arg11[%get3A_810, %get3A_811] {strides = array<i32>} : memref<400x64xi32, #tpu.memory_space<vmem>>, vector<16xi32>,
      %bitcast3A_813 = vector.bitcast %get3A_812 : vector<16xi32> to vector<32xbf16>
      %mul3A_814 = arith.mulf %bitcast3A_809, %bitcast3A_813 : vector<32xbf16>
      %add3A_815 = arith.addf %mul3A_787, %mul3A_796 : vector<32xbf16>
      %add3A_816 = arith.addf %mul3A_805, %mul3A_814 : vector<32xbf16>
      %add3A_817 = arith.addf %add3A_815, %add3A_816 : vector<32xbf16>
      %unpack3A_818 = tpu.unpack_subelements %add3A_817, 0 {pack_format = #tpu.pack_format<interleaved>} : vector<32xbf16> -> vector<16xf32>
      %unpack3A_819 = tpu.unpack_subelements %add3A_817, 1 {pack_format = #tpu.pack_format<interleaved>} : vector<32xbf16> -> vector<16xf32>
      %add3A_820 = arith.addf %unpack3A_818, %unpack3A_819 : vector<16xf32>
      %swap3A_821 = arith.constant 13 : i32
      %swap3A_822 = arith.index_cast %swap3A_821 : i32 to index
      %swap3A_823 = arith.constant 0 : index
      %swap3A_824 = tpu.vector_load %arg16[%swap3A_822, %swap3A_823] {strides = array<i32>} : memref<16x17xf32, #tpu.memory_space<vmem>>, vector<16xf32>,
      tpu.vector_store %arg16[%swap3A_822, %swap3A_823], %add3A_820 {strides = array<i32>} : memref<16x17xf32, #tpu.memory_space<vmem>>, vector<16xf32>,
      %add3A_825 = arith.constant 14 : i32
      %add3A_826 = arith.addi %mul3A_156, %add3A_825 : i32
      %get3A_827 = arith.index_cast %add3A_826 : i32 to index
      %get3A_828 = arith.constant 0 : index
      %get3A_829 = tpu.vector_load %arg10[%get3A_827, %get3A_828] {strides = array<i32>} : memref<400x64xi32, #tpu.memory_space<vmem>>, vector<16xi32>,
      %bitcast3A_830 = vector.bitcast %get3A_829 : vector<16xi32> to vector<32xbf16>
      %get3A_831 = arith.index_cast %add3A_826 : i32 to index
      %get3A_832 = arith.constant 0 : index
      %get3A_833 = tpu.vector_load %arg11[%get3A_831, %get3A_832] {strides = array<i32>} : memref<400x64xi32, #tpu.memory_space<vmem>>, vector<16xi32>,
      %bitcast3A_834 = vector.bitcast %get3A_833 : vector<16xi32> to vector<32xbf16>
      %mul3A_835 = arith.mulf %bitcast3A_830, %bitcast3A_834 : vector<32xbf16>
      %get3A_836 = arith.index_cast %add3A_826 : i32 to index
      %get3A_837 = arith.constant 16 : index
      %get3A_838 = tpu.vector_load %arg10[%get3A_836, %get3A_837] {strides = array<i32>} : memref<400x64xi32, #tpu.memory_space<vmem>>, vector<16xi32>,
      %bitcast3A_839 = vector.bitcast %get3A_838 : vector<16xi32> to vector<32xbf16>
      %get3A_840 = arith.index_cast %add3A_826 : i32 to index
      %get3A_841 = arith.constant 16 : index
      %get3A_842 = tpu.vector_load %arg11[%get3A_840, %get3A_841] {strides = array<i32>} : memref<400x64xi32, #tpu.memory_space<vmem>>, vector<16xi32>,
      %bitcast3A_843 = vector.bitcast %get3A_842 : vector<16xi32> to vector<32xbf16>
      %mul3A_844 = arith.mulf %bitcast3A_839, %bitcast3A_843 : vector<32xbf16>
      %get3A_845 = arith.index_cast %add3A_826 : i32 to index
      %get3A_846 = arith.constant 32 : index
      %get3A_847 = tpu.vector_load %arg10[%get3A_845, %get3A_846] {strides = array<i32>} : memref<400x64xi32, #tpu.memory_space<vmem>>, vector<16xi32>,
      %bitcast3A_848 = vector.bitcast %get3A_847 : vector<16xi32> to vector<32xbf16>
      %get3A_849 = arith.index_cast %add3A_826 : i32 to index
      %get3A_850 = arith.constant 32 : index
      %get3A_851 = tpu.vector_load %arg11[%get3A_849, %get3A_850] {strides = array<i32>} : memref<400x64xi32, #tpu.memory_space<vmem>>, vector<16xi32>,
      %bitcast3A_852 = vector.bitcast %get3A_851 : vector<16xi32> to vector<32xbf16>
      %mul3A_853 = arith.mulf %bitcast3A_848, %bitcast3A_852 : vector<32xbf16>
      %get3A_854 = arith.index_cast %add3A_826 : i32 to index
      %get3A_855 = arith.constant 48 : index
      %get3A_856 = tpu.vector_load %arg10[%get3A_854, %get3A_855] {strides = array<i32>} : memref<400x64xi32, #tpu.memory_space<vmem>>, vector<16xi32>,
      %bitcast3A_857 = vector.bitcast %get3A_856 : vector<16xi32> to vector<32xbf16>
      %get3A_858 = arith.index_cast %add3A_826 : i32 to index
      %get3A_859 = arith.constant 48 : index
      %get3A_860 = tpu.vector_load %arg11[%get3A_858, %get3A_859] {strides = array<i32>} : memref<400x64xi32, #tpu.memory_space<vmem>>, vector<16xi32>,
      %bitcast3A_861 = vector.bitcast %get3A_860 : vector<16xi32> to vector<32xbf16>
      %mul3A_862 = arith.mulf %bitcast3A_857, %bitcast3A_861 : vector<32xbf16>
      %add3A_863 = arith.addf %mul3A_835, %mul3A_844 : vector<32xbf16>
      %add3A_864 = arith.addf %mul3A_853, %mul3A_862 : vector<32xbf16>
      %add3A_865 = arith.addf %add3A_863, %add3A_864 : vector<32xbf16>
      %unpack3A_866 = tpu.unpack_subelements %add3A_865, 0 {pack_format = #tpu.pack_format<interleaved>} : vector<32xbf16> -> vector<16xf32>
      %unpack3A_867 = tpu.unpack_subelements %add3A_865, 1 {pack_format = #tpu.pack_format<interleaved>} : vector<32xbf16> -> vector<16xf32>
      %add3A_868 = arith.addf %unpack3A_866, %unpack3A_867 : vector<16xf32>
      %swap3A_869 = arith.constant 14 : i32
      %swap3A_870 = arith.index_cast %swap3A_869 : i32 to index
      %swap3A_871 = arith.constant 0 : index
      %swap3A_872 = tpu.vector_load %arg16[%swap3A_870, %swap3A_871] {strides = array<i32>} : memref<16x17xf32, #tpu.memory_space<vmem>>, vector<16xf32>,
      tpu.vector_store %arg16[%swap3A_870, %swap3A_871], %add3A_868 {strides = array<i32>} : memref<16x17xf32, #tpu.memory_space<vmem>>, vector<16xf32>,
      %add3A_873 = arith.constant 15 : i32
      %add3A_874 = arith.addi %mul3A_156, %add3A_873 : i32
      %get3A_875 = arith.index_cast %add3A_874 : i32 to index
      %get3A_876 = arith.constant 0 : index
      %get3A_877 = tpu.vector_load %arg10[%get3A_875, %get3A_876] {strides = array<i32>} : memref<400x64xi32, #tpu.memory_space<vmem>>, vector<16xi32>,
      %bitcast3A_878 = vector.bitcast %get3A_877 : vector<16xi32> to vector<32xbf16>
      %get3A_879 = arith.index_cast %add3A_874 : i32 to index
      %get3A_880 = arith.constant 0 : index
      %get3A_881 = tpu.vector_load %arg11[%get3A_879, %get3A_880] {strides = array<i32>} : memref<400x64xi32, #tpu.memory_space<vmem>>, vector<16xi32>,
      %bitcast3A_882 = vector.bitcast %get3A_881 : vector<16xi32> to vector<32xbf16>
      %mul3A_883 = arith.mulf %bitcast3A_878, %bitcast3A_882 : vector<32xbf16>
      %get3A_884 = arith.index_cast %add3A_874 : i32 to index
      %get3A_885 = arith.constant 16 : index
      %get3A_886 = tpu.vector_load %arg10[%get3A_884, %get3A_885] {strides = array<i32>} : memref<400x64xi32, #tpu.memory_space<vmem>>, vector<16xi32>,
      %bitcast3A_887 = vector.bitcast %get3A_886 : vector<16xi32> to vector<32xbf16>
      %get3A_888 = arith.index_cast %add3A_874 : i32 to index
      %get3A_889 = arith.constant 16 : index
      %get3A_890 = tpu.vector_load %arg11[%get3A_888, %get3A_889] {strides = array<i32>} : memref<400x64xi32, #tpu.memory_space<vmem>>, vector<16xi32>,
      %bitcast3A_891 = vector.bitcast %get3A_890 : vector<16xi32> to vector<32xbf16>
      %mul3A_892 = arith.mulf %bitcast3A_887, %bitcast3A_891 : vector<32xbf16>
      %get3A_893 = arith.index_cast %add3A_874 : i32 to index
      %get3A_894 = arith.constant 32 : index
      %get3A_895 = tpu.vector_load %arg10[%get3A_893, %get3A_894] {strides = array<i32>} : memref<400x64xi32, #tpu.memory_space<vmem>>, vector<16xi32>,
      %bitcast3A_896 = vector.bitcast %get3A_895 : vector<16xi32> to vector<32xbf16>
      %get3A_897 = arith.index_cast %add3A_874 : i32 to index
      %get3A_898 = arith.constant 32 : index
      %get3A_899 = tpu.vector_load %arg11[%get3A_897, %get3A_898] {strides = array<i32>} : memref<400x64xi32, #tpu.memory_space<vmem>>, vector<16xi32>,
      %bitcast3A_900 = vector.bitcast %get3A_899 : vector<16xi32> to vector<32xbf16>
      %mul3A_901 = arith.mulf %bitcast3A_896, %bitcast3A_900 : vector<32xbf16>
      %get3A_902 = arith.index_cast %add3A_874 : i32 to index
      %get3A_903 = arith.constant 48 : index
      %get3A_904 = tpu.vector_load %arg10[%get3A_902, %get3A_903] {strides = array<i32>} : memref<400x64xi32, #tpu.memory_space<vmem>>, vector<16xi32>,
      %bitcast3A_905 = vector.bitcast %get3A_904 : vector<16xi32> to vector<32xbf16>
      %get3A_906 = arith.index_cast %add3A_874 : i32 to index
      %get3A_907 = arith.constant 48 : index
      %get3A_908 = tpu.vector_load %arg11[%get3A_906, %get3A_907] {strides = array<i32>} : memref<400x64xi32, #tpu.memory_space<vmem>>, vector<16xi32>,
      %bitcast3A_909 = vector.bitcast %get3A_908 : vector<16xi32> to vector<32xbf16>
      %mul3A_910 = arith.mulf %bitcast3A_905, %bitcast3A_909 : vector<32xbf16>
      %add3A_911 = arith.addf %mul3A_883, %mul3A_892 : vector<32xbf16>
      %add3A_912 = arith.addf %mul3A_901, %mul3A_910 : vector<32xbf16>
      %add3A_913 = arith.addf %add3A_911, %add3A_912 : vector<32xbf16>
      %unpack3A_914 = tpu.unpack_subelements %add3A_913, 0 {pack_format = #tpu.pack_format<interleaved>} : vector<32xbf16> -> vector<16xf32>
      %unpack3A_915 = tpu.unpack_subelements %add3A_913, 1 {pack_format = #tpu.pack_format<interleaved>} : vector<32xbf16> -> vector<16xf32>
      %add3A_916 = arith.addf %unpack3A_914, %unpack3A_915 : vector<16xf32>
      %swap3A_917 = arith.constant 15 : i32
      %swap3A_918 = arith.index_cast %swap3A_917 : i32 to index
      %swap3A_919 = arith.constant 0 : index
      %swap3A_920 = tpu.vector_load %arg16[%swap3A_918, %swap3A_919] {strides = array<i32>} : memref<16x17xf32, #tpu.memory_space<vmem>>, vector<16xf32>,
      tpu.vector_store %arg16[%swap3A_918, %swap3A_919], %add3A_916 {strides = array<i32>} : memref<16x17xf32, #tpu.memory_space<vmem>>, vector<16xf32>,
      %broadcast_in_dim3A = arith.constant 0 : i32
      %broadcast_in_dim3A_921 = vector.broadcast %broadcast_in_dim3A : i32 to vector<16xi32>
      %gather3A = tpu.vector_load_idx %arg16[%iota3A, %broadcast_in_dim3A_921] : memref<16x17xf32, #tpu.memory_space<vmem>>[vector<16xi32>, vector<16xi32>], vector<16xf32>,
      %broadcast_in_dim3A_922 = arith.constant 1 : i32
      %broadcast_in_dim3A_923 = vector.broadcast %broadcast_in_dim3A_922 : i32 to vector<16xi32>
      %gather3A_924 = tpu.vector_load_idx %arg16[%iota3A, %broadcast_in_dim3A_923] : memref<16x17xf32, #tpu.memory_space<vmem>>[vector<16xi32>, vector<16xi32>], vector<16xf32>,
      %add3A_925 = arith.addf %gather3A, %gather3A_924 : vector<16xf32>
      %broadcast_in_dim3A_926 = arith.constant 2 : i32
      %broadcast_in_dim3A_927 = vector.broadcast %broadcast_in_dim3A_926 : i32 to vector<16xi32>
      %gather3A_928 = tpu.vector_load_idx %arg16[%iota3A, %broadcast_in_dim3A_927] : memref<16x17xf32, #tpu.memory_space<vmem>>[vector<16xi32>, vector<16xi32>], vector<16xf32>,
      %add3A_929 = arith.addf %add3A_925, %gather3A_928 : vector<16xf32>
      %broadcast_in_dim3A_930 = arith.constant 3 : i32
      %broadcast_in_dim3A_931 = vector.broadcast %broadcast_in_dim3A_930 : i32 to vector<16xi32>
      %gather3A_932 = tpu.vector_load_idx %arg16[%iota3A, %broadcast_in_dim3A_931] : memref<16x17xf32, #tpu.memory_space<vmem>>[vector<16xi32>, vector<16xi32>], vector<16xf32>,
      %add3A_933 = arith.addf %add3A_929, %gather3A_932 : vector<16xf32>
      %broadcast_in_dim3A_934 = arith.constant 4 : i32
      %broadcast_in_dim3A_935 = vector.broadcast %broadcast_in_dim3A_934 : i32 to vector<16xi32>
      %gather3A_936 = tpu.vector_load_idx %arg16[%iota3A, %broadcast_in_dim3A_935] : memref<16x17xf32, #tpu.memory_space<vmem>>[vector<16xi32>, vector<16xi32>], vector<16xf32>,
      %add3A_937 = arith.addf %add3A_933, %gather3A_936 : vector<16xf32>
      %broadcast_in_dim3A_938 = arith.constant 5 : i32
      %broadcast_in_dim3A_939 = vector.broadcast %broadcast_in_dim3A_938 : i32 to vector<16xi32>
      %gather3A_940 = tpu.vector_load_idx %arg16[%iota3A, %broadcast_in_dim3A_939] : memref<16x17xf32, #tpu.memory_space<vmem>>[vector<16xi32>, vector<16xi32>], vector<16xf32>,
      %add3A_941 = arith.addf %add3A_937, %gather3A_940 : vector<16xf32>
      %broadcast_in_dim3A_942 = arith.constant 6 : i32
      %broadcast_in_dim3A_943 = vector.broadcast %broadcast_in_dim3A_942 : i32 to vector<16xi32>
      %gather3A_944 = tpu.vector_load_idx %arg16[%iota3A, %broadcast_in_dim3A_943] : memref<16x17xf32, #tpu.memory_space<vmem>>[vector<16xi32>, vector<16xi32>], vector<16xf32>,
      %add3A_945 = arith.addf %add3A_941, %gather3A_944 : vector<16xf32>
      %broadcast_in_dim3A_946 = arith.constant 7 : i32
      %broadcast_in_dim3A_947 = vector.broadcast %broadcast_in_dim3A_946 : i32 to vector<16xi32>
      %gather3A_948 = tpu.vector_load_idx %arg16[%iota3A, %broadcast_in_dim3A_947] : memref<16x17xf32, #tpu.memory_space<vmem>>[vector<16xi32>, vector<16xi32>], vector<16xf32>,
      %add3A_949 = arith.addf %add3A_945, %gather3A_948 : vector<16xf32>
      %broadcast_in_dim3A_950 = arith.constant 8 : i32
      %broadcast_in_dim3A_951 = vector.broadcast %broadcast_in_dim3A_950 : i32 to vector<16xi32>
      %gather3A_952 = tpu.vector_load_idx %arg16[%iota3A, %broadcast_in_dim3A_951] : memref<16x17xf32, #tpu.memory_space<vmem>>[vector<16xi32>, vector<16xi32>], vector<16xf32>,
      %add3A_953 = arith.addf %add3A_949, %gather3A_952 : vector<16xf32>
      %broadcast_in_dim3A_954 = arith.constant 9 : i32
      %broadcast_in_dim3A_955 = vector.broadcast %broadcast_in_dim3A_954 : i32 to vector<16xi32>
      %gather3A_956 = tpu.vector_load_idx %arg16[%iota3A, %broadcast_in_dim3A_955] : memref<16x17xf32, #tpu.memory_space<vmem>>[vector<16xi32>, vector<16xi32>], vector<16xf32>,
      %add3A_957 = arith.addf %add3A_953, %gather3A_956 : vector<16xf32>
      %broadcast_in_dim3A_958 = arith.constant 10 : i32
      %broadcast_in_dim3A_959 = vector.broadcast %broadcast_in_dim3A_958 : i32 to vector<16xi32>
      %gather3A_960 = tpu.vector_load_idx %arg16[%iota3A, %broadcast_in_dim3A_959] : memref<16x17xf32, #tpu.memory_space<vmem>>[vector<16xi32>, vector<16xi32>], vector<16xf32>,
      %add3A_961 = arith.addf %add3A_957, %gather3A_960 : vector<16xf32>
      %broadcast_in_dim3A_962 = arith.constant 11 : i32
      %broadcast_in_dim3A_963 = vector.broadcast %broadcast_in_dim3A_962 : i32 to vector<16xi32>
      %gather3A_964 = tpu.vector_load_idx %arg16[%iota3A, %broadcast_in_dim3A_963] : memref<16x17xf32, #tpu.memory_space<vmem>>[vector<16xi32>, vector<16xi32>], vector<16xf32>,
      %add3A_965 = arith.addf %add3A_961, %gather3A_964 : vector<16xf32>
      %broadcast_in_dim3A_966 = arith.constant 12 : i32
      %broadcast_in_dim3A_967 = vector.broadcast %broadcast_in_dim3A_966 : i32 to vector<16xi32>
      %gather3A_968 = tpu.vector_load_idx %arg16[%iota3A, %broadcast_in_dim3A_967] : memref<16x17xf32, #tpu.memory_space<vmem>>[vector<16xi32>, vector<16xi32>], vector<16xf32>,
      %add3A_969 = arith.addf %add3A_965, %gather3A_968 : vector<16xf32>
      %broadcast_in_dim3A_970 = arith.constant 13 : i32
      %broadcast_in_dim3A_971 = vector.broadcast %broadcast_in_dim3A_970 : i32 to vector<16xi32>
      %gather3A_972 = tpu.vector_load_idx %arg16[%iota3A, %broadcast_in_dim3A_971] : memref<16x17xf32, #tpu.memory_space<vmem>>[vector<16xi32>, vector<16xi32>], vector<16xf32>,
      %add3A_973 = arith.addf %add3A_969, %gather3A_972 : vector<16xf32>
      %broadcast_in_dim3A_974 = arith.constant 14 : i32
      %broadcast_in_dim3A_975 = vector.broadcast %broadcast_in_dim3A_974 : i32 to vector<16xi32>
      %gather3A_976 = tpu.vector_load_idx %arg16[%iota3A, %broadcast_in_dim3A_975] : memref<16x17xf32, #tpu.memory_space<vmem>>[vector<16xi32>, vector<16xi32>], vector<16xf32>,
      %add3A_977 = arith.addf %add3A_973, %gather3A_976 : vector<16xf32>
      %broadcast_in_dim3A_978 = arith.constant 15 : i32
      %broadcast_in_dim3A_979 = vector.broadcast %broadcast_in_dim3A_978 : i32 to vector<16xi32>
      %gather3A_980 = tpu.vector_load_idx %arg16[%iota3A, %broadcast_in_dim3A_979] : memref<16x17xf32, #tpu.memory_space<vmem>>[vector<16xi32>, vector<16xi32>], vector<16xf32>,
      %add3A_981 = arith.addf %add3A_977, %gather3A_980 : vector<16xf32>
      %add3A_982 = arith.constant 9600 : i32
      %add3A_983 = arith.addi %add3A_982, %mul3A_156 : i32
      %get3A_984 = arith.index_cast %add3A_983 : i32 to index
      %get3A_985 = tpu.vector_load %arg14[%get3A_984] {strides = array<i32>} : memref<10000xf32, #tpu.memory_space<vmem>>, vector<16xf32>,
      %mul3A_986 = arith.mulf %add3A_981, %get3A_985 : vector<16xf32>
      %add3A_987 = arith.constant 9600 : i32
      %add3A_988 = arith.addi %add3A_987, %mul3A_156 : i32
      %swap3A_989 = arith.index_cast %add3A_988 : i32 to index
      %swap3A_990 = tpu.vector_load %arg15[%swap3A_989] {strides = array<i32>} : memref<10000xf32, #tpu.memory_space<vmem>>, vector<16xf32>,
      tpu.vector_store %arg15[%swap3A_989], %mul3A_986 {strides = array<i32>} : memref<10000xf32, #tpu.memory_space<vmem>>, vector<16xf32>,
    }
    %scan3A_147 = arith.constant 25 : i32
    %mul3A_148 = arith.constant 10000 : i32
    %mul3A_149 = arith.muli %add3A, %mul3A_148 : i32
    "tpu.region"() ({
      %run_scoped3A = tpu.sem_alloc : memref<!tpu.dma_semaphore, #tpu.memory_space<semaphore_mem>>
      %dma_start3A_150 = tpu.memref_slice %arg5[%mul3A_149] : memref<320000xf32, #tpu.memory_space<hbm>> -> memref<10000xf32, #tpu.memory_space<hbm>>
      %dma_start3A_151 = tpu.memref_slice %arg5[%mul3A_149] : memref<320000xf32, #tpu.memory_space<hbm>> -> memref<10000xf32, #tpu.memory_space<hbm>>
      tpu.enqueue_dma source(%arg15 : memref<10000xf32, #tpu.memory_space<vmem>>) target(%dma_start3A_151 : memref<10000xf32, #tpu.memory_space<hbm>>) target_semaphore(%run_scoped3A : memref<!tpu.dma_semaphore, #tpu.memory_space<semaphore_mem>>)
      %dma_wait3A_152 = tpu.memref_slice %arg5[%mul3A_149] : memref<320000xf32, #tpu.memory_space<hbm>> -> memref<10000xf32, #tpu.memory_space<hbm>>
      %dma_wait3A_153 = tpu.memref_slice %arg5[%mul3A_149] : memref<320000xf32, #tpu.memory_space<hbm>> -> memref<10000xf32, #tpu.memory_space<hbm>>
      tpu.wait_dma2 semaphore(%run_scoped3A : memref<!tpu.dma_semaphore, #tpu.memory_space<semaphore_mem>>) src(%arg15 : memref<10000xf32, #tpu.memory_space<vmem>>) dst(%dma_wait3A_153 : memref<10000xf32, #tpu.memory_space<hbm>>)
      tpu.yield
    }) : () -> ()
    return
  }
}

</mosaic_0001>

<sc_bundles>
// kernel: kernel.3.cloned.1.call-start
scs
__scs_entry_jumppad:
0x0: {  	(pc) =	sbr.rel $0x88, $3  }
0x1: {  	(tag) =	ssettag $0x0;
	lr =	simm.s32 $0x1  }
0x2: {  	[smem:$0x3F9E] =	sst lr;
	_ =	strace $0xD0000000  }
0x3: {  	_ = 	snop  }
0x4: {  	_ = 	snop  }
0x5: {  	_ = 	snop  }
0x6: {  	_ = 	snop  }
0x7: {  	_ = 	snop  }
__scs_overlays_trampoline_lowered:
0x8: {  	[smem:$0x3FAD] =	sst s0  }
0x9: {  	[smem:$0x3FAE] =	sst s1  }
0xa: {  	[smem:$0x3FAF] =	sst s2  }
0xb: {  	[smem:$0x3FB0] =	sst s3  }
0xc: {  	[smem:$0x3FB1] =	sst s4  }
0xd: {  	[smem:$0x3FB2] =	sst s5  }
0xe: {  	[smem:$0x3FB3] =	sst s6  }
0xf: {  	[smem:$0x3FB4] =	sst s7  }
0x10: {  	[smem:$0x3FB5] =	sst s8  }
0x11: {  	[smem:$0x3FB6] =	sst s9;
	s0 =	simm.s32 @!p0 $0x0  }
0x12: {  	s1 =	sld [smem:$0x3F9C];
	s0 =	simm.s32 @p0 $0x1  }
0x13: {  	[smem:$0x3FB7] =	sst s0;
	s0 =	simm.s32 @!p1 $0x0  }
0x14: {  	s2 =	sld [smem:$0x3F9B];
	s0 =	simm.s32 @p1 $0x1  }
0x15: {  	[smem:$0x3FB8] =	sst s0;
	s0 =	simm.s32 @!p2 $0x0  }
0x16: {  	s3 =	sld [smem:$0x3FDB];
	s0 =	simm.s32 @p2 $0x1  }
0x17: {  	s4 =	simm.s32 $0x1BF5;
	[smem:$0x3FBA] =	sst s0  }
0x18: {  	s0 =	sld [smem:$0x3F9D];
	_ =	swait.ge [sflag:s4], $0x0  }
0x19: {  	s7 =	sld [smem:$0x3F9E]  }
0x1a: {  	s8 =	sadd.s32 $0xFFFFE003, lr  }
0x1b: {  	s9 =	sadd.s32 $0xFFFFFEF7, lr;
	s5 =	simm.s32 $0xFFFFFFFF;
	p2 =	slt.u32 s8, $0xFFFFF086  }
0x1c: {  	p1 =	slt.u32 s9, $0xF7A;
	s5 =	simm.s32 @!p2 $0x0  }
0x1d: {  	s5 =	simm.s32 @p1 $0x1;
	p0 =	seq.s32 s7, s2  }
0x1e: {  	s7 =	smul.u32 @!p0 $0xF7A, s2;
	p2 =	seq.s32 @!p0 s5, $0x0  }
0x1f: {  	s9 =	smul.u32 $0xF7A, s1;
	s8 =	simm.s32 @!p0 $0x1BF5;
	p2 =	por !p2, p0  }
0x20: {  	[sflag:s8] =	ssyncset.s32 @!p0 $0xFFFFF086;
	s6 =	sadd.s32 @!p0 s3, s7;
	s7 =	simm.s32 @!p0 $0x108  }
0x21: {  	s3 =	sadd.s32 s3, s9;
	s6 =	sadd.s32 @!p0 $0x88, s6;
	s7 =	simm.s32 @p2 $0x1082  }
0x22: {  	[simem:s7], [sflag:s8] =	dma.local @!p0 [hbm:s6], $0xF7A  }
0x23: {  	s9 =	sor.u32 $0xD0000000, s2;
	s6 =	simm.s32 $0x108;
	_ =	swait.ge @!p0 [sflag:s8], $0x0  }
0x24: {  	s3 =	sadd.s32 $0x88, s3;
	s6 =	simm.s32 @!p1 $0x1082;
	[sflag:s4] =	ssyncset.s32 $0xFFFFF086  }
0x25: {  	[simem:s6], [sflag:s4] =	dma.local [hbm:s3], $0xF7A  }
0x26: {  	[smem:$0x3F9E] =	sst s1;
	(tag) =	ssettag s2;
	_ =	strace s9  }
0x27: {  	s1 =	sld [smem:$0x3FAE]  }
0x28: {  	s2 =	sld [smem:$0x3FAF]  }
0x29: {  	s4 =	sld [smem:$0x3FB1]  }
0x2a: {  	p0 =	seq.s32 s5, $0x0;
	s5 =	sld [smem:$0x3FB2]  }
0x2b: {  	s6 =	sld [smem:$0x3FB3]  }
0x2c: {  	s7 =	sld [smem:$0x3FB4]  }
0x2d: {  	s3 =	simm.s32 $0x108;
	s8 =	sld [smem:$0x3FB5]  }
0x2e: {  	s3 =	simm.s32 @!p0 $0x1082;
	s9 =	sld [smem:$0x3FB6]  }
0x2f: {  	lr =	sadd.s32 s0, s3;
	s0 =	sld [smem:$0x3FAD]  }
0x30: {  	s3 =	sld [smem:$0x3FB0]  }
0x31: {  	[smem:$0x3FB9] =	sst s10  }
0x32: {  	s10 =	sld [smem:$0x3FB7];
	_ =	sdelay $0x3  }
0x33: {  	p0 =	seq.s32 s10, $0x1;
	s10 =	sld [smem:$0x3FB9];
	_ =	sdelay $0x3  }
0x34: {  	[smem:$0x3FB9] =	sst s10  }
0x35: {  	s10 =	sld [smem:$0x3FB8];
	_ =	sdelay $0x3  }
0x36: {  	p1 =	seq.s32 s10, $0x1;
	s10 =	sld [smem:$0x3FB9];
	_ =	sdelay $0x3  }
0x37: {  	[smem:$0x3FB9] =	sst s10  }
0x38: {  	s10 =	sld [smem:$0x3FBA]  }
0x39: {  	_ = 	snop;
	(pc) =	sbr.ind lr, $3  }
0x3a: {  	_ = 	snop  }
0x3b: {  	_ = 	snop  }
0x3c: {  	p2 =	seq.s32 s10, $0x1;
	s10 =	sld [smem:$0x3FB9]  }
0x3d: {  	_ =	shalt  }
0x3e: {  	_ =	shalt  }
0x3f: {  	_ =	shalt  }
0x40: {  	_ =	shalt  }
0x41: {  	_ =	shalt  }
0x42: {  	_ =	shalt  }
0x43: {  	_ =	shalt  }
0x44: {  	_ =	shalt  }
0x45: {  	_ =	shalt  }
0x46: {  	_ =	shalt  }
0x47: {  	_ =	shalt  }
0x48: {  	_ =	shalt  }
0x49: {  	_ =	shalt  }
0x4a: {  	_ =	shalt  }
0x4b: {  	_ =	shalt  }
0x4c: {  	_ =	shalt  }
0x4d: {  	_ =	shalt  }
0x4e: {  	_ =	shalt  }
0x4f: {  	_ =	shalt  }
0x50: {  	_ =	shalt  }
0x51: {  	_ =	shalt  }
0x52: {  	_ =	shalt  }
0x53: {  	_ =	shalt  }
0x54: {  	_ =	shalt  }
0x55: {  	_ =	shalt  }
0x56: {  	_ =	shalt  }
0x57: {  	_ =	shalt  }
0x58: {  	_ =	shalt  }
0x59: {  	_ =	shalt  }
0x5a: {  	_ =	shalt  }
0x5b: {  	_ =	shalt  }
0x5c: {  	_ =	shalt  }
0x5d: {  	_ =	shalt  }
0x5e: {  	_ =	shalt  }
0x5f: {  	_ =	shalt  }
0x60: {  	_ =	shalt  }
0x61: {  	_ =	shalt  }
0x62: {  	_ =	shalt  }
0x63: {  	_ =	shalt  }
0x64: {  	_ =	shalt  }
0x65: {  	_ =	shalt  }
0x66: {  	_ =	shalt  }
0x67: {  	_ =	shalt  }
0x68: {  	_ =	shalt  }
0x69: {  	_ =	shalt  }
0x6a: {  	_ =	shalt  }
0x6b: {  	_ =	shalt  }
0x6c: {  	_ =	shalt  }
0x6d: {  	_ =	shalt  }
0x6e: {  	_ =	shalt  }
0x6f: {  	_ =	shalt  }
0x70: {  	_ =	shalt  }
0x71: {  	_ =	shalt  }
0x72: {  	_ =	shalt  }
0x73: {  	_ =	shalt  }
0x74: {  	_ =	shalt  }
0x75: {  	_ =	shalt  }
0x76: {  	_ =	shalt  }
0x77: {  	_ =	shalt  }
0x78: {  	_ =	shalt  }
0x79: {  	_ =	shalt  }
0x7a: {  	_ =	shalt  }
0x7b: {  	_ =	shalt  }
0x7c: {  	_ =	shalt  }
0x7d: {  	_ =	shalt  }
0x7e: {  	_ =	shalt  }
0x7f: {  	_ =	shalt  }
0x80: {  	_ =	shalt  }
0x81: {  	_ =	shalt  }
0x82: {  	_ =	shalt  }
0x83: {  	_ =	shalt  }
0x84: {  	_ =	shalt  }
0x85: {  	_ =	shalt  }
0x86: {  	_ =	shalt  }
0x87: {  	_ =	shalt  }
.Lfunc_end0:
.L_simem_size_0:
called_computation_lowered:
.L_overlay_start_0:
0x88: {  	s2 =	sld [smem:$0x3FD9]  }
0x89: {  	s3 =	sld [smem:$0x3FFE];
	_ =	sdelay $0x1  }
0x8a: {  	s1 =	srdreg.scid  }
0x8b: {  	s0 =	sand.u32 $0x1, s1  }
0x8c: {  	s17 =	sshll.u32 s0, $0xA;
	s2 =	sadd.s32 s3, s2  }
0x8d: {  	s2 =	sadd.s32 s2, s17  }
0x8e: {  	[smem:$0x3FC5] =	sst s2  }
0x8f: {  	_ = 	snop  }
0x90: {  	s2 =	sld [smem:$0x3FC7]  }
0x91: {  	s18 =	sld [smem:$0x3FD0];
	(tm) =	ssettm $0x1  }
0x92: {  	s4 =	sld [smem:$0x3FFB];
	_ =	sdelay $0x3  }
0x93: {  	_ =	strace s4  }
0x94: {  	s4 =	sld [smem:$0x3FFC];
	_ =	sdelay $0x3  }
0x95: {  	_ =	strace s4  }
0x96: {  	s4 =	sld [smem:$0x3FFD];
	_ =	sdelay $0x3  }
0x97: {  	_ =	strace s4  }
0x98: {  	_ =	strace $0x8FFFFFFF  }
0x99: {  	s19 =	sld [smem:$0x3FDB];
	_ =	sdelay $0x1  }
0x9a: {  	s5 =	simm.s32 $_scs_section_size  }
0x9b: {  	s6 =	simm.s32 $_size__tile_overlayer_lowered;
	s7 =	simm.s32 $_tile_overlayer_lowered  }
0x9c: {  	s22 =	simm.s32 $0x1BFF;
	s21 =	sshll.u32 s7, $0x1;
	s4 =	sadd.s32 s5, s19  }
0x9d: {  	s8 =	simm.s32 $0x0;
	s20 =	sshll.u32 s6, $0x1;
	s6 =	sadd.s32 s21, s4  }
0x9e: {  	[timem:s8], [sflag:s22] =	dma.local [hbm:s6], s20  }
0x9f: {  	_ =	swait.ge [sflag:s22], s20  }
0xa0: {  	s5 =	ssub.s32 $0x0, s20;
	[sflag:s22] =	ssyncset.done $0x0  }
0xa1: {  	[sflag:s22] =	ssyncadd.s32 s5;
	_ =	sdelay $0x1  }
0xa2: {  	s23 =	simm.s32 $0x1B8B  }
0xa3: {  	_ =	swait.ge [sflag:s23], $0x1  }
0xa4: {  	[sflag:s23] =	ssyncset.done $0x0  }
0xa5: {  	s25 =	simm.s32 $0x1B8E;
	s24 =	sld [smem:$0x3FFE];
	[sflag:s23] =	ssyncadd.s32 $0xFFFFFFFF  }
0xa6: {  	s26 =	simm.s32 $execute0_lowered;
	[smem:$0x3FD2] =	sst s25  }
0xa7: {  	s6 =	sshll.u32 s26, $0x1;
	_ =	strace $0x80000046;
	[dreg:$0x1] =	wrdreg $0xFFFFFFFF  }
0xa8: {  	s28 =	simm.s32 $_size_execute0_lowered;
	s4 =	sadd.s32 s4, s6;
	[dreg:$0x0] =	wrdreg $0x0  }
0xa9: {  	s6 =	sshll.u32 s28, $0x1;
	[dreg:$0x2] =	wrdreg s4  }
0xaa: {  	[dreg:$0x3] =	wrdreg s6  }
0xab: {  	[dreg:$0x4] =	wrdreg $0xC0  }
0xac: {  	_ =	task [dreg:s8], $0x5FFFF  }
0xad: {  	[dreg:$0x1] =	wrdreg $0xFFFFFFFF  }
0xae: {  	[dreg:$0x0] =	wrdreg $0x60  }
0xaf: {  	[dreg:$0x2] =	wrdreg s24  }
0xb0: {  	[dreg:$0x3] =	wrdreg s2  }
0xb1: {  	[dreg:$0x4] =	wrdreg s18  }
0xb2: {  	[dreg:$0x5] =	wrdreg $0x9  }
0xb3: {  	_ =	task.clear_ibuf [dreg:s8], $0x6FFFF;
	_ =	strace $0x90000046  }
0xb4: {  	s29 =	simm.s32 $0x9;
	_ =	strace $0x8000004C  }
0xb5: {  	_ =	swait.ge [sflag:s29], $0x1  }
0xb6: {  	[sflag:s29] =	ssyncadd.s32 $0xFFFFFFFF  }
0xb7: {  	_ =	strace $0x9000004C  }
0xb8: {  	_ =	sfence  }
0xb9: {  	s30 =	sld [smem:$0x0];
	_ =	sdelay $0x2  }
0xba: {  	s31 =	sshll.u32 s1, $0xD;
	s1 =	sshrl.u32 s1, $0x2  }
0xbb: {  	s3 =	sand.u32 $0x4000, s31;
	s1 =	sadd.s32 s1, s30  }
0xbc: {  	s0 =	sor.u32 s3, s0;
	s1 =	sshll.u32 s1, $0x11  }
0xbd: {  	s0 =	sor.u32 s1, s0  }
0xbe: {  	s0 =	sadd.s32 $0x8F2B, s0  }
0xbf: {  	[sflag:s0] =	ssyncadd.remote.s32 $0x1  }
0xc0: {  	_ =	sfence.sel $0xFFFF  }
0xc1: {  	[dreg:$0x0] =	wrdreg $0xFFFFFFFF;
	(pc) =	sbr.abs _section_cstart, $3  }
0xc2: {  	[dreg:$0x1] =	wrdreg $0xFFFFFFFF  }
0xc3: {  	_ =	task.clear_ibuf [dreg:s8], $0x2FFFF;
	_ =	strace $0x9FFFFFFF  }
0xc4: {  	(tm) =	ssettm $0x7FFFFFFF  }
0xc5: {  	_ =	shalt  }
tec
execute0_lowered:
.L_overlay_start_1:
0x0: {  	(tag) =	ssettag $0x1  }
0x1: {  	s0 =	rddreg [dreg:$0x0]  }
0x2: {  	s1 =	rddreg [dreg:$0x1];
	s2 =	srdreg.scid  }
0x3: {  	s3 =	stileid.u32;
	s5 =	rddreg [dreg:$0x2];
	s14 =	simm.s32 $0x190  }
0x4: {  	s15 =	simm.s32 $0x1;
	s16 =	simm.s32 $0x50;
	s29 =	simm.s32 $0x280  }
0x5: {  	s30 =	simm.s32 $0xA640;
	s31 =	simm.s32 $0x140;
	s12 =	simm.s32 $0x2  }
0x6: {  	s19 =	simm.s32 $0x18240;
	s13 =	simm.s32 $0x3;
	s20 =	simm.s32 $0x1E460  }
0x7: {  	s18 =	simm.s32 $0x0;
	s4 =	sand.u32 $0x1, s2;
	s3 =	sshll.u32 s3, $0x1  }
0x8: {  	s2 =	simm.s32 $0x0;
	s3 =	sor.u32 s4, s3;
	s7 =	ssub.s32 $0x2, s4  }
0x9: {  	[smem:$0x7FF] =	sst s2;
	s6 =	smul.u32 $0x2710, s3;
	s23 =	sshrl.u32 s7, $0x1  }
0xa: {  	s4 =	sadd.s32 $0x200, s0;
	s3 =	sadd.s32 $0x13C00, s0;
	s0 =	ssub.s32 s7, s23  }
0xb: {  	v0 =	vlaneseq.u32;
	_ =	strace $0x80000047;
	s8 =	sshrl.u32 s6, $0x3;
	s0 =	smax.u32 s0, $0x1  }
0xc: {  	v0 =	vmul.u32 $0x18, v0;
	s7 =	simm.s32 $0x320;
	s1 =	sadd.s32 s1, s8;
	[dreg:$0xa] =	wrdreg s0  }
0xd: {  	s10 =	sadd.s32 $0x320, s6;
	s9 =	sadd.s32 s3, s8;
	[dreg:$0x5] =	wrdreg s1  }
0xe: {  	v1 =	vor.u32 $0x1, v0;
	v2 =	vor.u32 $0x2, v0;
	v3 =	vor.u32 $0x3, v0;
	s11 =	sadd.s32 $0x4B0, s6;
	s28 =	sadd.s32 s5, s8;
	[dreg:$0x4] =	wrdreg s9  }
0xf: {  	v4 =	vor.u32 $0x4, v0;
	v5 =	vor.u32 $0x5, v0;
	v6 =	vor.u32 $0x6, v0;
	s6 =	simm.s32 $0xBA40;
	s24 =	sadd.s32 $0x9C40, s9;
	[dreg:$0x9] =	wrdreg s28  }
0x10: {  	v7 =	vor.u32 $0x7, v0;
	v8 =	vadd.s32 $0x8, v0;
	v9 =	vadd.s32 $0x9, v0;
	s0 =	simm.s32 $0x2D0;
	s25 =	sadd.s32 $0x32, s9;
	[dreg:$0x6] =	wrdreg s24  }
0x11: {  	v10 =	vadd.s32 $0xA, v0;
	v11 =	vadd.s32 $0xB, v0;
	v12 =	vadd.s32 $0xC, v0;
	s8 =	simm.s32 $0x4B0;
	s26 =	sadd.s32 $0x9C72, s9;
	[dreg:$0x7] =	wrdreg s25  }
0x12: {  	v13 =	vadd.s32 $0xD, v0;
	v14 =	vadd.s32 $0xE, v0;
	v15 =	vadd.s32 $0xF, v0;
	s5 =	simm.s32 $0x4;
	s1 =	simm.s32 $0x5640;
	[dreg:$0x8] =	wrdreg s26  }
.LBB2_1:
0x13: {  	[dreg:$0xb] =	wrdreg s18  }
0x14: {  	s21 =	simm.s32 $0x19640;
	s9 =	rddreg [dreg:$0x5]  }
0x15: {  	[tilespmem:s21], [sflag:$0x5] =	stream.linear.gather [hbm4b:s9+s2], $0x2710, $0x38;
	[tilespmem:$0x1E5E0] =	vst v63  }
0x16: {  	s17 =	rddreg [dreg:$0x4]  }
0x17: {  	[tilespmem:s2], [sflag:$0x1] =	stream.linear.gather [hbm4b:s17+s2], $0x190, $0x38;
	[tilespmem:$0x1E5E0] =	vst v63  }
0x18: {  	s18 =	rddreg [dreg:$0x6]  }
0x19: {  	[tilespmem:s14], [sflag:$0x1] =	stream.linear.gather [hbm4b:s18+s2], $0x190, $0x38;
	[tilespmem:$0x1E5E0] =	vst v63  }
0x1a: {  	_ =	swait.ge [sflag:s15], $0x190  }
0x1b: {  	[sflag:s15] =	ssyncset.done $0x0  }
0x1c: {  	[sflag:s15] =	ssyncadd.s32 $0xFFFFFE70  }
0x1d: {  	_ =	swait.ge [sflag:s15], $0x190  }
0x1e: {  	[sflag:s15] =	ssyncset.done $0x0  }
0x1f: {  	s22 =	simm.s32 $0x640;
	[sflag:s15] =	ssyncadd.s32 $0xFFFFFE70  }
0x20: {  	[tilespmem:s22], [sflag:$0x3] =	stream.indirect.gather [hbm4b:s4+s16], $0x40, s2, s16, $0xb8;
	[tilespmem:$0x1E5E0] =	vst v63  }
0x21: {  	s23 =	simm.s32 $0x6A40  }
0x22: {  	[tilespmem:s23], [sflag:$0x3] =	stream.indirect.gather [hbm4b:s4+s16], $0x40, s14, s16, $0xb8;
	[tilespmem:$0x1E5E0] =	vst v63  }
0x23: {  	s24 =	simm.s32 $0x1A40  }
0x24: {  	[tilespmem:s24], [sflag:$0x3] =	stream.indirect.gather [hbm4b:s4+s16], $0x40, s16, s16, $0xb8;
	[tilespmem:$0x1E5E0] =	vst v63  }
0x25: {  	s25 =	simm.s32 $0x1E0;
	s17 =	simm.s32 $0x7E40  }
0x26: {  	[tilespmem:s17], [sflag:$0x3] =	stream.indirect.gather [hbm4b:s4+s16], $0x40, s25, s16, $0xb8;
	[tilespmem:$0x1E5E0] =	vst v63  }
0x27: {  	s26 =	simm.s32 $0xA0;
	s28 =	simm.s32 $0x2E40  }
0x28: {  	[tilespmem:s28], [sflag:$0x3] =	stream.indirect.gather [hbm4b:s4+s16], $0x40, s26, s16, $0xb8;
	[tilespmem:$0x1E5E0] =	vst v63  }
0x29: {  	s18 =	simm.s32 $0x230;
	s22 =	simm.s32 $0x9240  }
0x2a: {  	[tilespmem:s22], [sflag:$0x3] =	stream.indirect.gather [hbm4b:s4+s16], $0x40, s18, s16, $0xb8;
	[tilespmem:$0x1E5E0] =	vst v63  }
0x2b: {  	s23 =	simm.s32 $0xF0;
	s24 =	simm.s32 $0x4240  }
0x2c: {  	[tilespmem:s24], [sflag:$0x3] =	stream.indirect.gather [hbm4b:s4+s16], $0x40, s23, s16, $0xb8;
	[tilespmem:$0x1E5E0] =	vst v63  }
0x2d: {  	_ = 	snop  }
0x2e: {  	[tilespmem:s30], [sflag:$0x3] =	stream.indirect.gather [hbm4b:s4+s16], $0x40, s29, s16, $0xb8;
	[tilespmem:$0x1E5E0] =	vst v63  }
0x2f: {  	_ = 	snop  }
0x30: {  	[tilespmem:s1], [sflag:$0x3] =	stream.indirect.gather [hbm4b:s4+s16], $0x40, s31, s16, $0xb8;
	[tilespmem:$0x1E5E0] =	vst v63  }
0x31: {  	_ = 	snop  }
0x32: {  	[tilespmem:s6], [sflag:$0x3] =	stream.indirect.gather [hbm4b:s4+s16], $0x40, s0, s16, $0xb8;
	[tilespmem:$0x1E5E0] =	vst v63  }
0x33: {  	s25 =	rddreg [dreg:$0x7]  }
0x34: {  	[tilespmem:s7], [sflag:$0x2] =	stream.linear.gather [hbm4b:s25+s2], $0x190, $0x38;
	[tilespmem:$0x1E5E0] =	vst v63  }
0x35: {  	s26 =	rddreg [dreg:$0x8];
	s28 =	simm.s32 $0x5  }
0x36: {  	[tilespmem:s8], [sflag:$0x2] =	stream.linear.gather [hbm4b:s26+s2], $0x190, $0x38;
	[tilespmem:$0x1E5E0] =	vst v63  }
0x37: {  	_ =	swait.ge [sflag:s28], $0x2710  }
0x38: {  	s9 =	simm.s32 $0x1BEE0;
	s22 =	simm.s32 $0x197D0;
	[sflag:s28] =	ssyncset.done $0x0  }
0x39: {  	s23 =	simm.s32 $0x1BD50;
	s24 =	simm.s32 $0x0;
	[sflag:s28] =	ssyncadd.s32 $0xFFFFD8F0  }
.LBB2_2:
0x3a: {  	_ =	swait.ge [sflag:s12], $0x190  }
0x3b: {  	[sflag:s12] =	ssyncset.done $0x0  }
0x3c: {  	[sflag:s12] =	ssyncadd.s32 $0xFFFFFE70  }
0x3d: {  	_ =	swait.ge [sflag:s12], $0x190  }
0x3e: {  	[sflag:s12] =	ssyncset.done $0x0  }
0x3f: {  	s17 =	simm.s32 $0xCE40;
	[sflag:s12] =	ssyncadd.s32 $0xFFFFFE70  }
0x40: {  	[tilespmem:s17], [sflag:$0x4] =	stream.indirect.gather [hbm4b:s4+s16], $0x40, s7, s16, $0xb8;
	[tilespmem:$0x1E5E0] =	vst v63  }
0x41: {  	s25 =	simm.s32 $0x13240  }
0x42: {  	[tilespmem:s25], [sflag:$0x4] =	stream.indirect.gather [hbm4b:s4+s16], $0x40, s8, s16, $0xb8;
	[tilespmem:$0x1E5E0] =	vst v63  }
0x43: {  	s26 =	simm.s32 $0x370;
	s18 =	simm.s32 $0xE240  }
0x44: {  	[tilespmem:s18], [sflag:$0x4] =	stream.indirect.gather [hbm4b:s4+s16], $0x40, s26, s16, $0xb8;
	[tilespmem:$0x1E5E0] =	vst v63  }
0x45: {  	s25 =	simm.s32 $0x500;
	s26 =	simm.s32 $0x14640  }
0x46: {  	[tilespmem:s26], [sflag:$0x4] =	stream.indirect.gather [hbm4b:s4+s16], $0x40, s25, s16, $0xb8;
	[tilespmem:$0x1E5E0] =	vst v63  }
0x47: {  	s25 =	simm.s32 $0x3C0;
	s26 =	simm.s32 $0xF640  }
0x48: {  	[tilespmem:s26], [sflag:$0x4] =	stream.indirect.gather [hbm4b:s4+s16], $0x40, s25, s16, $0xb8;
	[tilespmem:$0x1E5E0] =	vst v63  }
0x49: {  	s25 =	simm.s32 $0x550;
	s26 =	simm.s32 $0x15A40  }
0x4a: {  	[tilespmem:s26], [sflag:$0x4] =	stream.indirect.gather [hbm4b:s4+s16], $0x40, s25, s16, $0xb8;
	[tilespmem:$0x1E5E0] =	vst v63  }
0x4b: {  	s25 =	simm.s32 $0x410;
	s26 =	simm.s32 $0x10A40  }
0x4c: {  	[tilespmem:s26], [sflag:$0x4] =	stream.indirect.gather [hbm4b:s4+s16], $0x40, s25, s16, $0xb8;
	[tilespmem:$0x1E5E0] =	vst v63  }
0x4d: {  	s25 =	simm.s32 $0x5A0;
	s26 =	simm.s32 $0x16E40  }
0x4e: {  	[tilespmem:s26], [sflag:$0x4] =	stream.indirect.gather [hbm4b:s4+s16], $0x40, s25, s16, $0xb8;
	[tilespmem:$0x1E5E0] =	vst v63  }
0x4f: {  	s25 =	simm.s32 $0x460;
	s26 =	simm.s32 $0x11E40  }
0x50: {  	[tilespmem:s26], [sflag:$0x4] =	stream.indirect.gather [hbm4b:s4+s16], $0x40, s25, s16, $0xb8;
	[tilespmem:$0x1E5E0] =	vst v63  }
0x51: {  	s25 =	simm.s32 $0x5F0  }
0x52: {  	[tilespmem:s19], [sflag:$0x4] =	stream.indirect.gather [hbm4b:s4+s16], $0x40, s25, s16, $0xb8;
	[tilespmem:$0x1E5E0] =	vst v63  }
0x53: {  	_ =	strace $0x80000048  }
0x54: {  	_ =	swait.ge [sflag:s13], $0x6400  }
0x55: {  	[sflag:s13] =	ssyncset.done $0x0  }
0x56: {  	s25 =	smul.u32 $0x320, s24;
	[sflag:s13] =	ssyncadd.s32 $0xFFFF9C00  }
0x57: {  	_ =	swait.ge [sflag:s13], $0x6400  }
0x58: {  	s26 =	sadd.s32 s25, s10;
	[sflag:s13] =	ssyncset.done $0x0  }
0x59: {  	s17 =	sshrl.u32 s26, $0x3;
	[sflag:s13] =	ssyncadd.s32 $0xFFFF9C00  }
0x5a: {  	s26 =	sadd.s32 s3, s17;
	s17 =	simm.s32 $0x0;
	_ =	strace $0x90000048  }
0x5b: {  	[tilespmem:s17], [sflag:$0x1] =	stream.linear.gather [hbm4b:s26+s17], $0x190, $0x38;
	[tilespmem:$0x1E5E0] =	vst v63  }
0x5c: {  	s26 =	sadd.s32 $0x9C40, s26  }
0x5d: {  	[tilespmem:s14], [sflag:$0x1] =	stream.linear.gather [hbm4b:s26+s17], $0x190, $0x38;
	[tilespmem:$0x1E5E0] =	vst v63  }
0x5e: {  	s28 =	simm.s32 $0x6C40;
	v16 =	vmov s21;
	v17 =	vmov s23;
	s26 =	simm.s32 $0x840;
	_ =	strace $0x80000049  }
.LBB2_3:
0x5f: {  	v18 =	vld [tilespmem:s26+$0xFFFFFE00]  }
0x60: {  	v19 =	vld [tilespmem:s28+$0xFFFFFE00]  }
0x61: {  	v20 =	vld [tilespmem:s26+$0xFFFFFE10]  }
0x62: {  	v21 =	vld [tilespmem:s28+$0xFFFFFE10]  }
0x63: {  	v22 =	vld [tilespmem:s26+$0xFFFFFE20]  }
0x64: {  	v23 =	vld [tilespmem:s28+$0xFFFFFE20]  }
0x65: {  	v24 =	vld [tilespmem:s26+$0xFFFFFE30]  }
0x66: {  	v25 =	vld [tilespmem:s28+$0xFFFFFE30];
	_ =	sdelay $0x3  }
0x67: {  	v18 =	vmul.bf16 v19, v18;
	v19 =	vmul.bf16 v21, v20  }
0x68: {  	v40 =	vmul.bf16 v23, v22;
	v41 =	vmul.bf16 v25, v24;
	_ =	sdelay $0x1  }
0x69: {  	v18 =	vadd.bf16 v19, v18;
	v19 =	vadd.bf16 v41, v40;
	_ =	sdelay $0x1  }
0x6a: {  	v18 =	vadd.bf16 v19, v18;
	_ =	sdelay $0x1  }
0x6b: {  	v19 =	vunpack.i.u.bf16.f32 v18;
	v18 =	vunpack.i.l.bf16.f32 v18  }
0x6c: {  	v18 =	vadd.f32 v18, v19;
	_ =	sdelay $0x1  }
0x6d: {  	[tilespmem:$0x1E460] =	vst v18  }
0x6e: {  	v18 =	vld [tilespmem:s26+$0xFFFFFE40]  }
0x6f: {  	v19 =	vld [tilespmem:s28+$0xFFFFFE40]  }
0x70: {  	v42 =	vld [tilespmem:s26+$0xFFFFFE50]  }
0x71: {  	v43 =	vld [tilespmem:s28+$0xFFFFFE50]  }
0x72: {  	v44 =	vld [tilespmem:s26+$0xFFFFFE60]  }
0x73: {  	v45 =	vld [tilespmem:s28+$0xFFFFFE60]  }
0x74: {  	v46 =	vld [tilespmem:s26+$0xFFFFFE70]  }
0x75: {  	v47 =	vld [tilespmem:s28+$0xFFFFFE70];
	_ =	sdelay $0x3  }
0x76: {  	v18 =	vmul.bf16 v19, v18;
	v19 =	vmul.bf16 v43, v42  }
0x77: {  	v48 =	vmul.bf16 v45, v44;
	v49 =	vmul.bf16 v47, v46;
	_ =	sdelay $0x1  }
0x78: {  	v18 =	vadd.bf16 v19, v18;
	v19 =	vadd.bf16 v49, v48;
	_ =	sdelay $0x1  }
0x79: {  	v18 =	vadd.bf16 v19, v18;
	_ =	sdelay $0x1  }
0x7a: {  	v19 =	vunpack.i.u.bf16.f32 v18;
	v18 =	vunpack.i.l.bf16.f32 v18  }
0x7b: {  	v18 =	vadd.f32 v18, v19;
	_ =	sdelay $0x1  }
0x7c: {  	[tilespmem:$0x1E478] =	vst v18  }
0x7d: {  	v18 =	vld [tilespmem:s26+$0xFFFFFE80]  }
0x7e: {  	v19 =	vld [tilespmem:s28+$0xFFFFFE80]  }
0x7f: {  	v50 =	vld [tilespmem:s26+$0xFFFFFE90]  }
0x80: {  	v51 =	vld [tilespmem:s28+$0xFFFFFE90]  }
0x81: {  	v52 =	vld [tilespmem:s26+$0xFFFFFEA0]  }
0x82: {  	v53 =	vld [tilespmem:s28+$0xFFFFFEA0]  }
0x83: {  	v54 =	vld [tilespmem:s26+$0xFFFFFEB0]  }
0x84: {  	v55 =	vld [tilespmem:s28+$0xFFFFFEB0];
	_ =	sdelay $0x3  }
0x85: {  	v18 =	vmul.bf16 v19, v18;
	v19 =	vmul.bf16 v51, v50  }
0x86: {  	v56 =	vmul.bf16 v53, v52;
	v57 =	vmul.bf16 v55, v54;
	_ =	sdelay $0x1  }
0x87: {  	v18 =	vadd.bf16 v19, v18;
	v19 =	vadd.bf16 v57, v56;
	_ =	sdelay $0x1  }
0x88: {  	v18 =	vadd.bf16 v19, v18;
	_ =	sdelay $0x1  }
0x89: {  	v19 =	vunpack.i.u.bf16.f32 v18;
	v18 =	vunpack.i.l.bf16.f32 v18  }
0x8a: {  	v18 =	vadd.f32 v18, v19;
	_ =	sdelay $0x1  }
0x8b: {  	[tilespmem:$0x1E490] =	vst v18  }
0x8c: {  	v18 =	vld [tilespmem:s26+$0xFFFFFEC0]  }
0x8d: {  	v19 =	vld [tilespmem:s28+$0xFFFFFEC0]  }
0x8e: {  	v58 =	vld [tilespmem:s26+$0xFFFFFED0]  }
0x8f: {  	v59 =	vld [tilespmem:s28+$0xFFFFFED0]  }
0x90: {  	v60 =	vld [tilespmem:s26+$0xFFFFFEE0]  }
0x91: {  	v61 =	vld [tilespmem:s28+$0xFFFFFEE0]  }
0x92: {  	v62 =	vld [tilespmem:s26+$0xFFFFFEF0]  }
0x93: {  	v63 =	vld [tilespmem:s28+$0xFFFFFEF0];
	_ =	sdelay $0x3  }
0x94: {  	v18 =	vmul.bf16 v19, v18;
	v19 =	vmul.bf16 v59, v58  }
0x95: {  	v28 =	vmul.bf16 v61, v60;
	v29 =	vmul.bf16 v63, v62;
	_ =	sdelay $0x1  }
0x96: {  	v18 =	vadd.bf16 v19, v18;
	v19 =	vadd.bf16 v29, v28;
	_ =	sdelay $0x1  }
0x97: {  	v18 =	vadd.bf16 v19, v18;
	_ =	sdelay $0x1  }
0x98: {  	v19 =	vunpack.i.u.bf16.f32 v18;
	v18 =	vunpack.i.l.bf16.f32 v18  }
0x99: {  	v18 =	vadd.f32 v18, v19;
	_ =	sdelay $0x1  }
0x9a: {  	[tilespmem:$0x1E4A8] =	vst v18  }
0x9b: {  	v18 =	vld [tilespmem:s26+$0xFFFFFF00]  }
0x9c: {  	v19 =	vld [tilespmem:s28+$0xFFFFFF00]  }
0x9d: {  	v30 =	vld [tilespmem:s26+$0xFFFFFF10]  }
0x9e: {  	v31 =	vld [tilespmem:s28+$0xFFFFFF10]  }
0x9f: {  	v32 =	vld [tilespmem:s26+$0xFFFFFF20]  }
0xa0: {  	v33 =	vld [tilespmem:s28+$0xFFFFFF20]  }
0xa1: {  	v34 =	vld [tilespmem:s26+$0xFFFFFF30]  }
0xa2: {  	v35 =	vld [tilespmem:s28+$0xFFFFFF30];
	_ =	sdelay $0x3  }
0xa3: {  	v18 =	vmul.bf16 v19, v18;
	v19 =	vmul.bf16 v31, v30  }
0xa4: {  	v36 =	vmul.bf16 v33, v32;
	v37 =	vmul.bf16 v35, v34;
	_ =	sdelay $0x1  }
0xa5: {  	v18 =	vadd.bf16 v19, v18;
	v19 =	vadd.bf16 v37, v36;
	_ =	sdelay $0x1  }
0xa6: {  	v18 =	vadd.bf16 v19, v18;
	_ =	sdelay $0x1  }
0xa7: {  	v19 =	vunpack.i.u.bf16.f32 v18;
	v18 =	vunpack.i.l.bf16.f32 v18  }
0xa8: {  	v18 =	vadd.f32 v18, v19;
	_ =	sdelay $0x1  }
0xa9: {  	[tilespmem:$0x1E4C0] =	vst v18  }
0xaa: {  	v18 =	vld [tilespmem:s26+$0xFFFFFF40]  }
0xab: {  	v19 =	vld [tilespmem:s28+$0xFFFFFF40]  }
0xac: {  	v38 =	vld [tilespmem:s26+$0xFFFFFF50]  }
0xad: {  	v39 =	vld [tilespmem:s28+$0xFFFFFF50]  }
0xae: {  	v40 =	vld [tilespmem:s26+$0xFFFFFF60]  }
0xaf: {  	v41 =	vld [tilespmem:s28+$0xFFFFFF60]  }
0xb0: {  	v42 =	vld [tilespmem:s26+$0xFFFFFF70]  }
0xb1: {  	v43 =	vld [tilespmem:s28+$0xFFFFFF70];
	_ =	sdelay $0x3  }
0xb2: {  	v18 =	vmul.bf16 v19, v18;
	v19 =	vmul.bf16 v39, v38  }
0xb3: {  	v44 =	vmul.bf16 v41, v40;
	v45 =	vmul.bf16 v43, v42;
	_ =	sdelay $0x1  }
0xb4: {  	v18 =	vadd.bf16 v19, v18;
	v19 =	vadd.bf16 v45, v44;
	_ =	sdelay $0x1  }
0xb5: {  	v18 =	vadd.bf16 v19, v18;
	_ =	sdelay $0x1  }
0xb6: {  	v19 =	vunpack.i.u.bf16.f32 v18;
	v18 =	vunpack.i.l.bf16.f32 v18  }
0xb7: {  	v18 =	vadd.f32 v18, v19;
	_ =	sdelay $0x1  }
0xb8: {  	[tilespmem:$0x1E4D8] =	vst v18  }
0xb9: {  	v18 =	vld [tilespmem:s26+$0xFFFFFF80]  }
0xba: {  	v19 =	vld [tilespmem:s28+$0xFFFFFF80]  }
0xbb: {  	v46 =	vld [tilespmem:s26+$0xFFFFFF90]  }
0xbc: {  	v47 =	vld [tilespmem:s28+$0xFFFFFF90]  }
0xbd: {  	v48 =	vld [tilespmem:s26+$0xFFFFFFA0]  }
0xbe: {  	v49 =	vld [tilespmem:s28+$0xFFFFFFA0]  }
0xbf: {  	v50 =	vld [tilespmem:s26+$0xFFFFFFB0]  }
0xc0: {  	v51 =	vld [tilespmem:s28+$0xFFFFFFB0];
	_ =	sdelay $0x3  }
0xc1: {  	v18 =	vmul.bf16 v19, v18;
	v19 =	vmul.bf16 v47, v46  }
0xc2: {  	v52 =	vmul.bf16 v49, v48;
	v53 =	vmul.bf16 v51, v50;
	_ =	sdelay $0x1  }
0xc3: {  	v18 =	vadd.bf16 v19, v18;
	v19 =	vadd.bf16 v53, v52;
	_ =	sdelay $0x1  }
0xc4: {  	v18 =	vadd.bf16 v19, v18;
	_ =	sdelay $0x1  }
0xc5: {  	v19 =	vunpack.i.u.bf16.f32 v18;
	v18 =	vunpack.i.l.bf16.f32 v18  }
0xc6: {  	v18 =	vadd.f32 v18, v19;
	_ =	sdelay $0x1  }
0xc7: {  	[tilespmem:$0x1E4F0] =	vst v18  }
0xc8: {  	v18 =	vld [tilespmem:s26+$0xFFFFFFC0]  }
0xc9: {  	v19 =	vld [tilespmem:s28+$0xFFFFFFC0]  }
0xca: {  	v54 =	vld [tilespmem:s26+$0xFFFFFFD0]  }
0xcb: {  	v55 =	vld [tilespmem:s28+$0xFFFFFFD0]  }
0xcc: {  	v56 =	vld [tilespmem:s26+$0xFFFFFFE0]  }
0xcd: {  	v57 =	vld [tilespmem:s28+$0xFFFFFFE0]  }
0xce: {  	v58 =	vld [tilespmem:s26+$0xFFFFFFF0]  }
0xcf: {  	v59 =	vld [tilespmem:s28+$0xFFFFFFF0];
	_ =	sdelay $0x3  }
0xd0: {  	v18 =	vmul.bf16 v19, v18;
	v19 =	vmul.bf16 v55, v54  }
0xd1: {  	v60 =	vmul.bf16 v57, v56;
	v61 =	vmul.bf16 v59, v58;
	_ =	sdelay $0x1  }
0xd2: {  	v18 =	vadd.bf16 v19, v18;
	v19 =	vadd.bf16 v61, v60;
	_ =	sdelay $0x1  }
0xd3: {  	v18 =	vadd.bf16 v19, v18;
	_ =	sdelay $0x1  }
0xd4: {  	v19 =	vunpack.i.u.bf16.f32 v18;
	v18 =	vunpack.i.l.bf16.f32 v18  }
0xd5: {  	v18 =	vadd.f32 v18, v19;
	_ =	sdelay $0x1  }
0xd6: {  	[tilespmem:$0x1E508] =	vst v18  }
0xd7: {  	v18 =	vld [tilespmem:s26+$0x0]  }
0xd8: {  	v19 =	vld [tilespmem:s28+$0x0]  }
0xd9: {  	v62 =	vld [tilespmem:s26+$0x10]  }
0xda: {  	v63 =	vld [tilespmem:s28+$0x10]  }
0xdb: {  	v28 =	vld [tilespmem:s26+$0x20]  }
0xdc: {  	v29 =	vld [tilespmem:s28+$0x20]  }
0xdd: {  	v30 =	vld [tilespmem:s26+$0x30]  }
0xde: {  	v31 =	vld [tilespmem:s28+$0x30];
	_ =	sdelay $0x3  }
0xdf: {  	v18 =	vmul.bf16 v19, v18;
	v19 =	vmul.bf16 v63, v62  }
0xe0: {  	v32 =	vmul.bf16 v29, v28;
	v33 =	vmul.bf16 v31, v30;
	_ =	sdelay $0x1  }
0xe1: {  	v18 =	vadd.bf16 v19, v18;
	v19 =	vadd.bf16 v33, v32;
	_ =	sdelay $0x1  }
0xe2: {  	v18 =	vadd.bf16 v19, v18;
	_ =	sdelay $0x1  }
0xe3: {  	v19 =	vunpack.i.u.bf16.f32 v18;
	v18 =	vunpack.i.l.bf16.f32 v18  }
0xe4: {  	v18 =	vadd.f32 v18, v19;
	_ =	sdelay $0x1  }
0xe5: {  	[tilespmem:$0x1E520] =	vst v18  }
0xe6: {  	v18 =	vld [tilespmem:s26+$0x40]  }
0xe7: {  	v19 =	vld [tilespmem:s28+$0x40]  }
0xe8: {  	v34 =	vld [tilespmem:s26+$0x50]  }
0xe9: {  	v35 =	vld [tilespmem:s28+$0x50]  }
0xea: {  	v36 =	vld [tilespmem:s26+$0x60]  }
0xeb: {  	v37 =	vld [tilespmem:s28+$0x60]  }
0xec: {  	v38 =	vld [tilespmem:s26+$0x70]  }
0xed: {  	v39 =	vld [tilespmem:s28+$0x70];
	_ =	sdelay $0x3  }
0xee: {  	v18 =	vmul.bf16 v19, v18;
	v19 =	vmul.bf16 v35, v34  }
0xef: {  	v40 =	vmul.bf16 v37, v36;
	v41 =	vmul.bf16 v39, v38;
	_ =	sdelay $0x1  }
0xf0: {  	v18 =	vadd.bf16 v19, v18;
	v19 =	vadd.bf16 v41, v40;
	_ =	sdelay $0x1  }
0xf1: {  	v18 =	vadd.bf16 v19, v18;
	_ =	sdelay $0x1  }
0xf2: {  	v19 =	vunpack.i.u.bf16.f32 v18;
	v18 =	vunpack.i.l.bf16.f32 v18  }
0xf3: {  	v18 =	vadd.f32 v18, v19;
	_ =	sdelay $0x1  }
0xf4: {  	[tilespmem:$0x1E538] =	vst v18  }
0xf5: {  	v18 =	vld [tilespmem:s26+$0x80]  }
0xf6: {  	v19 =	vld [tilespmem:s28+$0x80]  }
0xf7: {  	v42 =	vld [tilespmem:s26+$0x90]  }
0xf8: {  	v43 =	vld [tilespmem:s28+$0x90]  }
0xf9: {  	v44 =	vld [tilespmem:s26+$0xA0]  }
0xfa: {  	v45 =	vld [tilespmem:s28+$0xA0]  }
0xfb: {  	v46 =	vld [tilespmem:s26+$0xB0]  }
0xfc: {  	v47 =	vld [tilespmem:s28+$0xB0];
	_ =	sdelay $0x3  }
0xfd: {  	v18 =	vmul.bf16 v19, v18;
	v19 =	vmul.bf16 v43, v42  }
0xfe: {  	v48 =	vmul.bf16 v45, v44;
	v49 =	vmul.bf16 v47, v46;
	_ =	sdelay $0x1  }
0xff: {  	v18 =	vadd.bf16 v19, v18;
	v19 =	vadd.bf16 v49, v48;
	_ =	sdelay $0x1  }
0x100: {  	v18 =	vadd.bf16 v19, v18;
	_ =	sdelay $0x1  }
0x101: {  	v19 =	vunpack.i.u.bf16.f32 v18;
	v18 =	vunpack.i.l.bf16.f32 v18  }
0x102: {  	v18 =	vadd.f32 v18, v19;
	_ =	sdelay $0x1  }
0x103: {  	[tilespmem:$0x1E550] =	vst v18  }
0x104: {  	v18 =	vld [tilespmem:s26+$0xC0]  }
0x105: {  	v19 =	vld [tilespmem:s28+$0xC0]  }
0x106: {  	v50 =	vld [tilespmem:s26+$0xD0]  }
0x107: {  	v51 =	vld [tilespmem:s28+$0xD0]  }
0x108: {  	v52 =	vld [tilespmem:s26+$0xE0]  }
0x109: {  	v53 =	vld [tilespmem:s28+$0xE0]  }
0x10a: {  	v54 =	vld [tilespmem:s26+$0xF0]  }
0x10b: {  	v55 =	vld [tilespmem:s28+$0xF0];
	_ =	sdelay $0x3  }
0x10c: {  	v18 =	vmul.bf16 v19, v18;
	v19 =	vmul.bf16 v51, v50  }
0x10d: {  	v56 =	vmul.bf16 v53, v52;
	v57 =	vmul.bf16 v55, v54;
	_ =	sdelay $0x1  }
0x10e: {  	v18 =	vadd.bf16 v19, v18;
	v19 =	vadd.bf16 v57, v56;
	_ =	sdelay $0x1  }
0x10f: {  	v18 =	vadd.bf16 v19, v18;
	_ =	sdelay $0x1  }
0x110: {  	v19 =	vunpack.i.u.bf16.f32 v18;
	v18 =	vunpack.i.l.bf16.f32 v18  }
0x111: {  	v18 =	vadd.f32 v18, v19;
	_ =	sdelay $0x1  }
0x112: {  	[tilespmem:$0x1E568] =	vst v18  }
0x113: {  	v18 =	vld [tilespmem:s26+$0x100]  }
0x114: {  	v19 =	vld [tilespmem:s28+$0x100]  }
0x115: {  	v58 =	vld [tilespmem:s26+$0x110]  }
0x116: {  	v59 =	vld [tilespmem:s28+$0x110]  }
0x117: {  	v60 =	vld [tilespmem:s26+$0x120]  }
0x118: {  	v61 =	vld [tilespmem:s28+$0x120]  }
0x119: {  	v62 =	vld [tilespmem:s26+$0x130]  }
0x11a: {  	v63 =	vld [tilespmem:s28+$0x130];
	_ =	sdelay $0x3  }
0x11b: {  	v18 =	vmul.bf16 v19, v18;
	v19 =	vmul.bf16 v59, v58  }
0x11c: {  	v28 =	vmul.bf16 v61, v60;
	v29 =	vmul.bf16 v63, v62;
	_ =	sdelay $0x1  }
0x11d: {  	v18 =	vadd.bf16 v19, v18;
	v19 =	vadd.bf16 v29, v28;
	_ =	sdelay $0x1  }
0x11e: {  	v18 =	vadd.bf16 v19, v18;
	_ =	sdelay $0x1  }
0x11f: {  	v19 =	vunpack.i.u.bf16.f32 v18;
	v18 =	vunpack.i.l.bf16.f32 v18  }
0x120: {  	v18 =	vadd.f32 v18, v19;
	_ =	sdelay $0x1  }
0x121: {  	[tilespmem:$0x1E580] =	vst v18  }
0x122: {  	v18 =	vld [tilespmem:s26+$0x140]  }
0x123: {  	v19 =	vld [tilespmem:s28+$0x140]  }
0x124: {  	v30 =	vld [tilespmem:s26+$0x150]  }
0x125: {  	v31 =	vld [tilespmem:s28+$0x150]  }
0x126: {  	v32 =	vld [tilespmem:s26+$0x160]  }
0x127: {  	v33 =	vld [tilespmem:s28+$0x160]  }
0x128: {  	v34 =	vld [tilespmem:s26+$0x170]  }
0x129: {  	v35 =	vld [tilespmem:s28+$0x170];
	_ =	sdelay $0x3  }
0x12a: {  	v18 =	vmul.bf16 v19, v18;
	v19 =	vmul.bf16 v31, v30  }
0x12b: {  	v36 =	vmul.bf16 v33, v32;
	v37 =	vmul.bf16 v35, v34;
	_ =	sdelay $0x1  }
0x12c: {  	v18 =	vadd.bf16 v19, v18;
	v19 =	vadd.bf16 v37, v36;
	_ =	sdelay $0x1  }
0x12d: {  	v18 =	vadd.bf16 v19, v18;
	_ =	sdelay $0x1  }
0x12e: {  	v19 =	vunpack.i.u.bf16.f32 v18;
	v18 =	vunpack.i.l.bf16.f32 v18  }
0x12f: {  	v18 =	vadd.f32 v18, v19;
	_ =	sdelay $0x1  }
0x130: {  	[tilespmem:$0x1E598] =	vst v18  }
0x131: {  	v18 =	vld [tilespmem:s26+$0x180]  }
0x132: {  	v19 =	vld [tilespmem:s28+$0x180]  }
0x133: {  	v38 =	vld [tilespmem:s26+$0x190]  }
0x134: {  	v39 =	vld [tilespmem:s28+$0x190]  }
0x135: {  	v40 =	vld [tilespmem:s26+$0x1A0]  }
0x136: {  	v41 =	vld [tilespmem:s28+$0x1A0]  }
0x137: {  	v42 =	vld [tilespmem:s26+$0x1B0]  }
0x138: {  	v43 =	vld [tilespmem:s28+$0x1B0];
	_ =	sdelay $0x3  }
0x139: {  	v18 =	vmul.bf16 v19, v18;
	v19 =	vmul.bf16 v39, v38  }
0x13a: {  	v44 =	vmul.bf16 v41, v40;
	v45 =	vmul.bf16 v43, v42;
	_ =	sdelay $0x1  }
0x13b: {  	v18 =	vadd.bf16 v19, v18;
	v19 =	vadd.bf16 v45, v44;
	_ =	sdelay $0x1  }
0x13c: {  	v18 =	vadd.bf16 v19, v18;
	_ =	sdelay $0x1  }
0x13d: {  	v19 =	vunpack.i.u.bf16.f32 v18;
	v18 =	vunpack.i.l.bf16.f32 v18  }
0x13e: {  	v18 =	vadd.f32 v18, v19;
	_ =	sdelay $0x1  }
0x13f: {  	[tilespmem:$0x1E5B0] =	vst v18  }
0x140: {  	v18 =	vld [tilespmem:s26+$0x1C0]  }
0x141: {  	v19 =	vld [tilespmem:s28+$0x1C0]  }
0x142: {  	v46 =	vld [tilespmem:s26+$0x1D0]  }
0x143: {  	v47 =	vld [tilespmem:s28+$0x1D0]  }
0x144: {  	v48 =	vld [tilespmem:s26+$0x1E0]  }
0x145: {  	v49 =	vld [tilespmem:s28+$0x1E0]  }
0x146: {  	v50 =	vld [tilespmem:s26+$0x1F0]  }
0x147: {  	v51 =	vld [tilespmem:s28+$0x1F0];
	_ =	sdelay $0x3  }
0x148: {  	v18 =	vmul.bf16 v19, v18;
	v19 =	vmul.bf16 v47, v46  }
0x149: {  	v52 =	vmul.bf16 v49, v48;
	v53 =	vmul.bf16 v51, v50;
	_ =	sdelay $0x1  }
0x14a: {  	v18 =	vadd.bf16 v19, v18;
	v19 =	vadd.bf16 v53, v52;
	_ =	sdelay $0x1  }
0x14b: {  	v18 =	vadd.bf16 v19, v18;
	_ =	sdelay $0x1  }
0x14c: {  	v19 =	vunpack.i.u.bf16.f32 v18;
	v18 =	vunpack.i.l.bf16.f32 v18  }
0x14d: {  	v18 =	vadd.f32 v18, v19;
	_ =	sdelay $0x1  }
0x14e: {  	[tilespmem:$0x1E5C8] =	vst v18  }
0x14f: {  	v18 =	vld.idx.msk [tilespmem:v0+s20+$0x0], $0xffff  }
0x150: {  	v19 =	vld.idx.msk [tilespmem:v1+s20+$0x0], $0xffff;
	_ =	sdelay $0x1  }
0x151: {  	v54 =	vld.idx.msk [tilespmem:v2+s20+$0x0], $0xffff;
	_ =	sdelay $0x1  }
0x152: {  	v55 =	vld.idx.msk [tilespmem:v3+s20+$0x0], $0xffff  }
0x153: {  	v18 =	vadd.f32 v19, v18  }
0x154: {  	v19 =	vld.idx.msk [tilespmem:v4+s20+$0x0], $0xffff  }
0x155: {  	v18 =	vadd.f32 v54, v18  }
0x156: {  	v56 =	vld.idx.msk [tilespmem:v5+s20+$0x0], $0xffff  }
0x157: {  	v18 =	vadd.f32 v55, v18  }
0x158: {  	v57 =	vld.idx.msk [tilespmem:v6+s20+$0x0], $0xffff  }
0x159: {  	v18 =	vadd.f32 v19, v18  }
0x15a: {  	v19 =	vld.idx.msk [tilespmem:v7+s20+$0x0], $0xffff  }
0x15b: {  	v18 =	vadd.f32 v56, v18  }
0x15c: {  	v58 =	vld.idx.msk [tilespmem:v8+s20+$0x0], $0xffff  }
0x15d: {  	v18 =	vadd.f32 v57, v18  }
0x15e: {  	v59 =	vld.idx.msk [tilespmem:v9+s20+$0x0], $0xffff  }
0x15f: {  	v18 =	vadd.f32 v19, v18  }
0x160: {  	v19 =	vld.idx.msk [tilespmem:v10+s20+$0x0], $0xffff  }
0x161: {  	v18 =	vadd.f32 v58, v18  }
0x162: {  	v60 =	vld.idx.msk [tilespmem:v11+s20+$0x0], $0xffff  }
0x163: {  	v18 =	vadd.f32 v59, v18  }
0x164: {  	v61 =	vld.idx.msk [tilespmem:v12+s20+$0x0], $0xffff  }
0x165: {  	v18 =	vadd.f32 v19, v18  }
0x166: {  	v19 =	vld.idx.msk [tilespmem:v13+s20+$0x0], $0xffff  }
0x167: {  	v18 =	vadd.f32 v60, v18  }
0x168: {  	v62 =	vld.idx.msk [tilespmem:v14+s20+$0x0], $0xffff  }
0x169: {  	v18 =	vadd.f32 v61, v18  }
0x16a: {  	v63 =	vld.idx.msk [tilespmem:v15+s20+$0x0], $0xffff  }
0x16b: {  	s18 =	sshra.s32 s17, $0x2;
	v18 =	vadd.f32 v19, v18  }
0x16c: {  	v19 =	vld.idx.msk [tilespmem:v16+s18+$0x0 ss:$0x1], $0xffff  }
0x16d: {  	v18 =	vadd.f32 v62, v18  }
0x16e: {  	p0 =	sne.s32 s17, $0x600  }
.Ltmp0:
0x16f: {  	v18 =	vadd.f32 v63, v18;
	(pc) =	sbr.rel @p0 .LBB2_3-.Ltmp0, $3  }
0x170: {  	_ = 	snop  }
0x171: {  	v18 =	vmul.f32 v19, v18;
	_ =	sdelay $0x1  }
0x172: {  	s17 =	sadd.s32 $0x40, s17;
	s26 =	sadd.s32 $0x400, s26;
	s28 =	sadd.s32 $0x400, s28;
	[tilespmem:v17+s18+$0x0 ss:$0x1] =	vst.idx.msk $0xffff, v18  }
0x173: {  	_ =	strace $0x90000049  }
0x174: {  	_ =	swait.ge [sflag:s15], $0x190  }
0x175: {  	[sflag:s15] =	ssyncset.done $0x0  }
0x176: {  	[sflag:s15] =	ssyncadd.s32 $0xFFFFFE70  }
0x177: {  	_ =	swait.ge [sflag:s15], $0x190  }
0x178: {  	[sflag:s15] =	ssyncset.done $0x0  }
0x179: {  	s17 =	simm.s32 $0x640;
	[sflag:s15] =	ssyncadd.s32 $0xFFFFFE70  }
0x17a: {  	[tilespmem:s17], [sflag:$0x3] =	stream.indirect.gather [hbm4b:s4+s16], $0x40, s2, s16, $0xb8;
	[tilespmem:$0x1E5E0] =	vst v63  }
0x17b: {  	s18 =	simm.s32 $0x6A40  }
0x17c: {  	[tilespmem:s18], [sflag:$0x3] =	stream.indirect.gather [hbm4b:s4+s16], $0x40, s14, s16, $0xb8;
	[tilespmem:$0x1E5E0] =	vst v63  }
0x17d: {  	s26 =	simm.s32 $0x1A40  }
0x17e: {  	[tilespmem:s26], [sflag:$0x3] =	stream.indirect.gather [hbm4b:s4+s16], $0x40, s16, s16, $0xb8;
	[tilespmem:$0x1E5E0] =	vst v63  }
0x17f: {  	s28 =	simm.s32 $0x1E0;
	s18 =	simm.s32 $0x7E40  }
0x180: {  	[tilespmem:s18], [sflag:$0x3] =	stream.indirect.gather [hbm4b:s4+s16], $0x40, s28, s16, $0xb8;
	[tilespmem:$0x1E5E0] =	vst v63  }
0x181: {  	s26 =	simm.s32 $0xA0;
	s28 =	simm.s32 $0x2E40  }
0x182: {  	[tilespmem:s28], [sflag:$0x3] =	stream.indirect.gather [hbm4b:s4+s16], $0x40, s26, s16, $0xb8;
	[tilespmem:$0x1E5E0] =	vst v63  }
0x183: {  	s26 =	simm.s32 $0x230;
	s28 =	simm.s32 $0x9240  }
0x184: {  	[tilespmem:s28], [sflag:$0x3] =	stream.indirect.gather [hbm4b:s4+s16], $0x40, s26, s16, $0xb8;
	[tilespmem:$0x1E5E0] =	vst v63  }
0x185: {  	s18 =	simm.s32 $0xF0;
	s26 =	simm.s32 $0x4240  }
0x186: {  	[tilespmem:s26], [sflag:$0x3] =	stream.indirect.gather [hbm4b:s4+s16], $0x40, s18, s16, $0xb8;
	[tilespmem:$0x1E5E0] =	vst v63  }
0x187: {  	_ = 	snop  }
0x188: {  	[tilespmem:s30], [sflag:$0x3] =	stream.indirect.gather [hbm4b:s4+s16], $0x40, s29, s16, $0xb8;
	[tilespmem:$0x1E5E0] =	vst v63  }
0x189: {  	_ = 	snop  }
0x18a: {  	[tilespmem:s1], [sflag:$0x3] =	stream.indirect.gather [hbm4b:s4+s16], $0x40, s31, s16, $0xb8;
	[tilespmem:$0x1E5E0] =	vst v63  }
0x18b: {  	_ = 	snop  }
0x18c: {  	[tilespmem:s6], [sflag:$0x3] =	stream.indirect.gather [hbm4b:s4+s16], $0x40, s0, s16, $0xb8;
	[tilespmem:$0x1E5E0] =	vst v63  }
0x18d: {  	_ =	strace $0x8000004A  }
0x18e: {  	_ =	swait.ge [sflag:s5], $0x6400  }
0x18f: {  	[sflag:s5] =	ssyncset.done $0x0  }
0x190: {  	s28 =	sshllo.u32 s24, $0x1;
	[sflag:s5] =	ssyncadd.s32 $0xFFFF9C00  }
0x191: {  	p0 =	sgt.u32 s28, $0x16;
	_ =	swait.ge [sflag:s5], $0x6400  }
0x192: {  	s17 =	sadd.s32 @!p0 s25, s11;
	[sflag:s5] =	ssyncset.done $0x0  }
0x193: {  	s18 =	simm.s32 @!p0 $0x0;
	s17 =	sshrl.u32 @!p0 s17, $0x3;
	[sflag:s5] =	ssyncadd.s32 $0xFFFF9C00  }
0x194: {  	s25 =	simm.s32 @!p0 $0x320;
	s17 =	sadd.s32 @!p0 s3, s17;
	_ =	strace $0x9000004A  }
0x195: {  	[tilespmem:s25], [sflag:$0x2] =	stream.linear.gather @!p0 [hbm4b:s17+s18], $0x190, $0x38;
	[tilespmem:$0x1E5E0] =	vst v63  }
0x196: {  	s26 =	simm.s32 $0x13440;
	s17 =	sadd.s32 @!p0 $0x9C40, s17;
	s25 =	simm.s32 @!p0 $0x4B0  }
0x197: {  	[tilespmem:s25], [sflag:$0x2] =	stream.linear.gather @!p0 [hbm4b:s17+s18], $0x190, $0x38;
	[tilespmem:$0x1E5E0] =	vst v63  }
0x198: {  	v16 =	vmov s22;
	v17 =	vmov s9;
	s17 =	simm.s32 $0x0;
	s25 =	simm.s32 $0xD040;
	_ =	strace $0x8000004B  }
.LBB2_5:
0x199: {  	v18 =	vld [tilespmem:s25+$0xFFFFFE00]  }
0x19a: {  	v19 =	vld [tilespmem:s26+$0xFFFFFE00]  }
0x19b: {  	v20 =	vld [tilespmem:s25+$0xFFFFFE10]  }
0x19c: {  	v21 =	vld [tilespmem:s26+$0xFFFFFE10]  }
0x19d: {  	v22 =	vld [tilespmem:s25+$0xFFFFFE20]  }
0x19e: {  	v23 =	vld [tilespmem:s26+$0xFFFFFE20]  }
0x19f: {  	v24 =	vld [tilespmem:s25+$0xFFFFFE30]  }
0x1a0: {  	v25 =	vld [tilespmem:s26+$0xFFFFFE30];
	_ =	sdelay $0x3  }
0x1a1: {  	v18 =	vmul.bf16 v19, v18;
	v19 =	vmul.bf16 v21, v20  }
0x1a2: {  	v40 =	vmul.bf16 v23, v22;
	v41 =	vmul.bf16 v25, v24;
	_ =	sdelay $0x1  }
0x1a3: {  	v18 =	vadd.bf16 v19, v18;
	v19 =	vadd.bf16 v41, v40;
	_ =	sdelay $0x1  }
0x1a4: {  	v18 =	vadd.bf16 v19, v18;
	_ =	sdelay $0x1  }
0x1a5: {  	v19 =	vunpack.i.u.bf16.f32 v18;
	v18 =	vunpack.i.l.bf16.f32 v18  }
0x1a6: {  	v18 =	vadd.f32 v18, v19;
	_ =	sdelay $0x1  }
0x1a7: {  	[tilespmem:$0x1E460] =	vst v18  }
0x1a8: {  	v18 =	vld [tilespmem:s25+$0xFFFFFE40]  }
0x1a9: {  	v19 =	vld [tilespmem:s26+$0xFFFFFE40]  }
0x1aa: {  	v42 =	vld [tilespmem:s25+$0xFFFFFE50]  }
0x1ab: {  	v43 =	vld [tilespmem:s26+$0xFFFFFE50]  }
0x1ac: {  	v44 =	vld [tilespmem:s25+$0xFFFFFE60]  }
0x1ad: {  	v45 =	vld [tilespmem:s26+$0xFFFFFE60]  }
0x1ae: {  	v46 =	vld [tilespmem:s25+$0xFFFFFE70]  }
0x1af: {  	v47 =	vld [tilespmem:s26+$0xFFFFFE70];
	_ =	sdelay $0x3  }
0x1b0: {  	v18 =	vmul.bf16 v19, v18;
	v19 =	vmul.bf16 v43, v42  }
0x1b1: {  	v48 =	vmul.bf16 v45, v44;
	v49 =	vmul.bf16 v47, v46;
	_ =	sdelay $0x1  }
0x1b2: {  	v18 =	vadd.bf16 v19, v18;
	v19 =	vadd.bf16 v49, v48;
	_ =	sdelay $0x1  }
0x1b3: {  	v18 =	vadd.bf16 v19, v18;
	_ =	sdelay $0x1  }
0x1b4: {  	v19 =	vunpack.i.u.bf16.f32 v18;
	v18 =	vunpack.i.l.bf16.f32 v18  }
0x1b5: {  	v18 =	vadd.f32 v18, v19;
	_ =	sdelay $0x1  }
0x1b6: {  	[tilespmem:$0x1E478] =	vst v18  }
0x1b7: {  	v18 =	vld [tilespmem:s25+$0xFFFFFE80]  }
0x1b8: {  	v19 =	vld [tilespmem:s26+$0xFFFFFE80]  }
0x1b9: {  	v50 =	vld [tilespmem:s25+$0xFFFFFE90]  }
0x1ba: {  	v51 =	vld [tilespmem:s26+$0xFFFFFE90]  }
0x1bb: {  	v52 =	vld [tilespmem:s25+$0xFFFFFEA0]  }
0x1bc: {  	v53 =	vld [tilespmem:s26+$0xFFFFFEA0]  }
0x1bd: {  	v54 =	vld [tilespmem:s25+$0xFFFFFEB0]  }
0x1be: {  	v55 =	vld [tilespmem:s26+$0xFFFFFEB0];
	_ =	sdelay $0x3  }
0x1bf: {  	v18 =	vmul.bf16 v19, v18;
	v19 =	vmul.bf16 v51, v50  }
0x1c0: {  	v56 =	vmul.bf16 v53, v52;
	v57 =	vmul.bf16 v55, v54;
	_ =	sdelay $0x1  }
0x1c1: {  	v18 =	vadd.bf16 v19, v18;
	v19 =	vadd.bf16 v57, v56;
	_ =	sdelay $0x1  }
0x1c2: {  	v18 =	vadd.bf16 v19, v18;
	_ =	sdelay $0x1  }
0x1c3: {  	v19 =	vunpack.i.u.bf16.f32 v18;
	v18 =	vunpack.i.l.bf16.f32 v18  }
0x1c4: {  	v18 =	vadd.f32 v18, v19;
	_ =	sdelay $0x1  }
0x1c5: {  	[tilespmem:$0x1E490] =	vst v18  }
0x1c6: {  	v18 =	vld [tilespmem:s25+$0xFFFFFEC0]  }
0x1c7: {  	v19 =	vld [tilespmem:s26+$0xFFFFFEC0]  }
0x1c8: {  	v58 =	vld [tilespmem:s25+$0xFFFFFED0]  }
0x1c9: {  	v59 =	vld [tilespmem:s26+$0xFFFFFED0]  }
0x1ca: {  	v60 =	vld [tilespmem:s25+$0xFFFFFEE0]  }
0x1cb: {  	v61 =	vld [tilespmem:s26+$0xFFFFFEE0]  }
0x1cc: {  	v62 =	vld [tilespmem:s25+$0xFFFFFEF0]  }
0x1cd: {  	v63 =	vld [tilespmem:s26+$0xFFFFFEF0];
	_ =	sdelay $0x3  }
0x1ce: {  	v18 =	vmul.bf16 v19, v18;
	v19 =	vmul.bf16 v59, v58  }
0x1cf: {  	v28 =	vmul.bf16 v61, v60;
	v29 =	vmul.bf16 v63, v62;
	_ =	sdelay $0x1  }
0x1d0: {  	v18 =	vadd.bf16 v19, v18;
	v19 =	vadd.bf16 v29, v28;
	_ =	sdelay $0x1  }
0x1d1: {  	v18 =	vadd.bf16 v19, v18;
	_ =	sdelay $0x1  }
0x1d2: {  	v19 =	vunpack.i.u.bf16.f32 v18;
	v18 =	vunpack.i.l.bf16.f32 v18  }
0x1d3: {  	v18 =	vadd.f32 v18, v19;
	_ =	sdelay $0x1  }
0x1d4: {  	[tilespmem:$0x1E4A8] =	vst v18  }
0x1d5: {  	v18 =	vld [tilespmem:s25+$0xFFFFFF00]  }
0x1d6: {  	v19 =	vld [tilespmem:s26+$0xFFFFFF00]  }
0x1d7: {  	v30 =	vld [tilespmem:s25+$0xFFFFFF10]  }
0x1d8: {  	v31 =	vld [tilespmem:s26+$0xFFFFFF10]  }
0x1d9: {  	v32 =	vld [tilespmem:s25+$0xFFFFFF20]  }
0x1da: {  	v33 =	vld [tilespmem:s26+$0xFFFFFF20]  }
0x1db: {  	v34 =	vld [tilespmem:s25+$0xFFFFFF30]  }
0x1dc: {  	v35 =	vld [tilespmem:s26+$0xFFFFFF30];
	_ =	sdelay $0x3  }
0x1dd: {  	v18 =	vmul.bf16 v19, v18;
	v19 =	vmul.bf16 v31, v30  }
0x1de: {  	v36 =	vmul.bf16 v33, v32;
	v37 =	vmul.bf16 v35, v34;
	_ =	sdelay $0x1  }
0x1df: {  	v18 =	vadd.bf16 v19, v18;
	v19 =	vadd.bf16 v37, v36;
	_ =	sdelay $0x1  }
0x1e0: {  	v18 =	vadd.bf16 v19, v18;
	_ =	sdelay $0x1  }
0x1e1: {  	v19 =	vunpack.i.u.bf16.f32 v18;
	v18 =	vunpack.i.l.bf16.f32 v18  }
0x1e2: {  	v18 =	vadd.f32 v18, v19;
	_ =	sdelay $0x1  }
0x1e3: {  	[tilespmem:$0x1E4C0] =	vst v18  }
0x1e4: {  	v18 =	vld [tilespmem:s25+$0xFFFFFF40]  }
0x1e5: {  	v19 =	vld [tilespmem:s26+$0xFFFFFF40]  }
0x1e6: {  	v38 =	vld [tilespmem:s25+$0xFFFFFF50]  }
0x1e7: {  	v39 =	vld [tilespmem:s26+$0xFFFFFF50]  }
0x1e8: {  	v40 =	vld [tilespmem:s25+$0xFFFFFF60]  }
0x1e9: {  	v41 =	vld [tilespmem:s26+$0xFFFFFF60]  }
0x1ea: {  	v42 =	vld [tilespmem:s25+$0xFFFFFF70]  }
0x1eb: {  	v43 =	vld [tilespmem:s26+$0xFFFFFF70];
	_ =	sdelay $0x3  }
0x1ec: {  	v18 =	vmul.bf16 v19, v18;
	v19 =	vmul.bf16 v39, v38  }
0x1ed: {  	v44 =	vmul.bf16 v41, v40;
	v45 =	vmul.bf16 v43, v42;
	_ =	sdelay $0x1  }
0x1ee: {  	v18 =	vadd.bf16 v19, v18;
	v19 =	vadd.bf16 v45, v44;
	_ =	sdelay $0x1  }
0x1ef: {  	v18 =	vadd.bf16 v19, v18;
	_ =	sdelay $0x1  }
0x1f0: {  	v19 =	vunpack.i.u.bf16.f32 v18;
	v18 =	vunpack.i.l.bf16.f32 v18  }
0x1f1: {  	v18 =	vadd.f32 v18, v19;
	_ =	sdelay $0x1  }
0x1f2: {  	[tilespmem:$0x1E4D8] =	vst v18  }
0x1f3: {  	v18 =	vld [tilespmem:s25+$0xFFFFFF80]  }
0x1f4: {  	v19 =	vld [tilespmem:s26+$0xFFFFFF80]  }
0x1f5: {  	v46 =	vld [tilespmem:s25+$0xFFFFFF90]  }
0x1f6: {  	v47 =	vld [tilespmem:s26+$0xFFFFFF90]  }
0x1f7: {  	v48 =	vld [tilespmem:s25+$0xFFFFFFA0]  }
0x1f8: {  	v49 =	vld [tilespmem:s26+$0xFFFFFFA0]  }
0x1f9: {  	v50 =	vld [tilespmem:s25+$0xFFFFFFB0]  }
0x1fa: {  	v51 =	vld [tilespmem:s26+$0xFFFFFFB0];
	_ =	sdelay $0x3  }
0x1fb: {  	v18 =	vmul.bf16 v19, v18;
	v19 =	vmul.bf16 v47, v46  }
0x1fc: {  	v52 =	vmul.bf16 v49, v48;
	v53 =	vmul.bf16 v51, v50;
	_ =	sdelay $0x1  }
0x1fd: {  	v18 =	vadd.bf16 v19, v18;
	v19 =	vadd.bf16 v53, v52;
	_ =	sdelay $0x1  }
0x1fe: {  	v18 =	vadd.bf16 v19, v18;
	_ =	sdelay $0x1  }
0x1ff: {  	v19 =	vunpack.i.u.bf16.f32 v18;
	v18 =	vunpack.i.l.bf16.f32 v18  }
0x200: {  	v18 =	vadd.f32 v18, v19;
	_ =	sdelay $0x1  }
0x201: {  	[tilespmem:$0x1E4F0] =	vst v18  }
0x202: {  	v18 =	vld [tilespmem:s25+$0xFFFFFFC0]  }
0x203: {  	v19 =	vld [tilespmem:s26+$0xFFFFFFC0]  }
0x204: {  	v54 =	vld [tilespmem:s25+$0xFFFFFFD0]  }
0x205: {  	v55 =	vld [tilespmem:s26+$0xFFFFFFD0]  }
0x206: {  	v56 =	vld [tilespmem:s25+$0xFFFFFFE0]  }
0x207: {  	v57 =	vld [tilespmem:s26+$0xFFFFFFE0]  }
0x208: {  	v58 =	vld [tilespmem:s25+$0xFFFFFFF0]  }
0x209: {  	v59 =	vld [tilespmem:s26+$0xFFFFFFF0];
	_ =	sdelay $0x3  }
0x20a: {  	v18 =	vmul.bf16 v19, v18;
	v19 =	vmul.bf16 v55, v54  }
0x20b: {  	v60 =	vmul.bf16 v57, v56;
	v61 =	vmul.bf16 v59, v58;
	_ =	sdelay $0x1  }
0x20c: {  	v18 =	vadd.bf16 v19, v18;
	v19 =	vadd.bf16 v61, v60;
	_ =	sdelay $0x1  }
0x20d: {  	v18 =	vadd.bf16 v19, v18;
	_ =	sdelay $0x1  }
0x20e: {  	v19 =	vunpack.i.u.bf16.f32 v18;
	v18 =	vunpack.i.l.bf16.f32 v18  }
0x20f: {  	v18 =	vadd.f32 v18, v19;
	_ =	sdelay $0x1  }
0x210: {  	[tilespmem:$0x1E508] =	vst v18  }
0x211: {  	v18 =	vld [tilespmem:s25+$0x0]  }
0x212: {  	v19 =	vld [tilespmem:s26+$0x0]  }
0x213: {  	v62 =	vld [tilespmem:s25+$0x10]  }
0x214: {  	v63 =	vld [tilespmem:s26+$0x10]  }
0x215: {  	v28 =	vld [tilespmem:s25+$0x20]  }
0x216: {  	v29 =	vld [tilespmem:s26+$0x20]  }
0x217: {  	v30 =	vld [tilespmem:s25+$0x30]  }
0x218: {  	v31 =	vld [tilespmem:s26+$0x30];
	_ =	sdelay $0x3  }
0x219: {  	v18 =	vmul.bf16 v19, v18;
	v19 =	vmul.bf16 v63, v62  }
0x21a: {  	v32 =	vmul.bf16 v29, v28;
	v33 =	vmul.bf16 v31, v30;
	_ =	sdelay $0x1  }
0x21b: {  	v18 =	vadd.bf16 v19, v18;
	v19 =	vadd.bf16 v33, v32;
	_ =	sdelay $0x1  }
0x21c: {  	v18 =	vadd.bf16 v19, v18;
	_ =	sdelay $0x1  }
0x21d: {  	v19 =	vunpack.i.u.bf16.f32 v18;
	v18 =	vunpack.i.l.bf16.f32 v18  }
0x21e: {  	v18 =	vadd.f32 v18, v19;
	_ =	sdelay $0x1  }
0x21f: {  	[tilespmem:$0x1E520] =	vst v18  }
0x220: {  	v18 =	vld [tilespmem:s25+$0x40]  }
0x221: {  	v19 =	vld [tilespmem:s26+$0x40]  }
0x222: {  	v34 =	vld [tilespmem:s25+$0x50]  }
0x223: {  	v35 =	vld [tilespmem:s26+$0x50]  }
0x224: {  	v36 =	vld [tilespmem:s25+$0x60]  }
0x225: {  	v37 =	vld [tilespmem:s26+$0x60]  }
0x226: {  	v38 =	vld [tilespmem:s25+$0x70]  }
0x227: {  	v39 =	vld [tilespmem:s26+$0x70];
	_ =	sdelay $0x3  }
0x228: {  	v18 =	vmul.bf16 v19, v18;
	v19 =	vmul.bf16 v35, v34  }
0x229: {  	v40 =	vmul.bf16 v37, v36;
	v41 =	vmul.bf16 v39, v38;
	_ =	sdelay $0x1  }
0x22a: {  	v18 =	vadd.bf16 v19, v18;
	v19 =	vadd.bf16 v41, v40;
	_ =	sdelay $0x1  }
0x22b: {  	v18 =	vadd.bf16 v19, v18;
	_ =	sdelay $0x1  }
0x22c: {  	v19 =	vunpack.i.u.bf16.f32 v18;
	v18 =	vunpack.i.l.bf16.f32 v18  }
0x22d: {  	v18 =	vadd.f32 v18, v19;
	_ =	sdelay $0x1  }
0x22e: {  	[tilespmem:$0x1E538] =	vst v18  }
0x22f: {  	v18 =	vld [tilespmem:s25+$0x80]  }
0x230: {  	v19 =	vld [tilespmem:s26+$0x80]  }
0x231: {  	v42 =	vld [tilespmem:s25+$0x90]  }
0x232: {  	v43 =	vld [tilespmem:s26+$0x90]  }
0x233: {  	v44 =	vld [tilespmem:s25+$0xA0]  }
0x234: {  	v45 =	vld [tilespmem:s26+$0xA0]  }
0x235: {  	v46 =	vld [tilespmem:s25+$0xB0]  }
0x236: {  	v47 =	vld [tilespmem:s26+$0xB0];
	_ =	sdelay $0x3  }
0x237: {  	v18 =	vmul.bf16 v19, v18;
	v19 =	vmul.bf16 v43, v42  }
0x238: {  	v48 =	vmul.bf16 v45, v44;
	v49 =	vmul.bf16 v47, v46;
	_ =	sdelay $0x1  }
0x239: {  	v18 =	vadd.bf16 v19, v18;
	v19 =	vadd.bf16 v49, v48;
	_ =	sdelay $0x1  }
0x23a: {  	v18 =	vadd.bf16 v19, v18;
	_ =	sdelay $0x1  }
0x23b: {  	v19 =	vunpack.i.u.bf16.f32 v18;
	v18 =	vunpack.i.l.bf16.f32 v18  }
0x23c: {  	v18 =	vadd.f32 v18, v19;
	_ =	sdelay $0x1  }
0x23d: {  	[tilespmem:$0x1E550] =	vst v18  }
0x23e: {  	v18 =	vld [tilespmem:s25+$0xC0]  }
0x23f: {  	v19 =	vld [tilespmem:s26+$0xC0]  }
0x240: {  	v50 =	vld [tilespmem:s25+$0xD0]  }
0x241: {  	v51 =	vld [tilespmem:s26+$0xD0]  }
0x242: {  	v52 =	vld [tilespmem:s25+$0xE0]  }
0x243: {  	v53 =	vld [tilespmem:s26+$0xE0]  }
0x244: {  	v54 =	vld [tilespmem:s25+$0xF0]  }
0x245: {  	v55 =	vld [tilespmem:s26+$0xF0];
	_ =	sdelay $0x3  }
0x246: {  	v18 =	vmul.bf16 v19, v18;
	v19 =	vmul.bf16 v51, v50  }
0x247: {  	v56 =	vmul.bf16 v53, v52;
	v57 =	vmul.bf16 v55, v54;
	_ =	sdelay $0x1  }
0x248: {  	v18 =	vadd.bf16 v19, v18;
	v19 =	vadd.bf16 v57, v56;
	_ =	sdelay $0x1  }
0x249: {  	v18 =	vadd.bf16 v19, v18;
	_ =	sdelay $0x1  }
0x24a: {  	v19 =	vunpack.i.u.bf16.f32 v18;
	v18 =	vunpack.i.l.bf16.f32 v18  }
0x24b: {  	v18 =	vadd.f32 v18, v19;
	_ =	sdelay $0x1  }
0x24c: {  	[tilespmem:$0x1E568] =	vst v18  }
0x24d: {  	v18 =	vld [tilespmem:s25+$0x100]  }
0x24e: {  	v19 =	vld [tilespmem:s26+$0x100]  }
0x24f: {  	v58 =	vld [tilespmem:s25+$0x110]  }
0x250: {  	v59 =	vld [tilespmem:s26+$0x110]  }
0x251: {  	v60 =	vld [tilespmem:s25+$0x120]  }
0x252: {  	v61 =	vld [tilespmem:s26+$0x120]  }
0x253: {  	v62 =	vld [tilespmem:s25+$0x130]  }
0x254: {  	v63 =	vld [tilespmem:s26+$0x130];
	_ =	sdelay $0x3  }
0x255: {  	v18 =	vmul.bf16 v19, v18;
	v19 =	vmul.bf16 v59, v58  }
0x256: {  	v28 =	vmul.bf16 v61, v60;
	v29 =	vmul.bf16 v63, v62;
	_ =	sdelay $0x1  }
0x257: {  	v18 =	vadd.bf16 v19, v18;
	v19 =	vadd.bf16 v29, v28;
	_ =	sdelay $0x1  }
0x258: {  	v18 =	vadd.bf16 v19, v18;
	_ =	sdelay $0x1  }
0x259: {  	v19 =	vunpack.i.u.bf16.f32 v18;
	v18 =	vunpack.i.l.bf16.f32 v18  }
0x25a: {  	v18 =	vadd.f32 v18, v19;
	_ =	sdelay $0x1  }
0x25b: {  	[tilespmem:$0x1E580] =	vst v18  }
0x25c: {  	v18 =	vld [tilespmem:s25+$0x140]  }
0x25d: {  	v19 =	vld [tilespmem:s26+$0x140]  }
0x25e: {  	v30 =	vld [tilespmem:s25+$0x150]  }
0x25f: {  	v31 =	vld [tilespmem:s26+$0x150]  }
0x260: {  	v32 =	vld [tilespmem:s25+$0x160]  }
0x261: {  	v33 =	vld [tilespmem:s26+$0x160]  }
0x262: {  	v34 =	vld [tilespmem:s25+$0x170]  }
0x263: {  	v35 =	vld [tilespmem:s26+$0x170];
	_ =	sdelay $0x3  }
0x264: {  	v18 =	vmul.bf16 v19, v18;
	v19 =	vmul.bf16 v31, v30  }
0x265: {  	v36 =	vmul.bf16 v33, v32;
	v37 =	vmul.bf16 v35, v34;
	_ =	sdelay $0x1  }
0x266: {  	v18 =	vadd.bf16 v19, v18;
	v19 =	vadd.bf16 v37, v36;
	_ =	sdelay $0x1  }
0x267: {  	v18 =	vadd.bf16 v19, v18;
	_ =	sdelay $0x1  }
0x268: {  	v19 =	vunpack.i.u.bf16.f32 v18;
	v18 =	vunpack.i.l.bf16.f32 v18  }
0x269: {  	v18 =	vadd.f32 v18, v19;
	_ =	sdelay $0x1  }
0x26a: {  	[tilespmem:$0x1E598] =	vst v18  }
0x26b: {  	v18 =	vld [tilespmem:s25+$0x180]  }
0x26c: {  	v19 =	vld [tilespmem:s26+$0x180]  }
0x26d: {  	v38 =	vld [tilespmem:s25+$0x190]  }
0x26e: {  	v39 =	vld [tilespmem:s26+$0x190]  }
0x26f: {  	v40 =	vld [tilespmem:s25+$0x1A0]  }
0x270: {  	v41 =	vld [tilespmem:s26+$0x1A0]  }
0x271: {  	v42 =	vld [tilespmem:s25+$0x1B0]  }
0x272: {  	v43 =	vld [tilespmem:s26+$0x1B0];
	_ =	sdelay $0x3  }
0x273: {  	v18 =	vmul.bf16 v19, v18;
	v19 =	vmul.bf16 v39, v38  }
0x274: {  	v44 =	vmul.bf16 v41, v40;
	v45 =	vmul.bf16 v43, v42;
	_ =	sdelay $0x1  }
0x275: {  	v18 =	vadd.bf16 v19, v18;
	v19 =	vadd.bf16 v45, v44;
	_ =	sdelay $0x1  }
0x276: {  	v18 =	vadd.bf16 v19, v18;
	_ =	sdelay $0x1  }
0x277: {  	v19 =	vunpack.i.u.bf16.f32 v18;
	v18 =	vunpack.i.l.bf16.f32 v18  }
0x278: {  	v18 =	vadd.f32 v18, v19;
	_ =	sdelay $0x1  }
0x279: {  	[tilespmem:$0x1E5B0] =	vst v18  }
0x27a: {  	v18 =	vld [tilespmem:s25+$0x1C0]  }
0x27b: {  	v19 =	vld [tilespmem:s26+$0x1C0]  }
0x27c: {  	v46 =	vld [tilespmem:s25+$0x1D0]  }
0x27d: {  	v47 =	vld [tilespmem:s26+$0x1D0]  }
0x27e: {  	v48 =	vld [tilespmem:s25+$0x1E0]  }
0x27f: {  	v49 =	vld [tilespmem:s26+$0x1E0]  }
0x280: {  	v50 =	vld [tilespmem:s25+$0x1F0]  }
0x281: {  	v51 =	vld [tilespmem:s26+$0x1F0];
	_ =	sdelay $0x3  }
0x282: {  	v18 =	vmul.bf16 v19, v18;
	v19 =	vmul.bf16 v47, v46  }
0x283: {  	v52 =	vmul.bf16 v49, v48;
	v53 =	vmul.bf16 v51, v50;
	_ =	sdelay $0x1  }
0x284: {  	v18 =	vadd.bf16 v19, v18;
	v19 =	vadd.bf16 v53, v52;
	_ =	sdelay $0x1  }
0x285: {  	v18 =	vadd.bf16 v19, v18;
	_ =	sdelay $0x1  }
0x286: {  	v19 =	vunpack.i.u.bf16.f32 v18;
	v18 =	vunpack.i.l.bf16.f32 v18  }
0x287: {  	v18 =	vadd.f32 v18, v19;
	_ =	sdelay $0x1  }
0x288: {  	[tilespmem:$0x1E5C8] =	vst v18  }
0x289: {  	v18 =	vld.idx.msk [tilespmem:v0+s20+$0x0], $0xffff  }
0x28a: {  	v19 =	vld.idx.msk [tilespmem:v1+s20+$0x0], $0xffff;
	_ =	sdelay $0x1  }
0x28b: {  	v54 =	vld.idx.msk [tilespmem:v2+s20+$0x0], $0xffff;
	_ =	sdelay $0x1  }
0x28c: {  	v55 =	vld.idx.msk [tilespmem:v3+s20+$0x0], $0xffff  }
0x28d: {  	v18 =	vadd.f32 v19, v18  }
0x28e: {  	v19 =	vld.idx.msk [tilespmem:v4+s20+$0x0], $0xffff  }
0x28f: {  	v18 =	vadd.f32 v54, v18  }
0x290: {  	v56 =	vld.idx.msk [tilespmem:v5+s20+$0x0], $0xffff  }
0x291: {  	v18 =	vadd.f32 v55, v18  }
0x292: {  	v57 =	vld.idx.msk [tilespmem:v6+s20+$0x0], $0xffff  }
0x293: {  	v18 =	vadd.f32 v19, v18  }
0x294: {  	v19 =	vld.idx.msk [tilespmem:v7+s20+$0x0], $0xffff  }
0x295: {  	v18 =	vadd.f32 v56, v18  }
0x296: {  	v58 =	vld.idx.msk [tilespmem:v8+s20+$0x0], $0xffff  }
0x297: {  	v18 =	vadd.f32 v57, v18  }
0x298: {  	v59 =	vld.idx.msk [tilespmem:v9+s20+$0x0], $0xffff  }
0x299: {  	v18 =	vadd.f32 v19, v18  }
0x29a: {  	v19 =	vld.idx.msk [tilespmem:v10+s20+$0x0], $0xffff  }
0x29b: {  	v18 =	vadd.f32 v58, v18  }
0x29c: {  	v60 =	vld.idx.msk [tilespmem:v11+s20+$0x0], $0xffff  }
0x29d: {  	v18 =	vadd.f32 v59, v18  }
0x29e: {  	v61 =	vld.idx.msk [tilespmem:v12+s20+$0x0], $0xffff  }
0x29f: {  	v18 =	vadd.f32 v19, v18  }
0x2a0: {  	v19 =	vld.idx.msk [tilespmem:v13+s20+$0x0], $0xffff  }
0x2a1: {  	v18 =	vadd.f32 v60, v18  }
0x2a2: {  	v62 =	vld.idx.msk [tilespmem:v14+s20+$0x0], $0xffff  }
0x2a3: {  	v18 =	vadd.f32 v61, v18  }
0x2a4: {  	v63 =	vld.idx.msk [tilespmem:v15+s20+$0x0], $0xffff  }
0x2a5: {  	s18 =	sshra.s32 s17, $0x2;
	v18 =	vadd.f32 v19, v18  }
0x2a6: {  	v19 =	vld.idx.msk [tilespmem:v16+s18+$0x0 ss:$0x1], $0xffff  }
0x2a7: {  	v18 =	vadd.f32 v62, v18  }
0x2a8: {  	p0 =	sne.s32 s17, $0x600  }
.Ltmp1:
0x2a9: {  	v18 =	vadd.f32 v63, v18;
	(pc) =	sbr.rel @p0 .LBB2_5-.Ltmp1, $3  }
0x2aa: {  	_ = 	snop  }
0x2ab: {  	v18 =	vmul.f32 v19, v18;
	_ =	sdelay $0x1  }
0x2ac: {  	s17 =	sadd.s32 $0x40, s17;
	s25 =	sadd.s32 $0x400, s25;
	s26 =	sadd.s32 $0x400, s26;
	[tilespmem:v17+s18+$0x0 ss:$0x1] =	vst.idx.msk $0xffff, v18  }
0x2ad: {  	s24 =	sadd.s32 $0x1, s24  }
0x2ae: {  	p0 =	sne.s32 s24, $0xC  }
.Ltmp2:
0x2af: {  	_ = 	snop;
	(pc) =	sbr.rel @p0 .LBB2_2-.Ltmp2, $3  }
0x2b0: {  	_ =	sdelay $0x1  }
0x2b1: {  	_ =	strace $0x9000004B;
	s23 =	sadd.s32 $0x320, s23  }
0x2b2: {  	s21 =	sadd.s32 $0x320, s21;
	s9 =	sadd.s32 $0x320, s9;
	s22 =	sadd.s32 $0x320, s22  }
0x2b3: {  	_ =	swait.ge [sflag:s13], $0x6400  }
0x2b4: {  	[sflag:s13] =	ssyncset.done $0x0  }
0x2b5: {  	[sflag:s13] =	ssyncadd.s32 $0xFFFF9C00  }
0x2b6: {  	_ =	swait.ge [sflag:s13], $0x6400  }
0x2b7: {  	s9 =	simm.s32 $0x0;
	[sflag:s13] =	ssyncset.done $0x0  }
0x2b8: {  	s17 =	simm.s32 $0x840;
	s21 =	simm.s32 $0x6C40;
	[sflag:s13] =	ssyncadd.s32 $0xFFFF9C00  }
.LBB2_8:
0x2b9: {  	v16 =	vld [tilespmem:s17+$0xFFFFFE00]  }
0x2ba: {  	v17 =	vld [tilespmem:s21+$0xFFFFFE00]  }
0x2bb: {  	v18 =	vld [tilespmem:s17+$0xFFFFFE10]  }
0x2bc: {  	v19 =	vld [tilespmem:s21+$0xFFFFFE10]  }
0x2bd: {  	v20 =	vld [tilespmem:s17+$0xFFFFFE20]  }
0x2be: {  	v21 =	vld [tilespmem:s21+$0xFFFFFE20]  }
0x2bf: {  	v22 =	vld [tilespmem:s17+$0xFFFFFE30]  }
0x2c0: {  	v23 =	vld [tilespmem:s21+$0xFFFFFE30];
	_ =	sdelay $0x3  }
0x2c1: {  	v16 =	vmul.bf16 v17, v16;
	v17 =	vmul.bf16 v19, v18  }
0x2c2: {  	v52 =	vmul.bf16 v21, v20;
	v53 =	vmul.bf16 v23, v22;
	_ =	sdelay $0x1  }
0x2c3: {  	v16 =	vadd.bf16 v17, v16;
	v17 =	vadd.bf16 v53, v52;
	_ =	sdelay $0x1  }
0x2c4: {  	v16 =	vadd.bf16 v17, v16;
	_ =	sdelay $0x1  }
0x2c5: {  	v17 =	vunpack.i.u.bf16.f32 v16;
	v16 =	vunpack.i.l.bf16.f32 v16  }
0x2c6: {  	v16 =	vadd.f32 v16, v17;
	_ =	sdelay $0x1  }
0x2c7: {  	[tilespmem:$0x1E460] =	vst v16  }
0x2c8: {  	v16 =	vld [tilespmem:s17+$0xFFFFFE40]  }
0x2c9: {  	v17 =	vld [tilespmem:s21+$0xFFFFFE40]  }
0x2ca: {  	v54 =	vld [tilespmem:s17+$0xFFFFFE50]  }
0x2cb: {  	v55 =	vld [tilespmem:s21+$0xFFFFFE50]  }
0x2cc: {  	v56 =	vld [tilespmem:s17+$0xFFFFFE60]  }
0x2cd: {  	v57 =	vld [tilespmem:s21+$0xFFFFFE60]  }
0x2ce: {  	v58 =	vld [tilespmem:s17+$0xFFFFFE70]  }
0x2cf: {  	v59 =	vld [tilespmem:s21+$0xFFFFFE70];
	_ =	sdelay $0x3  }
0x2d0: {  	v16 =	vmul.bf16 v17, v16;
	v17 =	vmul.bf16 v55, v54  }
0x2d1: {  	v60 =	vmul.bf16 v57, v56;
	v61 =	vmul.bf16 v59, v58;
	_ =	sdelay $0x1  }
0x2d2: {  	v16 =	vadd.bf16 v17, v16;
	v17 =	vadd.bf16 v61, v60;
	_ =	sdelay $0x1  }
0x2d3: {  	v16 =	vadd.bf16 v17, v16;
	_ =	sdelay $0x1  }
0x2d4: {  	v17 =	vunpack.i.u.bf16.f32 v16;
	v16 =	vunpack.i.l.bf16.f32 v16  }
0x2d5: {  	v16 =	vadd.f32 v16, v17;
	_ =	sdelay $0x1  }
0x2d6: {  	[tilespmem:$0x1E478] =	vst v16  }
0x2d7: {  	v16 =	vld [tilespmem:s17+$0xFFFFFE80]  }
0x2d8: {  	v17 =	vld [tilespmem:s21+$0xFFFFFE80]  }
0x2d9: {  	v62 =	vld [tilespmem:s17+$0xFFFFFE90]  }
0x2da: {  	v63 =	vld [tilespmem:s21+$0xFFFFFE90]  }
0x2db: {  	v24 =	vld [tilespmem:s17+$0xFFFFFEA0]  }
0x2dc: {  	v25 =	vld [tilespmem:s21+$0xFFFFFEA0]  }
0x2dd: {  	v26 =	vld [tilespmem:s17+$0xFFFFFEB0]  }
0x2de: {  	v27 =	vld [tilespmem:s21+$0xFFFFFEB0];
	_ =	sdelay $0x3  }
0x2df: {  	v16 =	vmul.bf16 v17, v16;
	v17 =	vmul.bf16 v63, v62  }
0x2e0: {  	v28 =	vmul.bf16 v25, v24;
	v29 =	vmul.bf16 v27, v26;
	_ =	sdelay $0x1  }
0x2e1: {  	v16 =	vadd.bf16 v17, v16;
	v17 =	vadd.bf16 v29, v28;
	_ =	sdelay $0x1  }
0x2e2: {  	v16 =	vadd.bf16 v17, v16;
	_ =	sdelay $0x1  }
0x2e3: {  	v17 =	vunpack.i.u.bf16.f32 v16;
	v16 =	vunpack.i.l.bf16.f32 v16  }
0x2e4: {  	v16 =	vadd.f32 v16, v17;
	_ =	sdelay $0x1  }
0x2e5: {  	[tilespmem:$0x1E490] =	vst v16  }
0x2e6: {  	v16 =	vld [tilespmem:s17+$0xFFFFFEC0]  }
0x2e7: {  	v17 =	vld [tilespmem:s21+$0xFFFFFEC0]  }
0x2e8: {  	v30 =	vld [tilespmem:s17+$0xFFFFFED0]  }
0x2e9: {  	v31 =	vld [tilespmem:s21+$0xFFFFFED0]  }
0x2ea: {  	v32 =	vld [tilespmem:s17+$0xFFFFFEE0]  }
0x2eb: {  	v33 =	vld [tilespmem:s21+$0xFFFFFEE0]  }
0x2ec: {  	v34 =	vld [tilespmem:s17+$0xFFFFFEF0]  }
0x2ed: {  	v35 =	vld [tilespmem:s21+$0xFFFFFEF0];
	_ =	sdelay $0x3  }
0x2ee: {  	v16 =	vmul.bf16 v17, v16;
	v17 =	vmul.bf16 v31, v30  }
0x2ef: {  	v36 =	vmul.bf16 v33, v32;
	v37 =	vmul.bf16 v35, v34;
	_ =	sdelay $0x1  }
0x2f0: {  	v16 =	vadd.bf16 v17, v16;
	v17 =	vadd.bf16 v37, v36;
	_ =	sdelay $0x1  }
0x2f1: {  	v16 =	vadd.bf16 v17, v16;
	_ =	sdelay $0x1  }
0x2f2: {  	v17 =	vunpack.i.u.bf16.f32 v16;
	v16 =	vunpack.i.l.bf16.f32 v16  }
0x2f3: {  	v16 =	vadd.f32 v16, v17;
	_ =	sdelay $0x1  }
0x2f4: {  	[tilespmem:$0x1E4A8] =	vst v16  }
0x2f5: {  	v16 =	vld [tilespmem:s17+$0xFFFFFF00]  }
0x2f6: {  	v17 =	vld [tilespmem:s21+$0xFFFFFF00]  }
0x2f7: {  	v38 =	vld [tilespmem:s17+$0xFFFFFF10]  }
0x2f8: {  	v39 =	vld [tilespmem:s21+$0xFFFFFF10]  }
0x2f9: {  	v40 =	vld [tilespmem:s17+$0xFFFFFF20]  }
0x2fa: {  	v41 =	vld [tilespmem:s21+$0xFFFFFF20]  }
0x2fb: {  	v42 =	vld [tilespmem:s17+$0xFFFFFF30]  }
0x2fc: {  	v43 =	vld [tilespmem:s21+$0xFFFFFF30];
	_ =	sdelay $0x3  }
0x2fd: {  	v16 =	vmul.bf16 v17, v16;
	v17 =	vmul.bf16 v39, v38  }
0x2fe: {  	v44 =	vmul.bf16 v41, v40;
	v45 =	vmul.bf16 v43, v42;
	_ =	sdelay $0x1  }
0x2ff: {  	v16 =	vadd.bf16 v17, v16;
	v17 =	vadd.bf16 v45, v44;
	_ =	sdelay $0x1  }
0x300: {  	v16 =	vadd.bf16 v17, v16;
	_ =	sdelay $0x1  }
0x301: {  	v17 =	vunpack.i.u.bf16.f32 v16;
	v16 =	vunpack.i.l.bf16.f32 v16  }
0x302: {  	v16 =	vadd.f32 v16, v17;
	_ =	sdelay $0x1  }
0x303: {  	[tilespmem:$0x1E4C0] =	vst v16  }
0x304: {  	v16 =	vld [tilespmem:s17+$0xFFFFFF40]  }
0x305: {  	v17 =	vld [tilespmem:s21+$0xFFFFFF40]  }
0x306: {  	v46 =	vld [tilespmem:s17+$0xFFFFFF50]  }
0x307: {  	v47 =	vld [tilespmem:s21+$0xFFFFFF50]  }
0x308: {  	v48 =	vld [tilespmem:s17+$0xFFFFFF60]  }
0x309: {  	v49 =	vld [tilespmem:s21+$0xFFFFFF60]  }
0x30a: {  	v50 =	vld [tilespmem:s17+$0xFFFFFF70]  }
0x30b: {  	v51 =	vld [tilespmem:s21+$0xFFFFFF70];
	_ =	sdelay $0x3  }
0x30c: {  	v16 =	vmul.bf16 v17, v16;
	v17 =	vmul.bf16 v47, v46  }
0x30d: {  	v52 =	vmul.bf16 v49, v48;
	v53 =	vmul.bf16 v51, v50;
	_ =	sdelay $0x1  }
0x30e: {  	v16 =	vadd.bf16 v17, v16;
	v17 =	vadd.bf16 v53, v52;
	_ =	sdelay $0x1  }
0x30f: {  	v16 =	vadd.bf16 v17, v16;
	_ =	sdelay $0x1  }
0x310: {  	v17 =	vunpack.i.u.bf16.f32 v16;
	v16 =	vunpack.i.l.bf16.f32 v16  }
0x311: {  	v16 =	vadd.f32 v16, v17;
	_ =	sdelay $0x1  }
0x312: {  	[tilespmem:$0x1E4D8] =	vst v16  }
0x313: {  	v16 =	vld [tilespmem:s17+$0xFFFFFF80]  }
0x314: {  	v17 =	vld [tilespmem:s21+$0xFFFFFF80]  }
0x315: {  	v54 =	vld [tilespmem:s17+$0xFFFFFF90]  }
0x316: {  	v55 =	vld [tilespmem:s21+$0xFFFFFF90]  }
0x317: {  	v56 =	vld [tilespmem:s17+$0xFFFFFFA0]  }
0x318: {  	v57 =	vld [tilespmem:s21+$0xFFFFFFA0]  }
0x319: {  	v58 =	vld [tilespmem:s17+$0xFFFFFFB0]  }
0x31a: {  	v59 =	vld [tilespmem:s21+$0xFFFFFFB0];
	_ =	sdelay $0x3  }
0x31b: {  	v16 =	vmul.bf16 v17, v16;
	v17 =	vmul.bf16 v55, v54  }
0x31c: {  	v60 =	vmul.bf16 v57, v56;
	v61 =	vmul.bf16 v59, v58;
	_ =	sdelay $0x1  }
0x31d: {  	v16 =	vadd.bf16 v17, v16;
	v17 =	vadd.bf16 v61, v60;
	_ =	sdelay $0x1  }
0x31e: {  	v16 =	vadd.bf16 v17, v16;
	_ =	sdelay $0x1  }
0x31f: {  	v17 =	vunpack.i.u.bf16.f32 v16;
	v16 =	vunpack.i.l.bf16.f32 v16  }
0x320: {  	v16 =	vadd.f32 v16, v17;
	_ =	sdelay $0x1  }
0x321: {  	[tilespmem:$0x1E4F0] =	vst v16  }
0x322: {  	v16 =	vld [tilespmem:s17+$0xFFFFFFC0]  }
0x323: {  	v17 =	vld [tilespmem:s21+$0xFFFFFFC0]  }
0x324: {  	v62 =	vld [tilespmem:s17+$0xFFFFFFD0]  }
0x325: {  	v63 =	vld [tilespmem:s21+$0xFFFFFFD0]  }
0x326: {  	v24 =	vld [tilespmem:s17+$0xFFFFFFE0]  }
0x327: {  	v25 =	vld [tilespmem:s21+$0xFFFFFFE0]  }
0x328: {  	v26 =	vld [tilespmem:s17+$0xFFFFFFF0]  }
0x329: {  	v27 =	vld [tilespmem:s21+$0xFFFFFFF0];
	_ =	sdelay $0x3  }
0x32a: {  	v16 =	vmul.bf16 v17, v16;
	v17 =	vmul.bf16 v63, v62  }
0x32b: {  	v28 =	vmul.bf16 v25, v24;
	v29 =	vmul.bf16 v27, v26;
	_ =	sdelay $0x1  }
0x32c: {  	v16 =	vadd.bf16 v17, v16;
	v17 =	vadd.bf16 v29, v28;
	_ =	sdelay $0x1  }
0x32d: {  	v16 =	vadd.bf16 v17, v16;
	_ =	sdelay $0x1  }
0x32e: {  	v17 =	vunpack.i.u.bf16.f32 v16;
	v16 =	vunpack.i.l.bf16.f32 v16  }
0x32f: {  	v16 =	vadd.f32 v16, v17;
	_ =	sdelay $0x1  }
0x330: {  	[tilespmem:$0x1E508] =	vst v16  }
0x331: {  	v16 =	vld [tilespmem:s17+$0x0]  }
0x332: {  	v17 =	vld [tilespmem:s21+$0x0]  }
0x333: {  	v30 =	vld [tilespmem:s17+$0x10]  }
0x334: {  	v31 =	vld [tilespmem:s21+$0x10]  }
0x335: {  	v32 =	vld [tilespmem:s17+$0x20]  }
0x336: {  	v33 =	vld [tilespmem:s21+$0x20]  }
0x337: {  	v34 =	vld [tilespmem:s17+$0x30]  }
0x338: {  	v35 =	vld [tilespmem:s21+$0x30];
	_ =	sdelay $0x3  }
0x339: {  	v16 =	vmul.bf16 v17, v16;
	v17 =	vmul.bf16 v31, v30  }
0x33a: {  	v36 =	vmul.bf16 v33, v32;
	v37 =	vmul.bf16 v35, v34;
	_ =	sdelay $0x1  }
0x33b: {  	v16 =	vadd.bf16 v17, v16;
	v17 =	vadd.bf16 v37, v36;
	_ =	sdelay $0x1  }
0x33c: {  	v16 =	vadd.bf16 v17, v16;
	_ =	sdelay $0x1  }
0x33d: {  	v17 =	vunpack.i.u.bf16.f32 v16;
	v16 =	vunpack.i.l.bf16.f32 v16  }
0x33e: {  	v16 =	vadd.f32 v16, v17;
	_ =	sdelay $0x1  }
0x33f: {  	[tilespmem:$0x1E520] =	vst v16  }
0x340: {  	v16 =	vld [tilespmem:s17+$0x40]  }
0x341: {  	v17 =	vld [tilespmem:s21+$0x40]  }
0x342: {  	v38 =	vld [tilespmem:s17+$0x50]  }
0x343: {  	v39 =	vld [tilespmem:s21+$0x50]  }
0x344: {  	v40 =	vld [tilespmem:s17+$0x60]  }
0x345: {  	v41 =	vld [tilespmem:s21+$0x60]  }
0x346: {  	v42 =	vld [tilespmem:s17+$0x70]  }
0x347: {  	v43 =	vld [tilespmem:s21+$0x70];
	_ =	sdelay $0x3  }
0x348: {  	v16 =	vmul.bf16 v17, v16;
	v17 =	vmul.bf16 v39, v38  }
0x349: {  	v44 =	vmul.bf16 v41, v40;
	v45 =	vmul.bf16 v43, v42;
	_ =	sdelay $0x1  }
0x34a: {  	v16 =	vadd.bf16 v17, v16;
	v17 =	vadd.bf16 v45, v44;
	_ =	sdelay $0x1  }
0x34b: {  	v16 =	vadd.bf16 v17, v16;
	_ =	sdelay $0x1  }
0x34c: {  	v17 =	vunpack.i.u.bf16.f32 v16;
	v16 =	vunpack.i.l.bf16.f32 v16  }
0x34d: {  	v16 =	vadd.f32 v16, v17;
	_ =	sdelay $0x1  }
0x34e: {  	[tilespmem:$0x1E538] =	vst v16  }
0x34f: {  	v16 =	vld [tilespmem:s17+$0x80]  }
0x350: {  	v17 =	vld [tilespmem:s21+$0x80]  }
0x351: {  	v46 =	vld [tilespmem:s17+$0x90]  }
0x352: {  	v47 =	vld [tilespmem:s21+$0x90]  }
0x353: {  	v48 =	vld [tilespmem:s17+$0xA0]  }
0x354: {  	v49 =	vld [tilespmem:s21+$0xA0]  }
0x355: {  	v50 =	vld [tilespmem:s17+$0xB0]  }
0x356: {  	v51 =	vld [tilespmem:s21+$0xB0];
	_ =	sdelay $0x3  }
0x357: {  	v16 =	vmul.bf16 v17, v16;
	v17 =	vmul.bf16 v47, v46  }
0x358: {  	v52 =	vmul.bf16 v49, v48;
	v53 =	vmul.bf16 v51, v50;
	_ =	sdelay $0x1  }
0x359: {  	v16 =	vadd.bf16 v17, v16;
	v17 =	vadd.bf16 v53, v52;
	_ =	sdelay $0x1  }
0x35a: {  	v16 =	vadd.bf16 v17, v16;
	_ =	sdelay $0x1  }
0x35b: {  	v17 =	vunpack.i.u.bf16.f32 v16;
	v16 =	vunpack.i.l.bf16.f32 v16  }
0x35c: {  	v16 =	vadd.f32 v16, v17;
	_ =	sdelay $0x1  }
0x35d: {  	[tilespmem:$0x1E550] =	vst v16  }
0x35e: {  	v16 =	vld [tilespmem:s17+$0xC0]  }
0x35f: {  	v17 =	vld [tilespmem:s21+$0xC0]  }
0x360: {  	v54 =	vld [tilespmem:s17+$0xD0]  }
0x361: {  	v55 =	vld [tilespmem:s21+$0xD0]  }
0x362: {  	v56 =	vld [tilespmem:s17+$0xE0]  }
0x363: {  	v57 =	vld [tilespmem:s21+$0xE0]  }
0x364: {  	v58 =	vld [tilespmem:s17+$0xF0]  }
0x365: {  	v59 =	vld [tilespmem:s21+$0xF0];
	_ =	sdelay $0x3  }
0x366: {  	v16 =	vmul.bf16 v17, v16;
	v17 =	vmul.bf16 v55, v54  }
0x367: {  	v60 =	vmul.bf16 v57, v56;
	v61 =	vmul.bf16 v59, v58;
	_ =	sdelay $0x1  }
0x368: {  	v16 =	vadd.bf16 v17, v16;
	v17 =	vadd.bf16 v61, v60;
	_ =	sdelay $0x1  }
0x369: {  	v16 =	vadd.bf16 v17, v16;
	_ =	sdelay $0x1  }
0x36a: {  	v17 =	vunpack.i.u.bf16.f32 v16;
	v16 =	vunpack.i.l.bf16.f32 v16  }
0x36b: {  	v16 =	vadd.f32 v16, v17;
	_ =	sdelay $0x1  }
0x36c: {  	[tilespmem:$0x1E568] =	vst v16  }
0x36d: {  	v16 =	vld [tilespmem:s17+$0x100]  }
0x36e: {  	v17 =	vld [tilespmem:s21+$0x100]  }
0x36f: {  	v62 =	vld [tilespmem:s17+$0x110]  }
0x370: {  	v63 =	vld [tilespmem:s21+$0x110]  }
0x371: {  	v24 =	vld [tilespmem:s17+$0x120]  }
0x372: {  	v25 =	vld [tilespmem:s21+$0x120]  }
0x373: {  	v26 =	vld [tilespmem:s17+$0x130]  }
0x374: {  	v27 =	vld [tilespmem:s21+$0x130];
	_ =	sdelay $0x3  }
0x375: {  	v16 =	vmul.bf16 v17, v16;
	v17 =	vmul.bf16 v63, v62  }
0x376: {  	v28 =	vmul.bf16 v25, v24;
	v29 =	vmul.bf16 v27, v26;
	_ =	sdelay $0x1  }
0x377: {  	v16 =	vadd.bf16 v17, v16;
	v17 =	vadd.bf16 v29, v28;
	_ =	sdelay $0x1  }
0x378: {  	v16 =	vadd.bf16 v17, v16;
	_ =	sdelay $0x1  }
0x379: {  	v17 =	vunpack.i.u.bf16.f32 v16;
	v16 =	vunpack.i.l.bf16.f32 v16  }
0x37a: {  	v16 =	vadd.f32 v16, v17;
	_ =	sdelay $0x1  }
0x37b: {  	[tilespmem:$0x1E580] =	vst v16  }
0x37c: {  	v16 =	vld [tilespmem:s17+$0x140]  }
0x37d: {  	v17 =	vld [tilespmem:s21+$0x140]  }
0x37e: {  	v30 =	vld [tilespmem:s17+$0x150]  }
0x37f: {  	v31 =	vld [tilespmem:s21+$0x150]  }
0x380: {  	v32 =	vld [tilespmem:s17+$0x160]  }
0x381: {  	v33 =	vld [tilespmem:s21+$0x160]  }
0x382: {  	v34 =	vld [tilespmem:s17+$0x170]  }
0x383: {  	v35 =	vld [tilespmem:s21+$0x170];
	_ =	sdelay $0x3  }
0x384: {  	v16 =	vmul.bf16 v17, v16;
	v17 =	vmul.bf16 v31, v30  }
0x385: {  	v36 =	vmul.bf16 v33, v32;
	v37 =	vmul.bf16 v35, v34;
	_ =	sdelay $0x1  }
0x386: {  	v16 =	vadd.bf16 v17, v16;
	v17 =	vadd.bf16 v37, v36;
	_ =	sdelay $0x1  }
0x387: {  	v16 =	vadd.bf16 v17, v16;
	_ =	sdelay $0x1  }
0x388: {  	v17 =	vunpack.i.u.bf16.f32 v16;
	v16 =	vunpack.i.l.bf16.f32 v16  }
0x389: {  	v16 =	vadd.f32 v16, v17;
	_ =	sdelay $0x1  }
0x38a: {  	[tilespmem:$0x1E598] =	vst v16  }
0x38b: {  	v16 =	vld [tilespmem:s17+$0x180]  }
0x38c: {  	v17 =	vld [tilespmem:s21+$0x180]  }
0x38d: {  	v38 =	vld [tilespmem:s17+$0x190]  }
0x38e: {  	v39 =	vld [tilespmem:s21+$0x190]  }
0x38f: {  	v40 =	vld [tilespmem:s17+$0x1A0]  }
0x390: {  	v41 =	vld [tilespmem:s21+$0x1A0]  }
0x391: {  	v42 =	vld [tilespmem:s17+$0x1B0]  }
0x392: {  	v43 =	vld [tilespmem:s21+$0x1B0];
	_ =	sdelay $0x3  }
0x393: {  	v16 =	vmul.bf16 v17, v16;
	v17 =	vmul.bf16 v39, v38  }
0x394: {  	v44 =	vmul.bf16 v41, v40;
	v45 =	vmul.bf16 v43, v42;
	_ =	sdelay $0x1  }
0x395: {  	v16 =	vadd.bf16 v17, v16;
	v17 =	vadd.bf16 v45, v44;
	_ =	sdelay $0x1  }
0x396: {  	v16 =	vadd.bf16 v17, v16;
	_ =	sdelay $0x1  }
0x397: {  	v17 =	vunpack.i.u.bf16.f32 v16;
	v16 =	vunpack.i.l.bf16.f32 v16  }
0x398: {  	v16 =	vadd.f32 v16, v17;
	_ =	sdelay $0x1  }
0x399: {  	[tilespmem:$0x1E5B0] =	vst v16  }
0x39a: {  	v16 =	vld [tilespmem:s17+$0x1C0]  }
0x39b: {  	v17 =	vld [tilespmem:s21+$0x1C0]  }
0x39c: {  	v46 =	vld [tilespmem:s17+$0x1D0]  }
0x39d: {  	v47 =	vld [tilespmem:s21+$0x1D0]  }
0x39e: {  	v48 =	vld [tilespmem:s17+$0x1E0]  }
0x39f: {  	v49 =	vld [tilespmem:s21+$0x1E0]  }
0x3a0: {  	v50 =	vld [tilespmem:s17+$0x1F0]  }
0x3a1: {  	v51 =	vld [tilespmem:s21+$0x1F0];
	_ =	sdelay $0x3  }
0x3a2: {  	v16 =	vmul.bf16 v17, v16;
	v17 =	vmul.bf16 v47, v46  }
0x3a3: {  	v52 =	vmul.bf16 v49, v48;
	v53 =	vmul.bf16 v51, v50;
	_ =	sdelay $0x1  }
0x3a4: {  	v16 =	vadd.bf16 v17, v16;
	v17 =	vadd.bf16 v53, v52;
	_ =	sdelay $0x1  }
0x3a5: {  	v16 =	vadd.bf16 v17, v16;
	_ =	sdelay $0x1  }
0x3a6: {  	v17 =	vunpack.i.u.bf16.f32 v16;
	v16 =	vunpack.i.l.bf16.f32 v16  }
0x3a7: {  	v16 =	vadd.f32 v16, v17;
	_ =	sdelay $0x1  }
0x3a8: {  	[tilespmem:$0x1E5C8] =	vst v16  }
0x3a9: {  	v16 =	vld.idx.msk [tilespmem:v0+s20+$0x0], $0xffff  }
0x3aa: {  	v17 =	vld.idx.msk [tilespmem:v1+s20+$0x0], $0xffff;
	_ =	sdelay $0x1  }
0x3ab: {  	v54 =	vld.idx.msk [tilespmem:v2+s20+$0x0], $0xffff;
	_ =	sdelay $0x1  }
0x3ac: {  	v55 =	vld.idx.msk [tilespmem:v3+s20+$0x0], $0xffff  }
0x3ad: {  	v16 =	vadd.f32 v17, v16  }
0x3ae: {  	v17 =	vld.idx.msk [tilespmem:v4+s20+$0x0], $0xffff  }
0x3af: {  	v16 =	vadd.f32 v54, v16  }
0x3b0: {  	v56 =	vld.idx.msk [tilespmem:v5+s20+$0x0], $0xffff  }
0x3b1: {  	v16 =	vadd.f32 v55, v16  }
0x3b2: {  	v57 =	vld.idx.msk [tilespmem:v6+s20+$0x0], $0xffff  }
0x3b3: {  	v16 =	vadd.f32 v17, v16  }
0x3b4: {  	v17 =	vld.idx.msk [tilespmem:v7+s20+$0x0], $0xffff  }
0x3b5: {  	v16 =	vadd.f32 v56, v16  }
0x3b6: {  	v58 =	vld.idx.msk [tilespmem:v8+s20+$0x0], $0xffff  }
0x3b7: {  	v16 =	vadd.f32 v57, v16  }
0x3b8: {  	v59 =	vld.idx.msk [tilespmem:v9+s20+$0x0], $0xffff  }
0x3b9: {  	v16 =	vadd.f32 v17, v16  }
0x3ba: {  	v17 =	vld.idx.msk [tilespmem:v10+s20+$0x0], $0xffff  }
0x3bb: {  	v16 =	vadd.f32 v58, v16  }
0x3bc: {  	v60 =	vld.idx.msk [tilespmem:v11+s20+$0x0], $0xffff  }
0x3bd: {  	v16 =	vadd.f32 v59, v16  }
0x3be: {  	v61 =	vld.idx.msk [tilespmem:v12+s20+$0x0], $0xffff  }
0x3bf: {  	v16 =	vadd.f32 v17, v16  }
0x3c0: {  	v17 =	vld.idx.msk [tilespmem:v13+s20+$0x0], $0xffff  }
0x3c1: {  	v16 =	vadd.f32 v60, v16  }
0x3c2: {  	v62 =	vld.idx.msk [tilespmem:v14+s20+$0x0], $0xffff  }
0x3c3: {  	v16 =	vadd.f32 v61, v16  }
0x3c4: {  	v63 =	vld.idx.msk [tilespmem:v15+s20+$0x0], $0xffff  }
0x3c5: {  	s18 =	sshra.s32 s9, $0x2;
	v16 =	vadd.f32 v17, v16  }
0x3c6: {  	v17 =	vld [tilespmem:s18+$0x1BBC0]  }
0x3c7: {  	v16 =	vadd.f32 v62, v16  }
0x3c8: {  	p0 =	sne.s32 s9, $0x600  }
.Ltmp3:
0x3c9: {  	v16 =	vadd.f32 v63, v16;
	(pc) =	sbr.rel @p0 .LBB2_8-.Ltmp3, $3  }
0x3ca: {  	_ = 	snop  }
0x3cb: {  	v16 =	vmul.f32 v17, v16;
	_ =	sdelay $0x1  }
0x3cc: {  	s9 =	sadd.s32 $0x40, s9;
	s17 =	sadd.s32 $0x400, s17;
	s21 =	sadd.s32 $0x400, s21;
	[tilespmem:s18+$0x1E2D0] =	vst v16  }
0x3cd: {  	s9 =	rddreg [dreg:$0x9];
	s17 =	simm.s32 $0x1BD50;
	s26 =	simm.s32 $0x6  }
0x3ce: {  	[hbm4b:s9+s2] =	stream.linear.scatter [tilespmem:s17], [sflag:$0x6], $0x2710, $0x38;
	[tilespmem:$0x1E5E0] =	vst v63  }
0x3cf: {  	_ =	swait.ge [sflag:s26], $0x2710  }
0x3d0: {  	s18 =	rddreg [dreg:$0xb]  }
0x3d1: {  	s28 =	rddreg [dreg:$0xa];
	s18 =	sadd.s32 $0x1, s18  }
0x3d2: {  	p0 =	sne.s32 s18, s28  }
.Ltmp4:
0x3d3: {  	_ = 	snop;
	(pc) =	sbr.rel @p0 .LBB2_1-.Ltmp4, $3  }
0x3d4: {  	_ =	sdelay $0x1  }
0x3d5: {  	[sflag:s26] =	ssyncset.done $0x0  }
0x3d6: {  	[sflag:s26] =	ssyncadd.s32 $0xFFFFD8F0  }
0x3d7: {  	_ =	sfence.sel $0x180000  }
0x3d8: {  	[bflag:$0x0] =	sbarrier.arrive $0xFFFF  }
0x3d9: {  	_ =	strace $0x90000047  }
0x3da: {  	s0 =	stileid.u32;
	[bflag:$0x2] =	sbarrier.arrive $0xFFFF  }
0x3db: {  	p0 =	sne.s32 s0, $0x0;
	s0 =	rddreg [dreg:$0x3]  }
0x3dc: {  	s0 =	sadd.s32 @!p0 $0x100000, s0  }
0x3dd: {  	[sflag:s0] =	ssyncadd.tile.s32 @!p0 $0x1;
	_ =	shalt  }
.Lfunc_end2:
_tile_overlayer_lowered:
.L_overlay_start_2:
0x3de: {  	(tag) =	ssettag $0x2  }
0x3df: {  	s0 =	rddreg [dreg:$0x0];
	s2 =	stileid.u32  }
0x3e0: {  	s1 =	rddreg [dreg:$0x1];
	p0 =	sne.s32 s2, $0x0  }
0x3e1: {  	s3 =	rddreg [dreg:$0x2];
	[bflag:$0x3] =	sbarrier.arrive $0xFFFF;
	s2 =	simm.s32 @!p0 $0x1C06  }
0x3e2: {  	[timem:s3], [sflag:s2] =	dma.local @!p0 [hbm:s0], s1  }
0x3e3: {  	s0 =	simm.s32 @!p0 $0x6  }
0x3e4: {  	_ =	swait.ge @!p0 [sflag:s0], s1  }
0x3e5: {  	s1 =	ssub.s32 @!p0 $0x0, s1;
	[sflag:s0] =	ssyncset.done @!p0 $0x0  }
0x3e6: {  	[sflag:s0] =	ssyncadd.s32 @!p0 s1  }
0x3e7: {  	[bflag:$0x3] =	sbarrier.arrive $0xFFFF  }
0x3e8: {  	_ =	shalt  }

</sc_bundles>
